<compile_context>
chip_gen: v7x
topology: tpu7x:2x2x1
jax: 0.10.2.dev20260603
libtpu: 0.0.44.dev20260713+nightly
codegen_flags: <defaults>
</compile_context>

<pallas_src>
import functools

import jax
import jax.numpy as jnp
from jax import lax
from jax.experimental import pallas as pl
from jax.experimental.pallas import tpu as pltpu
from jax.experimental.pallas import tpu_sc as plsc

N = 10000
K = 32
D_MODEL = 128
N_LAYERS = 2
NREL = 4
E = N * K

_F32 = jnp.float32
_I32 = jnp.int32
_HIGH = lax.Precision.HIGHEST


def _dotT(a, b):
    return lax.dot_general(a, b, (((1,), (1,)), ((), ())),
                           precision=_HIGH, preferred_element_type=_F32)


def _dot(a, b):
    return lax.dot_general(a, b, (((1,), (0,)), ((), ())),
                           precision=_HIGH, preferred_element_type=_F32)


def _sigmoid(x):
    return 1.0 / (1.0 + jnp.exp(-x))



def _topk_rows(scores, rb):
    col = lax.broadcasted_iota(_I32, scores.shape, 1)
    kcol = lax.broadcasted_iota(_I32, (rb, K), 1)
    neg = jnp.float32(-jnp.inf)

    def body(k, carry):
        vp, ap, vals, idxs = carry
        rem = (scores < vp) | ((scores == vp) & (col > ap))
        m = jnp.max(jnp.where(rem, scores, neg), axis=1, keepdims=True)
        elig = (scores == m) & ((m < vp) | (col > ap))
        a = jnp.min(jnp.where(elig, col, jnp.int32(N)), axis=1, keepdims=True)
        vals = jnp.where(kcol == k, m, vals)
        idxs = jnp.where(kcol == k, a, idxs)
        return m, a, vals, idxs

    init = (jnp.full((rb, 1), jnp.inf, _F32), jnp.full((rb, 1), -1, _I32),
            jnp.zeros((rb, K), _F32), jnp.zeros((rb, K), _I32))
    _, _, vals, idxs = lax.fori_loop(0, K, body, init)
    return vals, idxs



_RB_ENC = 1000


def _encode_body(xs, xa, rh, xm, esw, esb, eaw, eab, etw, etb, fw, fb, lq, lk,
                 h_o, xn_o, z_o, hq_o, hk_o):
    hs = jax.nn.relu(_dot(xs[...], esw[...]) + esb[...])
    ha = jax.nn.relu(_dot(xa[...], eaw[...]) + eab[...])
    ht = jax.nn.relu(_dot(rh[...], etw[...]) + etb[...])
    f = fw[...]
    pre = (_dot(hs, f[0:128, :]) + _dot(ha, f[128:256, :])
           + _dot(ht, f[256:384, :]) + _dot(xm[...], f[384:392, :]) + fb[...])
    h = jnp.tanh(pre)
    h_o[...] = h
    x = xs[...]
    xn_o[...] = x / (jnp.sqrt(jnp.sum(x * x, axis=1, keepdims=True)) + 1e-6)
    r = rh[...]
    zc = r - jnp.mean(r, axis=1, keepdims=True)
    std = jnp.sqrt(jnp.mean(zc * zc, axis=1, keepdims=True))
    z_o[...] = zc / (std + 1e-6)
    hq_o[...] = _dot(h, lq[...])
    hk_o[...] = _dot(h, lk[...])


def _encode(x_style, x_alpha, ret_hist, x_meta, p):
    rb = _RB_ENC
    grid = (N // rb,)
    row = lambda i: (i, 0)
    full = lambda i: (0, 0)

    def bs(shape, im):
        return pl.BlockSpec(shape, im)

    return pl.pallas_call(
        _encode_body,
        grid=grid,
        in_specs=[
            bs((rb, 32), row), bs((rb, 64), row), bs((rb, 60), row),
            bs((rb, 8), row),
            bs((32, 128), full), bs((1, 128), full),
            bs((64, 128), full), bs((1, 128), full),
            bs((60, 128), full), bs((1, 128), full),
            bs((392, 128), full), bs((1, 128), full),
            bs((128, 128), full), bs((128, 128), full),
        ],
        out_specs=[
            bs((rb, 128), row), bs((rb, 32), row), bs((rb, 60), row),
            bs((rb, 128), row), bs((rb, 128), row),
        ],
        out_shape=[
            jax.ShapeDtypeStruct((N, 128), _F32),
            jax.ShapeDtypeStruct((N, 32), _F32),
            jax.ShapeDtypeStruct((N, 60), _F32),
            jax.ShapeDtypeStruct((N, 128), _F32),
            jax.ShapeDtypeStruct((N, 128), _F32),
        ],
    )(x_style, x_alpha, ret_hist, x_meta,
      p['enc_style_w'], p['enc_style_b'].reshape(1, 128),
      p['enc_alpha_w'], p['enc_alpha_b'].reshape(1, 128),
      p['enc_tmp_w'], p['enc_tmp_b'].reshape(1, 128),
      p['fuse_w'], p['fuse_b'].reshape(1, 128),
      p['lat_q'], p['lat_k'])



_RB_TK = 200


def _rel01_body(xnb, indb, xnf, indf, v0_o, i0_o, val0_o, v1_o, i1_o):
    rb = _RB_TK
    sim = _dotT(xnb[...], xnf[...])
    mask = indb[...] == indf[...]
    s0 = jnp.where(mask, sim, jnp.float32(-1e9))
    v0, i0 = _topk_rows(s0, rb)
    valid = (v0 > -1e8).astype(_F32)
    v0_o[...] = jnp.where(v0 > -1e8, v0, 0.0)
    i0_o[...] = i0
    val0_o[...] = valid
    v1, i1 = _topk_rows(sim, rb)
    v1_o[...] = v1
    i1_o[...] = i1


def _rel01(xn, industry):
    rb = _RB_TK
    grid = (N // rb,)
    return pl.pallas_call(
        _rel01_body,
        grid=grid,
        in_specs=[
            pl.BlockSpec((rb, 32), lambda i: (i, 0)),
            pl.BlockSpec((rb, 1), lambda i: (i, 0)),
            pl.BlockSpec((N, 32), lambda i: (0, 0)),
            pl.BlockSpec((1, N), lambda i: (0, 0)),
        ],
        out_specs=[pl.BlockSpec((rb, K), lambda i: (i, 0))] * 5,
        out_shape=[
            jax.ShapeDtypeStruct((N, K), _F32),
            jax.ShapeDtypeStruct((N, K), _I32),
            jax.ShapeDtypeStruct((N, K), _F32),
            jax.ShapeDtypeStruct((N, K), _F32),
            jax.ShapeDtypeStruct((N, K), _I32),
        ],
    )(xn, industry.reshape(N, 1), xn, industry.reshape(1, N))


def _rel2_body(zb, zf, v_o, i_o):
    rb = _RB_TK
    corr = _dotT(zb[...], zf[...]) * jnp.float32(1.0 / 60.0)
    v, i = _topk_rows(corr, rb)
    v_o[...] = v
    i_o[...] = i


def _rel2(z):
    rb = _RB_TK
    return pl.pallas_call(
        _rel2_body,
        grid=(N // rb,),
        in_specs=[
            pl.BlockSpec((rb, 60), lambda i: (i, 0)),
            pl.BlockSpec((N, 60), lambda i: (0, 0)),
        ],
        out_specs=[pl.BlockSpec((rb, K), lambda i: (i, 0))] * 2,
        out_shape=[
            jax.ShapeDtypeStruct((N, K), _F32),
            jax.ShapeDtypeStruct((N, K), _I32),
        ],
    )(z, z)


def _rel3_body(hqb, i0b, v0b, hkf, v_o, i_o):
    rb = _RB_TK
    lat = _dotT(hqb[...], hkf[...]) * jnp.float32(1.0 / (128.0 ** 0.5))
    col = lax.broadcasted_iota(_I32, lat.shape, 1)
    for k in range(K):
        lat = lat + jnp.where(col == i0b[:, k:k + 1], v0b[:, k:k + 1], 0.0)
    v, i = _topk_rows(lat, rb)
    v_o[...] = v
    i_o[...] = i


def _rel3(hq, hk, i0, v0):
    rb = _RB_TK
    return pl.pallas_call(
        _rel3_body,
        grid=(N // rb,),
        in_specs=[
            pl.BlockSpec((rb, 128), lambda i: (i, 0)),
            pl.BlockSpec((rb, K), lambda i: (i, 0)),
            pl.BlockSpec((rb, K), lambda i: (i, 0)),
            pl.BlockSpec((N, 128), lambda i: (0, 0)),
        ],
        out_specs=[pl.BlockSpec((rb, K), lambda i: (i, 0))] * 2,
        out_shape=[
            jax.ShapeDtypeStruct((N, K), _F32),
            jax.ShapeDtypeStruct((N, K), _I32),
        ],
    )(hq, i0, v0, hk)



_RB_MM = 2000


def _hw_body(h0, h1, h2, h3, wm, o0, o1, o2, o3):
    w = wm[...]
    o0[...] = _dot(h0[...], w[0])
    o1[...] = _dot(h1[...], w[1])
    o2[...] = _dot(h2[...], w[2])
    o3[...] = _dot(h3[...], w[3])


def _hw_all(hs, wm_l):
    rb = _RB_MM
    return pl.pallas_call(
        _hw_body,
        grid=(N // rb,),
        in_specs=[pl.BlockSpec((rb, 128), lambda i: (i, 0))] * 4
        + [pl.BlockSpec((4, 128, 128), lambda i: (0, 0, 0))],
        out_specs=[pl.BlockSpec((rb, 128), lambda i: (i, 0))] * 4,
        out_shape=[jax.ShapeDtypeStruct((N, 128), _F32)] * 4,
    )(hs[0], hs[1], hs[2], hs[3], wm_l)



_NW = 32
_CH = 400
_PER_W = E // _NW


def _sc_gather_body(t0, t1, t2, t3, i0, i1, i2, i3,
                    o0, o1, o2, o3, idx_a, idx_b, rows_a, rows_b,
                    sem_a, sem_b):
    c = lax.axis_index("c")
    s = lax.axis_index("s")
    wid = s * 2 + c
    base = wid * _PER_W
    nch = _PER_W // _CH
    for t, ix, o in ((t0, i0, o0), (t1, i1, o1), (t2, i2, o2), (t3, i3, o3)):
        def pair(pi, carry, t=t, ix=ix, o=o):
            off0 = base + (2 * pi) * _CH
            off1 = off0 + _CH
            pltpu.sync_copy(ix.at[pl.ds(off0, _CH)], idx_a)
            ga = pltpu.async_copy(t.at[idx_a], rows_a, sem_a)
            pltpu.sync_copy(ix.at[pl.ds(off1, _CH)], idx_b)
            ga.wait()
            gb = pltpu.async_copy(t.at[idx_b], rows_b, sem_b)
            pltpu.sync_copy(rows_a, o.at[pl.ds(off0, _CH)])
            gb.wait()
            pltpu.sync_copy(rows_b, o.at[pl.ds(off1, _CH)])
            return carry
        lax.fori_loop(0, nch // 2, pair, 0)
        if nch % 2:
            off = base + (nch - 1) * _CH
            pltpu.sync_copy(ix.at[pl.ds(off, _CH)], idx_a)
            pltpu.async_copy(t.at[idx_a], rows_a, sem_a).wait()
            pltpu.sync_copy(rows_a, o.at[pl.ds(off, _CH)])


def _sc_gather(tables, idxs):
    mesh = plsc.VectorSubcoreMesh(core_axis_name="c", subcore_axis_name="s")
    kfn = functools.partial(
        pl.kernel,
        mesh=mesh,
        out_type=[jax.ShapeDtypeStruct((E, 128), _F32)] * 4,
        scratch_types=[
            pltpu.VMEM((_CH,), _I32),
            pltpu.VMEM((_CH,), _I32),
            pltpu.VMEM((_CH, 128), _F32),
            pltpu.VMEM((_CH, 128), _F32),
            pltpu.SemaphoreType.DMA,
            pltpu.SemaphoreType.DMA,
        ],
    )(_sc_gather_body)
    return kfn(tables[0], tables[1], tables[2], tables[3],
               idxs[0], idxs[1], idxs[2], idxs[3])



_RB_CB = 200


def _combine_body(hb, gb, vb, wb, we, be, wg, bg, wo, lng, lnb, h_o):
    rb = _RB_CB
    we0 = we[0:1, :]
    we1 = we[1:2, :]
    bev = be[...]
    e_all = jnp.concatenate(
        [jax.nn.relu(vb[:, k:k + 1] * we0 + wb[:, k:k + 1] * we1 + bev)
         for k in range(K)], axis=0)
    gate_all = _sigmoid(_dot(e_all, wg[...]) + bg[...])
    acc = jnp.zeros((rb, 128), _F32)
    for k in range(K):
        acc = acc + gate_all[k * rb:(k + 1) * rb] * gb[:, k * 128:(k + 1) * 128]
    deg = jnp.sum(wb[...], axis=1, keepdims=True)
    agg = acc / jnp.maximum(deg, 1.0)
    u = hb[...] + jax.nn.relu(_dot(agg, wo[...]))
    mu = jnp.mean(u, axis=1, keepdims=True)
    uc = u - mu
    var = jnp.mean(uc * uc, axis=1, keepdims=True)
    h_o[...] = uc / jnp.sqrt(var + 1e-5) * lng[...] + lnb[...]


def _combine(h_r, gath, v_r, valid_r, p, r, l):
    rb = _RB_CB
    row = lambda i: (i, 0)
    full = lambda i: (0, 0)
    return pl.pallas_call(
        _combine_body,
        grid=(N // rb,),
        in_specs=[
            pl.BlockSpec((rb, 128), row),
            pl.BlockSpec((rb, K * 128), row),
            pl.BlockSpec((rb, K), row),
            pl.BlockSpec((rb, K), row),
            pl.BlockSpec((2, 16), full),
            pl.BlockSpec((1, 16), full),
            pl.BlockSpec((16, 128), full),
            pl.BlockSpec((1, 128), full),
            pl.BlockSpec((128, 128), full),
            pl.BlockSpec((1, 128), full),
            pl.BlockSpec((1, 128), full),
        ],
        out_specs=pl.BlockSpec((rb, 128), row),
        out_shape=jax.ShapeDtypeStruct((N, 128), _F32),
    )(h_r, gath.reshape(N, K * 128), v_r, valid_r,
      p['We'][r, l], p['be'][r, l].reshape(1, 16),
      p['Wg'][r, l], p['bg'][r, l].reshape(1, 128),
      p['Wo'][r, l],
      p['ln_g'][r, l].reshape(1, 128), p['ln_b'][r, l].reshape(1, 128))



_RB_HD = 2000


def _head_body(z0, z1, z2, z3, cw, w1, b1, w2, b2, s_o):
    c = cw[...]
    a0 = z0[...] + c[0:1, 0:1]
    a1 = z1[...] + c[0:1, 1:2]
    a2 = z2[...] + c[0:1, 2:3]
    a3 = z3[...] + c[0:1, 3:4]
    m = jnp.maximum(jnp.maximum(a0, a1), jnp.maximum(a2, a3))
    sexp = (jnp.exp(a0 - m) + jnp.exp(a1 - m)
            + jnp.exp(a2 - m) + jnp.exp(a3 - m))
    zc = m + jnp.log(sexp)
    h1 = jax.nn.relu(_dot(zc, w1[...]) + b1[...])
    s_o[...] = _dot(h1, w2[...]) + b2[...]


def _head(zs, p):
    rb = _RB_HD
    row = lambda i: (i, 0)
    full = lambda i: (0, 0)
    return pl.pallas_call(
        _head_body,
        grid=(N // rb,),
        in_specs=[pl.BlockSpec((rb, 128), row)] * 4 + [
            pl.BlockSpec((1, 4), full),
            pl.BlockSpec((128, 128), full),
            pl.BlockSpec((1, 128), full),
            pl.BlockSpec((128, 1), full),
            pl.BlockSpec((1, 1), full),
        ],
        out_specs=pl.BlockSpec((rb, 1), row),
        out_shape=jax.ShapeDtypeStruct((N, 1), _F32),
    )(zs[0], zs[1], zs[2], zs[3], p['comp_w'].reshape(1, 4),
      p['head_w1'], p['head_b1'].reshape(1, 128),
      p['head_w2'], p['head_b2'].reshape(1, 1))


def _reg_body(v3, o):
    s = jnp.sum(jnp.abs(v3[...]), axis=0, keepdims=True)
    o[...] = jnp.sum(s, axis=1, keepdims=True) * jnp.float32(1.0 / E)


def _reg(v3):
    return pl.pallas_call(
        _reg_body,
        grid=(1,),
        in_specs=[pl.BlockSpec((N, K), lambda i: (0, 0))],
        out_specs=pl.BlockSpec((1, 1), lambda i: (0, 0)),
        out_shape=jax.ShapeDtypeStruct((1, 1), _F32),
    )(v3)



def kernel(x_style, x_alpha, ret_hist, x_meta, industry, params):
    p = params
    h, xn, z, hq, hk = _encode(x_style, x_alpha, ret_hist, x_meta, p)

    v0, i0, valid0, v1, i1 = _rel01(xn, industry)
    v2, i2 = _rel2(z)
    v3, i3 = _rel3(hq, hk, i0, v0)

    ones = jnp.ones((N, K), _F32)
    vals = [v0, v1, v2, v3]
    valids = [valid0, ones, ones, ones]
    idx_flat = [i0.reshape(E), i1.reshape(E), i2.reshape(E), i3.reshape(E)]

    hs = [h, h, h, h]
    for l in range(N_LAYERS):
        hw = _hw_all(hs, p['Wm'][:, l])
        gath = _sc_gather(hw, idx_flat)
        hs = [_combine(hs[r], gath[r], vals[r], valids[r], p, r, l)
              for r in range(NREL)]

    score = _head(hs, p)[:, 0]
    reg = _reg(v3)[0, 0]
    return score, reg

# --- scband reference (transcript-rebuilt; emitter-appended) ---
"""Pipeline reference for scband-multi-relational-factor-graph-ranker-4243427688886 (READ-ONLY COPY).

The authoritative reference and input builder live on the scoring server;
editing this copy changes nothing except your own understanding.
"""

import jax, jax.numpy as jnp
import numpy as np

N = 10000
D_STYLE = 32
D_ALPHA = 64
T_HIST = 60
D_META = 8
D_MODEL = 128
D_EDGE = 16
K = 32
R = 4
N_LAYERS = 2
N_IND = 64


def _init_params(key):
    keys = list(jax.random.split(key, 32))
    it = iter(keys)

    def nrm(shape, s=0.02):
        return jax.random.normal(next(it), shape, dtype=jnp.float32) * s

    p = {}
    p['enc_style_w'] = nrm((D_STYLE, D_MODEL)); p['enc_style_b'] = jnp.zeros((D_MODEL,), jnp.float32)
    p['enc_alpha_w'] = nrm((D_ALPHA, D_MODEL)); p['enc_alpha_b'] = jnp.zeros((D_MODEL,), jnp.float32)
    p['enc_tmp_w'] = nrm((T_HIST, D_MODEL)); p['enc_tmp_b'] = jnp.zeros((D_MODEL,), jnp.float32)
    p['fuse_w'] = nrm((3 * D_MODEL + D_META, D_MODEL)); p['fuse_b'] = jnp.zeros((D_MODEL,), jnp.float32)
    p['lat_q'] = nrm((D_MODEL, D_MODEL)); p['lat_k'] = nrm((D_MODEL, D_MODEL))
    p['We'] = nrm((R, N_LAYERS, 2, D_EDGE)); p['be'] = jnp.zeros((R, N_LAYERS, D_EDGE), jnp.float32)
    p['Wg'] = nrm((R, N_LAYERS, D_EDGE, D_MODEL)); p['bg'] = jnp.zeros((R, N_LAYERS, D_MODEL), jnp.float32)
    p['Wm'] = nrm((R, N_LAYERS, D_MODEL, D_MODEL))
    p['Wo'] = nrm((R, N_LAYERS, D_MODEL, D_MODEL))
    p['ln_g'] = jnp.ones((R, N_LAYERS, D_MODEL), jnp.float32); p['ln_b'] = jnp.zeros((R, N_LAYERS, D_MODEL), jnp.float32)
    p['comp_w'] = jnp.zeros((R,), jnp.float32)
    p['head_w1'] = nrm((D_MODEL, D_MODEL)); p['head_b1'] = jnp.zeros((D_MODEL,), jnp.float32)
    p['head_w2'] = nrm((D_MODEL, 1)); p['head_b2'] = jnp.zeros((1,), jnp.float32)
    return p


def setup_inputs(seed: int = 0):
    key = jax.random.key(seed)
    k1, k2, k3, k4, k5, k6 = jax.random.split(key, 6)
    return {
        'x_style': jax.random.normal(k1, (N, D_STYLE), dtype=jnp.float32),
        'x_alpha': jax.random.normal(k2, (N, D_ALPHA), dtype=jnp.float32),
        'ret_hist': jax.random.normal(k3, (N, T_HIST), dtype=jnp.float32) * 0.02,
        'x_meta': jax.random.normal(k4, (N, D_META), dtype=jnp.float32),
        'industry': jax.random.randint(k5, (N,), 0, N_IND, dtype=jnp.int32),
        'params': _init_params(k6),
    }


def _cosine(x):
    xn = x / (jnp.linalg.norm(x, axis=1, keepdims=True) + 1e-6)
    return xn @ xn.T


def _topk_edges(scores, k):
    vals, idx = jax.lax.top_k(scores, k)
    n = scores.shape[0]
    src = idx.reshape(-1).astype(jnp.int32)
    dst = jnp.repeat(jnp.arange(n, dtype=jnp.int32), k)
    return src, dst, vals.reshape(-1)


def _propagate(h, src, dst, attr, params, r):
    n = h.shape[0]
    for l in range(N_LAYERS):
        e = jax.nn.relu(attr @ params['We'][r, l] + params['be'][r, l])
        gate = jax.nn.sigmoid(e @ params['Wg'][r, l] + params['bg'][r, l])
        m = (h[src] @ params['Wm'][r, l]) * gate
        agg = jax.ops.segment_sum(m, dst, num_segments=n)
        deg = jax.ops.segment_sum(attr[:, 1], dst, num_segments=n)
        agg = agg / jnp.maximum(deg, 1.0)[:, None]
        u = h + jax.nn.relu(agg @ params['Wo'][r, l])
        mu = u.mean(axis=-1, keepdims=True)
        var = u.var(axis=-1, keepdims=True)
        h = (u - mu) / jnp.sqrt(var + 1e-5) * params['ln_g'][r, l] + params['ln_b'][r, l]
    return h


def _forward(x_style, x_alpha, ret_hist, x_meta, industry, params):
    n = x_style.shape[0]
    # encoders + fusion
    h_style = jax.nn.relu(x_style @ params['enc_style_w'] + params['enc_style_b'])
    h_alpha = jax.nn.relu(x_alpha @ params['enc_alpha_w'] + params['enc_alpha_b'])
    h_tmp = jax.nn.relu(ret_hist @ params['enc_tmp_w'] + params['enc_tmp_b'])
    h = jnp.tanh(jnp.concatenate([h_style, h_alpha, h_tmp, x_meta], axis=1) @ params['fuse_w'] + params['fuse_b'])

    # relation 0: prior graph (same-industry style affinity)
    sim_style = _cosine(x_style)
    mask = industry[:, None] == industry[None, :]
    prior_scores = jnp.where(mask, sim_style, -1e9)
    src0, dst0, v0 = _topk_edges(prior_scores, K)
    del prior_scores, mask
    valid0 = (v0 > -1e8).astype(jnp.float32)
    v0 = jnp.where(v0 > -1e8, v0, 0.0)
    attr0 = jnp.stack([v0, valid0], axis=1)

    # relation 1: factor similarity graph
    src1, dst1, v1 = _topk_edges(sim_style, K)
    del sim_style
    attr1 = jnp.stack([v1, jnp.ones_like(v1)], axis=1)

    # relation 2: dynamic behavior graph (return correlation)
    z = ret_hist - ret_hist.mean(axis=1, keepdims=True)
    z = z / (z.std(axis=1, keepdims=True) + 1e-6)
    corr = (z @ z.T) / jnp.float32(z.shape[1])
    src2, dst2, v2 = _topk_edges(corr, K)
    del corr
    attr2 = jnp.stack([v2, jnp.ones_like(v2)], axis=1)

    # relation 3: latent learned graph with prior bias
    hq = h @ params['lat_q']
    hk = h @ params['lat_k']
    lat = (hq @ hk.T) / jnp.sqrt(jnp.float32(D_MODEL))
    bias = jnp.zeros((n, n), jnp.float32).at[dst0, src0].add(v0)
    lat = lat + bias
    del bias
    src3, dst3, v3 = _topk_edges(lat, K)
    del lat
    attr3 = jnp.stack([v3, jnp.ones_like(v3)], axis=1)

    # relation stack (per-relation propagation)
    z0 = _propagate(h, src0, dst0, attr0, params, 0)
    z1 = _propagate(h, src1, dst1, attr1, params, 1)
    z2 = _propagate(h, src2, dst2, attr2, params, 2)
    z3 = _propagate(h, src3, dst3, attr3, params, 3)
    zs = jnp.stack([z0, z1, z2, z3], axis=0)

    # semiring composer (logsumexp over relations with learned weights)
    z_comp = jax.nn.logsumexp(zs + params['comp_w'][:, None, None], axis=0)

    # ranking head
    h1 = jax.nn.relu(z_comp @ params['head_w1'] + params['head_b1'])
    score = (h1 @ params['head_w2'] + params['head_b2'])[:, 0]

    # graph regularizer (latent adjacency sparsity; no prev_latent_adj)
    reg = jnp.mean(jnp.abs(v3))
    return score, reg


def reference(x_style, x_alpha, ret_hist, x_meta, industry, params):
    return _forward(x_style, x_alpha, ret_hist, x_meta, industry, params)

if __name__ == "__main__":
    import jax
    _d = setup_inputs()
    print(jax.jit(kernel)(*tuple(_d.values())))

</pallas_src>

<mosaic_0001>
#map = affine_map<(d0, d1) -> (0, 0)>
#map1 = affine_map<(d0, d1) -> (0)>
module attributes {stable_mosaic.version = 14 : i64} {
  func.func @_sc_gather_body(%arg0: i32, %arg1: i32, %arg2: memref<10000x128xf32, #tpu.memory_space<hbm>>, %arg3: memref<10000x128xf32, #tpu.memory_space<hbm>>, %arg4: memref<10000x128xf32, #tpu.memory_space<hbm>>, %arg5: memref<10000x128xf32, #tpu.memory_space<hbm>>, %arg6: memref<320000xi32, #tpu.memory_space<hbm>>, %arg7: memref<320000xi32, #tpu.memory_space<hbm>>, %arg8: memref<320000xi32, #tpu.memory_space<hbm>>, %arg9: memref<320000xi32, #tpu.memory_space<hbm>>, %arg10: memref<320000x128xf32, #tpu.memory_space<hbm>>, %arg11: memref<320000x128xf32, #tpu.memory_space<hbm>>, %arg12: memref<320000x128xf32, #tpu.memory_space<hbm>>, %arg13: memref<320000x128xf32, #tpu.memory_space<hbm>>, %arg14: memref<400xi32, #tpu.memory_space<vmem>>, %arg15: memref<400xi32, #tpu.memory_space<vmem>>, %arg16: memref<400x128xf32, #tpu.memory_space<vmem>>, %arg17: memref<400x128xf32, #tpu.memory_space<vmem>>, %arg18: memref<!tpu.dma_semaphore, #tpu.memory_space<semaphore_mem>>, %arg19: memref<!tpu.dma_semaphore, #tpu.memory_space<semaphore_mem>>) attributes {dimension_semantics = [#tpu.dimension_semantics<core_parallel>, #tpu.dimension_semantics<subcore_parallel>], iteration_bounds = array<i64: 2, 16>, scalar_prefetch = 0 : i64, scratch_operands = 6 : i64, tpu.core_type = #tpu.core_type<sc_vector_subcore>, window_params = [{transform_indices = #map}, {transform_indices = #map}, {transform_indices = #map}, {transform_indices = #map}, {transform_indices = #map1}, {transform_indices = #map1}, {transform_indices = #map1}, {transform_indices = #map1}, {transform_indices = #map}, {transform_indices = #map}, {transform_indices = #map}, {transform_indices = #map}]} {
    %mul3A = arith.constant 2 : i32
    %mul3A_0 = arith.muli %arg1, %mul3A : i32
    %add3A = arith.addi %mul3A_0, %arg0 : i32
    %mul3A_1 = arith.constant 10000 : i32
    %mul3A_2 = arith.muli %add3A, %mul3A_1 : i32
    %scan3A = arith.constant 0 : i32
    %scan3A_3 = arith.constant 0 : i32
    %scan3A_4 = arith.constant 12 : i32
    %scan3A_5 = arith.addi %scan3A_3, %scan3A_4 : i32
    %scan3A_6 = arith.constant 1 : i32
    scf.for %scan3A_56 = %scan3A_3 to %scan3A_5 step %scan3A_6  : i32 {
      %mul3A_57 = arith.constant 2 : i32
      %mul3A_58 = arith.muli %mul3A_57, %scan3A_56 : i32
      %mul3A_59 = arith.constant 400 : i32
      %mul3A_60 = arith.muli %mul3A_58, %mul3A_59 : i32
      %add3A_61 = arith.addi %mul3A_2, %mul3A_60 : i32
      %add3A_62 = arith.constant 400 : i32
      %add3A_63 = arith.addi %add3A_61, %add3A_62 : i32
      "tpu.region"() ({
        %run_scoped3A = tpu.sem_alloc : memref<!tpu.dma_semaphore, #tpu.memory_space<semaphore_mem>>
        %dma_start3A_76 = tpu.memref_slice %arg6[%add3A_61] : memref<320000xi32, #tpu.memory_space<hbm>> -> memref<400xi32, #tpu.memory_space<hbm>>
        %dma_start3A_77 = tpu.memref_slice %arg6[%add3A_61] : memref<320000xi32, #tpu.memory_space<hbm>> -> memref<400xi32, #tpu.memory_space<hbm>>
        tpu.enqueue_dma source(%dma_start3A_77 : memref<400xi32, #tpu.memory_space<hbm>>) target(%arg14 : memref<400xi32, #tpu.memory_space<vmem>>) target_semaphore(%run_scoped3A : memref<!tpu.dma_semaphore, #tpu.memory_space<semaphore_mem>>)
        %dma_wait3A_78 = tpu.memref_slice %arg6[%add3A_61] : memref<320000xi32, #tpu.memory_space<hbm>> -> memref<400xi32, #tpu.memory_space<hbm>>
        %dma_wait3A_79 = tpu.memref_slice %arg6[%add3A_61] : memref<320000xi32, #tpu.memory_space<hbm>> -> memref<400xi32, #tpu.memory_space<hbm>>
        tpu.wait_dma2 semaphore(%run_scoped3A : memref<!tpu.dma_semaphore, #tpu.memory_space<semaphore_mem>>) src(%dma_wait3A_79 : memref<400xi32, #tpu.memory_space<hbm>>) dst(%arg14 : memref<400xi32, #tpu.memory_space<vmem>>)
        tpu.yield
      }) : () -> ()
      %dma_start3A_64 = arith.constant 0 : i32
      %dma_start3A_65 = arith.constant 0 : i32
      %dma_start3A_66 = tpu.memref_slice %arg2[%dma_start3A_64, %dma_start3A_65] : memref<10000x128xf32, #tpu.memory_space<hbm>> -> memref<10000x128xf32, #tpu.memory_space<hbm>>
      tpu.enqueue_indirect_dma source(%dma_start3A_66 : memref<10000x128xf32, #tpu.memory_space<hbm>>) target(%arg16 : memref<400x128xf32, #tpu.memory_space<vmem>>) offsets(%arg14 : memref<400xi32, #tpu.memory_space<vmem>>) semaphore(%arg18 : memref<!tpu.dma_semaphore, #tpu.memory_space<semaphore_mem>>)
      "tpu.region"() ({
        %run_scoped3A = tpu.sem_alloc : memref<!tpu.dma_semaphore, #tpu.memory_space<semaphore_mem>>
        %dma_start3A_76 = tpu.memref_slice %arg6[%add3A_63] : memref<320000xi32, #tpu.memory_space<hbm>> -> memref<400xi32, #tpu.memory_space<hbm>>
        %dma_start3A_77 = tpu.memref_slice %arg6[%add3A_63] : memref<320000xi32, #tpu.memory_space<hbm>> -> memref<400xi32, #tpu.memory_space<hbm>>
        tpu.enqueue_dma source(%dma_start3A_77 : memref<400xi32, #tpu.memory_space<hbm>>) target(%arg15 : memref<400xi32, #tpu.memory_space<vmem>>) target_semaphore(%run_scoped3A : memref<!tpu.dma_semaphore, #tpu.memory_space<semaphore_mem>>)
        %dma_wait3A_78 = tpu.memref_slice %arg6[%add3A_63] : memref<320000xi32, #tpu.memory_space<hbm>> -> memref<400xi32, #tpu.memory_space<hbm>>
        %dma_wait3A_79 = tpu.memref_slice %arg6[%add3A_63] : memref<320000xi32, #tpu.memory_space<hbm>> -> memref<400xi32, #tpu.memory_space<hbm>>
        tpu.wait_dma2 semaphore(%run_scoped3A : memref<!tpu.dma_semaphore, #tpu.memory_space<semaphore_mem>>) src(%dma_wait3A_79 : memref<400xi32, #tpu.memory_space<hbm>>) dst(%arg15 : memref<400xi32, #tpu.memory_space<vmem>>)
        tpu.yield
      }) : () -> ()
      %dma_wait3A_67 = arith.constant 0 : i32
      %dma_wait3A_68 = arith.constant 0 : i32
      %dma_wait3A_69 = tpu.memref_slice %arg2[%dma_wait3A_67, %dma_wait3A_68] : memref<10000x128xf32, #tpu.memory_space<hbm>> -> memref<10000x128xf32, #tpu.memory_space<hbm>>
      tpu.wait_indirect_dma semaphore(%arg18 : memref<!tpu.dma_semaphore, #tpu.memory_space<semaphore_mem>>) src(%dma_wait3A_69 : memref<10000x128xf32, #tpu.memory_space<hbm>>) dst(%arg16 : memref<400x128xf32, #tpu.memory_space<vmem>>)
      %dma_start3A_70 = arith.constant 0 : i32
      %dma_start3A_71 = arith.constant 0 : i32
      %dma_start3A_72 = tpu.memref_slice %arg2[%dma_start3A_70, %dma_start3A_71] : memref<10000x128xf32, #tpu.memory_space<hbm>> -> memref<10000x128xf32, #tpu.memory_space<hbm>>
      tpu.enqueue_indirect_dma source(%dma_start3A_72 : memref<10000x128xf32, #tpu.memory_space<hbm>>) target(%arg17 : memref<400x128xf32, #tpu.memory_space<vmem>>) offsets(%arg15 : memref<400xi32, #tpu.memory_space<vmem>>) semaphore(%arg19 : memref<!tpu.dma_semaphore, #tpu.memory_space<semaphore_mem>>)
      "tpu.region"() ({
        %run_scoped3A = tpu.sem_alloc : memref<!tpu.dma_semaphore, #tpu.memory_space<semaphore_mem>>
        %dma_start3A_76 = arith.constant 0 : i32
        %dma_start3A_77 = tpu.memref_slice %arg10[%add3A_61, %dma_start3A_76] : memref<320000x128xf32, #tpu.memory_space<hbm>> -> memref<400x128xf32, #tpu.memory_space<hbm>>
        %dma_start3A_78 = arith.constant 0 : i32
        %dma_start3A_79 = tpu.memref_slice %arg10[%add3A_61, %dma_start3A_78] : memref<320000x128xf32, #tpu.memory_space<hbm>> -> memref<400x128xf32, #tpu.memory_space<hbm>>
        tpu.enqueue_dma source(%arg16 : memref<400x128xf32, #tpu.memory_space<vmem>>) target(%dma_start3A_79 : memref<400x128xf32, #tpu.memory_space<hbm>>) target_semaphore(%run_scoped3A : memref<!tpu.dma_semaphore, #tpu.memory_space<semaphore_mem>>)
        %dma_wait3A_80 = arith.constant 0 : i32
        %dma_wait3A_81 = tpu.memref_slice %arg10[%add3A_61, %dma_wait3A_80] : memref<320000x128xf32, #tpu.memory_space<hbm>> -> memref<400x128xf32, #tpu.memory_space<hbm>>
        %dma_wait3A_82 = arith.constant 0 : i32
        %dma_wait3A_83 = tpu.memref_slice %arg10[%add3A_61, %dma_wait3A_82] : memref<320000x128xf32, #tpu.memory_space<hbm>> -> memref<400x128xf32, #tpu.memory_space<hbm>>
        tpu.wait_dma2 semaphore(%run_scoped3A : memref<!tpu.dma_semaphore, #tpu.memory_space<semaphore_mem>>) src(%arg16 : memref<400x128xf32, #tpu.memory_space<vmem>>) dst(%dma_wait3A_83 : memref<400x128xf32, #tpu.memory_space<hbm>>)
        tpu.yield
      }) : () -> ()
      %dma_wait3A_73 = arith.constant 0 : i32
      %dma_wait3A_74 = arith.constant 0 : i32
      %dma_wait3A_75 = tpu.memref_slice %arg2[%dma_wait3A_73, %dma_wait3A_74] : memref<10000x128xf32, #tpu.memory_space<hbm>> -> memref<10000x128xf32, #tpu.memory_space<hbm>>
      tpu.wait_indirect_dma semaphore(%arg19 : memref<!tpu.dma_semaphore, #tpu.memory_space<semaphore_mem>>) src(%dma_wait3A_75 : memref<10000x128xf32, #tpu.memory_space<hbm>>) dst(%arg17 : memref<400x128xf32, #tpu.memory_space<vmem>>)
      "tpu.region"() ({
        %run_scoped3A = tpu.sem_alloc : memref<!tpu.dma_semaphore, #tpu.memory_space<semaphore_mem>>
        %dma_start3A_76 = arith.constant 0 : i32
        %dma_start3A_77 = tpu.memref_slice %arg10[%add3A_63, %dma_start3A_76] : memref<320000x128xf32, #tpu.memory_space<hbm>> -> memref<400x128xf32, #tpu.memory_space<hbm>>
        %dma_start3A_78 = arith.constant 0 : i32
        %dma_start3A_79 = tpu.memref_slice %arg10[%add3A_63, %dma_start3A_78] : memref<320000x128xf32, #tpu.memory_space<hbm>> -> memref<400x128xf32, #tpu.memory_space<hbm>>
        tpu.enqueue_dma source(%arg17 : memref<400x128xf32, #tpu.memory_space<vmem>>) target(%dma_start3A_79 : memref<400x128xf32, #tpu.memory_space<hbm>>) target_semaphore(%run_scoped3A : memref<!tpu.dma_semaphore, #tpu.memory_space<semaphore_mem>>)
        %dma_wait3A_80 = arith.constant 0 : i32
        %dma_wait3A_81 = tpu.memref_slice %arg10[%add3A_63, %dma_wait3A_80] : memref<320000x128xf32, #tpu.memory_space<hbm>> -> memref<400x128xf32, #tpu.memory_space<hbm>>
        %dma_wait3A_82 = arith.constant 0 : i32
        %dma_wait3A_83 = tpu.memref_slice %arg10[%add3A_63, %dma_wait3A_82] : memref<320000x128xf32, #tpu.memory_space<hbm>> -> memref<400x128xf32, #tpu.memory_space<hbm>>
        tpu.wait_dma2 semaphore(%run_scoped3A : memref<!tpu.dma_semaphore, #tpu.memory_space<semaphore_mem>>) src(%arg17 : memref<400x128xf32, #tpu.memory_space<vmem>>) dst(%dma_wait3A_83 : memref<400x128xf32, #tpu.memory_space<hbm>>)
        tpu.yield
      }) : () -> ()
    }
    %scan3A_7 = arith.constant 12 : i32
    %add3A_8 = arith.constant 9600 : i32
    %add3A_9 = arith.addi %mul3A_2, %add3A_8 : i32
    "tpu.region"() ({
      %run_scoped3A = tpu.sem_alloc : memref<!tpu.dma_semaphore, #tpu.memory_space<semaphore_mem>>
      %dma_start3A_56 = tpu.memref_slice %arg6[%add3A_9] : memref<320000xi32, #tpu.memory_space<hbm>> -> memref<400xi32, #tpu.memory_space<hbm>>
      %dma_start3A_57 = tpu.memref_slice %arg6[%add3A_9] : memref<320000xi32, #tpu.memory_space<hbm>> -> memref<400xi32, #tpu.memory_space<hbm>>
      tpu.enqueue_dma source(%dma_start3A_57 : memref<400xi32, #tpu.memory_space<hbm>>) target(%arg14 : memref<400xi32, #tpu.memory_space<vmem>>) target_semaphore(%run_scoped3A : memref<!tpu.dma_semaphore, #tpu.memory_space<semaphore_mem>>)
      %dma_wait3A_58 = tpu.memref_slice %arg6[%add3A_9] : memref<320000xi32, #tpu.memory_space<hbm>> -> memref<400xi32, #tpu.memory_space<hbm>>
      %dma_wait3A_59 = tpu.memref_slice %arg6[%add3A_9] : memref<320000xi32, #tpu.memory_space<hbm>> -> memref<400xi32, #tpu.memory_space<hbm>>
      tpu.wait_dma2 semaphore(%run_scoped3A : memref<!tpu.dma_semaphore, #tpu.memory_space<semaphore_mem>>) src(%dma_wait3A_59 : memref<400xi32, #tpu.memory_space<hbm>>) dst(%arg14 : memref<400xi32, #tpu.memory_space<vmem>>)
      tpu.yield
    }) : () -> ()
    %dma_start3A = arith.constant 0 : i32
    %dma_start3A_10 = arith.constant 0 : i32
    %dma_start3A_11 = tpu.memref_slice %arg2[%dma_start3A, %dma_start3A_10] : memref<10000x128xf32, #tpu.memory_space<hbm>> -> memref<10000x128xf32, #tpu.memory_space<hbm>>
    tpu.enqueue_indirect_dma source(%dma_start3A_11 : memref<10000x128xf32, #tpu.memory_space<hbm>>) target(%arg16 : memref<400x128xf32, #tpu.memory_space<vmem>>) offsets(%arg14 : memref<400xi32, #tpu.memory_space<vmem>>) semaphore(%arg18 : memref<!tpu.dma_semaphore, #tpu.memory_space<semaphore_mem>>)
    %dma_wait3A = arith.constant 0 : i32
    %dma_wait3A_12 = arith.constant 0 : i32
    %dma_wait3A_13 = tpu.memref_slice %arg2[%dma_wait3A, %dma_wait3A_12] : memref<10000x128xf32, #tpu.memory_space<hbm>> -> memref<10000x128xf32, #tpu.memory_space<hbm>>
    tpu.wait_indirect_dma semaphore(%arg18 : memref<!tpu.dma_semaphore, #tpu.memory_space<semaphore_mem>>) src(%dma_wait3A_13 : memref<10000x128xf32, #tpu.memory_space<hbm>>) dst(%arg16 : memref<400x128xf32, #tpu.memory_space<vmem>>)
    "tpu.region"() ({
      %run_scoped3A = tpu.sem_alloc : memref<!tpu.dma_semaphore, #tpu.memory_space<semaphore_mem>>
      %dma_start3A_56 = arith.constant 0 : i32
      %dma_start3A_57 = tpu.memref_slice %arg10[%add3A_9, %dma_start3A_56] : memref<320000x128xf32, #tpu.memory_space<hbm>> -> memref<400x128xf32, #tpu.memory_space<hbm>>
      %dma_start3A_58 = arith.constant 0 : i32
      %dma_start3A_59 = tpu.memref_slice %arg10[%add3A_9, %dma_start3A_58] : memref<320000x128xf32, #tpu.memory_space<hbm>> -> memref<400x128xf32, #tpu.memory_space<hbm>>
      tpu.enqueue_dma source(%arg16 : memref<400x128xf32, #tpu.memory_space<vmem>>) target(%dma_start3A_59 : memref<400x128xf32, #tpu.memory_space<hbm>>) target_semaphore(%run_scoped3A : memref<!tpu.dma_semaphore, #tpu.memory_space<semaphore_mem>>)
      %dma_wait3A_60 = arith.constant 0 : i32
      %dma_wait3A_61 = tpu.memref_slice %arg10[%add3A_9, %dma_wait3A_60] : memref<320000x128xf32, #tpu.memory_space<hbm>> -> memref<400x128xf32, #tpu.memory_space<hbm>>
      %dma_wait3A_62 = arith.constant 0 : i32
      %dma_wait3A_63 = tpu.memref_slice %arg10[%add3A_9, %dma_wait3A_62] : memref<320000x128xf32, #tpu.memory_space<hbm>> -> memref<400x128xf32, #tpu.memory_space<hbm>>
      tpu.wait_dma2 semaphore(%run_scoped3A : memref<!tpu.dma_semaphore, #tpu.memory_space<semaphore_mem>>) src(%arg16 : memref<400x128xf32, #tpu.memory_space<vmem>>) dst(%dma_wait3A_63 : memref<400x128xf32, #tpu.memory_space<hbm>>)
      tpu.yield
    }) : () -> ()
    %scan3A_14 = arith.constant 0 : i32
    %scan3A_15 = arith.constant 0 : i32
    %scan3A_16 = arith.constant 12 : i32
    %scan3A_17 = arith.addi %scan3A_15, %scan3A_16 : i32
    %scan3A_18 = arith.constant 1 : i32
    scf.for %scan3A_56 = %scan3A_15 to %scan3A_17 step %scan3A_18  : i32 {
      %mul3A_57 = arith.constant 2 : i32
      %mul3A_58 = arith.muli %mul3A_57, %scan3A_56 : i32
      %mul3A_59 = arith.constant 400 : i32
      %mul3A_60 = arith.muli %mul3A_58, %mul3A_59 : i32
      %add3A_61 = arith.addi %mul3A_2, %mul3A_60 : i32
      %add3A_62 = arith.constant 400 : i32
      %add3A_63 = arith.addi %add3A_61, %add3A_62 : i32
      "tpu.region"() ({
        %run_scoped3A = tpu.sem_alloc : memref<!tpu.dma_semaphore, #tpu.memory_space<semaphore_mem>>
        %dma_start3A_76 = tpu.memref_slice %arg7[%add3A_61] : memref<320000xi32, #tpu.memory_space<hbm>> -> memref<400xi32, #tpu.memory_space<hbm>>
        %dma_start3A_77 = tpu.memref_slice %arg7[%add3A_61] : memref<320000xi32, #tpu.memory_space<hbm>> -> memref<400xi32, #tpu.memory_space<hbm>>
        tpu.enqueue_dma source(%dma_start3A_77 : memref<400xi32, #tpu.memory_space<hbm>>) target(%arg14 : memref<400xi32, #tpu.memory_space<vmem>>) target_semaphore(%run_scoped3A : memref<!tpu.dma_semaphore, #tpu.memory_space<semaphore_mem>>)
        %dma_wait3A_78 = tpu.memref_slice %arg7[%add3A_61] : memref<320000xi32, #tpu.memory_space<hbm>> -> memref<400xi32, #tpu.memory_space<hbm>>
        %dma_wait3A_79 = tpu.memref_slice %arg7[%add3A_61] : memref<320000xi32, #tpu.memory_space<hbm>> -> memref<400xi32, #tpu.memory_space<hbm>>
        tpu.wait_dma2 semaphore(%run_scoped3A : memref<!tpu.dma_semaphore, #tpu.memory_space<semaphore_mem>>) src(%dma_wait3A_79 : memref<400xi32, #tpu.memory_space<hbm>>) dst(%arg14 : memref<400xi32, #tpu.memory_space<vmem>>)
        tpu.yield
      }) : () -> ()
      %dma_start3A_64 = arith.constant 0 : i32
      %dma_start3A_65 = arith.constant 0 : i32
      %dma_start3A_66 = tpu.memref_slice %arg3[%dma_start3A_64, %dma_start3A_65] : memref<10000x128xf32, #tpu.memory_space<hbm>> -> memref<10000x128xf32, #tpu.memory_space<hbm>>
      tpu.enqueue_indirect_dma source(%dma_start3A_66 : memref<10000x128xf32, #tpu.memory_space<hbm>>) target(%arg16 : memref<400x128xf32, #tpu.memory_space<vmem>>) offsets(%arg14 : memref<400xi32, #tpu.memory_space<vmem>>) semaphore(%arg18 : memref<!tpu.dma_semaphore, #tpu.memory_space<semaphore_mem>>)
      "tpu.region"() ({
        %run_scoped3A = tpu.sem_alloc : memref<!tpu.dma_semaphore, #tpu.memory_space<semaphore_mem>>
        %dma_start3A_76 = tpu.memref_slice %arg7[%add3A_63] : memref<320000xi32, #tpu.memory_space<hbm>> -> memref<400xi32, #tpu.memory_space<hbm>>
        %dma_start3A_77 = tpu.memref_slice %arg7[%add3A_63] : memref<320000xi32, #tpu.memory_space<hbm>> -> memref<400xi32, #tpu.memory_space<hbm>>
        tpu.enqueue_dma source(%dma_start3A_77 : memref<400xi32, #tpu.memory_space<hbm>>) target(%arg15 : memref<400xi32, #tpu.memory_space<vmem>>) target_semaphore(%run_scoped3A : memref<!tpu.dma_semaphore, #tpu.memory_space<semaphore_mem>>)
        %dma_wait3A_78 = tpu.memref_slice %arg7[%add3A_63] : memref<320000xi32, #tpu.memory_space<hbm>> -> memref<400xi32, #tpu.memory_space<hbm>>
        %dma_wait3A_79 = tpu.memref_slice %arg7[%add3A_63] : memref<320000xi32, #tpu.memory_space<hbm>> -> memref<400xi32, #tpu.memory_space<hbm>>
        tpu.wait_dma2 semaphore(%run_scoped3A : memref<!tpu.dma_semaphore, #tpu.memory_space<semaphore_mem>>) src(%dma_wait3A_79 : memref<400xi32, #tpu.memory_space<hbm>>) dst(%arg15 : memref<400xi32, #tpu.memory_space<vmem>>)
        tpu.yield
      }) : () -> ()
      %dma_wait3A_67 = arith.constant 0 : i32
      %dma_wait3A_68 = arith.constant 0 : i32
      %dma_wait3A_69 = tpu.memref_slice %arg3[%dma_wait3A_67, %dma_wait3A_68] : memref<10000x128xf32, #tpu.memory_space<hbm>> -> memref<10000x128xf32, #tpu.memory_space<hbm>>
      tpu.wait_indirect_dma semaphore(%arg18 : memref<!tpu.dma_semaphore, #tpu.memory_space<semaphore_mem>>) src(%dma_wait3A_69 : memref<10000x128xf32, #tpu.memory_space<hbm>>) dst(%arg16 : memref<400x128xf32, #tpu.memory_space<vmem>>)
      %dma_start3A_70 = arith.constant 0 : i32
      %dma_start3A_71 = arith.constant 0 : i32
      %dma_start3A_72 = tpu.memref_slice %arg3[%dma_start3A_70, %dma_start3A_71] : memref<10000x128xf32, #tpu.memory_space<hbm>> -> memref<10000x128xf32, #tpu.memory_space<hbm>>
      tpu.enqueue_indirect_dma source(%dma_start3A_72 : memref<10000x128xf32, #tpu.memory_space<hbm>>) target(%arg17 : memref<400x128xf32, #tpu.memory_space<vmem>>) offsets(%arg15 : memref<400xi32, #tpu.memory_space<vmem>>) semaphore(%arg19 : memref<!tpu.dma_semaphore, #tpu.memory_space<semaphore_mem>>)
      "tpu.region"() ({
        %run_scoped3A = tpu.sem_alloc : memref<!tpu.dma_semaphore, #tpu.memory_space<semaphore_mem>>
        %dma_start3A_76 = arith.constant 0 : i32
        %dma_start3A_77 = tpu.memref_slice %arg11[%add3A_61, %dma_start3A_76] : memref<320000x128xf32, #tpu.memory_space<hbm>> -> memref<400x128xf32, #tpu.memory_space<hbm>>
        %dma_start3A_78 = arith.constant 0 : i32
        %dma_start3A_79 = tpu.memref_slice %arg11[%add3A_61, %dma_start3A_78] : memref<320000x128xf32, #tpu.memory_space<hbm>> -> memref<400x128xf32, #tpu.memory_space<hbm>>
        tpu.enqueue_dma source(%arg16 : memref<400x128xf32, #tpu.memory_space<vmem>>) target(%dma_start3A_79 : memref<400x128xf32, #tpu.memory_space<hbm>>) target_semaphore(%run_scoped3A : memref<!tpu.dma_semaphore, #tpu.memory_space<semaphore_mem>>)
        %dma_wait3A_80 = arith.constant 0 : i32
        %dma_wait3A_81 = tpu.memref_slice %arg11[%add3A_61, %dma_wait3A_80] : memref<320000x128xf32, #tpu.memory_space<hbm>> -> memref<400x128xf32, #tpu.memory_space<hbm>>
        %dma_wait3A_82 = arith.constant 0 : i32
        %dma_wait3A_83 = tpu.memref_slice %arg11[%add3A_61, %dma_wait3A_82] : memref<320000x128xf32, #tpu.memory_space<hbm>> -> memref<400x128xf32, #tpu.memory_space<hbm>>
        tpu.wait_dma2 semaphore(%run_scoped3A : memref<!tpu.dma_semaphore, #tpu.memory_space<semaphore_mem>>) src(%arg16 : memref<400x128xf32, #tpu.memory_space<vmem>>) dst(%dma_wait3A_83 : memref<400x128xf32, #tpu.memory_space<hbm>>)
        tpu.yield
      }) : () -> ()
      %dma_wait3A_73 = arith.constant 0 : i32
      %dma_wait3A_74 = arith.constant 0 : i32
      %dma_wait3A_75 = tpu.memref_slice %arg3[%dma_wait3A_73, %dma_wait3A_74] : memref<10000x128xf32, #tpu.memory_space<hbm>> -> memref<10000x128xf32, #tpu.memory_space<hbm>>
      tpu.wait_indirect_dma semaphore(%arg19 : memref<!tpu.dma_semaphore, #tpu.memory_space<semaphore_mem>>) src(%dma_wait3A_75 : memref<10000x128xf32, #tpu.memory_space<hbm>>) dst(%arg17 : memref<400x128xf32, #tpu.memory_space<vmem>>)
      "tpu.region"() ({
        %run_scoped3A = tpu.sem_alloc : memref<!tpu.dma_semaphore, #tpu.memory_space<semaphore_mem>>
        %dma_start3A_76 = arith.constant 0 : i32
        %dma_start3A_77 = tpu.memref_slice %arg11[%add3A_63, %dma_start3A_76] : memref<320000x128xf32, #tpu.memory_space<hbm>> -> memref<400x128xf32, #tpu.memory_space<hbm>>
        %dma_start3A_78 = arith.constant 0 : i32
        %dma_start3A_79 = tpu.memref_slice %arg11[%add3A_63, %dma_start3A_78] : memref<320000x128xf32, #tpu.memory_space<hbm>> -> memref<400x128xf32, #tpu.memory_space<hbm>>
        tpu.enqueue_dma source(%arg17 : memref<400x128xf32, #tpu.memory_space<vmem>>) target(%dma_start3A_79 : memref<400x128xf32, #tpu.memory_space<hbm>>) target_semaphore(%run_scoped3A : memref<!tpu.dma_semaphore, #tpu.memory_space<semaphore_mem>>)
        %dma_wait3A_80 = arith.constant 0 : i32
        %dma_wait3A_81 = tpu.memref_slice %arg11[%add3A_63, %dma_wait3A_80] : memref<320000x128xf32, #tpu.memory_space<hbm>> -> memref<400x128xf32, #tpu.memory_space<hbm>>
        %dma_wait3A_82 = arith.constant 0 : i32
        %dma_wait3A_83 = tpu.memref_slice %arg11[%add3A_63, %dma_wait3A_82] : memref<320000x128xf32, #tpu.memory_space<hbm>> -> memref<400x128xf32, #tpu.memory_space<hbm>>
        tpu.wait_dma2 semaphore(%run_scoped3A : memref<!tpu.dma_semaphore, #tpu.memory_space<semaphore_mem>>) src(%arg17 : memref<400x128xf32, #tpu.memory_space<vmem>>) dst(%dma_wait3A_83 : memref<400x128xf32, #tpu.memory_space<hbm>>)
        tpu.yield
      }) : () -> ()
    }
    %scan3A_19 = arith.constant 12 : i32
    %add3A_20 = arith.constant 9600 : i32
    %add3A_21 = arith.addi %mul3A_2, %add3A_20 : i32
    "tpu.region"() ({
      %run_scoped3A = tpu.sem_alloc : memref<!tpu.dma_semaphore, #tpu.memory_space<semaphore_mem>>
      %dma_start3A_56 = tpu.memref_slice %arg7[%add3A_21] : memref<320000xi32, #tpu.memory_space<hbm>> -> memref<400xi32, #tpu.memory_space<hbm>>
      %dma_start3A_57 = tpu.memref_slice %arg7[%add3A_21] : memref<320000xi32, #tpu.memory_space<hbm>> -> memref<400xi32, #tpu.memory_space<hbm>>
      tpu.enqueue_dma source(%dma_start3A_57 : memref<400xi32, #tpu.memory_space<hbm>>) target(%arg14 : memref<400xi32, #tpu.memory_space<vmem>>) target_semaphore(%run_scoped3A : memref<!tpu.dma_semaphore, #tpu.memory_space<semaphore_mem>>)
      %dma_wait3A_58 = tpu.memref_slice %arg7[%add3A_21] : memref<320000xi32, #tpu.memory_space<hbm>> -> memref<400xi32, #tpu.memory_space<hbm>>
      %dma_wait3A_59 = tpu.memref_slice %arg7[%add3A_21] : memref<320000xi32, #tpu.memory_space<hbm>> -> memref<400xi32, #tpu.memory_space<hbm>>
      tpu.wait_dma2 semaphore(%run_scoped3A : memref<!tpu.dma_semaphore, #tpu.memory_space<semaphore_mem>>) src(%dma_wait3A_59 : memref<400xi32, #tpu.memory_space<hbm>>) dst(%arg14 : memref<400xi32, #tpu.memory_space<vmem>>)
      tpu.yield
    }) : () -> ()
    %dma_start3A_22 = arith.constant 0 : i32
    %dma_start3A_23 = arith.constant 0 : i32
    %dma_start3A_24 = tpu.memref_slice %arg3[%dma_start3A_22, %dma_start3A_23] : memref<10000x128xf32, #tpu.memory_space<hbm>> -> memref<10000x128xf32, #tpu.memory_space<hbm>>
    tpu.enqueue_indirect_dma source(%dma_start3A_24 : memref<10000x128xf32, #tpu.memory_space<hbm>>) target(%arg16 : memref<400x128xf32, #tpu.memory_space<vmem>>) offsets(%arg14 : memref<400xi32, #tpu.memory_space<vmem>>) semaphore(%arg18 : memref<!tpu.dma_semaphore, #tpu.memory_space<semaphore_mem>>)
    %dma_wait3A_25 = arith.constant 0 : i32
    %dma_wait3A_26 = arith.constant 0 : i32
    %dma_wait3A_27 = tpu.memref_slice %arg3[%dma_wait3A_25, %dma_wait3A_26] : memref<10000x128xf32, #tpu.memory_space<hbm>> -> memref<10000x128xf32, #tpu.memory_space<hbm>>
    tpu.wait_indirect_dma semaphore(%arg18 : memref<!tpu.dma_semaphore, #tpu.memory_space<semaphore_mem>>) src(%dma_wait3A_27 : memref<10000x128xf32, #tpu.memory_space<hbm>>) dst(%arg16 : memref<400x128xf32, #tpu.memory_space<vmem>>)
    "tpu.region"() ({
      %run_scoped3A = tpu.sem_alloc : memref<!tpu.dma_semaphore, #tpu.memory_space<semaphore_mem>>
      %dma_start3A_56 = arith.constant 0 : i32
      %dma_start3A_57 = tpu.memref_slice %arg11[%add3A_21, %dma_start3A_56] : memref<320000x128xf32, #tpu.memory_space<hbm>> -> memref<400x128xf32, #tpu.memory_space<hbm>>
      %dma_start3A_58 = arith.constant 0 : i32
      %dma_start3A_59 = tpu.memref_slice %arg11[%add3A_21, %dma_start3A_58] : memref<320000x128xf32, #tpu.memory_space<hbm>> -> memref<400x128xf32, #tpu.memory_space<hbm>>
      tpu.enqueue_dma source(%arg16 : memref<400x128xf32, #tpu.memory_space<vmem>>) target(%dma_start3A_59 : memref<400x128xf32, #tpu.memory_space<hbm>>) target_semaphore(%run_scoped3A : memref<!tpu.dma_semaphore, #tpu.memory_space<semaphore_mem>>)
      %dma_wait3A_60 = arith.constant 0 : i32
      %dma_wait3A_61 = tpu.memref_slice %arg11[%add3A_21, %dma_wait3A_60] : memref<320000x128xf32, #tpu.memory_space<hbm>> -> memref<400x128xf32, #tpu.memory_space<hbm>>
      %dma_wait3A_62 = arith.constant 0 : i32
      %dma_wait3A_63 = tpu.memref_slice %arg11[%add3A_21, %dma_wait3A_62] : memref<320000x128xf32, #tpu.memory_space<hbm>> -> memref<400x128xf32, #tpu.memory_space<hbm>>
      tpu.wait_dma2 semaphore(%run_scoped3A : memref<!tpu.dma_semaphore, #tpu.memory_space<semaphore_mem>>) src(%arg16 : memref<400x128xf32, #tpu.memory_space<vmem>>) dst(%dma_wait3A_63 : memref<400x128xf32, #tpu.memory_space<hbm>>)
      tpu.yield
    }) : () -> ()
    %scan3A_28 = arith.constant 0 : i32
    %scan3A_29 = arith.constant 0 : i32
    %scan3A_30 = arith.constant 12 : i32
    %scan3A_31 = arith.addi %scan3A_29, %scan3A_30 : i32
    %scan3A_32 = arith.constant 1 : i32
    scf.for %scan3A_56 = %scan3A_29 to %scan3A_31 step %scan3A_32  : i32 {
      %mul3A_57 = arith.constant 2 : i32
      %mul3A_58 = arith.muli %mul3A_57, %scan3A_56 : i32
      %mul3A_59 = arith.constant 400 : i32
      %mul3A_60 = arith.muli %mul3A_58, %mul3A_59 : i32
      %add3A_61 = arith.addi %mul3A_2, %mul3A_60 : i32
      %add3A_62 = arith.constant 400 : i32
      %add3A_63 = arith.addi %add3A_61, %add3A_62 : i32
      "tpu.region"() ({
        %run_scoped3A = tpu.sem_alloc : memref<!tpu.dma_semaphore, #tpu.memory_space<semaphore_mem>>
        %dma_start3A_76 = tpu.memref_slice %arg8[%add3A_61] : memref<320000xi32, #tpu.memory_space<hbm>> -> memref<400xi32, #tpu.memory_space<hbm>>
        %dma_start3A_77 = tpu.memref_slice %arg8[%add3A_61] : memref<320000xi32, #tpu.memory_space<hbm>> -> memref<400xi32, #tpu.memory_space<hbm>>
        tpu.enqueue_dma source(%dma_start3A_77 : memref<400xi32, #tpu.memory_space<hbm>>) target(%arg14 : memref<400xi32, #tpu.memory_space<vmem>>) target_semaphore(%run_scoped3A : memref<!tpu.dma_semaphore, #tpu.memory_space<semaphore_mem>>)
        %dma_wait3A_78 = tpu.memref_slice %arg8[%add3A_61] : memref<320000xi32, #tpu.memory_space<hbm>> -> memref<400xi32, #tpu.memory_space<hbm>>
        %dma_wait3A_79 = tpu.memref_slice %arg8[%add3A_61] : memref<320000xi32, #tpu.memory_space<hbm>> -> memref<400xi32, #tpu.memory_space<hbm>>
        tpu.wait_dma2 semaphore(%run_scoped3A : memref<!tpu.dma_semaphore, #tpu.memory_space<semaphore_mem>>) src(%dma_wait3A_79 : memref<400xi32, #tpu.memory_space<hbm>>) dst(%arg14 : memref<400xi32, #tpu.memory_space<vmem>>)
        tpu.yield
      }) : () -> ()
      %dma_start3A_64 = arith.constant 0 : i32
      %dma_start3A_65 = arith.constant 0 : i32
      %dma_start3A_66 = tpu.memref_slice %arg4[%dma_start3A_64, %dma_start3A_65] : memref<10000x128xf32, #tpu.memory_space<hbm>> -> memref<10000x128xf32, #tpu.memory_space<hbm>>
      tpu.enqueue_indirect_dma source(%dma_start3A_66 : memref<10000x128xf32, #tpu.memory_space<hbm>>) target(%arg16 : memref<400x128xf32, #tpu.memory_space<vmem>>) offsets(%arg14 : memref<400xi32, #tpu.memory_space<vmem>>) semaphore(%arg18 : memref<!tpu.dma_semaphore, #tpu.memory_space<semaphore_mem>>)
      "tpu.region"() ({
        %run_scoped3A = tpu.sem_alloc : memref<!tpu.dma_semaphore, #tpu.memory_space<semaphore_mem>>
        %dma_start3A_76 = tpu.memref_slice %arg8[%add3A_63] : memref<320000xi32, #tpu.memory_space<hbm>> -> memref<400xi32, #tpu.memory_space<hbm>>
        %dma_start3A_77 = tpu.memref_slice %arg8[%add3A_63] : memref<320000xi32, #tpu.memory_space<hbm>> -> memref<400xi32, #tpu.memory_space<hbm>>
        tpu.enqueue_dma source(%dma_start3A_77 : memref<400xi32, #tpu.memory_space<hbm>>) target(%arg15 : memref<400xi32, #tpu.memory_space<vmem>>) target_semaphore(%run_scoped3A : memref<!tpu.dma_semaphore, #tpu.memory_space<semaphore_mem>>)
        %dma_wait3A_78 = tpu.memref_slice %arg8[%add3A_63] : memref<320000xi32, #tpu.memory_space<hbm>> -> memref<400xi32, #tpu.memory_space<hbm>>
        %dma_wait3A_79 = tpu.memref_slice %arg8[%add3A_63] : memref<320000xi32, #tpu.memory_space<hbm>> -> memref<400xi32, #tpu.memory_space<hbm>>
        tpu.wait_dma2 semaphore(%run_scoped3A : memref<!tpu.dma_semaphore, #tpu.memory_space<semaphore_mem>>) src(%dma_wait3A_79 : memref<400xi32, #tpu.memory_space<hbm>>) dst(%arg15 : memref<400xi32, #tpu.memory_space<vmem>>)
        tpu.yield
      }) : () -> ()
      %dma_wait3A_67 = arith.constant 0 : i32
      %dma_wait3A_68 = arith.constant 0 : i32
      %dma_wait3A_69 = tpu.memref_slice %arg4[%dma_wait3A_67, %dma_wait3A_68] : memref<10000x128xf32, #tpu.memory_space<hbm>> -> memref<10000x128xf32, #tpu.memory_space<hbm>>
      tpu.wait_indirect_dma semaphore(%arg18 : memref<!tpu.dma_semaphore, #tpu.memory_space<semaphore_mem>>) src(%dma_wait3A_69 : memref<10000x128xf32, #tpu.memory_space<hbm>>) dst(%arg16 : memref<400x128xf32, #tpu.memory_space<vmem>>)
      %dma_start3A_70 = arith.constant 0 : i32
      %dma_start3A_71 = arith.constant 0 : i32
      %dma_start3A_72 = tpu.memref_slice %arg4[%dma_start3A_70, %dma_start3A_71] : memref<10000x128xf32, #tpu.memory_space<hbm>> -> memref<10000x128xf32, #tpu.memory_space<hbm>>
      tpu.enqueue_indirect_dma source(%dma_start3A_72 : memref<10000x128xf32, #tpu.memory_space<hbm>>) target(%arg17 : memref<400x128xf32, #tpu.memory_space<vmem>>) offsets(%arg15 : memref<400xi32, #tpu.memory_space<vmem>>) semaphore(%arg19 : memref<!tpu.dma_semaphore, #tpu.memory_space<semaphore_mem>>)
      "tpu.region"() ({
        %run_scoped3A = tpu.sem_alloc : memref<!tpu.dma_semaphore, #tpu.memory_space<semaphore_mem>>
        %dma_start3A_76 = arith.constant 0 : i32
        %dma_start3A_77 = tpu.memref_slice %arg12[%add3A_61, %dma_start3A_76] : memref<320000x128xf32, #tpu.memory_space<hbm>> -> memref<400x128xf32, #tpu.memory_space<hbm>>
        %dma_start3A_78 = arith.constant 0 : i32
        %dma_start3A_79 = tpu.memref_slice %arg12[%add3A_61, %dma_start3A_78] : memref<320000x128xf32, #tpu.memory_space<hbm>> -> memref<400x128xf32, #tpu.memory_space<hbm>>
        tpu.enqueue_dma source(%arg16 : memref<400x128xf32, #tpu.memory_space<vmem>>) target(%dma_start3A_79 : memref<400x128xf32, #tpu.memory_space<hbm>>) target_semaphore(%run_scoped3A : memref<!tpu.dma_semaphore, #tpu.memory_space<semaphore_mem>>)
        %dma_wait3A_80 = arith.constant 0 : i32
        %dma_wait3A_81 = tpu.memref_slice %arg12[%add3A_61, %dma_wait3A_80] : memref<320000x128xf32, #tpu.memory_space<hbm>> -> memref<400x128xf32, #tpu.memory_space<hbm>>
        %dma_wait3A_82 = arith.constant 0 : i32
        %dma_wait3A_83 = tpu.memref_slice %arg12[%add3A_61, %dma_wait3A_82] : memref<320000x128xf32, #tpu.memory_space<hbm>> -> memref<400x128xf32, #tpu.memory_space<hbm>>
        tpu.wait_dma2 semaphore(%run_scoped3A : memref<!tpu.dma_semaphore, #tpu.memory_space<semaphore_mem>>) src(%arg16 : memref<400x128xf32, #tpu.memory_space<vmem>>) dst(%dma_wait3A_83 : memref<400x128xf32, #tpu.memory_space<hbm>>)
        tpu.yield
      }) : () -> ()
      %dma_wait3A_73 = arith.constant 0 : i32
      %dma_wait3A_74 = arith.constant 0 : i32
      %dma_wait3A_75 = tpu.memref_slice %arg4[%dma_wait3A_73, %dma_wait3A_74] : memref<10000x128xf32, #tpu.memory_space<hbm>> -> memref<10000x128xf32, #tpu.memory_space<hbm>>
      tpu.wait_indirect_dma semaphore(%arg19 : memref<!tpu.dma_semaphore, #tpu.memory_space<semaphore_mem>>) src(%dma_wait3A_75 : memref<10000x128xf32, #tpu.memory_space<hbm>>) dst(%arg17 : memref<400x128xf32, #tpu.memory_space<vmem>>)
      "tpu.region"() ({
        %run_scoped3A = tpu.sem_alloc : memref<!tpu.dma_semaphore, #tpu.memory_space<semaphore_mem>>
        %dma_start3A_76 = arith.constant 0 : i32
        %dma_start3A_77 = tpu.memref_slice %arg12[%add3A_63, %dma_start3A_76] : memref<320000x128xf32, #tpu.memory_space<hbm>> -> memref<400x128xf32, #tpu.memory_space<hbm>>
        %dma_start3A_78 = arith.constant 0 : i32
        %dma_start3A_79 = tpu.memref_slice %arg12[%add3A_63, %dma_start3A_78] : memref<320000x128xf32, #tpu.memory_space<hbm>> -> memref<400x128xf32, #tpu.memory_space<hbm>>
        tpu.enqueue_dma source(%arg17 : memref<400x128xf32, #tpu.memory_space<vmem>>) target(%dma_start3A_79 : memref<400x128xf32, #tpu.memory_space<hbm>>) target_semaphore(%run_scoped3A : memref<!tpu.dma_semaphore, #tpu.memory_space<semaphore_mem>>)
        %dma_wait3A_80 = arith.constant 0 : i32
        %dma_wait3A_81 = tpu.memref_slice %arg12[%add3A_63, %dma_wait3A_80] : memref<320000x128xf32, #tpu.memory_space<hbm>> -> memref<400x128xf32, #tpu.memory_space<hbm>>
        %dma_wait3A_82 = arith.constant 0 : i32
        %dma_wait3A_83 = tpu.memref_slice %arg12[%add3A_63, %dma_wait3A_82] : memref<320000x128xf32, #tpu.memory_space<hbm>> -> memref<400x128xf32, #tpu.memory_space<hbm>>
        tpu.wait_dma2 semaphore(%run_scoped3A : memref<!tpu.dma_semaphore, #tpu.memory_space<semaphore_mem>>) src(%arg17 : memref<400x128xf32, #tpu.memory_space<vmem>>) dst(%dma_wait3A_83 : memref<400x128xf32, #tpu.memory_space<hbm>>)
        tpu.yield
      }) : () -> ()
    }
    %scan3A_33 = arith.constant 12 : i32
    %add3A_34 = arith.constant 9600 : i32
    %add3A_35 = arith.addi %mul3A_2, %add3A_34 : i32
    "tpu.region"() ({
      %run_scoped3A = tpu.sem_alloc : memref<!tpu.dma_semaphore, #tpu.memory_space<semaphore_mem>>
      %dma_start3A_56 = tpu.memref_slice %arg8[%add3A_35] : memref<320000xi32, #tpu.memory_space<hbm>> -> memref<400xi32, #tpu.memory_space<hbm>>
      %dma_start3A_57 = tpu.memref_slice %arg8[%add3A_35] : memref<320000xi32, #tpu.memory_space<hbm>> -> memref<400xi32, #tpu.memory_space<hbm>>
      tpu.enqueue_dma source(%dma_start3A_57 : memref<400xi32, #tpu.memory_space<hbm>>) target(%arg14 : memref<400xi32, #tpu.memory_space<vmem>>) target_semaphore(%run_scoped3A : memref<!tpu.dma_semaphore, #tpu.memory_space<semaphore_mem>>)
      %dma_wait3A_58 = tpu.memref_slice %arg8[%add3A_35] : memref<320000xi32, #tpu.memory_space<hbm>> -> memref<400xi32, #tpu.memory_space<hbm>>
      %dma_wait3A_59 = tpu.memref_slice %arg8[%add3A_35] : memref<320000xi32, #tpu.memory_space<hbm>> -> memref<400xi32, #tpu.memory_space<hbm>>
      tpu.wait_dma2 semaphore(%run_scoped3A : memref<!tpu.dma_semaphore, #tpu.memory_space<semaphore_mem>>) src(%dma_wait3A_59 : memref<400xi32, #tpu.memory_space<hbm>>) dst(%arg14 : memref<400xi32, #tpu.memory_space<vmem>>)
      tpu.yield
    }) : () -> ()
    %dma_start3A_36 = arith.constant 0 : i32
    %dma_start3A_37 = arith.constant 0 : i32
    %dma_start3A_38 = tpu.memref_slice %arg4[%dma_start3A_36, %dma_start3A_37] : memref<10000x128xf32, #tpu.memory_space<hbm>> -> memref<10000x128xf32, #tpu.memory_space<hbm>>
    tpu.enqueue_indirect_dma source(%dma_start3A_38 : memref<10000x128xf32, #tpu.memory_space<hbm>>) target(%arg16 : memref<400x128xf32, #tpu.memory_space<vmem>>) offsets(%arg14 : memref<400xi32, #tpu.memory_space<vmem>>) semaphore(%arg18 : memref<!tpu.dma_semaphore, #tpu.memory_space<semaphore_mem>>)
    %dma_wait3A_39 = arith.constant 0 : i32
    %dma_wait3A_40 = arith.constant 0 : i32
    %dma_wait3A_41 = tpu.memref_slice %arg4[%dma_wait3A_39, %dma_wait3A_40] : memref<10000x128xf32, #tpu.memory_space<hbm>> -> memref<10000x128xf32, #tpu.memory_space<hbm>>
    tpu.wait_indirect_dma semaphore(%arg18 : memref<!tpu.dma_semaphore, #tpu.memory_space<semaphore_mem>>) src(%dma_wait3A_41 : memref<10000x128xf32, #tpu.memory_space<hbm>>) dst(%arg16 : memref<400x128xf32, #tpu.memory_space<vmem>>)
    "tpu.region"() ({
      %run_scoped3A = tpu.sem_alloc : memref<!tpu.dma_semaphore, #tpu.memory_space<semaphore_mem>>
      %dma_start3A_56 = arith.constant 0 : i32
      %dma_start3A_57 = tpu.memref_slice %arg12[%add3A_35, %dma_start3A_56] : memref<320000x128xf32, #tpu.memory_space<hbm>> -> memref<400x128xf32, #tpu.memory_space<hbm>>
      %dma_start3A_58 = arith.constant 0 : i32
      %dma_start3A_59 = tpu.memref_slice %arg12[%add3A_35, %dma_start3A_58] : memref<320000x128xf32, #tpu.memory_space<hbm>> -> memref<400x128xf32, #tpu.memory_space<hbm>>
      tpu.enqueue_dma source(%arg16 : memref<400x128xf32, #tpu.memory_space<vmem>>) target(%dma_start3A_59 : memref<400x128xf32, #tpu.memory_space<hbm>>) target_semaphore(%run_scoped3A : memref<!tpu.dma_semaphore, #tpu.memory_space<semaphore_mem>>)
      %dma_wait3A_60 = arith.constant 0 : i32
      %dma_wait3A_61 = tpu.memref_slice %arg12[%add3A_35, %dma_wait3A_60] : memref<320000x128xf32, #tpu.memory_space<hbm>> -> memref<400x128xf32, #tpu.memory_space<hbm>>
      %dma_wait3A_62 = arith.constant 0 : i32
      %dma_wait3A_63 = tpu.memref_slice %arg12[%add3A_35, %dma_wait3A_62] : memref<320000x128xf32, #tpu.memory_space<hbm>> -> memref<400x128xf32, #tpu.memory_space<hbm>>
      tpu.wait_dma2 semaphore(%run_scoped3A : memref<!tpu.dma_semaphore, #tpu.memory_space<semaphore_mem>>) src(%arg16 : memref<400x128xf32, #tpu.memory_space<vmem>>) dst(%dma_wait3A_63 : memref<400x128xf32, #tpu.memory_space<hbm>>)
      tpu.yield
    }) : () -> ()
    %scan3A_42 = arith.constant 0 : i32
    %scan3A_43 = arith.constant 0 : i32
    %scan3A_44 = arith.constant 12 : i32
    %scan3A_45 = arith.addi %scan3A_43, %scan3A_44 : i32
    %scan3A_46 = arith.constant 1 : i32
    scf.for %scan3A_56 = %scan3A_43 to %scan3A_45 step %scan3A_46  : i32 {
      %mul3A_57 = arith.constant 2 : i32
      %mul3A_58 = arith.muli %mul3A_57, %scan3A_56 : i32
      %mul3A_59 = arith.constant 400 : i32
      %mul3A_60 = arith.muli %mul3A_58, %mul3A_59 : i32
      %add3A_61 = arith.addi %mul3A_2, %mul3A_60 : i32
      %add3A_62 = arith.constant 400 : i32
      %add3A_63 = arith.addi %add3A_61, %add3A_62 : i32
      "tpu.region"() ({
        %run_scoped3A = tpu.sem_alloc : memref<!tpu.dma_semaphore, #tpu.memory_space<semaphore_mem>>
        %dma_start3A_76 = tpu.memref_slice %arg9[%add3A_61] : memref<320000xi32, #tpu.memory_space<hbm>> -> memref<400xi32, #tpu.memory_space<hbm>>
        %dma_start3A_77 = tpu.memref_slice %arg9[%add3A_61] : memref<320000xi32, #tpu.memory_space<hbm>> -> memref<400xi32, #tpu.memory_space<hbm>>
        tpu.enqueue_dma source(%dma_start3A_77 : memref<400xi32, #tpu.memory_space<hbm>>) target(%arg14 : memref<400xi32, #tpu.memory_space<vmem>>) target_semaphore(%run_scoped3A : memref<!tpu.dma_semaphore, #tpu.memory_space<semaphore_mem>>)
        %dma_wait3A_78 = tpu.memref_slice %arg9[%add3A_61] : memref<320000xi32, #tpu.memory_space<hbm>> -> memref<400xi32, #tpu.memory_space<hbm>>
        %dma_wait3A_79 = tpu.memref_slice %arg9[%add3A_61] : memref<320000xi32, #tpu.memory_space<hbm>> -> memref<400xi32, #tpu.memory_space<hbm>>
        tpu.wait_dma2 semaphore(%run_scoped3A : memref<!tpu.dma_semaphore, #tpu.memory_space<semaphore_mem>>) src(%dma_wait3A_79 : memref<400xi32, #tpu.memory_space<hbm>>) dst(%arg14 : memref<400xi32, #tpu.memory_space<vmem>>)
        tpu.yield
      }) : () -> ()
      %dma_start3A_64 = arith.constant 0 : i32
      %dma_start3A_65 = arith.constant 0 : i32
      %dma_start3A_66 = tpu.memref_slice %arg5[%dma_start3A_64, %dma_start3A_65] : memref<10000x128xf32, #tpu.memory_space<hbm>> -> memref<10000x128xf32, #tpu.memory_space<hbm>>
      tpu.enqueue_indirect_dma source(%dma_start3A_66 : memref<10000x128xf32, #tpu.memory_space<hbm>>) target(%arg16 : memref<400x128xf32, #tpu.memory_space<vmem>>) offsets(%arg14 : memref<400xi32, #tpu.memory_space<vmem>>) semaphore(%arg18 : memref<!tpu.dma_semaphore, #tpu.memory_space<semaphore_mem>>)
      "tpu.region"() ({
        %run_scoped3A = tpu.sem_alloc : memref<!tpu.dma_semaphore, #tpu.memory_space<semaphore_mem>>
        %dma_start3A_76 = tpu.memref_slice %arg9[%add3A_63] : memref<320000xi32, #tpu.memory_space<hbm>> -> memref<400xi32, #tpu.memory_space<hbm>>
        %dma_start3A_77 = tpu.memref_slice %arg9[%add3A_63] : memref<320000xi32, #tpu.memory_space<hbm>> -> memref<400xi32, #tpu.memory_space<hbm>>
        tpu.enqueue_dma source(%dma_start3A_77 : memref<400xi32, #tpu.memory_space<hbm>>) target(%arg15 : memref<400xi32, #tpu.memory_space<vmem>>) target_semaphore(%run_scoped3A : memref<!tpu.dma_semaphore, #tpu.memory_space<semaphore_mem>>)
        %dma_wait3A_78 = tpu.memref_slice %arg9[%add3A_63] : memref<320000xi32, #tpu.memory_space<hbm>> -> memref<400xi32, #tpu.memory_space<hbm>>
        %dma_wait3A_79 = tpu.memref_slice %arg9[%add3A_63] : memref<320000xi32, #tpu.memory_space<hbm>> -> memref<400xi32, #tpu.memory_space<hbm>>
        tpu.wait_dma2 semaphore(%run_scoped3A : memref<!tpu.dma_semaphore, #tpu.memory_space<semaphore_mem>>) src(%dma_wait3A_79 : memref<400xi32, #tpu.memory_space<hbm>>) dst(%arg15 : memref<400xi32, #tpu.memory_space<vmem>>)
        tpu.yield
      }) : () -> ()
      %dma_wait3A_67 = arith.constant 0 : i32
      %dma_wait3A_68 = arith.constant 0 : i32
      %dma_wait3A_69 = tpu.memref_slice %arg5[%dma_wait3A_67, %dma_wait3A_68] : memref<10000x128xf32, #tpu.memory_space<hbm>> -> memref<10000x128xf32, #tpu.memory_space<hbm>>
      tpu.wait_indirect_dma semaphore(%arg18 : memref<!tpu.dma_semaphore, #tpu.memory_space<semaphore_mem>>) src(%dma_wait3A_69 : memref<10000x128xf32, #tpu.memory_space<hbm>>) dst(%arg16 : memref<400x128xf32, #tpu.memory_space<vmem>>)
      %dma_start3A_70 = arith.constant 0 : i32
      %dma_start3A_71 = arith.constant 0 : i32
      %dma_start3A_72 = tpu.memref_slice %arg5[%dma_start3A_70, %dma_start3A_71] : memref<10000x128xf32, #tpu.memory_space<hbm>> -> memref<10000x128xf32, #tpu.memory_space<hbm>>
      tpu.enqueue_indirect_dma source(%dma_start3A_72 : memref<10000x128xf32, #tpu.memory_space<hbm>>) target(%arg17 : memref<400x128xf32, #tpu.memory_space<vmem>>) offsets(%arg15 : memref<400xi32, #tpu.memory_space<vmem>>) semaphore(%arg19 : memref<!tpu.dma_semaphore, #tpu.memory_space<semaphore_mem>>)
      "tpu.region"() ({
        %run_scoped3A = tpu.sem_alloc : memref<!tpu.dma_semaphore, #tpu.memory_space<semaphore_mem>>
        %dma_start3A_76 = arith.constant 0 : i32
        %dma_start3A_77 = tpu.memref_slice %arg13[%add3A_61, %dma_start3A_76] : memref<320000x128xf32, #tpu.memory_space<hbm>> -> memref<400x128xf32, #tpu.memory_space<hbm>>
        %dma_start3A_78 = arith.constant 0 : i32
        %dma_start3A_79 = tpu.memref_slice %arg13[%add3A_61, %dma_start3A_78] : memref<320000x128xf32, #tpu.memory_space<hbm>> -> memref<400x128xf32, #tpu.memory_space<hbm>>
        tpu.enqueue_dma source(%arg16 : memref<400x128xf32, #tpu.memory_space<vmem>>) target(%dma_start3A_79 : memref<400x128xf32, #tpu.memory_space<hbm>>) target_semaphore(%run_scoped3A : memref<!tpu.dma_semaphore, #tpu.memory_space<semaphore_mem>>)
        %dma_wait3A_80 = arith.constant 0 : i32
        %dma_wait3A_81 = tpu.memref_slice %arg13[%add3A_61, %dma_wait3A_80] : memref<320000x128xf32, #tpu.memory_space<hbm>> -> memref<400x128xf32, #tpu.memory_space<hbm>>
        %dma_wait3A_82 = arith.constant 0 : i32
        %dma_wait3A_83 = tpu.memref_slice %arg13[%add3A_61, %dma_wait3A_82] : memref<320000x128xf32, #tpu.memory_space<hbm>> -> memref<400x128xf32, #tpu.memory_space<hbm>>
        tpu.wait_dma2 semaphore(%run_scoped3A : memref<!tpu.dma_semaphore, #tpu.memory_space<semaphore_mem>>) src(%arg16 : memref<400x128xf32, #tpu.memory_space<vmem>>) dst(%dma_wait3A_83 : memref<400x128xf32, #tpu.memory_space<hbm>>)
        tpu.yield
      }) : () -> ()
      %dma_wait3A_73 = arith.constant 0 : i32
      %dma_wait3A_74 = arith.constant 0 : i32
      %dma_wait3A_75 = tpu.memref_slice %arg5[%dma_wait3A_73, %dma_wait3A_74] : memref<10000x128xf32, #tpu.memory_space<hbm>> -> memref<10000x128xf32, #tpu.memory_space<hbm>>
      tpu.wait_indirect_dma semaphore(%arg19 : memref<!tpu.dma_semaphore, #tpu.memory_space<semaphore_mem>>) src(%dma_wait3A_75 : memref<10000x128xf32, #tpu.memory_space<hbm>>) dst(%arg17 : memref<400x128xf32, #tpu.memory_space<vmem>>)
      "tpu.region"() ({
        %run_scoped3A = tpu.sem_alloc : memref<!tpu.dma_semaphore, #tpu.memory_space<semaphore_mem>>
        %dma_start3A_76 = arith.constant 0 : i32
        %dma_start3A_77 = tpu.memref_slice %arg13[%add3A_63, %dma_start3A_76] : memref<320000x128xf32, #tpu.memory_space<hbm>> -> memref<400x128xf32, #tpu.memory_space<hbm>>
        %dma_start3A_78 = arith.constant 0 : i32
        %dma_start3A_79 = tpu.memref_slice %arg13[%add3A_63, %dma_start3A_78] : memref<320000x128xf32, #tpu.memory_space<hbm>> -> memref<400x128xf32, #tpu.memory_space<hbm>>
        tpu.enqueue_dma source(%arg17 : memref<400x128xf32, #tpu.memory_space<vmem>>) target(%dma_start3A_79 : memref<400x128xf32, #tpu.memory_space<hbm>>) target_semaphore(%run_scoped3A : memref<!tpu.dma_semaphore, #tpu.memory_space<semaphore_mem>>)
        %dma_wait3A_80 = arith.constant 0 : i32
        %dma_wait3A_81 = tpu.memref_slice %arg13[%add3A_63, %dma_wait3A_80] : memref<320000x128xf32, #tpu.memory_space<hbm>> -> memref<400x128xf32, #tpu.memory_space<hbm>>
        %dma_wait3A_82 = arith.constant 0 : i32
        %dma_wait3A_83 = tpu.memref_slice %arg13[%add3A_63, %dma_wait3A_82] : memref<320000x128xf32, #tpu.memory_space<hbm>> -> memref<400x128xf32, #tpu.memory_space<hbm>>
        tpu.wait_dma2 semaphore(%run_scoped3A : memref<!tpu.dma_semaphore, #tpu.memory_space<semaphore_mem>>) src(%arg17 : memref<400x128xf32, #tpu.memory_space<vmem>>) dst(%dma_wait3A_83 : memref<400x128xf32, #tpu.memory_space<hbm>>)
        tpu.yield
      }) : () -> ()
    }
    %scan3A_47 = arith.constant 12 : i32
    %add3A_48 = arith.constant 9600 : i32
    %add3A_49 = arith.addi %mul3A_2, %add3A_48 : i32
    "tpu.region"() ({
      %run_scoped3A = tpu.sem_alloc : memref<!tpu.dma_semaphore, #tpu.memory_space<semaphore_mem>>
      %dma_start3A_56 = tpu.memref_slice %arg9[%add3A_49] : memref<320000xi32, #tpu.memory_space<hbm>> -> memref<400xi32, #tpu.memory_space<hbm>>
      %dma_start3A_57 = tpu.memref_slice %arg9[%add3A_49] : memref<320000xi32, #tpu.memory_space<hbm>> -> memref<400xi32, #tpu.memory_space<hbm>>
      tpu.enqueue_dma source(%dma_start3A_57 : memref<400xi32, #tpu.memory_space<hbm>>) target(%arg14 : memref<400xi32, #tpu.memory_space<vmem>>) target_semaphore(%run_scoped3A : memref<!tpu.dma_semaphore, #tpu.memory_space<semaphore_mem>>)
      %dma_wait3A_58 = tpu.memref_slice %arg9[%add3A_49] : memref<320000xi32, #tpu.memory_space<hbm>> -> memref<400xi32, #tpu.memory_space<hbm>>
      %dma_wait3A_59 = tpu.memref_slice %arg9[%add3A_49] : memref<320000xi32, #tpu.memory_space<hbm>> -> memref<400xi32, #tpu.memory_space<hbm>>
      tpu.wait_dma2 semaphore(%run_scoped3A : memref<!tpu.dma_semaphore, #tpu.memory_space<semaphore_mem>>) src(%dma_wait3A_59 : memref<400xi32, #tpu.memory_space<hbm>>) dst(%arg14 : memref<400xi32, #tpu.memory_space<vmem>>)
      tpu.yield
    }) : () -> ()
    %dma_start3A_50 = arith.constant 0 : i32
    %dma_start3A_51 = arith.constant 0 : i32
    %dma_start3A_52 = tpu.memref_slice %arg5[%dma_start3A_50, %dma_start3A_51] : memref<10000x128xf32, #tpu.memory_space<hbm>> -> memref<10000x128xf32, #tpu.memory_space<hbm>>
    tpu.enqueue_indirect_dma source(%dma_start3A_52 : memref<10000x128xf32, #tpu.memory_space<hbm>>) target(%arg16 : memref<400x128xf32, #tpu.memory_space<vmem>>) offsets(%arg14 : memref<400xi32, #tpu.memory_space<vmem>>) semaphore(%arg18 : memref<!tpu.dma_semaphore, #tpu.memory_space<semaphore_mem>>)
    %dma_wait3A_53 = arith.constant 0 : i32
    %dma_wait3A_54 = arith.constant 0 : i32
    %dma_wait3A_55 = tpu.memref_slice %arg5[%dma_wait3A_53, %dma_wait3A_54] : memref<10000x128xf32, #tpu.memory_space<hbm>> -> memref<10000x128xf32, #tpu.memory_space<hbm>>
    tpu.wait_indirect_dma semaphore(%arg18 : memref<!tpu.dma_semaphore, #tpu.memory_space<semaphore_mem>>) src(%dma_wait3A_55 : memref<10000x128xf32, #tpu.memory_space<hbm>>) dst(%arg16 : memref<400x128xf32, #tpu.memory_space<vmem>>)
    "tpu.region"() ({
      %run_scoped3A = tpu.sem_alloc : memref<!tpu.dma_semaphore, #tpu.memory_space<semaphore_mem>>
      %dma_start3A_56 = arith.constant 0 : i32
      %dma_start3A_57 = tpu.memref_slice %arg13[%add3A_49, %dma_start3A_56] : memref<320000x128xf32, #tpu.memory_space<hbm>> -> memref<400x128xf32, #tpu.memory_space<hbm>>
      %dma_start3A_58 = arith.constant 0 : i32
      %dma_start3A_59 = tpu.memref_slice %arg13[%add3A_49, %dma_start3A_58] : memref<320000x128xf32, #tpu.memory_space<hbm>> -> memref<400x128xf32, #tpu.memory_space<hbm>>
      tpu.enqueue_dma source(%arg16 : memref<400x128xf32, #tpu.memory_space<vmem>>) target(%dma_start3A_59 : memref<400x128xf32, #tpu.memory_space<hbm>>) target_semaphore(%run_scoped3A : memref<!tpu.dma_semaphore, #tpu.memory_space<semaphore_mem>>)
      %dma_wait3A_60 = arith.constant 0 : i32
      %dma_wait3A_61 = tpu.memref_slice %arg13[%add3A_49, %dma_wait3A_60] : memref<320000x128xf32, #tpu.memory_space<hbm>> -> memref<400x128xf32, #tpu.memory_space<hbm>>
      %dma_wait3A_62 = arith.constant 0 : i32
      %dma_wait3A_63 = tpu.memref_slice %arg13[%add3A_49, %dma_wait3A_62] : memref<320000x128xf32, #tpu.memory_space<hbm>> -> memref<400x128xf32, #tpu.memory_space<hbm>>
      tpu.wait_dma2 semaphore(%run_scoped3A : memref<!tpu.dma_semaphore, #tpu.memory_space<semaphore_mem>>) src(%arg16 : memref<400x128xf32, #tpu.memory_space<vmem>>) dst(%dma_wait3A_63 : memref<400x128xf32, #tpu.memory_space<hbm>>)
      tpu.yield
    }) : () -> ()
    return
  }
}

#map = affine_map<(d0, d1) -> (0, 0)>
#map1 = affine_map<(d0, d1) -> (0)>
module attributes {stable_mosaic.version = 14 : i64} {
  func.func @_sc_gather_body(%arg0: i32, %arg1: i32, %arg2: memref<10000x128xf32, #tpu.memory_space<hbm>>, %arg3: memref<10000x128xf32, #tpu.memory_space<hbm>>, %arg4: memref<10000x128xf32, #tpu.memory_space<hbm>>, %arg5: memref<10000x128xf32, #tpu.memory_space<hbm>>, %arg6: memref<320000xi32, #tpu.memory_space<hbm>>, %arg7: memref<320000xi32, #tpu.memory_space<hbm>>, %arg8: memref<320000xi32, #tpu.memory_space<hbm>>, %arg9: memref<320000xi32, #tpu.memory_space<hbm>>, %arg10: memref<320000x128xf32, #tpu.memory_space<hbm>>, %arg11: memref<320000x128xf32, #tpu.memory_space<hbm>>, %arg12: memref<320000x128xf32, #tpu.memory_space<hbm>>, %arg13: memref<320000x128xf32, #tpu.memory_space<hbm>>, %arg14: memref<400xi32, #tpu.memory_space<vmem>>, %arg15: memref<400xi32, #tpu.memory_space<vmem>>, %arg16: memref<400x128xf32, #tpu.memory_space<vmem>>, %arg17: memref<400x128xf32, #tpu.memory_space<vmem>>, %arg18: memref<!tpu.dma_semaphore, #tpu.memory_space<semaphore_mem>>, %arg19: memref<!tpu.dma_semaphore, #tpu.memory_space<semaphore_mem>>) attributes {dimension_semantics = [#tpu.dimension_semantics<core_parallel>, #tpu.dimension_semantics<subcore_parallel>], iteration_bounds = array<i64: 2, 16>, scalar_prefetch = 0 : i64, scratch_operands = 6 : i64, tpu.core_type = #tpu.core_type<sc_vector_subcore>, window_params = [{transform_indices = #map}, {transform_indices = #map}, {transform_indices = #map}, {transform_indices = #map}, {transform_indices = #map1}, {transform_indices = #map1}, {transform_indices = #map1}, {transform_indices = #map1}, {transform_indices = #map}, {transform_indices = #map}, {transform_indices = #map}, {transform_indices = #map}]} {
    %mul3A = arith.constant 2 : i32
    %mul3A_0 = arith.muli %arg1, %mul3A : i32
    %add3A = arith.addi %mul3A_0, %arg0 : i32
    %mul3A_1 = arith.constant 10000 : i32
    %mul3A_2 = arith.muli %add3A, %mul3A_1 : i32
    %scan3A = arith.constant 0 : i32
    %scan3A_3 = arith.constant 0 : i32
    %scan3A_4 = arith.constant 12 : i32
    %scan3A_5 = arith.addi %scan3A_3, %scan3A_4 : i32
    %scan3A_6 = arith.constant 1 : i32
    scf.for %scan3A_56 = %scan3A_3 to %scan3A_5 step %scan3A_6  : i32 {
      %mul3A_57 = arith.constant 2 : i32
      %mul3A_58 = arith.muli %mul3A_57, %scan3A_56 : i32
      %mul3A_59 = arith.constant 400 : i32
      %mul3A_60 = arith.muli %mul3A_58, %mul3A_59 : i32
      %add3A_61 = arith.addi %mul3A_2, %mul3A_60 : i32
      %add3A_62 = arith.constant 400 : i32
      %add3A_63 = arith.addi %add3A_61, %add3A_62 : i32
      "tpu.region"() ({
        %run_scoped3A = tpu.sem_alloc : memref<!tpu.dma_semaphore, #tpu.memory_space<semaphore_mem>>
        %dma_start3A_76 = tpu.memref_slice %arg6[%add3A_61] : memref<320000xi32, #tpu.memory_space<hbm>> -> memref<400xi32, #tpu.memory_space<hbm>>
        %dma_start3A_77 = tpu.memref_slice %arg6[%add3A_61] : memref<320000xi32, #tpu.memory_space<hbm>> -> memref<400xi32, #tpu.memory_space<hbm>>
        tpu.enqueue_dma source(%dma_start3A_77 : memref<400xi32, #tpu.memory_space<hbm>>) target(%arg14 : memref<400xi32, #tpu.memory_space<vmem>>) target_semaphore(%run_scoped3A : memref<!tpu.dma_semaphore, #tpu.memory_space<semaphore_mem>>)
        %dma_wait3A_78 = tpu.memref_slice %arg6[%add3A_61] : memref<320000xi32, #tpu.memory_space<hbm>> -> memref<400xi32, #tpu.memory_space<hbm>>
        %dma_wait3A_79 = tpu.memref_slice %arg6[%add3A_61] : memref<320000xi32, #tpu.memory_space<hbm>> -> memref<400xi32, #tpu.memory_space<hbm>>
        tpu.wait_dma2 semaphore(%run_scoped3A : memref<!tpu.dma_semaphore, #tpu.memory_space<semaphore_mem>>) src(%dma_wait3A_79 : memref<400xi32, #tpu.memory_space<hbm>>) dst(%arg14 : memref<400xi32, #tpu.memory_space<vmem>>)
        tpu.yield
      }) : () -> ()
      %dma_start3A_64 = arith.constant 0 : i32
      %dma_start3A_65 = arith.constant 0 : i32
      %dma_start3A_66 = tpu.memref_slice %arg2[%dma_start3A_64, %dma_start3A_65] : memref<10000x128xf32, #tpu.memory_space<hbm>> -> memref<10000x128xf32, #tpu.memory_space<hbm>>
      tpu.enqueue_indirect_dma source(%dma_start3A_66 : memref<10000x128xf32, #tpu.memory_space<hbm>>) target(%arg16 : memref<400x128xf32, #tpu.memory_space<vmem>>) offsets(%arg14 : memref<400xi32, #tpu.memory_space<vmem>>) semaphore(%arg18 : memref<!tpu.dma_semaphore, #tpu.memory_space<semaphore_mem>>)
      "tpu.region"() ({
        %run_scoped3A = tpu.sem_alloc : memref<!tpu.dma_semaphore, #tpu.memory_space<semaphore_mem>>
        %dma_start3A_76 = tpu.memref_slice %arg6[%add3A_63] : memref<320000xi32, #tpu.memory_space<hbm>> -> memref<400xi32, #tpu.memory_space<hbm>>
        %dma_start3A_77 = tpu.memref_slice %arg6[%add3A_63] : memref<320000xi32, #tpu.memory_space<hbm>> -> memref<400xi32, #tpu.memory_space<hbm>>
        tpu.enqueue_dma source(%dma_start3A_77 : memref<400xi32, #tpu.memory_space<hbm>>) target(%arg15 : memref<400xi32, #tpu.memory_space<vmem>>) target_semaphore(%run_scoped3A : memref<!tpu.dma_semaphore, #tpu.memory_space<semaphore_mem>>)
        %dma_wait3A_78 = tpu.memref_slice %arg6[%add3A_63] : memref<320000xi32, #tpu.memory_space<hbm>> -> memref<400xi32, #tpu.memory_space<hbm>>
        %dma_wait3A_79 = tpu.memref_slice %arg6[%add3A_63] : memref<320000xi32, #tpu.memory_space<hbm>> -> memref<400xi32, #tpu.memory_space<hbm>>
        tpu.wait_dma2 semaphore(%run_scoped3A : memref<!tpu.dma_semaphore, #tpu.memory_space<semaphore_mem>>) src(%dma_wait3A_79 : memref<400xi32, #tpu.memory_space<hbm>>) dst(%arg15 : memref<400xi32, #tpu.memory_space<vmem>>)
        tpu.yield
      }) : () -> ()
      %dma_wait3A_67 = arith.constant 0 : i32
      %dma_wait3A_68 = arith.constant 0 : i32
      %dma_wait3A_69 = tpu.memref_slice %arg2[%dma_wait3A_67, %dma_wait3A_68] : memref<10000x128xf32, #tpu.memory_space<hbm>> -> memref<10000x128xf32, #tpu.memory_space<hbm>>
      tpu.wait_indirect_dma semaphore(%arg18 : memref<!tpu.dma_semaphore, #tpu.memory_space<semaphore_mem>>) src(%dma_wait3A_69 : memref<10000x128xf32, #tpu.memory_space<hbm>>) dst(%arg16 : memref<400x128xf32, #tpu.memory_space<vmem>>)
      %dma_start3A_70 = arith.constant 0 : i32
      %dma_start3A_71 = arith.constant 0 : i32
      %dma_start3A_72 = tpu.memref_slice %arg2[%dma_start3A_70, %dma_start3A_71] : memref<10000x128xf32, #tpu.memory_space<hbm>> -> memref<10000x128xf32, #tpu.memory_space<hbm>>
      tpu.enqueue_indirect_dma source(%dma_start3A_72 : memref<10000x128xf32, #tpu.memory_space<hbm>>) target(%arg17 : memref<400x128xf32, #tpu.memory_space<vmem>>) offsets(%arg15 : memref<400xi32, #tpu.memory_space<vmem>>) semaphore(%arg19 : memref<!tpu.dma_semaphore, #tpu.memory_space<semaphore_mem>>)
      "tpu.region"() ({
        %run_scoped3A = tpu.sem_alloc : memref<!tpu.dma_semaphore, #tpu.memory_space<semaphore_mem>>
        %dma_start3A_76 = arith.constant 0 : i32
        %dma_start3A_77 = tpu.memref_slice %arg10[%add3A_61, %dma_start3A_76] : memref<320000x128xf32, #tpu.memory_space<hbm>> -> memref<400x128xf32, #tpu.memory_space<hbm>>
        %dma_start3A_78 = arith.constant 0 : i32
        %dma_start3A_79 = tpu.memref_slice %arg10[%add3A_61, %dma_start3A_78] : memref<320000x128xf32, #tpu.memory_space<hbm>> -> memref<400x128xf32, #tpu.memory_space<hbm>>
        tpu.enqueue_dma source(%arg16 : memref<400x128xf32, #tpu.memory_space<vmem>>) target(%dma_start3A_79 : memref<400x128xf32, #tpu.memory_space<hbm>>) target_semaphore(%run_scoped3A : memref<!tpu.dma_semaphore, #tpu.memory_space<semaphore_mem>>)
        %dma_wait3A_80 = arith.constant 0 : i32
        %dma_wait3A_81 = tpu.memref_slice %arg10[%add3A_61, %dma_wait3A_80] : memref<320000x128xf32, #tpu.memory_space<hbm>> -> memref<400x128xf32, #tpu.memory_space<hbm>>
        %dma_wait3A_82 = arith.constant 0 : i32
        %dma_wait3A_83 = tpu.memref_slice %arg10[%add3A_61, %dma_wait3A_82] : memref<320000x128xf32, #tpu.memory_space<hbm>> -> memref<400x128xf32, #tpu.memory_space<hbm>>
        tpu.wait_dma2 semaphore(%run_scoped3A : memref<!tpu.dma_semaphore, #tpu.memory_space<semaphore_mem>>) src(%arg16 : memref<400x128xf32, #tpu.memory_space<vmem>>) dst(%dma_wait3A_83 : memref<400x128xf32, #tpu.memory_space<hbm>>)
        tpu.yield
      }) : () -> ()
      %dma_wait3A_73 = arith.constant 0 : i32
      %dma_wait3A_74 = arith.constant 0 : i32
      %dma_wait3A_75 = tpu.memref_slice %arg2[%dma_wait3A_73, %dma_wait3A_74] : memref<10000x128xf32, #tpu.memory_space<hbm>> -> memref<10000x128xf32, #tpu.memory_space<hbm>>
      tpu.wait_indirect_dma semaphore(%arg19 : memref<!tpu.dma_semaphore, #tpu.memory_space<semaphore_mem>>) src(%dma_wait3A_75 : memref<10000x128xf32, #tpu.memory_space<hbm>>) dst(%arg17 : memref<400x128xf32, #tpu.memory_space<vmem>>)
      "tpu.region"() ({
        %run_scoped3A = tpu.sem_alloc : memref<!tpu.dma_semaphore, #tpu.memory_space<semaphore_mem>>
        %dma_start3A_76 = arith.constant 0 : i32
        %dma_start3A_77 = tpu.memref_slice %arg10[%add3A_63, %dma_start3A_76] : memref<320000x128xf32, #tpu.memory_space<hbm>> -> memref<400x128xf32, #tpu.memory_space<hbm>>
        %dma_start3A_78 = arith.constant 0 : i32
        %dma_start3A_79 = tpu.memref_slice %arg10[%add3A_63, %dma_start3A_78] : memref<320000x128xf32, #tpu.memory_space<hbm>> -> memref<400x128xf32, #tpu.memory_space<hbm>>
        tpu.enqueue_dma source(%arg17 : memref<400x128xf32, #tpu.memory_space<vmem>>) target(%dma_start3A_79 : memref<400x128xf32, #tpu.memory_space<hbm>>) target_semaphore(%run_scoped3A : memref<!tpu.dma_semaphore, #tpu.memory_space<semaphore_mem>>)
        %dma_wait3A_80 = arith.constant 0 : i32
        %dma_wait3A_81 = tpu.memref_slice %arg10[%add3A_63, %dma_wait3A_80] : memref<320000x128xf32, #tpu.memory_space<hbm>> -> memref<400x128xf32, #tpu.memory_space<hbm>>
        %dma_wait3A_82 = arith.constant 0 : i32
        %dma_wait3A_83 = tpu.memref_slice %arg10[%add3A_63, %dma_wait3A_82] : memref<320000x128xf32, #tpu.memory_space<hbm>> -> memref<400x128xf32, #tpu.memory_space<hbm>>
        tpu.wait_dma2 semaphore(%run_scoped3A : memref<!tpu.dma_semaphore, #tpu.memory_space<semaphore_mem>>) src(%arg17 : memref<400x128xf32, #tpu.memory_space<vmem>>) dst(%dma_wait3A_83 : memref<400x128xf32, #tpu.memory_space<hbm>>)
        tpu.yield
      }) : () -> ()
    }
    %scan3A_7 = arith.constant 12 : i32
    %add3A_8 = arith.constant 9600 : i32
    %add3A_9 = arith.addi %mul3A_2, %add3A_8 : i32
    "tpu.region"() ({
      %run_scoped3A = tpu.sem_alloc : memref<!tpu.dma_semaphore, #tpu.memory_space<semaphore_mem>>
      %dma_start3A_56 = tpu.memref_slice %arg6[%add3A_9] : memref<320000xi32, #tpu.memory_space<hbm>> -> memref<400xi32, #tpu.memory_space<hbm>>
      %dma_start3A_57 = tpu.memref_slice %arg6[%add3A_9] : memref<320000xi32, #tpu.memory_space<hbm>> -> memref<400xi32, #tpu.memory_space<hbm>>
      tpu.enqueue_dma source(%dma_start3A_57 : memref<400xi32, #tpu.memory_space<hbm>>) target(%arg14 : memref<400xi32, #tpu.memory_space<vmem>>) target_semaphore(%run_scoped3A : memref<!tpu.dma_semaphore, #tpu.memory_space<semaphore_mem>>)
      %dma_wait3A_58 = tpu.memref_slice %arg6[%add3A_9] : memref<320000xi32, #tpu.memory_space<hbm>> -> memref<400xi32, #tpu.memory_space<hbm>>
      %dma_wait3A_59 = tpu.memref_slice %arg6[%add3A_9] : memref<320000xi32, #tpu.memory_space<hbm>> -> memref<400xi32, #tpu.memory_space<hbm>>
      tpu.wait_dma2 semaphore(%run_scoped3A : memref<!tpu.dma_semaphore, #tpu.memory_space<semaphore_mem>>) src(%dma_wait3A_59 : memref<400xi32, #tpu.memory_space<hbm>>) dst(%arg14 : memref<400xi32, #tpu.memory_space<vmem>>)
      tpu.yield
    }) : () -> ()
    %dma_start3A = arith.constant 0 : i32
    %dma_start3A_10 = arith.constant 0 : i32
    %dma_start3A_11 = tpu.memref_slice %arg2[%dma_start3A, %dma_start3A_10] : memref<10000x128xf32, #tpu.memory_space<hbm>> -> memref<10000x128xf32, #tpu.memory_space<hbm>>
    tpu.enqueue_indirect_dma source(%dma_start3A_11 : memref<10000x128xf32, #tpu.memory_space<hbm>>) target(%arg16 : memref<400x128xf32, #tpu.memory_space<vmem>>) offsets(%arg14 : memref<400xi32, #tpu.memory_space<vmem>>) semaphore(%arg18 : memref<!tpu.dma_semaphore, #tpu.memory_space<semaphore_mem>>)
    %dma_wait3A = arith.constant 0 : i32
    %dma_wait3A_12 = arith.constant 0 : i32
    %dma_wait3A_13 = tpu.memref_slice %arg2[%dma_wait3A, %dma_wait3A_12] : memref<10000x128xf32, #tpu.memory_space<hbm>> -> memref<10000x128xf32, #tpu.memory_space<hbm>>
    tpu.wait_indirect_dma semaphore(%arg18 : memref<!tpu.dma_semaphore, #tpu.memory_space<semaphore_mem>>) src(%dma_wait3A_13 : memref<10000x128xf32, #tpu.memory_space<hbm>>) dst(%arg16 : memref<400x128xf32, #tpu.memory_space<vmem>>)
    "tpu.region"() ({
      %run_scoped3A = tpu.sem_alloc : memref<!tpu.dma_semaphore, #tpu.memory_space<semaphore_mem>>
      %dma_start3A_56 = arith.constant 0 : i32
      %dma_start3A_57 = tpu.memref_slice %arg10[%add3A_9, %dma_start3A_56] : memref<320000x128xf32, #tpu.memory_space<hbm>> -> memref<400x128xf32, #tpu.memory_space<hbm>>
      %dma_start3A_58 = arith.constant 0 : i32
      %dma_start3A_59 = tpu.memref_slice %arg10[%add3A_9, %dma_start3A_58] : memref<320000x128xf32, #tpu.memory_space<hbm>> -> memref<400x128xf32, #tpu.memory_space<hbm>>
      tpu.enqueue_dma source(%arg16 : memref<400x128xf32, #tpu.memory_space<vmem>>) target(%dma_start3A_59 : memref<400x128xf32, #tpu.memory_space<hbm>>) target_semaphore(%run_scoped3A : memref<!tpu.dma_semaphore, #tpu.memory_space<semaphore_mem>>)
      %dma_wait3A_60 = arith.constant 0 : i32
      %dma_wait3A_61 = tpu.memref_slice %arg10[%add3A_9, %dma_wait3A_60] : memref<320000x128xf32, #tpu.memory_space<hbm>> -> memref<400x128xf32, #tpu.memory_space<hbm>>
      %dma_wait3A_62 = arith.constant 0 : i32
      %dma_wait3A_63 = tpu.memref_slice %arg10[%add3A_9, %dma_wait3A_62] : memref<320000x128xf32, #tpu.memory_space<hbm>> -> memref<400x128xf32, #tpu.memory_space<hbm>>
      tpu.wait_dma2 semaphore(%run_scoped3A : memref<!tpu.dma_semaphore, #tpu.memory_space<semaphore_mem>>) src(%arg16 : memref<400x128xf32, #tpu.memory_space<vmem>>) dst(%dma_wait3A_63 : memref<400x128xf32, #tpu.memory_space<hbm>>)
      tpu.yield
    }) : () -> ()
    %scan3A_14 = arith.constant 0 : i32
    %scan3A_15 = arith.constant 0 : i32
    %scan3A_16 = arith.constant 12 : i32
    %scan3A_17 = arith.addi %scan3A_15, %scan3A_16 : i32
    %scan3A_18 = arith.constant 1 : i32
    scf.for %scan3A_56 = %scan3A_15 to %scan3A_17 step %scan3A_18  : i32 {
      %mul3A_57 = arith.constant 2 : i32
      %mul3A_58 = arith.muli %mul3A_57, %scan3A_56 : i32
      %mul3A_59 = arith.constant 400 : i32
      %mul3A_60 = arith.muli %mul3A_58, %mul3A_59 : i32
      %add3A_61 = arith.addi %mul3A_2, %mul3A_60 : i32
      %add3A_62 = arith.constant 400 : i32
      %add3A_63 = arith.addi %add3A_61, %add3A_62 : i32
      "tpu.region"() ({
        %run_scoped3A = tpu.sem_alloc : memref<!tpu.dma_semaphore, #tpu.memory_space<semaphore_mem>>
        %dma_start3A_76 = tpu.memref_slice %arg7[%add3A_61] : memref<320000xi32, #tpu.memory_space<hbm>> -> memref<400xi32, #tpu.memory_space<hbm>>
        %dma_start3A_77 = tpu.memref_slice %arg7[%add3A_61] : memref<320000xi32, #tpu.memory_space<hbm>> -> memref<400xi32, #tpu.memory_space<hbm>>
        tpu.enqueue_dma source(%dma_start3A_77 : memref<400xi32, #tpu.memory_space<hbm>>) target(%arg14 : memref<400xi32, #tpu.memory_space<vmem>>) target_semaphore(%run_scoped3A : memref<!tpu.dma_semaphore, #tpu.memory_space<semaphore_mem>>)
        %dma_wait3A_78 = tpu.memref_slice %arg7[%add3A_61] : memref<320000xi32, #tpu.memory_space<hbm>> -> memref<400xi32, #tpu.memory_space<hbm>>
        %dma_wait3A_79 = tpu.memref_slice %arg7[%add3A_61] : memref<320000xi32, #tpu.memory_space<hbm>> -> memref<400xi32, #tpu.memory_space<hbm>>
        tpu.wait_dma2 semaphore(%run_scoped3A : memref<!tpu.dma_semaphore, #tpu.memory_space<semaphore_mem>>) src(%dma_wait3A_79 : memref<400xi32, #tpu.memory_space<hbm>>) dst(%arg14 : memref<400xi32, #tpu.memory_space<vmem>>)
        tpu.yield
      }) : () -> ()
      %dma_start3A_64 = arith.constant 0 : i32
      %dma_start3A_65 = arith.constant 0 : i32
      %dma_start3A_66 = tpu.memref_slice %arg3[%dma_start3A_64, %dma_start3A_65] : memref<10000x128xf32, #tpu.memory_space<hbm>> -> memref<10000x128xf32, #tpu.memory_space<hbm>>
      tpu.enqueue_indirect_dma source(%dma_start3A_66 : memref<10000x128xf32, #tpu.memory_space<hbm>>) target(%arg16 : memref<400x128xf32, #tpu.memory_space<vmem>>) offsets(%arg14 : memref<400xi32, #tpu.memory_space<vmem>>) semaphore(%arg18 : memref<!tpu.dma_semaphore, #tpu.memory_space<semaphore_mem>>)
      "tpu.region"() ({
        %run_scoped3A = tpu.sem_alloc : memref<!tpu.dma_semaphore, #tpu.memory_space<semaphore_mem>>
        %dma_start3A_76 = tpu.memref_slice %arg7[%add3A_63] : memref<320000xi32, #tpu.memory_space<hbm>> -> memref<400xi32, #tpu.memory_space<hbm>>
        %dma_start3A_77 = tpu.memref_slice %arg7[%add3A_63] : memref<320000xi32, #tpu.memory_space<hbm>> -> memref<400xi32, #tpu.memory_space<hbm>>
        tpu.enqueue_dma source(%dma_start3A_77 : memref<400xi32, #tpu.memory_space<hbm>>) target(%arg15 : memref<400xi32, #tpu.memory_space<vmem>>) target_semaphore(%run_scoped3A : memref<!tpu.dma_semaphore, #tpu.memory_space<semaphore_mem>>)
        %dma_wait3A_78 = tpu.memref_slice %arg7[%add3A_63] : memref<320000xi32, #tpu.memory_space<hbm>> -> memref<400xi32, #tpu.memory_space<hbm>>
        %dma_wait3A_79 = tpu.memref_slice %arg7[%add3A_63] : memref<320000xi32, #tpu.memory_space<hbm>> -> memref<400xi32, #tpu.memory_space<hbm>>
        tpu.wait_dma2 semaphore(%run_scoped3A : memref<!tpu.dma_semaphore, #tpu.memory_space<semaphore_mem>>) src(%dma_wait3A_79 : memref<400xi32, #tpu.memory_space<hbm>>) dst(%arg15 : memref<400xi32, #tpu.memory_space<vmem>>)
        tpu.yield
      }) : () -> ()
      %dma_wait3A_67 = arith.constant 0 : i32
      %dma_wait3A_68 = arith.constant 0 : i32
      %dma_wait3A_69 = tpu.memref_slice %arg3[%dma_wait3A_67, %dma_wait3A_68] : memref<10000x128xf32, #tpu.memory_space<hbm>> -> memref<10000x128xf32, #tpu.memory_space<hbm>>
      tpu.wait_indirect_dma semaphore(%arg18 : memref<!tpu.dma_semaphore, #tpu.memory_space<semaphore_mem>>) src(%dma_wait3A_69 : memref<10000x128xf32, #tpu.memory_space<hbm>>) dst(%arg16 : memref<400x128xf32, #tpu.memory_space<vmem>>)
      %dma_start3A_70 = arith.constant 0 : i32
      %dma_start3A_71 = arith.constant 0 : i32
      %dma_start3A_72 = tpu.memref_slice %arg3[%dma_start3A_70, %dma_start3A_71] : memref<10000x128xf32, #tpu.memory_space<hbm>> -> memref<10000x128xf32, #tpu.memory_space<hbm>>
      tpu.enqueue_indirect_dma source(%dma_start3A_72 : memref<10000x128xf32, #tpu.memory_space<hbm>>) target(%arg17 : memref<400x128xf32, #tpu.memory_space<vmem>>) offsets(%arg15 : memref<400xi32, #tpu.memory_space<vmem>>) semaphore(%arg19 : memref<!tpu.dma_semaphore, #tpu.memory_space<semaphore_mem>>)
      "tpu.region"() ({
        %run_scoped3A = tpu.sem_alloc : memref<!tpu.dma_semaphore, #tpu.memory_space<semaphore_mem>>
        %dma_start3A_76 = arith.constant 0 : i32
        %dma_start3A_77 = tpu.memref_slice %arg11[%add3A_61, %dma_start3A_76] : memref<320000x128xf32, #tpu.memory_space<hbm>> -> memref<400x128xf32, #tpu.memory_space<hbm>>
        %dma_start3A_78 = arith.constant 0 : i32
        %dma_start3A_79 = tpu.memref_slice %arg11[%add3A_61, %dma_start3A_78] : memref<320000x128xf32, #tpu.memory_space<hbm>> -> memref<400x128xf32, #tpu.memory_space<hbm>>
        tpu.enqueue_dma source(%arg16 : memref<400x128xf32, #tpu.memory_space<vmem>>) target(%dma_start3A_79 : memref<400x128xf32, #tpu.memory_space<hbm>>) target_semaphore(%run_scoped3A : memref<!tpu.dma_semaphore, #tpu.memory_space<semaphore_mem>>)
        %dma_wait3A_80 = arith.constant 0 : i32
        %dma_wait3A_81 = tpu.memref_slice %arg11[%add3A_61, %dma_wait3A_80] : memref<320000x128xf32, #tpu.memory_space<hbm>> -> memref<400x128xf32, #tpu.memory_space<hbm>>
        %dma_wait3A_82 = arith.constant 0 : i32
        %dma_wait3A_83 = tpu.memref_slice %arg11[%add3A_61, %dma_wait3A_82] : memref<320000x128xf32, #tpu.memory_space<hbm>> -> memref<400x128xf32, #tpu.memory_space<hbm>>
        tpu.wait_dma2 semaphore(%run_scoped3A : memref<!tpu.dma_semaphore, #tpu.memory_space<semaphore_mem>>) src(%arg16 : memref<400x128xf32, #tpu.memory_space<vmem>>) dst(%dma_wait3A_83 : memref<400x128xf32, #tpu.memory_space<hbm>>)
        tpu.yield
      }) : () -> ()
      %dma_wait3A_73 = arith.constant 0 : i32
      %dma_wait3A_74 = arith.constant 0 : i32
      %dma_wait3A_75 = tpu.memref_slice %arg3[%dma_wait3A_73, %dma_wait3A_74] : memref<10000x128xf32, #tpu.memory_space<hbm>> -> memref<10000x128xf32, #tpu.memory_space<hbm>>
      tpu.wait_indirect_dma semaphore(%arg19 : memref<!tpu.dma_semaphore, #tpu.memory_space<semaphore_mem>>) src(%dma_wait3A_75 : memref<10000x128xf32, #tpu.memory_space<hbm>>) dst(%arg17 : memref<400x128xf32, #tpu.memory_space<vmem>>)
      "tpu.region"() ({
        %run_scoped3A = tpu.sem_alloc : memref<!tpu.dma_semaphore, #tpu.memory_space<semaphore_mem>>
        %dma_start3A_76 = arith.constant 0 : i32
        %dma_start3A_77 = tpu.memref_slice %arg11[%add3A_63, %dma_start3A_76] : memref<320000x128xf32, #tpu.memory_space<hbm>> -> memref<400x128xf32, #tpu.memory_space<hbm>>
        %dma_start3A_78 = arith.constant 0 : i32
        %dma_start3A_79 = tpu.memref_slice %arg11[%add3A_63, %dma_start3A_78] : memref<320000x128xf32, #tpu.memory_space<hbm>> -> memref<400x128xf32, #tpu.memory_space<hbm>>
        tpu.enqueue_dma source(%arg17 : memref<400x128xf32, #tpu.memory_space<vmem>>) target(%dma_start3A_79 : memref<400x128xf32, #tpu.memory_space<hbm>>) target_semaphore(%run_scoped3A : memref<!tpu.dma_semaphore, #tpu.memory_space<semaphore_mem>>)
        %dma_wait3A_80 = arith.constant 0 : i32
        %dma_wait3A_81 = tpu.memref_slice %arg11[%add3A_63, %dma_wait3A_80] : memref<320000x128xf32, #tpu.memory_space<hbm>> -> memref<400x128xf32, #tpu.memory_space<hbm>>
        %dma_wait3A_82 = arith.constant 0 : i32
        %dma_wait3A_83 = tpu.memref_slice %arg11[%add3A_63, %dma_wait3A_82] : memref<320000x128xf32, #tpu.memory_space<hbm>> -> memref<400x128xf32, #tpu.memory_space<hbm>>
        tpu.wait_dma2 semaphore(%run_scoped3A : memref<!tpu.dma_semaphore, #tpu.memory_space<semaphore_mem>>) src(%arg17 : memref<400x128xf32, #tpu.memory_space<vmem>>) dst(%dma_wait3A_83 : memref<400x128xf32, #tpu.memory_space<hbm>>)
        tpu.yield
      }) : () -> ()
    }
    %scan3A_19 = arith.constant 12 : i32
    %add3A_20 = arith.constant 9600 : i32
    %add3A_21 = arith.addi %mul3A_2, %add3A_20 : i32
    "tpu.region"() ({
      %run_scoped3A = tpu.sem_alloc : memref<!tpu.dma_semaphore, #tpu.memory_space<semaphore_mem>>
      %dma_start3A_56 = tpu.memref_slice %arg7[%add3A_21] : memref<320000xi32, #tpu.memory_space<hbm>> -> memref<400xi32, #tpu.memory_space<hbm>>
      %dma_start3A_57 = tpu.memref_slice %arg7[%add3A_21] : memref<320000xi32, #tpu.memory_space<hbm>> -> memref<400xi32, #tpu.memory_space<hbm>>
      tpu.enqueue_dma source(%dma_start3A_57 : memref<400xi32, #tpu.memory_space<hbm>>) target(%arg14 : memref<400xi32, #tpu.memory_space<vmem>>) target_semaphore(%run_scoped3A : memref<!tpu.dma_semaphore, #tpu.memory_space<semaphore_mem>>)
      %dma_wait3A_58 = tpu.memref_slice %arg7[%add3A_21] : memref<320000xi32, #tpu.memory_space<hbm>> -> memref<400xi32, #tpu.memory_space<hbm>>
      %dma_wait3A_59 = tpu.memref_slice %arg7[%add3A_21] : memref<320000xi32, #tpu.memory_space<hbm>> -> memref<400xi32, #tpu.memory_space<hbm>>
      tpu.wait_dma2 semaphore(%run_scoped3A : memref<!tpu.dma_semaphore, #tpu.memory_space<semaphore_mem>>) src(%dma_wait3A_59 : memref<400xi32, #tpu.memory_space<hbm>>) dst(%arg14 : memref<400xi32, #tpu.memory_space<vmem>>)
      tpu.yield
    }) : () -> ()
    %dma_start3A_22 = arith.constant 0 : i32
    %dma_start3A_23 = arith.constant 0 : i32
    %dma_start3A_24 = tpu.memref_slice %arg3[%dma_start3A_22, %dma_start3A_23] : memref<10000x128xf32, #tpu.memory_space<hbm>> -> memref<10000x128xf32, #tpu.memory_space<hbm>>
    tpu.enqueue_indirect_dma source(%dma_start3A_24 : memref<10000x128xf32, #tpu.memory_space<hbm>>) target(%arg16 : memref<400x128xf32, #tpu.memory_space<vmem>>) offsets(%arg14 : memref<400xi32, #tpu.memory_space<vmem>>) semaphore(%arg18 : memref<!tpu.dma_semaphore, #tpu.memory_space<semaphore_mem>>)
    %dma_wait3A_25 = arith.constant 0 : i32
    %dma_wait3A_26 = arith.constant 0 : i32
    %dma_wait3A_27 = tpu.memref_slice %arg3[%dma_wait3A_25, %dma_wait3A_26] : memref<10000x128xf32, #tpu.memory_space<hbm>> -> memref<10000x128xf32, #tpu.memory_space<hbm>>
    tpu.wait_indirect_dma semaphore(%arg18 : memref<!tpu.dma_semaphore, #tpu.memory_space<semaphore_mem>>) src(%dma_wait3A_27 : memref<10000x128xf32, #tpu.memory_space<hbm>>) dst(%arg16 : memref<400x128xf32, #tpu.memory_space<vmem>>)
    "tpu.region"() ({
      %run_scoped3A = tpu.sem_alloc : memref<!tpu.dma_semaphore, #tpu.memory_space<semaphore_mem>>
      %dma_start3A_56 = arith.constant 0 : i32
      %dma_start3A_57 = tpu.memref_slice %arg11[%add3A_21, %dma_start3A_56] : memref<320000x128xf32, #tpu.memory_space<hbm>> -> memref<400x128xf32, #tpu.memory_space<hbm>>
      %dma_start3A_58 = arith.constant 0 : i32
      %dma_start3A_59 = tpu.memref_slice %arg11[%add3A_21, %dma_start3A_58] : memref<320000x128xf32, #tpu.memory_space<hbm>> -> memref<400x128xf32, #tpu.memory_space<hbm>>
      tpu.enqueue_dma source(%arg16 : memref<400x128xf32, #tpu.memory_space<vmem>>) target(%dma_start3A_59 : memref<400x128xf32, #tpu.memory_space<hbm>>) target_semaphore(%run_scoped3A : memref<!tpu.dma_semaphore, #tpu.memory_space<semaphore_mem>>)
      %dma_wait3A_60 = arith.constant 0 : i32
      %dma_wait3A_61 = tpu.memref_slice %arg11[%add3A_21, %dma_wait3A_60] : memref<320000x128xf32, #tpu.memory_space<hbm>> -> memref<400x128xf32, #tpu.memory_space<hbm>>
      %dma_wait3A_62 = arith.constant 0 : i32
      %dma_wait3A_63 = tpu.memref_slice %arg11[%add3A_21, %dma_wait3A_62] : memref<320000x128xf32, #tpu.memory_space<hbm>> -> memref<400x128xf32, #tpu.memory_space<hbm>>
      tpu.wait_dma2 semaphore(%run_scoped3A : memref<!tpu.dma_semaphore, #tpu.memory_space<semaphore_mem>>) src(%arg16 : memref<400x128xf32, #tpu.memory_space<vmem>>) dst(%dma_wait3A_63 : memref<400x128xf32, #tpu.memory_space<hbm>>)
      tpu.yield
    }) : () -> ()
    %scan3A_28 = arith.constant 0 : i32
    %scan3A_29 = arith.constant 0 : i32
    %scan3A_30 = arith.constant 12 : i32
    %scan3A_31 = arith.addi %scan3A_29, %scan3A_30 : i32
    %scan3A_32 = arith.constant 1 : i32
    scf.for %scan3A_56 = %scan3A_29 to %scan3A_31 step %scan3A_32  : i32 {
      %mul3A_57 = arith.constant 2 : i32
      %mul3A_58 = arith.muli %mul3A_57, %scan3A_56 : i32
      %mul3A_59 = arith.constant 400 : i32
      %mul3A_60 = arith.muli %mul3A_58, %mul3A_59 : i32
      %add3A_61 = arith.addi %mul3A_2, %mul3A_60 : i32
      %add3A_62 = arith.constant 400 : i32
      %add3A_63 = arith.addi %add3A_61, %add3A_62 : i32
      "tpu.region"() ({
        %run_scoped3A = tpu.sem_alloc : memref<!tpu.dma_semaphore, #tpu.memory_space<semaphore_mem>>
        %dma_start3A_76 = tpu.memref_slice %arg8[%add3A_61] : memref<320000xi32, #tpu.memory_space<hbm>> -> memref<400xi32, #tpu.memory_space<hbm>>
        %dma_start3A_77 = tpu.memref_slice %arg8[%add3A_61] : memref<320000xi32, #tpu.memory_space<hbm>> -> memref<400xi32, #tpu.memory_space<hbm>>
        tpu.enqueue_dma source(%dma_start3A_77 : memref<400xi32, #tpu.memory_space<hbm>>) target(%arg14 : memref<400xi32, #tpu.memory_space<vmem>>) target_semaphore(%run_scoped3A : memref<!tpu.dma_semaphore, #tpu.memory_space<semaphore_mem>>)
        %dma_wait3A_78 = tpu.memref_slice %arg8[%add3A_61] : memref<320000xi32, #tpu.memory_space<hbm>> -> memref<400xi32, #tpu.memory_space<hbm>>
        %dma_wait3A_79 = tpu.memref_slice %arg8[%add3A_61] : memref<320000xi32, #tpu.memory_space<hbm>> -> memref<400xi32, #tpu.memory_space<hbm>>
        tpu.wait_dma2 semaphore(%run_scoped3A : memref<!tpu.dma_semaphore, #tpu.memory_space<semaphore_mem>>) src(%dma_wait3A_79 : memref<400xi32, #tpu.memory_space<hbm>>) dst(%arg14 : memref<400xi32, #tpu.memory_space<vmem>>)
        tpu.yield
      }) : () -> ()
      %dma_start3A_64 = arith.constant 0 : i32
      %dma_start3A_65 = arith.constant 0 : i32
      %dma_start3A_66 = tpu.memref_slice %arg4[%dma_start3A_64, %dma_start3A_65] : memref<10000x128xf32, #tpu.memory_space<hbm>> -> memref<10000x128xf32, #tpu.memory_space<hbm>>
      tpu.enqueue_indirect_dma source(%dma_start3A_66 : memref<10000x128xf32, #tpu.memory_space<hbm>>) target(%arg16 : memref<400x128xf32, #tpu.memory_space<vmem>>) offsets(%arg14 : memref<400xi32, #tpu.memory_space<vmem>>) semaphore(%arg18 : memref<!tpu.dma_semaphore, #tpu.memory_space<semaphore_mem>>)
      "tpu.region"() ({
        %run_scoped3A = tpu.sem_alloc : memref<!tpu.dma_semaphore, #tpu.memory_space<semaphore_mem>>
        %dma_start3A_76 = tpu.memref_slice %arg8[%add3A_63] : memref<320000xi32, #tpu.memory_space<hbm>> -> memref<400xi32, #tpu.memory_space<hbm>>
        %dma_start3A_77 = tpu.memref_slice %arg8[%add3A_63] : memref<320000xi32, #tpu.memory_space<hbm>> -> memref<400xi32, #tpu.memory_space<hbm>>
        tpu.enqueue_dma source(%dma_start3A_77 : memref<400xi32, #tpu.memory_space<hbm>>) target(%arg15 : memref<400xi32, #tpu.memory_space<vmem>>) target_semaphore(%run_scoped3A : memref<!tpu.dma_semaphore, #tpu.memory_space<semaphore_mem>>)
        %dma_wait3A_78 = tpu.memref_slice %arg8[%add3A_63] : memref<320000xi32, #tpu.memory_space<hbm>> -> memref<400xi32, #tpu.memory_space<hbm>>
        %dma_wait3A_79 = tpu.memref_slice %arg8[%add3A_63] : memref<320000xi32, #tpu.memory_space<hbm>> -> memref<400xi32, #tpu.memory_space<hbm>>
        tpu.wait_dma2 semaphore(%run_scoped3A : memref<!tpu.dma_semaphore, #tpu.memory_space<semaphore_mem>>) src(%dma_wait3A_79 : memref<400xi32, #tpu.memory_space<hbm>>) dst(%arg15 : memref<400xi32, #tpu.memory_space<vmem>>)
        tpu.yield
      }) : () -> ()
      %dma_wait3A_67 = arith.constant 0 : i32
      %dma_wait3A_68 = arith.constant 0 : i32
      %dma_wait3A_69 = tpu.memref_slice %arg4[%dma_wait3A_67, %dma_wait3A_68] : memref<10000x128xf32, #tpu.memory_space<hbm>> -> memref<10000x128xf32, #tpu.memory_space<hbm>>
      tpu.wait_indirect_dma semaphore(%arg18 : memref<!tpu.dma_semaphore, #tpu.memory_space<semaphore_mem>>) src(%dma_wait3A_69 : memref<10000x128xf32, #tpu.memory_space<hbm>>) dst(%arg16 : memref<400x128xf32, #tpu.memory_space<vmem>>)
      %dma_start3A_70 = arith.constant 0 : i32
      %dma_start3A_71 = arith.constant 0 : i32
      %dma_start3A_72 = tpu.memref_slice %arg4[%dma_start3A_70, %dma_start3A_71] : memref<10000x128xf32, #tpu.memory_space<hbm>> -> memref<10000x128xf32, #tpu.memory_space<hbm>>
      tpu.enqueue_indirect_dma source(%dma_start3A_72 : memref<10000x128xf32, #tpu.memory_space<hbm>>) target(%arg17 : memref<400x128xf32, #tpu.memory_space<vmem>>) offsets(%arg15 : memref<400xi32, #tpu.memory_space<vmem>>) semaphore(%arg19 : memref<!tpu.dma_semaphore, #tpu.memory_space<semaphore_mem>>)
      "tpu.region"() ({
        %run_scoped3A = tpu.sem_alloc : memref<!tpu.dma_semaphore, #tpu.memory_space<semaphore_mem>>
        %dma_start3A_76 = arith.constant 0 : i32
        %dma_start3A_77 = tpu.memref_slice %arg12[%add3A_61, %dma_start3A_76] : memref<320000x128xf32, #tpu.memory_space<hbm>> -> memref<400x128xf32, #tpu.memory_space<hbm>>
        %dma_start3A_78 = arith.constant 0 : i32
        %dma_start3A_79 = tpu.memref_slice %arg12[%add3A_61, %dma_start3A_78] : memref<320000x128xf32, #tpu.memory_space<hbm>> -> memref<400x128xf32, #tpu.memory_space<hbm>>
        tpu.enqueue_dma source(%arg16 : memref<400x128xf32, #tpu.memory_space<vmem>>) target(%dma_start3A_79 : memref<400x128xf32, #tpu.memory_space<hbm>>) target_semaphore(%run_scoped3A : memref<!tpu.dma_semaphore, #tpu.memory_space<semaphore_mem>>)
        %dma_wait3A_80 = arith.constant 0 : i32
        %dma_wait3A_81 = tpu.memref_slice %arg12[%add3A_61, %dma_wait3A_80] : memref<320000x128xf32, #tpu.memory_space<hbm>> -> memref<400x128xf32, #tpu.memory_space<hbm>>
        %dma_wait3A_82 = arith.constant 0 : i32
        %dma_wait3A_83 = tpu.memref_slice %arg12[%add3A_61, %dma_wait3A_82] : memref<320000x128xf32, #tpu.memory_space<hbm>> -> memref<400x128xf32, #tpu.memory_space<hbm>>
        tpu.wait_dma2 semaphore(%run_scoped3A : memref<!tpu.dma_semaphore, #tpu.memory_space<semaphore_mem>>) src(%arg16 : memref<400x128xf32, #tpu.memory_space<vmem>>) dst(%dma_wait3A_83 : memref<400x128xf32, #tpu.memory_space<hbm>>)
        tpu.yield
      }) : () -> ()
      %dma_wait3A_73 = arith.constant 0 : i32
      %dma_wait3A_74 = arith.constant 0 : i32
      %dma_wait3A_75 = tpu.memref_slice %arg4[%dma_wait3A_73, %dma_wait3A_74] : memref<10000x128xf32, #tpu.memory_space<hbm>> -> memref<10000x128xf32, #tpu.memory_space<hbm>>
      tpu.wait_indirect_dma semaphore(%arg19 : memref<!tpu.dma_semaphore, #tpu.memory_space<semaphore_mem>>) src(%dma_wait3A_75 : memref<10000x128xf32, #tpu.memory_space<hbm>>) dst(%arg17 : memref<400x128xf32, #tpu.memory_space<vmem>>)
      "tpu.region"() ({
        %run_scoped3A = tpu.sem_alloc : memref<!tpu.dma_semaphore, #tpu.memory_space<semaphore_mem>>
        %dma_start3A_76 = arith.constant 0 : i32
        %dma_start3A_77 = tpu.memref_slice %arg12[%add3A_63, %dma_start3A_76] : memref<320000x128xf32, #tpu.memory_space<hbm>> -> memref<400x128xf32, #tpu.memory_space<hbm>>
        %dma_start3A_78 = arith.constant 0 : i32
        %dma_start3A_79 = tpu.memref_slice %arg12[%add3A_63, %dma_start3A_78] : memref<320000x128xf32, #tpu.memory_space<hbm>> -> memref<400x128xf32, #tpu.memory_space<hbm>>
        tpu.enqueue_dma source(%arg17 : memref<400x128xf32, #tpu.memory_space<vmem>>) target(%dma_start3A_79 : memref<400x128xf32, #tpu.memory_space<hbm>>) target_semaphore(%run_scoped3A : memref<!tpu.dma_semaphore, #tpu.memory_space<semaphore_mem>>)
        %dma_wait3A_80 = arith.constant 0 : i32
        %dma_wait3A_81 = tpu.memref_slice %arg12[%add3A_63, %dma_wait3A_80] : memref<320000x128xf32, #tpu.memory_space<hbm>> -> memref<400x128xf32, #tpu.memory_space<hbm>>
        %dma_wait3A_82 = arith.constant 0 : i32
        %dma_wait3A_83 = tpu.memref_slice %arg12[%add3A_63, %dma_wait3A_82] : memref<320000x128xf32, #tpu.memory_space<hbm>> -> memref<400x128xf32, #tpu.memory_space<hbm>>
        tpu.wait_dma2 semaphore(%run_scoped3A : memref<!tpu.dma_semaphore, #tpu.memory_space<semaphore_mem>>) src(%arg17 : memref<400x128xf32, #tpu.memory_space<vmem>>) dst(%dma_wait3A_83 : memref<400x128xf32, #tpu.memory_space<hbm>>)
        tpu.yield
      }) : () -> ()
    }
    %scan3A_33 = arith.constant 12 : i32
    %add3A_34 = arith.constant 9600 : i32
    %add3A_35 = arith.addi %mul3A_2, %add3A_34 : i32
    "tpu.region"() ({
      %run_scoped3A = tpu.sem_alloc : memref<!tpu.dma_semaphore, #tpu.memory_space<semaphore_mem>>
      %dma_start3A_56 = tpu.memref_slice %arg8[%add3A_35] : memref<320000xi32, #tpu.memory_space<hbm>> -> memref<400xi32, #tpu.memory_space<hbm>>
      %dma_start3A_57 = tpu.memref_slice %arg8[%add3A_35] : memref<320000xi32, #tpu.memory_space<hbm>> -> memref<400xi32, #tpu.memory_space<hbm>>
      tpu.enqueue_dma source(%dma_start3A_57 : memref<400xi32, #tpu.memory_space<hbm>>) target(%arg14 : memref<400xi32, #tpu.memory_space<vmem>>) target_semaphore(%run_scoped3A : memref<!tpu.dma_semaphore, #tpu.memory_space<semaphore_mem>>)
      %dma_wait3A_58 = tpu.memref_slice %arg8[%add3A_35] : memref<320000xi32, #tpu.memory_space<hbm>> -> memref<400xi32, #tpu.memory_space<hbm>>
      %dma_wait3A_59 = tpu.memref_slice %arg8[%add3A_35] : memref<320000xi32, #tpu.memory_space<hbm>> -> memref<400xi32, #tpu.memory_space<hbm>>
      tpu.wait_dma2 semaphore(%run_scoped3A : memref<!tpu.dma_semaphore, #tpu.memory_space<semaphore_mem>>) src(%dma_wait3A_59 : memref<400xi32, #tpu.memory_space<hbm>>) dst(%arg14 : memref<400xi32, #tpu.memory_space<vmem>>)
      tpu.yield
    }) : () -> ()
    %dma_start3A_36 = arith.constant 0 : i32
    %dma_start3A_37 = arith.constant 0 : i32
    %dma_start3A_38 = tpu.memref_slice %arg4[%dma_start3A_36, %dma_start3A_37] : memref<10000x128xf32, #tpu.memory_space<hbm>> -> memref<10000x128xf32, #tpu.memory_space<hbm>>
    tpu.enqueue_indirect_dma source(%dma_start3A_38 : memref<10000x128xf32, #tpu.memory_space<hbm>>) target(%arg16 : memref<400x128xf32, #tpu.memory_space<vmem>>) offsets(%arg14 : memref<400xi32, #tpu.memory_space<vmem>>) semaphore(%arg18 : memref<!tpu.dma_semaphore, #tpu.memory_space<semaphore_mem>>)
    %dma_wait3A_39 = arith.constant 0 : i32
    %dma_wait3A_40 = arith.constant 0 : i32
    %dma_wait3A_41 = tpu.memref_slice %arg4[%dma_wait3A_39, %dma_wait3A_40] : memref<10000x128xf32, #tpu.memory_space<hbm>> -> memref<10000x128xf32, #tpu.memory_space<hbm>>
    tpu.wait_indirect_dma semaphore(%arg18 : memref<!tpu.dma_semaphore, #tpu.memory_space<semaphore_mem>>) src(%dma_wait3A_41 : memref<10000x128xf32, #tpu.memory_space<hbm>>) dst(%arg16 : memref<400x128xf32, #tpu.memory_space<vmem>>)
    "tpu.region"() ({
      %run_scoped3A = tpu.sem_alloc : memref<!tpu.dma_semaphore, #tpu.memory_space<semaphore_mem>>
      %dma_start3A_56 = arith.constant 0 : i32
      %dma_start3A_57 = tpu.memref_slice %arg12[%add3A_35, %dma_start3A_56] : memref<320000x128xf32, #tpu.memory_space<hbm>> -> memref<400x128xf32, #tpu.memory_space<hbm>>
      %dma_start3A_58 = arith.constant 0 : i32
      %dma_start3A_59 = tpu.memref_slice %arg12[%add3A_35, %dma_start3A_58] : memref<320000x128xf32, #tpu.memory_space<hbm>> -> memref<400x128xf32, #tpu.memory_space<hbm>>
      tpu.enqueue_dma source(%arg16 : memref<400x128xf32, #tpu.memory_space<vmem>>) target(%dma_start3A_59 : memref<400x128xf32, #tpu.memory_space<hbm>>) target_semaphore(%run_scoped3A : memref<!tpu.dma_semaphore, #tpu.memory_space<semaphore_mem>>)
      %dma_wait3A_60 = arith.constant 0 : i32
      %dma_wait3A_61 = tpu.memref_slice %arg12[%add3A_35, %dma_wait3A_60] : memref<320000x128xf32, #tpu.memory_space<hbm>> -> memref<400x128xf32, #tpu.memory_space<hbm>>
      %dma_wait3A_62 = arith.constant 0 : i32
      %dma_wait3A_63 = tpu.memref_slice %arg12[%add3A_35, %dma_wait3A_62] : memref<320000x128xf32, #tpu.memory_space<hbm>> -> memref<400x128xf32, #tpu.memory_space<hbm>>
      tpu.wait_dma2 semaphore(%run_scoped3A : memref<!tpu.dma_semaphore, #tpu.memory_space<semaphore_mem>>) src(%arg16 : memref<400x128xf32, #tpu.memory_space<vmem>>) dst(%dma_wait3A_63 : memref<400x128xf32, #tpu.memory_space<hbm>>)
      tpu.yield
    }) : () -> ()
    %scan3A_42 = arith.constant 0 : i32
    %scan3A_43 = arith.constant 0 : i32
    %scan3A_44 = arith.constant 12 : i32
    %scan3A_45 = arith.addi %scan3A_43, %scan3A_44 : i32
    %scan3A_46 = arith.constant 1 : i32
    scf.for %scan3A_56 = %scan3A_43 to %scan3A_45 step %scan3A_46  : i32 {
      %mul3A_57 = arith.constant 2 : i32
      %mul3A_58 = arith.muli %mul3A_57, %scan3A_56 : i32
      %mul3A_59 = arith.constant 400 : i32
      %mul3A_60 = arith.muli %mul3A_58, %mul3A_59 : i32
      %add3A_61 = arith.addi %mul3A_2, %mul3A_60 : i32
      %add3A_62 = arith.constant 400 : i32
      %add3A_63 = arith.addi %add3A_61, %add3A_62 : i32
      "tpu.region"() ({
        %run_scoped3A = tpu.sem_alloc : memref<!tpu.dma_semaphore, #tpu.memory_space<semaphore_mem>>
        %dma_start3A_76 = tpu.memref_slice %arg9[%add3A_61] : memref<320000xi32, #tpu.memory_space<hbm>> -> memref<400xi32, #tpu.memory_space<hbm>>
        %dma_start3A_77 = tpu.memref_slice %arg9[%add3A_61] : memref<320000xi32, #tpu.memory_space<hbm>> -> memref<400xi32, #tpu.memory_space<hbm>>
        tpu.enqueue_dma source(%dma_start3A_77 : memref<400xi32, #tpu.memory_space<hbm>>) target(%arg14 : memref<400xi32, #tpu.memory_space<vmem>>) target_semaphore(%run_scoped3A : memref<!tpu.dma_semaphore, #tpu.memory_space<semaphore_mem>>)
        %dma_wait3A_78 = tpu.memref_slice %arg9[%add3A_61] : memref<320000xi32, #tpu.memory_space<hbm>> -> memref<400xi32, #tpu.memory_space<hbm>>
        %dma_wait3A_79 = tpu.memref_slice %arg9[%add3A_61] : memref<320000xi32, #tpu.memory_space<hbm>> -> memref<400xi32, #tpu.memory_space<hbm>>
        tpu.wait_dma2 semaphore(%run_scoped3A : memref<!tpu.dma_semaphore, #tpu.memory_space<semaphore_mem>>) src(%dma_wait3A_79 : memref<400xi32, #tpu.memory_space<hbm>>) dst(%arg14 : memref<400xi32, #tpu.memory_space<vmem>>)
        tpu.yield
      }) : () -> ()
      %dma_start3A_64 = arith.constant 0 : i32
      %dma_start3A_65 = arith.constant 0 : i32
      %dma_start3A_66 = tpu.memref_slice %arg5[%dma_start3A_64, %dma_start3A_65] : memref<10000x128xf32, #tpu.memory_space<hbm>> -> memref<10000x128xf32, #tpu.memory_space<hbm>>
      tpu.enqueue_indirect_dma source(%dma_start3A_66 : memref<10000x128xf32, #tpu.memory_space<hbm>>) target(%arg16 : memref<400x128xf32, #tpu.memory_space<vmem>>) offsets(%arg14 : memref<400xi32, #tpu.memory_space<vmem>>) semaphore(%arg18 : memref<!tpu.dma_semaphore, #tpu.memory_space<semaphore_mem>>)
      "tpu.region"() ({
        %run_scoped3A = tpu.sem_alloc : memref<!tpu.dma_semaphore, #tpu.memory_space<semaphore_mem>>
        %dma_start3A_76 = tpu.memref_slice %arg9[%add3A_63] : memref<320000xi32, #tpu.memory_space<hbm>> -> memref<400xi32, #tpu.memory_space<hbm>>
        %dma_start3A_77 = tpu.memref_slice %arg9[%add3A_63] : memref<320000xi32, #tpu.memory_space<hbm>> -> memref<400xi32, #tpu.memory_space<hbm>>
        tpu.enqueue_dma source(%dma_start3A_77 : memref<400xi32, #tpu.memory_space<hbm>>) target(%arg15 : memref<400xi32, #tpu.memory_space<vmem>>) target_semaphore(%run_scoped3A : memref<!tpu.dma_semaphore, #tpu.memory_space<semaphore_mem>>)
        %dma_wait3A_78 = tpu.memref_slice %arg9[%add3A_63] : memref<320000xi32, #tpu.memory_space<hbm>> -> memref<400xi32, #tpu.memory_space<hbm>>
        %dma_wait3A_79 = tpu.memref_slice %arg9[%add3A_63] : memref<320000xi32, #tpu.memory_space<hbm>> -> memref<400xi32, #tpu.memory_space<hbm>>
        tpu.wait_dma2 semaphore(%run_scoped3A : memref<!tpu.dma_semaphore, #tpu.memory_space<semaphore_mem>>) src(%dma_wait3A_79 : memref<400xi32, #tpu.memory_space<hbm>>) dst(%arg15 : memref<400xi32, #tpu.memory_space<vmem>>)
        tpu.yield
      }) : () -> ()
      %dma_wait3A_67 = arith.constant 0 : i32
      %dma_wait3A_68 = arith.constant 0 : i32
      %dma_wait3A_69 = tpu.memref_slice %arg5[%dma_wait3A_67, %dma_wait3A_68] : memref<10000x128xf32, #tpu.memory_space<hbm>> -> memref<10000x128xf32, #tpu.memory_space<hbm>>
      tpu.wait_indirect_dma semaphore(%arg18 : memref<!tpu.dma_semaphore, #tpu.memory_space<semaphore_mem>>) src(%dma_wait3A_69 : memref<10000x128xf32, #tpu.memory_space<hbm>>) dst(%arg16 : memref<400x128xf32, #tpu.memory_space<vmem>>)
      %dma_start3A_70 = arith.constant 0 : i32
      %dma_start3A_71 = arith.constant 0 : i32
      %dma_start3A_72 = tpu.memref_slice %arg5[%dma_start3A_70, %dma_start3A_71] : memref<10000x128xf32, #tpu.memory_space<hbm>> -> memref<10000x128xf32, #tpu.memory_space<hbm>>
      tpu.enqueue_indirect_dma source(%dma_start3A_72 : memref<10000x128xf32, #tpu.memory_space<hbm>>) target(%arg17 : memref<400x128xf32, #tpu.memory_space<vmem>>) offsets(%arg15 : memref<400xi32, #tpu.memory_space<vmem>>) semaphore(%arg19 : memref<!tpu.dma_semaphore, #tpu.memory_space<semaphore_mem>>)
      "tpu.region"() ({
        %run_scoped3A = tpu.sem_alloc : memref<!tpu.dma_semaphore, #tpu.memory_space<semaphore_mem>>
        %dma_start3A_76 = arith.constant 0 : i32
        %dma_start3A_77 = tpu.memref_slice %arg13[%add3A_61, %dma_start3A_76] : memref<320000x128xf32, #tpu.memory_space<hbm>> -> memref<400x128xf32, #tpu.memory_space<hbm>>
        %dma_start3A_78 = arith.constant 0 : i32
        %dma_start3A_79 = tpu.memref_slice %arg13[%add3A_61, %dma_start3A_78] : memref<320000x128xf32, #tpu.memory_space<hbm>> -> memref<400x128xf32, #tpu.memory_space<hbm>>
        tpu.enqueue_dma source(%arg16 : memref<400x128xf32, #tpu.memory_space<vmem>>) target(%dma_start3A_79 : memref<400x128xf32, #tpu.memory_space<hbm>>) target_semaphore(%run_scoped3A : memref<!tpu.dma_semaphore, #tpu.memory_space<semaphore_mem>>)
        %dma_wait3A_80 = arith.constant 0 : i32
        %dma_wait3A_81 = tpu.memref_slice %arg13[%add3A_61, %dma_wait3A_80] : memref<320000x128xf32, #tpu.memory_space<hbm>> -> memref<400x128xf32, #tpu.memory_space<hbm>>
        %dma_wait3A_82 = arith.constant 0 : i32
        %dma_wait3A_83 = tpu.memref_slice %arg13[%add3A_61, %dma_wait3A_82] : memref<320000x128xf32, #tpu.memory_space<hbm>> -> memref<400x128xf32, #tpu.memory_space<hbm>>
        tpu.wait_dma2 semaphore(%run_scoped3A : memref<!tpu.dma_semaphore, #tpu.memory_space<semaphore_mem>>) src(%arg16 : memref<400x128xf32, #tpu.memory_space<vmem>>) dst(%dma_wait3A_83 : memref<400x128xf32, #tpu.memory_space<hbm>>)
        tpu.yield
      }) : () -> ()
      %dma_wait3A_73 = arith.constant 0 : i32
      %dma_wait3A_74 = arith.constant 0 : i32
      %dma_wait3A_75 = tpu.memref_slice %arg5[%dma_wait3A_73, %dma_wait3A_74] : memref<10000x128xf32, #tpu.memory_space<hbm>> -> memref<10000x128xf32, #tpu.memory_space<hbm>>
      tpu.wait_indirect_dma semaphore(%arg19 : memref<!tpu.dma_semaphore, #tpu.memory_space<semaphore_mem>>) src(%dma_wait3A_75 : memref<10000x128xf32, #tpu.memory_space<hbm>>) dst(%arg17 : memref<400x128xf32, #tpu.memory_space<vmem>>)
      "tpu.region"() ({
        %run_scoped3A = tpu.sem_alloc : memref<!tpu.dma_semaphore, #tpu.memory_space<semaphore_mem>>
        %dma_start3A_76 = arith.constant 0 : i32
        %dma_start3A_77 = tpu.memref_slice %arg13[%add3A_63, %dma_start3A_76] : memref<320000x128xf32, #tpu.memory_space<hbm>> -> memref<400x128xf32, #tpu.memory_space<hbm>>
        %dma_start3A_78 = arith.constant 0 : i32
        %dma_start3A_79 = tpu.memref_slice %arg13[%add3A_63, %dma_start3A_78] : memref<320000x128xf32, #tpu.memory_space<hbm>> -> memref<400x128xf32, #tpu.memory_space<hbm>>
        tpu.enqueue_dma source(%arg17 : memref<400x128xf32, #tpu.memory_space<vmem>>) target(%dma_start3A_79 : memref<400x128xf32, #tpu.memory_space<hbm>>) target_semaphore(%run_scoped3A : memref<!tpu.dma_semaphore, #tpu.memory_space<semaphore_mem>>)
        %dma_wait3A_80 = arith.constant 0 : i32
        %dma_wait3A_81 = tpu.memref_slice %arg13[%add3A_63, %dma_wait3A_80] : memref<320000x128xf32, #tpu.memory_space<hbm>> -> memref<400x128xf32, #tpu.memory_space<hbm>>
        %dma_wait3A_82 = arith.constant 0 : i32
        %dma_wait3A_83 = tpu.memref_slice %arg13[%add3A_63, %dma_wait3A_82] : memref<320000x128xf32, #tpu.memory_space<hbm>> -> memref<400x128xf32, #tpu.memory_space<hbm>>
        tpu.wait_dma2 semaphore(%run_scoped3A : memref<!tpu.dma_semaphore, #tpu.memory_space<semaphore_mem>>) src(%arg17 : memref<400x128xf32, #tpu.memory_space<vmem>>) dst(%dma_wait3A_83 : memref<400x128xf32, #tpu.memory_space<hbm>>)
        tpu.yield
      }) : () -> ()
    }
    %scan3A_47 = arith.constant 12 : i32
    %add3A_48 = arith.constant 9600 : i32
    %add3A_49 = arith.addi %mul3A_2, %add3A_48 : i32
    "tpu.region"() ({
      %run_scoped3A = tpu.sem_alloc : memref<!tpu.dma_semaphore, #tpu.memory_space<semaphore_mem>>
      %dma_start3A_56 = tpu.memref_slice %arg9[%add3A_49] : memref<320000xi32, #tpu.memory_space<hbm>> -> memref<400xi32, #tpu.memory_space<hbm>>
      %dma_start3A_57 = tpu.memref_slice %arg9[%add3A_49] : memref<320000xi32, #tpu.memory_space<hbm>> -> memref<400xi32, #tpu.memory_space<hbm>>
      tpu.enqueue_dma source(%dma_start3A_57 : memref<400xi32, #tpu.memory_space<hbm>>) target(%arg14 : memref<400xi32, #tpu.memory_space<vmem>>) target_semaphore(%run_scoped3A : memref<!tpu.dma_semaphore, #tpu.memory_space<semaphore_mem>>)
      %dma_wait3A_58 = tpu.memref_slice %arg9[%add3A_49] : memref<320000xi32, #tpu.memory_space<hbm>> -> memref<400xi32, #tpu.memory_space<hbm>>
      %dma_wait3A_59 = tpu.memref_slice %arg9[%add3A_49] : memref<320000xi32, #tpu.memory_space<hbm>> -> memref<400xi32, #tpu.memory_space<hbm>>
      tpu.wait_dma2 semaphore(%run_scoped3A : memref<!tpu.dma_semaphore, #tpu.memory_space<semaphore_mem>>) src(%dma_wait3A_59 : memref<400xi32, #tpu.memory_space<hbm>>) dst(%arg14 : memref<400xi32, #tpu.memory_space<vmem>>)
      tpu.yield
    }) : () -> ()
    %dma_start3A_50 = arith.constant 0 : i32
    %dma_start3A_51 = arith.constant 0 : i32
    %dma_start3A_52 = tpu.memref_slice %arg5[%dma_start3A_50, %dma_start3A_51] : memref<10000x128xf32, #tpu.memory_space<hbm>> -> memref<10000x128xf32, #tpu.memory_space<hbm>>
    tpu.enqueue_indirect_dma source(%dma_start3A_52 : memref<10000x128xf32, #tpu.memory_space<hbm>>) target(%arg16 : memref<400x128xf32, #tpu.memory_space<vmem>>) offsets(%arg14 : memref<400xi32, #tpu.memory_space<vmem>>) semaphore(%arg18 : memref<!tpu.dma_semaphore, #tpu.memory_space<semaphore_mem>>)
    %dma_wait3A_53 = arith.constant 0 : i32
    %dma_wait3A_54 = arith.constant 0 : i32
    %dma_wait3A_55 = tpu.memref_slice %arg5[%dma_wait3A_53, %dma_wait3A_54] : memref<10000x128xf32, #tpu.memory_space<hbm>> -> memref<10000x128xf32, #tpu.memory_space<hbm>>
    tpu.wait_indirect_dma semaphore(%arg18 : memref<!tpu.dma_semaphore, #tpu.memory_space<semaphore_mem>>) src(%dma_wait3A_55 : memref<10000x128xf32, #tpu.memory_space<hbm>>) dst(%arg16 : memref<400x128xf32, #tpu.memory_space<vmem>>)
    "tpu.region"() ({
      %run_scoped3A = tpu.sem_alloc : memref<!tpu.dma_semaphore, #tpu.memory_space<semaphore_mem>>
      %dma_start3A_56 = arith.constant 0 : i32
      %dma_start3A_57 = tpu.memref_slice %arg13[%add3A_49, %dma_start3A_56] : memref<320000x128xf32, #tpu.memory_space<hbm>> -> memref<400x128xf32, #tpu.memory_space<hbm>>
      %dma_start3A_58 = arith.constant 0 : i32
      %dma_start3A_59 = tpu.memref_slice %arg13[%add3A_49, %dma_start3A_58] : memref<320000x128xf32, #tpu.memory_space<hbm>> -> memref<400x128xf32, #tpu.memory_space<hbm>>
      tpu.enqueue_dma source(%arg16 : memref<400x128xf32, #tpu.memory_space<vmem>>) target(%dma_start3A_59 : memref<400x128xf32, #tpu.memory_space<hbm>>) target_semaphore(%run_scoped3A : memref<!tpu.dma_semaphore, #tpu.memory_space<semaphore_mem>>)
      %dma_wait3A_60 = arith.constant 0 : i32
      %dma_wait3A_61 = tpu.memref_slice %arg13[%add3A_49, %dma_wait3A_60] : memref<320000x128xf32, #tpu.memory_space<hbm>> -> memref<400x128xf32, #tpu.memory_space<hbm>>
      %dma_wait3A_62 = arith.constant 0 : i32
      %dma_wait3A_63 = tpu.memref_slice %arg13[%add3A_49, %dma_wait3A_62] : memref<320000x128xf32, #tpu.memory_space<hbm>> -> memref<400x128xf32, #tpu.memory_space<hbm>>
      tpu.wait_dma2 semaphore(%run_scoped3A : memref<!tpu.dma_semaphore, #tpu.memory_space<semaphore_mem>>) src(%arg16 : memref<400x128xf32, #tpu.memory_space<vmem>>) dst(%dma_wait3A_63 : memref<400x128xf32, #tpu.memory_space<hbm>>)
      tpu.yield
    }) : () -> ()
    return
  }
}

module attributes {stable_mosaic.version = 14 : i64} {
  func.func @_encode_body(%arg0: i32, %arg1: memref<1000x32xf32, #tpu.memory_space<vmem>>, %arg2: memref<1000x64xf32, #tpu.memory_space<vmem>>, %arg3: memref<1000x60xf32, #tpu.memory_space<vmem>>, %arg4: memref<1000x8xf32, #tpu.memory_space<vmem>>, %arg5: memref<32x128xf32, #tpu.memory_space<vmem>>, %arg6: memref<1x128xf32, #tpu.memory_space<vmem>>, %arg7: memref<64x128xf32, #tpu.memory_space<vmem>>, %arg8: memref<1x128xf32, #tpu.memory_space<vmem>>, %arg9: memref<60x128xf32, #tpu.memory_space<vmem>>, %arg10: memref<1x128xf32, #tpu.memory_space<vmem>>, %arg11: memref<392x128xf32, #tpu.memory_space<vmem>>, %arg12: memref<1x128xf32, #tpu.memory_space<vmem>>, %arg13: memref<128x128xf32, #tpu.memory_space<vmem>>, %arg14: memref<128x128xf32, #tpu.memory_space<vmem>>, %arg15: memref<1000x128xf32, #tpu.memory_space<vmem>>, %arg16: memref<1000x32xf32, #tpu.memory_space<vmem>>, %arg17: memref<1000x60xf32, #tpu.memory_space<vmem>>, %arg18: memref<1000x128xf32, #tpu.memory_space<vmem>>, %arg19: memref<1000x128xf32, #tpu.memory_space<vmem>>) attributes {dimension_semantics = [#tpu.dimension_semantics<arbitrary>], iteration_bounds = array<i64: 10>, scalar_prefetch = 0 : i64, scratch_operands = 0 : i64, tpu.core_type = #tpu.core_type<tc>, window_params = [{transform_indices = @transform_0, window_bounds = array<i64: 1000, 32>}, {transform_indices = @transform_1, window_bounds = array<i64: 1000, 64>}, {transform_indices = @transform_2, window_bounds = array<i64: 1000, 60>}, {transform_indices = @transform_3, window_bounds = array<i64: 1000, 8>}, {pipeline_mode = #tpu.pipeline_mode<synchronous>, transform_indices = @transform_4, window_bounds = array<i64: 32, 128>}, {pipeline_mode = #tpu.pipeline_mode<synchronous>, transform_indices = @transform_5, window_bounds = array<i64: 1, 128>}, {pipeline_mode = #tpu.pipeline_mode<synchronous>, transform_indices = @transform_6, window_bounds = array<i64: 64, 128>}, {pipeline_mode = #tpu.pipeline_mode<synchronous>, transform_indices = @transform_7, window_bounds = array<i64: 1, 128>}, {pipeline_mode = #tpu.pipeline_mode<synchronous>, transform_indices = @transform_8, window_bounds = array<i64: 60, 128>}, {pipeline_mode = #tpu.pipeline_mode<synchronous>, transform_indices = @transform_9, window_bounds = array<i64: 1, 128>}, {pipeline_mode = #tpu.pipeline_mode<synchronous>, transform_indices = @transform_10, window_bounds = array<i64: 392, 128>}, {pipeline_mode = #tpu.pipeline_mode<synchronous>, transform_indices = @transform_11, window_bounds = array<i64: 1, 128>}, {pipeline_mode = #tpu.pipeline_mode<synchronous>, transform_indices = @transform_12, window_bounds = array<i64: 128, 128>}, {pipeline_mode = #tpu.pipeline_mode<synchronous>, transform_indices = @transform_13, window_bounds = array<i64: 128, 128>}, {transform_indices = @transform_14, window_bounds = array<i64: 1000, 128>}, {transform_indices = @transform_15, window_bounds = array<i64: 1000, 32>}, {transform_indices = @transform_16, window_bounds = array<i64: 1000, 60>}, {transform_indices = @transform_17, window_bounds = array<i64: 1000, 128>}, {transform_indices = @transform_18, window_bounds = array<i64: 1000, 128>}]} {
    %get3A = arith.constant 0 : index
    %get3A_0 = arith.constant 0 : index
    %get3A_1 = vector.load %arg1[%get3A, %get3A_0] : memref<1000x32xf32, #tpu.memory_space<vmem>>, vector<1000x32xf32>
    %get3A_2 = arith.constant 0 : index
    %get3A_3 = arith.constant 0 : index
    %get3A_4 = vector.load %arg5[%get3A_2, %get3A_3] : memref<32x128xf32, #tpu.memory_space<vmem>>, vector<32x128xf32>
    %dot_general3A = arith.constant dense<0.000000e+00> : vector<1000x128xf32>
    %dot_general3A_5 = tpu.matmul %get3A_1, %get3A_4, %dot_general3A {dimension_numbers = #tpu.dot_dimension_numbers<[1], [0], [0], [1], [0, 0, 1, 1], [], []>, precision = #tpu.contract_precision<fp32>, transpose_lhs_hint = false} : vector<1000x32xf32>, vector<32x128xf32>, vector<1000x128xf32> -> vector<1000x128xf32>
    %get3A_6 = arith.constant 0 : index
    %get3A_7 = arith.constant 0 : index
    %get3A_8 = vector.load %arg6[%get3A_6, %get3A_7] : memref<1x128xf32, #tpu.memory_space<vmem>>, vector<1x128xf32>
    %add3A = vector.broadcast %get3A_8 : vector<1x128xf32> to vector<1000x128xf32>
    %add3A_9 = arith.addf %dot_general3A_5, %add3A : vector<1000x128xf32>
    %max3A = arith.constant 0.000000e+00 : f32
    %max3A_10 = vector.broadcast %max3A : f32 to vector<1000x128xf32>
    %max3A_11 = arith.maximumf %add3A_9, %max3A_10 : vector<1000x128xf32>
    %get3A_12 = arith.constant 0 : index
    %get3A_13 = arith.constant 0 : index
    %get3A_14 = vector.load %arg2[%get3A_12, %get3A_13] : memref<1000x64xf32, #tpu.memory_space<vmem>>, vector<1000x64xf32>
    %get3A_15 = arith.constant 0 : index
    %get3A_16 = arith.constant 0 : index
    %get3A_17 = vector.load %arg7[%get3A_15, %get3A_16] : memref<64x128xf32, #tpu.memory_space<vmem>>, vector<64x128xf32>
    %dot_general3A_18 = arith.constant dense<0.000000e+00> : vector<1000x128xf32>
    %dot_general3A_19 = tpu.matmul %get3A_14, %get3A_17, %dot_general3A_18 {dimension_numbers = #tpu.dot_dimension_numbers<[1], [0], [0], [1], [0, 0, 1, 1], [], []>, precision = #tpu.contract_precision<fp32>, transpose_lhs_hint = false} : vector<1000x64xf32>, vector<64x128xf32>, vector<1000x128xf32> -> vector<1000x128xf32>
    %get3A_20 = arith.constant 0 : index
    %get3A_21 = arith.constant 0 : index
    %get3A_22 = vector.load %arg8[%get3A_20, %get3A_21] : memref<1x128xf32, #tpu.memory_space<vmem>>, vector<1x128xf32>
    %add3A_23 = vector.broadcast %get3A_22 : vector<1x128xf32> to vector<1000x128xf32>
    %add3A_24 = arith.addf %dot_general3A_19, %add3A_23 : vector<1000x128xf32>
    %max3A_25 = arith.constant 0.000000e+00 : f32
    %max3A_26 = vector.broadcast %max3A_25 : f32 to vector<1000x128xf32>
    %max3A_27 = arith.maximumf %add3A_24, %max3A_26 : vector<1000x128xf32>
    %get3A_28 = arith.constant 0 : index
    %get3A_29 = arith.constant 0 : index
    %get3A_30 = vector.load %arg3[%get3A_28, %get3A_29] : memref<1000x60xf32, #tpu.memory_space<vmem>>, vector<1000x60xf32>
    %get3A_31 = arith.constant 0 : index
    %get3A_32 = arith.constant 0 : index
    %get3A_33 = vector.load %arg9[%get3A_31, %get3A_32] : memref<60x128xf32, #tpu.memory_space<vmem>>, vector<60x128xf32>
    %dot_general3A_34 = arith.constant dense<0.000000e+00> : vector<1000x128xf32>
    %dot_general3A_35 = tpu.matmul %get3A_30, %get3A_33, %dot_general3A_34 {dimension_numbers = #tpu.dot_dimension_numbers<[1], [0], [0], [1], [0, 0, 1, 1], [], []>, precision = #tpu.contract_precision<fp32>, transpose_lhs_hint = false} : vector<1000x60xf32>, vector<60x128xf32>, vector<1000x128xf32> -> vector<1000x128xf32>
    %get3A_36 = arith.constant 0 : index
    %get3A_37 = arith.constant 0 : index
    %get3A_38 = vector.load %arg10[%get3A_36, %get3A_37] : memref<1x128xf32, #tpu.memory_space<vmem>>, vector<1x128xf32>
    %add3A_39 = vector.broadcast %get3A_38 : vector<1x128xf32> to vector<1000x128xf32>
    %add3A_40 = arith.addf %dot_general3A_35, %add3A_39 : vector<1000x128xf32>
    %max3A_41 = arith.constant 0.000000e+00 : f32
    %max3A_42 = vector.broadcast %max3A_41 : f32 to vector<1000x128xf32>
    %max3A_43 = arith.maximumf %add3A_40, %max3A_42 : vector<1000x128xf32>
    %get3A_44 = arith.constant 0 : index
    %get3A_45 = arith.constant 0 : index
    %get3A_46 = vector.load %arg11[%get3A_44, %get3A_45] : memref<392x128xf32, #tpu.memory_space<vmem>>, vector<392x128xf32>
    %slice3A = vector.extract_strided_slice %get3A_46 {offsets = [0, 0], sizes = [128, 128], strides = [1, 1]} : vector<392x128xf32> to vector<128x128xf32>
    %dot_general3A_47 = arith.constant dense<0.000000e+00> : vector<1000x128xf32>
    %dot_general3A_48 = tpu.matmul %max3A_11, %slice3A, %dot_general3A_47 {dimension_numbers = #tpu.dot_dimension_numbers<[1], [0], [0], [1], [0, 0, 1, 1], [], []>, precision = #tpu.contract_precision<fp32>, transpose_lhs_hint = false} : vector<1000x128xf32>, vector<128x128xf32>, vector<1000x128xf32> -> vector<1000x128xf32>
    %slice3A_49 = vector.extract_strided_slice %get3A_46 {offsets = [128, 0], sizes = [128, 128], strides = [1, 1]} : vector<392x128xf32> to vector<128x128xf32>
    %dot_general3A_50 = arith.constant dense<0.000000e+00> : vector<1000x128xf32>
    %dot_general3A_51 = tpu.matmul %max3A_27, %slice3A_49, %dot_general3A_50 {dimension_numbers = #tpu.dot_dimension_numbers<[1], [0], [0], [1], [0, 0, 1, 1], [], []>, precision = #tpu.contract_precision<fp32>, transpose_lhs_hint = false} : vector<1000x128xf32>, vector<128x128xf32>, vector<1000x128xf32> -> vector<1000x128xf32>
    %add3A_52 = arith.addf %dot_general3A_48, %dot_general3A_51 : vector<1000x128xf32>
    %slice3A_53 = vector.extract_strided_slice %get3A_46 {offsets = [256, 0], sizes = [128, 128], strides = [1, 1]} : vector<392x128xf32> to vector<128x128xf32>
    %dot_general3A_54 = arith.constant dense<0.000000e+00> : vector<1000x128xf32>
    %dot_general3A_55 = tpu.matmul %max3A_43, %slice3A_53, %dot_general3A_54 {dimension_numbers = #tpu.dot_dimension_numbers<[1], [0], [0], [1], [0, 0, 1, 1], [], []>, precision = #tpu.contract_precision<fp32>, transpose_lhs_hint = false} : vector<1000x128xf32>, vector<128x128xf32>, vector<1000x128xf32> -> vector<1000x128xf32>
    %add3A_56 = arith.addf %add3A_52, %dot_general3A_55 : vector<1000x128xf32>
    %get3A_57 = arith.constant 0 : index
    %get3A_58 = arith.constant 0 : index
    %get3A_59 = vector.load %arg4[%get3A_57, %get3A_58] : memref<1000x8xf32, #tpu.memory_space<vmem>>, vector<1000x8xf32>
    %slice3A_60 = vector.extract_strided_slice %get3A_46 {offsets = [384, 0], sizes = [8, 128], strides = [1, 1]} : vector<392x128xf32> to vector<8x128xf32>
    %dot_general3A_61 = arith.constant dense<0.000000e+00> : vector<1000x128xf32>
    %dot_general3A_62 = tpu.matmul %get3A_59, %slice3A_60, %dot_general3A_61 {dimension_numbers = #tpu.dot_dimension_numbers<[1], [0], [0], [1], [0, 0, 1, 1], [], []>, precision = #tpu.contract_precision<fp32>, transpose_lhs_hint = false} : vector<1000x8xf32>, vector<8x128xf32>, vector<1000x128xf32> -> vector<1000x128xf32>
    %add3A_63 = arith.addf %add3A_56, %dot_general3A_62 : vector<1000x128xf32>
    %get3A_64 = arith.constant 0 : index
    %get3A_65 = arith.constant 0 : index
    %get3A_66 = vector.load %arg12[%get3A_64, %get3A_65] : memref<1x128xf32, #tpu.memory_space<vmem>>, vector<1x128xf32>
    %add3A_67 = vector.broadcast %get3A_66 : vector<1x128xf32> to vector<1000x128xf32>
    %add3A_68 = arith.addf %add3A_63, %add3A_67 : vector<1000x128xf32>
    %tanh3A = math.tanh %add3A_68 : vector<1000x128xf32>
    %swap3A = arith.constant 0 : index
    %swap3A_69 = arith.constant 0 : index
    %swap3A_70 = vector.load %arg15[%swap3A, %swap3A_69] : memref<1000x128xf32, #tpu.memory_space<vmem>>, vector<1000x128xf32>
    tpu.vector_store %arg15[%swap3A, %swap3A_69], %tanh3A {strides = array<i32>} : memref<1000x128xf32, #tpu.memory_space<vmem>>, vector<1000x128xf32>,
    %get3A_71 = arith.constant 0 : index
    %get3A_72 = arith.constant 0 : index
    %get3A_73 = vector.load %arg1[%get3A_71, %get3A_72] : memref<1000x32xf32, #tpu.memory_space<vmem>>, vector<1000x32xf32>
    %mul3A = arith.mulf %get3A_73, %get3A_73 : vector<1000x32xf32>
    %reduce_sum3A = arith.constant dense<0.000000e+00> : vector<1000xf32>
    %reduce_sum3A_74 = vector.multi_reduction <add>, %mul3A, %reduce_sum3A [1] : vector<1000x32xf32> to vector<1000xf32>
    %broadcast_in_dim3A = vector.shape_cast %reduce_sum3A_74 : vector<1000xf32> to vector<1000x1xf32>
    %sqrt3A = math.sqrt %broadcast_in_dim3A : vector<1000x1xf32>
    %add3A_75 = arith.constant 9.99999997E-7 : f32
    %add3A_76 = vector.broadcast %add3A_75 : f32 to vector<1000x1xf32>
    %add3A_77 = arith.addf %sqrt3A, %add3A_76 : vector<1000x1xf32>
    %div3A = vector.broadcast %add3A_77 : vector<1000x1xf32> to vector<1000x32xf32>
    %div3A_78 = arith.divf %get3A_73, %div3A : vector<1000x32xf32>
    %swap3A_79 = arith.constant 0 : index
    %swap3A_80 = arith.constant 0 : index
    %swap3A_81 = vector.load %arg16[%swap3A_79, %swap3A_80] : memref<1000x32xf32, #tpu.memory_space<vmem>>, vector<1000x32xf32>
    tpu.vector_store %arg16[%swap3A_79, %swap3A_80], %div3A_78 {strides = array<i32>} : memref<1000x32xf32, #tpu.memory_space<vmem>>, vector<1000x32xf32>,
    %get3A_82 = arith.constant 0 : index
    %get3A_83 = arith.constant 0 : index
    %get3A_84 = vector.load %arg3[%get3A_82, %get3A_83] : memref<1000x60xf32, #tpu.memory_space<vmem>>, vector<1000x60xf32>
    %reduce_sum3A_85 = arith.constant dense<0.000000e+00> : vector<1000xf32>
    %reduce_sum3A_86 = vector.multi_reduction <add>, %get3A_84, %reduce_sum3A_85 [1] : vector<1000x60xf32> to vector<1000xf32>
    %broadcast_in_dim3A_87 = vector.shape_cast %reduce_sum3A_86 : vector<1000xf32> to vector<1000x1xf32>
    %div3A_88 = arith.constant 6.000000e+01 : f32
    %div3A_89 = vector.broadcast %div3A_88 : f32 to vector<1000x1xf32>
    %div3A_90 = arith.divf %broadcast_in_dim3A_87, %div3A_89 : vector<1000x1xf32>
    %sub3A = vector.broadcast %div3A_90 : vector<1000x1xf32> to vector<1000x60xf32>
    %sub3A_91 = arith.subf %get3A_84, %sub3A : vector<1000x60xf32>
    %mul3A_92 = arith.mulf %sub3A_91, %sub3A_91 : vector<1000x60xf32>
    %reduce_sum3A_93 = arith.constant dense<0.000000e+00> : vector<1000xf32>
    %reduce_sum3A_94 = vector.multi_reduction <add>, %mul3A_92, %reduce_sum3A_93 [1] : vector<1000x60xf32> to vector<1000xf32>
    %broadcast_in_dim3A_95 = vector.shape_cast %reduce_sum3A_94 : vector<1000xf32> to vector<1000x1xf32>
    %div3A_96 = arith.constant 6.000000e+01 : f32
    %div3A_97 = vector.broadcast %div3A_96 : f32 to vector<1000x1xf32>
    %div3A_98 = arith.divf %broadcast_in_dim3A_95, %div3A_97 : vector<1000x1xf32>
    %sqrt3A_99 = math.sqrt %div3A_98 : vector<1000x1xf32>
    %add3A_100 = arith.constant 9.99999997E-7 : f32
    %add3A_101 = vector.broadcast %add3A_100 : f32 to vector<1000x1xf32>
    %add3A_102 = arith.addf %sqrt3A_99, %add3A_101 : vector<1000x1xf32>
    %div3A_103 = vector.broadcast %add3A_102 : vector<1000x1xf32> to vector<1000x60xf32>
    %div3A_104 = arith.divf %sub3A_91, %div3A_103 : vector<1000x60xf32>
    %swap3A_105 = arith.constant 0 : index
    %swap3A_106 = arith.constant 0 : index
    %swap3A_107 = vector.load %arg17[%swap3A_105, %swap3A_106] : memref<1000x60xf32, #tpu.memory_space<vmem>>, vector<1000x60xf32>
    tpu.vector_store %arg17[%swap3A_105, %swap3A_106], %div3A_104 {strides = array<i32>} : memref<1000x60xf32, #tpu.memory_space<vmem>>, vector<1000x60xf32>,
    %get3A_108 = arith.constant 0 : index
    %get3A_109 = arith.constant 0 : index
    %get3A_110 = vector.load %arg13[%get3A_108, %get3A_109] : memref<128x128xf32, #tpu.memory_space<vmem>>, vector<128x128xf32>
    %dot_general3A_111 = arith.constant dense<0.000000e+00> : vector<1000x128xf32>
    %dot_general3A_112 = tpu.matmul %tanh3A, %get3A_110, %dot_general3A_111 {dimension_numbers = #tpu.dot_dimension_numbers<[1], [0], [0], [1], [0, 0, 1, 1], [], []>, precision = #tpu.contract_precision<fp32>, transpose_lhs_hint = false} : vector<1000x128xf32>, vector<128x128xf32>, vector<1000x128xf32> -> vector<1000x128xf32>
    %swap3A_113 = arith.constant 0 : index
    %swap3A_114 = arith.constant 0 : index
    %swap3A_115 = vector.load %arg18[%swap3A_113, %swap3A_114] : memref<1000x128xf32, #tpu.memory_space<vmem>>, vector<1000x128xf32>
    tpu.vector_store %arg18[%swap3A_113, %swap3A_114], %dot_general3A_112 {strides = array<i32>} : memref<1000x128xf32, #tpu.memory_space<vmem>>, vector<1000x128xf32>,
    %get3A_116 = arith.constant 0 : index
    %get3A_117 = arith.constant 0 : index
    %get3A_118 = vector.load %arg14[%get3A_116, %get3A_117] : memref<128x128xf32, #tpu.memory_space<vmem>>, vector<128x128xf32>
    %dot_general3A_119 = arith.constant dense<0.000000e+00> : vector<1000x128xf32>
    %dot_general3A_120 = tpu.matmul %tanh3A, %get3A_118, %dot_general3A_119 {dimension_numbers = #tpu.dot_dimension_numbers<[1], [0], [0], [1], [0, 0, 1, 1], [], []>, precision = #tpu.contract_precision<fp32>, transpose_lhs_hint = false} : vector<1000x128xf32>, vector<128x128xf32>, vector<1000x128xf32> -> vector<1000x128xf32>
    %swap3A_121 = arith.constant 0 : index
    %swap3A_122 = arith.constant 0 : index
    %swap3A_123 = vector.load %arg19[%swap3A_121, %swap3A_122] : memref<1000x128xf32, #tpu.memory_space<vmem>>, vector<1000x128xf32>
    tpu.vector_store %arg19[%swap3A_121, %swap3A_122], %dot_general3A_120 {strides = array<i32>} : memref<1000x128xf32, #tpu.memory_space<vmem>>, vector<1000x128xf32>,
    return
  }
  func.func @transform_0(%arg0: i32) -> (i32, i32) {
    %c0_i32 = arith.constant 0 : i32
    %c0_i32_0 = arith.constant 0 : i32
    return %arg0, %c0_i32 : i32, i32
  }
  func.func @transform_1(%arg0: i32) -> (i32, i32) {
    %c0_i32 = arith.constant 0 : i32
    %c0_i32_0 = arith.constant 0 : i32
    return %arg0, %c0_i32 : i32, i32
  }
  func.func @transform_2(%arg0: i32) -> (i32, i32) {
    %c0_i32 = arith.constant 0 : i32
    %c0_i32_0 = arith.constant 0 : i32
    return %arg0, %c0_i32 : i32, i32
  }
  func.func @transform_3(%arg0: i32) -> (i32, i32) {
    %c0_i32 = arith.constant 0 : i32
    %c0_i32_0 = arith.constant 0 : i32
    return %arg0, %c0_i32 : i32, i32
  }
  func.func @transform_4(%arg0: i32) -> (i32, i32) {
    %c0_i32 = arith.constant 0 : i32
    %c0_i32_0 = arith.constant 0 : i32
    %c0_i32_1 = arith.constant 0 : i32
    return %c0_i32, %c0_i32_0 : i32, i32
  }
  func.func @transform_5(%arg0: i32) -> (i32, i32) {
    %c0_i32 = arith.constant 0 : i32
    %c0_i32_0 = arith.constant 0 : i32
    %c0_i32_1 = arith.constant 0 : i32
    return %c0_i32, %c0_i32_0 : i32, i32
  }
  func.func @transform_6(%arg0: i32) -> (i32, i32) {
    %c0_i32 = arith.constant 0 : i32
    %c0_i32_0 = arith.constant 0 : i32
    %c0_i32_1 = arith.constant 0 : i32
    return %c0_i32, %c0_i32_0 : i32, i32
  }
  func.func @transform_7(%arg0: i32) -> (i32, i32) {
    %c0_i32 = arith.constant 0 : i32
    %c0_i32_0 = arith.constant 0 : i32
    %c0_i32_1 = arith.constant 0 : i32
    return %c0_i32, %c0_i32_0 : i32, i32
  }
  func.func @transform_8(%arg0: i32) -> (i32, i32) {
    %c0_i32 = arith.constant 0 : i32
    %c0_i32_0 = arith.constant 0 : i32
    %c0_i32_1 = arith.constant 0 : i32
    return %c0_i32, %c0_i32_0 : i32, i32
  }
  func.func @transform_9(%arg0: i32) -> (i32, i32) {
    %c0_i32 = arith.constant 0 : i32
    %c0_i32_0 = arith.constant 0 : i32
    %c0_i32_1 = arith.constant 0 : i32
    return %c0_i32, %c0_i32_0 : i32, i32
  }
  func.func @transform_10(%arg0: i32) -> (i32, i32) {
    %c0_i32 = arith.constant 0 : i32
    %c0_i32_0 = arith.constant 0 : i32
    %c0_i32_1 = arith.constant 0 : i32
    return %c0_i32, %c0_i32_0 : i32, i32
  }
  func.func @transform_11(%arg0: i32) -> (i32, i32) {
    %c0_i32 = arith.constant 0 : i32
    %c0_i32_0 = arith.constant 0 : i32
    %c0_i32_1 = arith.constant 0 : i32
    return %c0_i32, %c0_i32_0 : i32, i32
  }
  func.func @transform_12(%arg0: i32) -> (i32, i32) {
    %c0_i32 = arith.constant 0 : i32
    %c0_i32_0 = arith.constant 0 : i32
    %c0_i32_1 = arith.constant 0 : i32
    return %c0_i32, %c0_i32_0 : i32, i32
  }
  func.func @transform_13(%arg0: i32) -> (i32, i32) {
    %c0_i32 = arith.constant 0 : i32
    %c0_i32_0 = arith.constant 0 : i32
    %c0_i32_1 = arith.constant 0 : i32
    return %c0_i32, %c0_i32_0 : i32, i32
  }
  func.func @transform_14(%arg0: i32) -> (i32, i32) {
    %c0_i32 = arith.constant 0 : i32
    %c0_i32_0 = arith.constant 0 : i32
    return %arg0, %c0_i32 : i32, i32
  }
  func.func @transform_15(%arg0: i32) -> (i32, i32) {
    %c0_i32 = arith.constant 0 : i32
    %c0_i32_0 = arith.constant 0 : i32
    return %arg0, %c0_i32 : i32, i32
  }
  func.func @transform_16(%arg0: i32) -> (i32, i32) {
    %c0_i32 = arith.constant 0 : i32
    %c0_i32_0 = arith.constant 0 : i32
    return %arg0, %c0_i32 : i32, i32
  }
  func.func @transform_17(%arg0: i32) -> (i32, i32) {
    %c0_i32 = arith.constant 0 : i32
    %c0_i32_0 = arith.constant 0 : i32
    return %arg0, %c0_i32 : i32, i32
  }
  func.func @transform_18(%arg0: i32) -> (i32, i32) {
    %c0_i32 = arith.constant 0 : i32
    %c0_i32_0 = arith.constant 0 : i32
    return %arg0, %c0_i32 : i32, i32
  }
}

module attributes {stable_mosaic.version = 14 : i64} {
  func.func @_rel01_body(%arg0: i32, %arg1: memref<200x32xf32, #tpu.memory_space<vmem>>, %arg2: memref<200x1xi32, #tpu.memory_space<vmem>>, %arg3: memref<10000x32xf32, #tpu.memory_space<vmem>>, %arg4: memref<1x10000xi32, #tpu.memory_space<vmem>>, %arg5: memref<200x32xf32, #tpu.memory_space<vmem>>, %arg6: memref<200x32xi32, #tpu.memory_space<vmem>>, %arg7: memref<200x32xf32, #tpu.memory_space<vmem>>, %arg8: memref<200x32xf32, #tpu.memory_space<vmem>>, %arg9: memref<200x32xi32, #tpu.memory_space<vmem>>) attributes {dimension_semantics = [#tpu.dimension_semantics<arbitrary>], iteration_bounds = array<i64: 50>, scalar_prefetch = 0 : i64, scratch_operands = 0 : i64, tpu.core_type = #tpu.core_type<tc>, window_params = [{transform_indices = @transform_0, window_bounds = array<i64: 200, 32>}, {transform_indices = @transform_1, window_bounds = array<i64: 200, 1>}, {pipeline_mode = #tpu.pipeline_mode<synchronous>, transform_indices = @transform_2, window_bounds = array<i64: 10000, 32>}, {pipeline_mode = #tpu.pipeline_mode<synchronous>, transform_indices = @transform_3, window_bounds = array<i64: 1, 10000>}, {transform_indices = @transform_4, window_bounds = array<i64: 200, 32>}, {transform_indices = @transform_5, window_bounds = array<i64: 200, 32>}, {transform_indices = @transform_6, window_bounds = array<i64: 200, 32>}, {transform_indices = @transform_7, window_bounds = array<i64: 200, 32>}, {transform_indices = @transform_8, window_bounds = array<i64: 200, 32>}]} {
    %get3A = arith.constant 0 : index
    %get3A_0 = arith.constant 0 : index
    %get3A_1 = vector.load %arg1[%get3A, %get3A_0] : memref<200x32xf32, #tpu.memory_space<vmem>>, vector<200x32xf32>
    %get3A_2 = arith.constant 0 : index
    %get3A_3 = arith.constant 0 : index
    %get3A_4 = vector.load %arg3[%get3A_2, %get3A_3] : memref<10000x32xf32, #tpu.memory_space<vmem>>, vector<10000x32xf32>
    %dot_general3A = arith.constant dense<0.000000e+00> : vector<200x10000xf32>
    %dot_general3A_5 = tpu.matmul %get3A_1, %get3A_4, %dot_general3A {dimension_numbers = #tpu.dot_dimension_numbers<[1], [1], [0], [0], [0, 0, 1, 0], [], []>, precision = #tpu.contract_precision<fp32>, transpose_lhs_hint = false} : vector<200x32xf32>, vector<10000x32xf32>, vector<200x10000xf32> -> vector<200x10000xf32>
    %get3A_6 = arith.constant 0 : index
    %get3A_7 = arith.constant 0 : index
    %get3A_8 = vector.load %arg2[%get3A_6, %get3A_7] : memref<200x1xi32, #tpu.memory_space<vmem>>, vector<200x1xi32>
    %get3A_9 = arith.constant 0 : index
    %get3A_10 = arith.constant 0 : index
    %get3A_11 = vector.load %arg4[%get3A_9, %get3A_10] : memref<1x10000xi32, #tpu.memory_space<vmem>>, vector<1x10000xi32>
    %eq3A = vector.broadcast %get3A_8 : vector<200x1xi32> to vector<200x10000xi32>
    %eq3A_12 = vector.broadcast %get3A_11 : vector<1x10000xi32> to vector<200x10000xi32>
    %eq3A_13 = arith.cmpi eq, %eq3A, %eq3A_12 : vector<200x10000xi32>
    %jit3A = arith.constant -1.000000e+09 : f32
    %broadcast_in_dim3A = vector.broadcast %jit3A : f32 to vector<200x10000xf32>
    %select_n3A = arith.select %eq3A_13, %dot_general3A_5, %broadcast_in_dim3A : vector<200x10000xi1>, vector<200x10000xf32>
    %iota3A = tpu.iota {dimensions = array<i32: 1>} : vector<200x10000xi32>
    %iota3A_14 = tpu.iota {dimensions = array<i32: 1>} : vector<200x32xi32>
    %broadcast_in_dim3A_15 = arith.constant 0x7F800000 : f32
    %broadcast_in_dim3A_16 = vector.broadcast %broadcast_in_dim3A_15 : f32 to vector<200x1xf32>
    %broadcast_in_dim3A_17 = arith.constant -1 : i32
    %broadcast_in_dim3A_18 = vector.broadcast %broadcast_in_dim3A_17 : i32 to vector<200x1xi32>
    %broadcast_in_dim3A_19 = arith.constant 0.000000e+00 : f32
    %broadcast_in_dim3A_20 = vector.broadcast %broadcast_in_dim3A_19 : f32 to vector<200x32xf32>
    %broadcast_in_dim3A_21 = arith.constant 0 : i32
    %broadcast_in_dim3A_22 = vector.broadcast %broadcast_in_dim3A_21 : i32 to vector<200x32xi32>
    %scan3A = arith.constant 0xFF800000 : f32
    %scan3A_23 = arith.constant 0 : i32
    %scan3A_24 = arith.constant 32 : i32
    %scan3A_25 = arith.addi %scan3A_23, %scan3A_24 : i32
    %scan3A_26 = arith.constant 1 : i32
    %scan3A_27:4 = scf.for %scan3A_69 = %scan3A_23 to %scan3A_25 step %scan3A_26 iter_args(%scan3A_70 = %broadcast_in_dim3A_16, %scan3A_71 = %broadcast_in_dim3A_18, %scan3A_72 = %broadcast_in_dim3A_20, %scan3A_73 = %broadcast_in_dim3A_22) -> (vector<200x1xf32>, vector<200x1xi32>, vector<200x32xf32>, vector<200x32xi32>)  : i32 {
      %lt3A = vector.broadcast %scan3A_70 : vector<200x1xf32> to vector<200x10000xf32>
      %lt3A_74 = arith.cmpf olt, %select_n3A, %lt3A : vector<200x10000xf32>
      %eq3A_75 = vector.broadcast %scan3A_70 : vector<200x1xf32> to vector<200x10000xf32>
      %eq3A_76 = arith.cmpf oeq, %select_n3A, %eq3A_75 : vector<200x10000xf32>
      %gt3A_77 = vector.broadcast %scan3A_71 : vector<200x1xi32> to vector<200x10000xi32>
      %gt3A_78 = arith.cmpi sgt, %iota3A, %gt3A_77 : vector<200x10000xi32>
      %and3A = arith.andi %eq3A_76, %gt3A_78 : vector<200x10000xi1>
      %or3A = arith.ori %lt3A_74, %and3A : vector<200x10000xi1>
      %broadcast_in_dim3A_79 = vector.broadcast %scan3A : f32 to vector<200x10000xf32>
      %select_n3A_80 = arith.select %or3A, %select_n3A, %broadcast_in_dim3A_79 : vector<200x10000xi1>, vector<200x10000xf32>
      %reduce_max3A = arith.constant dense<0xFF800000> : vector<200xf32>
      %reduce_max3A_81 = vector.multi_reduction <maximumf>, %select_n3A_80, %reduce_max3A [1] : vector<200x10000xf32> to vector<200xf32>
      %broadcast_in_dim3A_82 = vector.shape_cast %reduce_max3A_81 : vector<200xf32> to vector<200x1xf32>
      %eq3A_83 = vector.broadcast %broadcast_in_dim3A_82 : vector<200x1xf32> to vector<200x10000xf32>
      %eq3A_84 = arith.cmpf oeq, %select_n3A, %eq3A_83 : vector<200x10000xf32>
      %lt3A_85 = arith.cmpf olt, %broadcast_in_dim3A_82, %scan3A_70 : vector<200x1xf32>
      %gt3A_86 = vector.broadcast %scan3A_71 : vector<200x1xi32> to vector<200x10000xi32>
      %gt3A_87 = arith.cmpi sgt, %iota3A, %gt3A_86 : vector<200x10000xi32>
      %or3A_88 = vector.broadcast %lt3A_85 : vector<200x1xi1> to vector<200x10000xi1>
      %or3A_89 = arith.ori %or3A_88, %gt3A_87 : vector<200x10000xi1>
      %and3A_90 = arith.andi %eq3A_84, %or3A_89 : vector<200x10000xi1>
      %jit3A_91 = arith.constant 10000 : i32
      %broadcast_in_dim3A_92 = vector.broadcast %jit3A_91 : i32 to vector<200x10000xi32>
      %select_n3A_93 = arith.select %and3A_90, %iota3A, %broadcast_in_dim3A_92 : vector<200x10000xi1>, vector<200x10000xi32>
      %reduce_min3A = arith.constant dense<2147483647> : vector<200xi32>
      %reduce_min3A_94 = vector.multi_reduction <minsi>, %select_n3A_93, %reduce_min3A [1] : vector<200x10000xi32> to vector<200xi32>
      %broadcast_in_dim3A_95 = vector.shape_cast %reduce_min3A_94 : vector<200xi32> to vector<200x1xi32>
      %eq3A_96 = vector.broadcast %scan3A_69 : i32 to vector<200x32xi32>
      %eq3A_97 = arith.cmpi eq, %iota3A_14, %eq3A_96 : vector<200x32xi32>
      %broadcast_in_dim3A_98 = vector.shape_cast %broadcast_in_dim3A_82 : vector<200x1xf32> to vector<200x1xf32>
      %broadcast_in_dim3A_99 = vector.broadcast %broadcast_in_dim3A_98 : vector<200x1xf32> to vector<200x32xf32>
      %select_n3A_100 = arith.select %eq3A_97, %broadcast_in_dim3A_99, %scan3A_72 : vector<200x32xi1>, vector<200x32xf32>
      %eq3A_101 = vector.broadcast %scan3A_69 : i32 to vector<200x32xi32>
      %eq3A_102 = arith.cmpi eq, %iota3A_14, %eq3A_101 : vector<200x32xi32>
      %broadcast_in_dim3A_103 = vector.shape_cast %broadcast_in_dim3A_95 : vector<200x1xi32> to vector<200x1xi32>
      %broadcast_in_dim3A_104 = vector.broadcast %broadcast_in_dim3A_103 : vector<200x1xi32> to vector<200x32xi32>
      %select_n3A_105 = arith.select %eq3A_102, %broadcast_in_dim3A_104, %scan3A_73 : vector<200x32xi1>, vector<200x32xi32>
      scf.yield %broadcast_in_dim3A_82, %broadcast_in_dim3A_95, %select_n3A_100, %select_n3A_105 : vector<200x1xf32>, vector<200x1xi32>, vector<200x32xf32>, vector<200x32xi32>
    }
    %scan3A_28 = arith.constant 32 : i32
    %gt3A = arith.constant -1.000000e+08 : f32
    %gt3A_29 = vector.broadcast %gt3A : f32 to vector<200x32xf32>
    %gt3A_30 = arith.cmpf ogt, %scan3A_27#2, %gt3A_29 : vector<200x32xf32>
    %convert_element_type3A = arith.extui %gt3A_30 : vector<200x32xi1> to vector<200x32xi32>
    %convert_element_type3A_31 = arith.sitofp %convert_element_type3A : vector<200x32xi32> to vector<200x32xf32>
    %gt3A_32 = arith.constant -1.000000e+08 : f32
    %gt3A_33 = vector.broadcast %gt3A_32 : f32 to vector<200x32xf32>
    %gt3A_34 = arith.cmpf ogt, %scan3A_27#2, %gt3A_33 : vector<200x32xf32>
    %jit3A_35 = arith.constant 0.000000e+00 : f32
    %broadcast_in_dim3A_36 = vector.broadcast %jit3A_35 : f32 to vector<200x32xf32>
    %select_n3A_37 = arith.select %gt3A_34, %scan3A_27#2, %broadcast_in_dim3A_36 : vector<200x32xi1>, vector<200x32xf32>
    %swap3A = arith.constant 0 : index
    %swap3A_38 = arith.constant 0 : index
    %swap3A_39 = vector.load %arg5[%swap3A, %swap3A_38] : memref<200x32xf32, #tpu.memory_space<vmem>>, vector<200x32xf32>
    tpu.vector_store %arg5[%swap3A, %swap3A_38], %select_n3A_37 {strides = array<i32>} : memref<200x32xf32, #tpu.memory_space<vmem>>, vector<200x32xf32>,
    %swap3A_40 = arith.constant 0 : index
    %swap3A_41 = arith.constant 0 : index
    %swap3A_42 = vector.load %arg6[%swap3A_40, %swap3A_41] : memref<200x32xi32, #tpu.memory_space<vmem>>, vector<200x32xi32>
    tpu.vector_store %arg6[%swap3A_40, %swap3A_41], %scan3A_27#3 {strides = array<i32>} : memref<200x32xi32, #tpu.memory_space<vmem>>, vector<200x32xi32>,
    %swap3A_43 = arith.constant 0 : index
    %swap3A_44 = arith.constant 0 : index
    %swap3A_45 = vector.load %arg7[%swap3A_43, %swap3A_44] : memref<200x32xf32, #tpu.memory_space<vmem>>, vector<200x32xf32>
    tpu.vector_store %arg7[%swap3A_43, %swap3A_44], %convert_element_type3A_31 {strides = array<i32>} : memref<200x32xf32, #tpu.memory_space<vmem>>, vector<200x32xf32>,
    %iota3A_46 = tpu.iota {dimensions = array<i32: 1>} : vector<200x10000xi32>
    %iota3A_47 = tpu.iota {dimensions = array<i32: 1>} : vector<200x32xi32>
    %broadcast_in_dim3A_48 = arith.constant 0x7F800000 : f32
    %broadcast_in_dim3A_49 = vector.broadcast %broadcast_in_dim3A_48 : f32 to vector<200x1xf32>
    %broadcast_in_dim3A_50 = arith.constant -1 : i32
    %broadcast_in_dim3A_51 = vector.broadcast %broadcast_in_dim3A_50 : i32 to vector<200x1xi32>
    %broadcast_in_dim3A_52 = arith.constant 0.000000e+00 : f32
    %broadcast_in_dim3A_53 = vector.broadcast %broadcast_in_dim3A_52 : f32 to vector<200x32xf32>
    %broadcast_in_dim3A_54 = arith.constant 0 : i32
    %broadcast_in_dim3A_55 = vector.broadcast %broadcast_in_dim3A_54 : i32 to vector<200x32xi32>
    %scan3A_56 = arith.constant 0xFF800000 : f32
    %scan3A_57 = arith.constant 0 : i32
    %scan3A_58 = arith.constant 32 : i32
    %scan3A_59 = arith.addi %scan3A_57, %scan3A_58 : i32
    %scan3A_60 = arith.constant 1 : i32
    %scan3A_61:4 = scf.for %scan3A_69 = %scan3A_57 to %scan3A_59 step %scan3A_60 iter_args(%scan3A_70 = %broadcast_in_dim3A_49, %scan3A_71 = %broadcast_in_dim3A_51, %scan3A_72 = %broadcast_in_dim3A_53, %scan3A_73 = %broadcast_in_dim3A_55) -> (vector<200x1xf32>, vector<200x1xi32>, vector<200x32xf32>, vector<200x32xi32>)  : i32 {
      %lt3A = vector.broadcast %scan3A_70 : vector<200x1xf32> to vector<200x10000xf32>
      %lt3A_74 = arith.cmpf olt, %dot_general3A_5, %lt3A : vector<200x10000xf32>
      %eq3A_75 = vector.broadcast %scan3A_70 : vector<200x1xf32> to vector<200x10000xf32>
      %eq3A_76 = arith.cmpf oeq, %dot_general3A_5, %eq3A_75 : vector<200x10000xf32>
      %gt3A_77 = vector.broadcast %scan3A_71 : vector<200x1xi32> to vector<200x10000xi32>
      %gt3A_78 = arith.cmpi sgt, %iota3A_46, %gt3A_77 : vector<200x10000xi32>
      %and3A = arith.andi %eq3A_76, %gt3A_78 : vector<200x10000xi1>
      %or3A = arith.ori %lt3A_74, %and3A : vector<200x10000xi1>
      %broadcast_in_dim3A_79 = vector.broadcast %scan3A_56 : f32 to vector<200x10000xf32>
      %select_n3A_80 = arith.select %or3A, %dot_general3A_5, %broadcast_in_dim3A_79 : vector<200x10000xi1>, vector<200x10000xf32>
      %reduce_max3A = arith.constant dense<0xFF800000> : vector<200xf32>
      %reduce_max3A_81 = vector.multi_reduction <maximumf>, %select_n3A_80, %reduce_max3A [1] : vector<200x10000xf32> to vector<200xf32>
      %broadcast_in_dim3A_82 = vector.shape_cast %reduce_max3A_81 : vector<200xf32> to vector<200x1xf32>
      %eq3A_83 = vector.broadcast %broadcast_in_dim3A_82 : vector<200x1xf32> to vector<200x10000xf32>
      %eq3A_84 = arith.cmpf oeq, %dot_general3A_5, %eq3A_83 : vector<200x10000xf32>
      %lt3A_85 = arith.cmpf olt, %broadcast_in_dim3A_82, %scan3A_70 : vector<200x1xf32>
      %gt3A_86 = vector.broadcast %scan3A_71 : vector<200x1xi32> to vector<200x10000xi32>
      %gt3A_87 = arith.cmpi sgt, %iota3A_46, %gt3A_86 : vector<200x10000xi32>
      %or3A_88 = vector.broadcast %lt3A_85 : vector<200x1xi1> to vector<200x10000xi1>
      %or3A_89 = arith.ori %or3A_88, %gt3A_87 : vector<200x10000xi1>
      %and3A_90 = arith.andi %eq3A_84, %or3A_89 : vector<200x10000xi1>
      %jit3A_91 = arith.constant 10000 : i32
      %broadcast_in_dim3A_92 = vector.broadcast %jit3A_91 : i32 to vector<200x10000xi32>
      %select_n3A_93 = arith.select %and3A_90, %iota3A_46, %broadcast_in_dim3A_92 : vector<200x10000xi1>, vector<200x10000xi32>
      %reduce_min3A = arith.constant dense<2147483647> : vector<200xi32>
      %reduce_min3A_94 = vector.multi_reduction <minsi>, %select_n3A_93, %reduce_min3A [1] : vector<200x10000xi32> to vector<200xi32>
      %broadcast_in_dim3A_95 = vector.shape_cast %reduce_min3A_94 : vector<200xi32> to vector<200x1xi32>
      %eq3A_96 = vector.broadcast %scan3A_69 : i32 to vector<200x32xi32>
      %eq3A_97 = arith.cmpi eq, %iota3A_47, %eq3A_96 : vector<200x32xi32>
      %broadcast_in_dim3A_98 = vector.shape_cast %broadcast_in_dim3A_82 : vector<200x1xf32> to vector<200x1xf32>
      %broadcast_in_dim3A_99 = vector.broadcast %broadcast_in_dim3A_98 : vector<200x1xf32> to vector<200x32xf32>
      %select_n3A_100 = arith.select %eq3A_97, %broadcast_in_dim3A_99, %scan3A_72 : vector<200x32xi1>, vector<200x32xf32>
      %eq3A_101 = vector.broadcast %scan3A_69 : i32 to vector<200x32xi32>
      %eq3A_102 = arith.cmpi eq, %iota3A_47, %eq3A_101 : vector<200x32xi32>
      %broadcast_in_dim3A_103 = vector.shape_cast %broadcast_in_dim3A_95 : vector<200x1xi32> to vector<200x1xi32>
      %broadcast_in_dim3A_104 = vector.broadcast %broadcast_in_dim3A_103 : vector<200x1xi32> to vector<200x32xi32>
      %select_n3A_105 = arith.select %eq3A_102, %broadcast_in_dim3A_104, %scan3A_73 : vector<200x32xi1>, vector<200x32xi32>
      scf.yield %broadcast_in_dim3A_82, %broadcast_in_dim3A_95, %select_n3A_100, %select_n3A_105 : vector<200x1xf32>, vector<200x1xi32>, vector<200x32xf32>, vector<200x32xi32>
    }
    %scan3A_62 = arith.constant 32 : i32
    %swap3A_63 = arith.constant 0 : index
    %swap3A_64 = arith.constant 0 : index
    %swap3A_65 = vector.load %arg8[%swap3A_63, %swap3A_64] : memref<200x32xf32, #tpu.memory_space<vmem>>, vector<200x32xf32>
    tpu.vector_store %arg8[%swap3A_63, %swap3A_64], %scan3A_61#2 {strides = array<i32>} : memref<200x32xf32, #tpu.memory_space<vmem>>, vector<200x32xf32>,
    %swap3A_66 = arith.constant 0 : index
    %swap3A_67 = arith.constant 0 : index
    %swap3A_68 = vector.load %arg9[%swap3A_66, %swap3A_67] : memref<200x32xi32, #tpu.memory_space<vmem>>, vector<200x32xi32>
    tpu.vector_store %arg9[%swap3A_66, %swap3A_67], %scan3A_61#3 {strides = array<i32>} : memref<200x32xi32, #tpu.memory_space<vmem>>, vector<200x32xi32>,
    return
  }
  func.func @transform_0(%arg0: i32) -> (i32, i32) {
    %c0_i32 = arith.constant 0 : i32
    %c0_i32_0 = arith.constant 0 : i32
    return %arg0, %c0_i32 : i32, i32
  }
  func.func @transform_1(%arg0: i32) -> (i32, i32) {
    %c0_i32 = arith.constant 0 : i32
    %c0_i32_0 = arith.constant 0 : i32
    return %arg0, %c0_i32 : i32, i32
  }
  func.func @transform_2(%arg0: i32) -> (i32, i32) {
    %c0_i32 = arith.constant 0 : i32
    %c0_i32_0 = arith.constant 0 : i32
    %c0_i32_1 = arith.constant 0 : i32
    return %c0_i32, %c0_i32_0 : i32, i32
  }
  func.func @transform_3(%arg0: i32) -> (i32, i32) {
    %c0_i32 = arith.constant 0 : i32
    %c0_i32_0 = arith.constant 0 : i32
    %c0_i32_1 = arith.constant 0 : i32
    return %c0_i32, %c0_i32_0 : i32, i32
  }
  func.func @transform_4(%arg0: i32) -> (i32, i32) {
    %c0_i32 = arith.constant 0 : i32
    %c0_i32_0 = arith.constant 0 : i32
    return %arg0, %c0_i32 : i32, i32
  }
  func.func @transform_5(%arg0: i32) -> (i32, i32) {
    %c0_i32 = arith.constant 0 : i32
    %c0_i32_0 = arith.constant 0 : i32
    return %arg0, %c0_i32 : i32, i32
  }
  func.func @transform_6(%arg0: i32) -> (i32, i32) {
    %c0_i32 = arith.constant 0 : i32
    %c0_i32_0 = arith.constant 0 : i32
    return %arg0, %c0_i32 : i32, i32
  }
  func.func @transform_7(%arg0: i32) -> (i32, i32) {
    %c0_i32 = arith.constant 0 : i32
    %c0_i32_0 = arith.constant 0 : i32
    return %arg0, %c0_i32 : i32, i32
  }
  func.func @transform_8(%arg0: i32) -> (i32, i32) {
    %c0_i32 = arith.constant 0 : i32
    %c0_i32_0 = arith.constant 0 : i32
    return %arg0, %c0_i32 : i32, i32
  }
}

module attributes {stable_mosaic.version = 14 : i64} {
  func.func @_rel3_body(%arg0: i32, %arg1: memref<200x128xf32, #tpu.memory_space<vmem>>, %arg2: memref<200x32xi32, #tpu.memory_space<vmem>>, %arg3: memref<200x32xf32, #tpu.memory_space<vmem>>, %arg4: memref<10000x128xf32, #tpu.memory_space<vmem>>, %arg5: memref<200x32xf32, #tpu.memory_space<vmem>>, %arg6: memref<200x32xi32, #tpu.memory_space<vmem>>) attributes {dimension_semantics = [#tpu.dimension_semantics<arbitrary>], iteration_bounds = array<i64: 50>, scalar_prefetch = 0 : i64, scratch_operands = 0 : i64, tpu.core_type = #tpu.core_type<tc>, window_params = [{transform_indices = @transform_0, window_bounds = array<i64: 200, 128>}, {transform_indices = @transform_1, window_bounds = array<i64: 200, 32>}, {transform_indices = @transform_2, window_bounds = array<i64: 200, 32>}, {pipeline_mode = #tpu.pipeline_mode<synchronous>, transform_indices = @transform_3, window_bounds = array<i64: 10000, 128>}, {transform_indices = @transform_4, window_bounds = array<i64: 200, 32>}, {transform_indices = @transform_5, window_bounds = array<i64: 200, 32>}]} {
    %get3A = arith.constant 0 : index
    %get3A_0 = arith.constant 0 : index
    %get3A_1 = vector.load %arg1[%get3A, %get3A_0] : memref<200x128xf32, #tpu.memory_space<vmem>>, vector<200x128xf32>
    %get3A_2 = arith.constant 0 : index
    %get3A_3 = arith.constant 0 : index
    %get3A_4 = vector.load %arg4[%get3A_2, %get3A_3] : memref<10000x128xf32, #tpu.memory_space<vmem>>, vector<10000x128xf32>
    %dot_general3A = arith.constant dense<0.000000e+00> : vector<200x10000xf32>
    %dot_general3A_5 = tpu.matmul %get3A_1, %get3A_4, %dot_general3A {dimension_numbers = #tpu.dot_dimension_numbers<[1], [1], [0], [0], [0, 0, 1, 0], [], []>, precision = #tpu.contract_precision<fp32>, transpose_lhs_hint = false} : vector<200x128xf32>, vector<10000x128xf32>, vector<200x10000xf32> -> vector<200x10000xf32>
    %mul3A = arith.constant 0.0883883461 : f32
    %mul3A_6 = vector.broadcast %mul3A : f32 to vector<200x10000xf32>
    %mul3A_7 = arith.mulf %dot_general3A_5, %mul3A_6 : vector<200x10000xf32>
    %iota3A = tpu.iota {dimensions = array<i32: 1>} : vector<200x10000xi32>
    %get3A_8 = arith.constant 0 : index
    %get3A_9 = arith.constant 0 : index
    %get3A_10 = vector.load %arg2[%get3A_8, %get3A_9] : memref<200x32xi32, #tpu.memory_space<vmem>>, vector<200x1xi32>
    %eq3A = vector.broadcast %get3A_10 : vector<200x1xi32> to vector<200x10000xi32>
    %eq3A_11 = arith.cmpi eq, %iota3A, %eq3A : vector<200x10000xi32>
    %get3A_12 = arith.constant 0 : index
    %get3A_13 = arith.constant 0 : index
    %get3A_14 = vector.load %arg3[%get3A_12, %get3A_13] : memref<200x32xf32, #tpu.memory_space<vmem>>, vector<200x1xf32>
    %jit3A = arith.constant 0.000000e+00 : f32
    %broadcast_in_dim3A = vector.shape_cast %get3A_14 : vector<200x1xf32> to vector<200x1xf32>
    %broadcast_in_dim3A_15 = vector.broadcast %broadcast_in_dim3A : vector<200x1xf32> to vector<200x10000xf32>
    %broadcast_in_dim3A_16 = vector.broadcast %jit3A : f32 to vector<200x10000xf32>
    %select_n3A = arith.select %eq3A_11, %broadcast_in_dim3A_15, %broadcast_in_dim3A_16 : vector<200x10000xi1>, vector<200x10000xf32>
    %add3A = arith.addf %mul3A_7, %select_n3A : vector<200x10000xf32>
    %get3A_17 = arith.constant 0 : index
    %get3A_18 = arith.constant 1 : index
    %get3A_19 = vector.load %arg2[%get3A_17, %get3A_18] : memref<200x32xi32, #tpu.memory_space<vmem>>, vector<200x1xi32>
    %eq3A_20 = vector.broadcast %get3A_19 : vector<200x1xi32> to vector<200x10000xi32>
    %eq3A_21 = arith.cmpi eq, %iota3A, %eq3A_20 : vector<200x10000xi32>
    %get3A_22 = arith.constant 0 : index
    %get3A_23 = arith.constant 1 : index
    %get3A_24 = vector.load %arg3[%get3A_22, %get3A_23] : memref<200x32xf32, #tpu.memory_space<vmem>>, vector<200x1xf32>
    %jit3A_25 = arith.constant 0.000000e+00 : f32
    %broadcast_in_dim3A_26 = vector.shape_cast %get3A_24 : vector<200x1xf32> to vector<200x1xf32>
    %broadcast_in_dim3A_27 = vector.broadcast %broadcast_in_dim3A_26 : vector<200x1xf32> to vector<200x10000xf32>
    %broadcast_in_dim3A_28 = vector.broadcast %jit3A_25 : f32 to vector<200x10000xf32>
    %select_n3A_29 = arith.select %eq3A_21, %broadcast_in_dim3A_27, %broadcast_in_dim3A_28 : vector<200x10000xi1>, vector<200x10000xf32>
    %add3A_30 = arith.addf %add3A, %select_n3A_29 : vector<200x10000xf32>
    %get3A_31 = arith.constant 0 : index
    %get3A_32 = arith.constant 2 : index
    %get3A_33 = vector.load %arg2[%get3A_31, %get3A_32] : memref<200x32xi32, #tpu.memory_space<vmem>>, vector<200x1xi32>
    %eq3A_34 = vector.broadcast %get3A_33 : vector<200x1xi32> to vector<200x10000xi32>
    %eq3A_35 = arith.cmpi eq, %iota3A, %eq3A_34 : vector<200x10000xi32>
    %get3A_36 = arith.constant 0 : index
    %get3A_37 = arith.constant 2 : index
    %get3A_38 = vector.load %arg3[%get3A_36, %get3A_37] : memref<200x32xf32, #tpu.memory_space<vmem>>, vector<200x1xf32>
    %jit3A_39 = arith.constant 0.000000e+00 : f32
    %broadcast_in_dim3A_40 = vector.shape_cast %get3A_38 : vector<200x1xf32> to vector<200x1xf32>
    %broadcast_in_dim3A_41 = vector.broadcast %broadcast_in_dim3A_40 : vector<200x1xf32> to vector<200x10000xf32>
    %broadcast_in_dim3A_42 = vector.broadcast %jit3A_39 : f32 to vector<200x10000xf32>
    %select_n3A_43 = arith.select %eq3A_35, %broadcast_in_dim3A_41, %broadcast_in_dim3A_42 : vector<200x10000xi1>, vector<200x10000xf32>
    %add3A_44 = arith.addf %add3A_30, %select_n3A_43 : vector<200x10000xf32>
    %get3A_45 = arith.constant 0 : index
    %get3A_46 = arith.constant 3 : index
    %get3A_47 = vector.load %arg2[%get3A_45, %get3A_46] : memref<200x32xi32, #tpu.memory_space<vmem>>, vector<200x1xi32>
    %eq3A_48 = vector.broadcast %get3A_47 : vector<200x1xi32> to vector<200x10000xi32>
    %eq3A_49 = arith.cmpi eq, %iota3A, %eq3A_48 : vector<200x10000xi32>
    %get3A_50 = arith.constant 0 : index
    %get3A_51 = arith.constant 3 : index
    %get3A_52 = vector.load %arg3[%get3A_50, %get3A_51] : memref<200x32xf32, #tpu.memory_space<vmem>>, vector<200x1xf32>
    %jit3A_53 = arith.constant 0.000000e+00 : f32
    %broadcast_in_dim3A_54 = vector.shape_cast %get3A_52 : vector<200x1xf32> to vector<200x1xf32>
    %broadcast_in_dim3A_55 = vector.broadcast %broadcast_in_dim3A_54 : vector<200x1xf32> to vector<200x10000xf32>
    %broadcast_in_dim3A_56 = vector.broadcast %jit3A_53 : f32 to vector<200x10000xf32>
    %select_n3A_57 = arith.select %eq3A_49, %broadcast_in_dim3A_55, %broadcast_in_dim3A_56 : vector<200x10000xi1>, vector<200x10000xf32>
    %add3A_58 = arith.addf %add3A_44, %select_n3A_57 : vector<200x10000xf32>
    %get3A_59 = arith.constant 0 : index
    %get3A_60 = arith.constant 4 : index
    %get3A_61 = vector.load %arg2[%get3A_59, %get3A_60] : memref<200x32xi32, #tpu.memory_space<vmem>>, vector<200x1xi32>
    %eq3A_62 = vector.broadcast %get3A_61 : vector<200x1xi32> to vector<200x10000xi32>
    %eq3A_63 = arith.cmpi eq, %iota3A, %eq3A_62 : vector<200x10000xi32>
    %get3A_64 = arith.constant 0 : index
    %get3A_65 = arith.constant 4 : index
    %get3A_66 = vector.load %arg3[%get3A_64, %get3A_65] : memref<200x32xf32, #tpu.memory_space<vmem>>, vector<200x1xf32>
    %jit3A_67 = arith.constant 0.000000e+00 : f32
    %broadcast_in_dim3A_68 = vector.shape_cast %get3A_66 : vector<200x1xf32> to vector<200x1xf32>
    %broadcast_in_dim3A_69 = vector.broadcast %broadcast_in_dim3A_68 : vector<200x1xf32> to vector<200x10000xf32>
    %broadcast_in_dim3A_70 = vector.broadcast %jit3A_67 : f32 to vector<200x10000xf32>
    %select_n3A_71 = arith.select %eq3A_63, %broadcast_in_dim3A_69, %broadcast_in_dim3A_70 : vector<200x10000xi1>, vector<200x10000xf32>
    %add3A_72 = arith.addf %add3A_58, %select_n3A_71 : vector<200x10000xf32>
    %get3A_73 = arith.constant 0 : index
    %get3A_74 = arith.constant 5 : index
    %get3A_75 = vector.load %arg2[%get3A_73, %get3A_74] : memref<200x32xi32, #tpu.memory_space<vmem>>, vector<200x1xi32>
    %eq3A_76 = vector.broadcast %get3A_75 : vector<200x1xi32> to vector<200x10000xi32>
    %eq3A_77 = arith.cmpi eq, %iota3A, %eq3A_76 : vector<200x10000xi32>
    %get3A_78 = arith.constant 0 : index
    %get3A_79 = arith.constant 5 : index
    %get3A_80 = vector.load %arg3[%get3A_78, %get3A_79] : memref<200x32xf32, #tpu.memory_space<vmem>>, vector<200x1xf32>
    %jit3A_81 = arith.constant 0.000000e+00 : f32
    %broadcast_in_dim3A_82 = vector.shape_cast %get3A_80 : vector<200x1xf32> to vector<200x1xf32>
    %broadcast_in_dim3A_83 = vector.broadcast %broadcast_in_dim3A_82 : vector<200x1xf32> to vector<200x10000xf32>
    %broadcast_in_dim3A_84 = vector.broadcast %jit3A_81 : f32 to vector<200x10000xf32>
    %select_n3A_85 = arith.select %eq3A_77, %broadcast_in_dim3A_83, %broadcast_in_dim3A_84 : vector<200x10000xi1>, vector<200x10000xf32>
    %add3A_86 = arith.addf %add3A_72, %select_n3A_85 : vector<200x10000xf32>
    %get3A_87 = arith.constant 0 : index
    %get3A_88 = arith.constant 6 : index
    %get3A_89 = vector.load %arg2[%get3A_87, %get3A_88] : memref<200x32xi32, #tpu.memory_space<vmem>>, vector<200x1xi32>
    %eq3A_90 = vector.broadcast %get3A_89 : vector<200x1xi32> to vector<200x10000xi32>
    %eq3A_91 = arith.cmpi eq, %iota3A, %eq3A_90 : vector<200x10000xi32>
    %get3A_92 = arith.constant 0 : index
    %get3A_93 = arith.constant 6 : index
    %get3A_94 = vector.load %arg3[%get3A_92, %get3A_93] : memref<200x32xf32, #tpu.memory_space<vmem>>, vector<200x1xf32>
    %jit3A_95 = arith.constant 0.000000e+00 : f32
    %broadcast_in_dim3A_96 = vector.shape_cast %get3A_94 : vector<200x1xf32> to vector<200x1xf32>
    %broadcast_in_dim3A_97 = vector.broadcast %broadcast_in_dim3A_96 : vector<200x1xf32> to vector<200x10000xf32>
    %broadcast_in_dim3A_98 = vector.broadcast %jit3A_95 : f32 to vector<200x10000xf32>
    %select_n3A_99 = arith.select %eq3A_91, %broadcast_in_dim3A_97, %broadcast_in_dim3A_98 : vector<200x10000xi1>, vector<200x10000xf32>
    %add3A_100 = arith.addf %add3A_86, %select_n3A_99 : vector<200x10000xf32>
    %get3A_101 = arith.constant 0 : index
    %get3A_102 = arith.constant 7 : index
    %get3A_103 = vector.load %arg2[%get3A_101, %get3A_102] : memref<200x32xi32, #tpu.memory_space<vmem>>, vector<200x1xi32>
    %eq3A_104 = vector.broadcast %get3A_103 : vector<200x1xi32> to vector<200x10000xi32>
    %eq3A_105 = arith.cmpi eq, %iota3A, %eq3A_104 : vector<200x10000xi32>
    %get3A_106 = arith.constant 0 : index
    %get3A_107 = arith.constant 7 : index
    %get3A_108 = vector.load %arg3[%get3A_106, %get3A_107] : memref<200x32xf32, #tpu.memory_space<vmem>>, vector<200x1xf32>
    %jit3A_109 = arith.constant 0.000000e+00 : f32
    %broadcast_in_dim3A_110 = vector.shape_cast %get3A_108 : vector<200x1xf32> to vector<200x1xf32>
    %broadcast_in_dim3A_111 = vector.broadcast %broadcast_in_dim3A_110 : vector<200x1xf32> to vector<200x10000xf32>
    %broadcast_in_dim3A_112 = vector.broadcast %jit3A_109 : f32 to vector<200x10000xf32>
    %select_n3A_113 = arith.select %eq3A_105, %broadcast_in_dim3A_111, %broadcast_in_dim3A_112 : vector<200x10000xi1>, vector<200x10000xf32>
    %add3A_114 = arith.addf %add3A_100, %select_n3A_113 : vector<200x10000xf32>
    %get3A_115 = arith.constant 0 : index
    %get3A_116 = arith.constant 8 : index
    %get3A_117 = vector.load %arg2[%get3A_115, %get3A_116] : memref<200x32xi32, #tpu.memory_space<vmem>>, vector<200x1xi32>
    %eq3A_118 = vector.broadcast %get3A_117 : vector<200x1xi32> to vector<200x10000xi32>
    %eq3A_119 = arith.cmpi eq, %iota3A, %eq3A_118 : vector<200x10000xi32>
    %get3A_120 = arith.constant 0 : index
    %get3A_121 = arith.constant 8 : index
    %get3A_122 = vector.load %arg3[%get3A_120, %get3A_121] : memref<200x32xf32, #tpu.memory_space<vmem>>, vector<200x1xf32>
    %jit3A_123 = arith.constant 0.000000e+00 : f32
    %broadcast_in_dim3A_124 = vector.shape_cast %get3A_122 : vector<200x1xf32> to vector<200x1xf32>
    %broadcast_in_dim3A_125 = vector.broadcast %broadcast_in_dim3A_124 : vector<200x1xf32> to vector<200x10000xf32>
    %broadcast_in_dim3A_126 = vector.broadcast %jit3A_123 : f32 to vector<200x10000xf32>
    %select_n3A_127 = arith.select %eq3A_119, %broadcast_in_dim3A_125, %broadcast_in_dim3A_126 : vector<200x10000xi1>, vector<200x10000xf32>
    %add3A_128 = arith.addf %add3A_114, %select_n3A_127 : vector<200x10000xf32>
    %get3A_129 = arith.constant 0 : index
    %get3A_130 = arith.constant 9 : index
    %get3A_131 = vector.load %arg2[%get3A_129, %get3A_130] : memref<200x32xi32, #tpu.memory_space<vmem>>, vector<200x1xi32>
    %eq3A_132 = vector.broadcast %get3A_131 : vector<200x1xi32> to vector<200x10000xi32>
    %eq3A_133 = arith.cmpi eq, %iota3A, %eq3A_132 : vector<200x10000xi32>
    %get3A_134 = arith.constant 0 : index
    %get3A_135 = arith.constant 9 : index
    %get3A_136 = vector.load %arg3[%get3A_134, %get3A_135] : memref<200x32xf32, #tpu.memory_space<vmem>>, vector<200x1xf32>
    %jit3A_137 = arith.constant 0.000000e+00 : f32
    %broadcast_in_dim3A_138 = vector.shape_cast %get3A_136 : vector<200x1xf32> to vector<200x1xf32>
    %broadcast_in_dim3A_139 = vector.broadcast %broadcast_in_dim3A_138 : vector<200x1xf32> to vector<200x10000xf32>
    %broadcast_in_dim3A_140 = vector.broadcast %jit3A_137 : f32 to vector<200x10000xf32>
    %select_n3A_141 = arith.select %eq3A_133, %broadcast_in_dim3A_139, %broadcast_in_dim3A_140 : vector<200x10000xi1>, vector<200x10000xf32>
    %add3A_142 = arith.addf %add3A_128, %select_n3A_141 : vector<200x10000xf32>
    %get3A_143 = arith.constant 0 : index
    %get3A_144 = arith.constant 10 : index
    %get3A_145 = vector.load %arg2[%get3A_143, %get3A_144] : memref<200x32xi32, #tpu.memory_space<vmem>>, vector<200x1xi32>
    %eq3A_146 = vector.broadcast %get3A_145 : vector<200x1xi32> to vector<200x10000xi32>
    %eq3A_147 = arith.cmpi eq, %iota3A, %eq3A_146 : vector<200x10000xi32>
    %get3A_148 = arith.constant 0 : index
    %get3A_149 = arith.constant 10 : index
    %get3A_150 = vector.load %arg3[%get3A_148, %get3A_149] : memref<200x32xf32, #tpu.memory_space<vmem>>, vector<200x1xf32>
    %jit3A_151 = arith.constant 0.000000e+00 : f32
    %broadcast_in_dim3A_152 = vector.shape_cast %get3A_150 : vector<200x1xf32> to vector<200x1xf32>
    %broadcast_in_dim3A_153 = vector.broadcast %broadcast_in_dim3A_152 : vector<200x1xf32> to vector<200x10000xf32>
    %broadcast_in_dim3A_154 = vector.broadcast %jit3A_151 : f32 to vector<200x10000xf32>
    %select_n3A_155 = arith.select %eq3A_147, %broadcast_in_dim3A_153, %broadcast_in_dim3A_154 : vector<200x10000xi1>, vector<200x10000xf32>
    %add3A_156 = arith.addf %add3A_142, %select_n3A_155 : vector<200x10000xf32>
    %get3A_157 = arith.constant 0 : index
    %get3A_158 = arith.constant 11 : index
    %get3A_159 = vector.load %arg2[%get3A_157, %get3A_158] : memref<200x32xi32, #tpu.memory_space<vmem>>, vector<200x1xi32>
    %eq3A_160 = vector.broadcast %get3A_159 : vector<200x1xi32> to vector<200x10000xi32>
    %eq3A_161 = arith.cmpi eq, %iota3A, %eq3A_160 : vector<200x10000xi32>
    %get3A_162 = arith.constant 0 : index
    %get3A_163 = arith.constant 11 : index
    %get3A_164 = vector.load %arg3[%get3A_162, %get3A_163] : memref<200x32xf32, #tpu.memory_space<vmem>>, vector<200x1xf32>
    %jit3A_165 = arith.constant 0.000000e+00 : f32
    %broadcast_in_dim3A_166 = vector.shape_cast %get3A_164 : vector<200x1xf32> to vector<200x1xf32>
    %broadcast_in_dim3A_167 = vector.broadcast %broadcast_in_dim3A_166 : vector<200x1xf32> to vector<200x10000xf32>
    %broadcast_in_dim3A_168 = vector.broadcast %jit3A_165 : f32 to vector<200x10000xf32>
    %select_n3A_169 = arith.select %eq3A_161, %broadcast_in_dim3A_167, %broadcast_in_dim3A_168 : vector<200x10000xi1>, vector<200x10000xf32>
    %add3A_170 = arith.addf %add3A_156, %select_n3A_169 : vector<200x10000xf32>
    %get3A_171 = arith.constant 0 : index
    %get3A_172 = arith.constant 12 : index
    %get3A_173 = vector.load %arg2[%get3A_171, %get3A_172] : memref<200x32xi32, #tpu.memory_space<vmem>>, vector<200x1xi32>
    %eq3A_174 = vector.broadcast %get3A_173 : vector<200x1xi32> to vector<200x10000xi32>
    %eq3A_175 = arith.cmpi eq, %iota3A, %eq3A_174 : vector<200x10000xi32>
    %get3A_176 = arith.constant 0 : index
    %get3A_177 = arith.constant 12 : index
    %get3A_178 = vector.load %arg3[%get3A_176, %get3A_177] : memref<200x32xf32, #tpu.memory_space<vmem>>, vector<200x1xf32>
    %jit3A_179 = arith.constant 0.000000e+00 : f32
    %broadcast_in_dim3A_180 = vector.shape_cast %get3A_178 : vector<200x1xf32> to vector<200x1xf32>
    %broadcast_in_dim3A_181 = vector.broadcast %broadcast_in_dim3A_180 : vector<200x1xf32> to vector<200x10000xf32>
    %broadcast_in_dim3A_182 = vector.broadcast %jit3A_179 : f32 to vector<200x10000xf32>
    %select_n3A_183 = arith.select %eq3A_175, %broadcast_in_dim3A_181, %broadcast_in_dim3A_182 : vector<200x10000xi1>, vector<200x10000xf32>
    %add3A_184 = arith.addf %add3A_170, %select_n3A_183 : vector<200x10000xf32>
    %get3A_185 = arith.constant 0 : index
    %get3A_186 = arith.constant 13 : index
    %get3A_187 = vector.load %arg2[%get3A_185, %get3A_186] : memref<200x32xi32, #tpu.memory_space<vmem>>, vector<200x1xi32>
    %eq3A_188 = vector.broadcast %get3A_187 : vector<200x1xi32> to vector<200x10000xi32>
    %eq3A_189 = arith.cmpi eq, %iota3A, %eq3A_188 : vector<200x10000xi32>
    %get3A_190 = arith.constant 0 : index
    %get3A_191 = arith.constant 13 : index
    %get3A_192 = vector.load %arg3[%get3A_190, %get3A_191] : memref<200x32xf32, #tpu.memory_space<vmem>>, vector<200x1xf32>
    %jit3A_193 = arith.constant 0.000000e+00 : f32
    %broadcast_in_dim3A_194 = vector.shape_cast %get3A_192 : vector<200x1xf32> to vector<200x1xf32>
    %broadcast_in_dim3A_195 = vector.broadcast %broadcast_in_dim3A_194 : vector<200x1xf32> to vector<200x10000xf32>
    %broadcast_in_dim3A_196 = vector.broadcast %jit3A_193 : f32 to vector<200x10000xf32>
    %select_n3A_197 = arith.select %eq3A_189, %broadcast_in_dim3A_195, %broadcast_in_dim3A_196 : vector<200x10000xi1>, vector<200x10000xf32>
    %add3A_198 = arith.addf %add3A_184, %select_n3A_197 : vector<200x10000xf32>
    %get3A_199 = arith.constant 0 : index
    %get3A_200 = arith.constant 14 : index
    %get3A_201 = vector.load %arg2[%get3A_199, %get3A_200] : memref<200x32xi32, #tpu.memory_space<vmem>>, vector<200x1xi32>
    %eq3A_202 = vector.broadcast %get3A_201 : vector<200x1xi32> to vector<200x10000xi32>
    %eq3A_203 = arith.cmpi eq, %iota3A, %eq3A_202 : vector<200x10000xi32>
    %get3A_204 = arith.constant 0 : index
    %get3A_205 = arith.constant 14 : index
    %get3A_206 = vector.load %arg3[%get3A_204, %get3A_205] : memref<200x32xf32, #tpu.memory_space<vmem>>, vector<200x1xf32>
    %jit3A_207 = arith.constant 0.000000e+00 : f32
    %broadcast_in_dim3A_208 = vector.shape_cast %get3A_206 : vector<200x1xf32> to vector<200x1xf32>
    %broadcast_in_dim3A_209 = vector.broadcast %broadcast_in_dim3A_208 : vector<200x1xf32> to vector<200x10000xf32>
    %broadcast_in_dim3A_210 = vector.broadcast %jit3A_207 : f32 to vector<200x10000xf32>
    %select_n3A_211 = arith.select %eq3A_203, %broadcast_in_dim3A_209, %broadcast_in_dim3A_210 : vector<200x10000xi1>, vector<200x10000xf32>
    %add3A_212 = arith.addf %add3A_198, %select_n3A_211 : vector<200x10000xf32>
    %get3A_213 = arith.constant 0 : index
    %get3A_214 = arith.constant 15 : index
    %get3A_215 = vector.load %arg2[%get3A_213, %get3A_214] : memref<200x32xi32, #tpu.memory_space<vmem>>, vector<200x1xi32>
    %eq3A_216 = vector.broadcast %get3A_215 : vector<200x1xi32> to vector<200x10000xi32>
    %eq3A_217 = arith.cmpi eq, %iota3A, %eq3A_216 : vector<200x10000xi32>
    %get3A_218 = arith.constant 0 : index
    %get3A_219 = arith.constant 15 : index
    %get3A_220 = vector.load %arg3[%get3A_218, %get3A_219] : memref<200x32xf32, #tpu.memory_space<vmem>>, vector<200x1xf32>
    %jit3A_221 = arith.constant 0.000000e+00 : f32
    %broadcast_in_dim3A_222 = vector.shape_cast %get3A_220 : vector<200x1xf32> to vector<200x1xf32>
    %broadcast_in_dim3A_223 = vector.broadcast %broadcast_in_dim3A_222 : vector<200x1xf32> to vector<200x10000xf32>
    %broadcast_in_dim3A_224 = vector.broadcast %jit3A_221 : f32 to vector<200x10000xf32>
    %select_n3A_225 = arith.select %eq3A_217, %broadcast_in_dim3A_223, %broadcast_in_dim3A_224 : vector<200x10000xi1>, vector<200x10000xf32>
    %add3A_226 = arith.addf %add3A_212, %select_n3A_225 : vector<200x10000xf32>
    %get3A_227 = arith.constant 0 : index
    %get3A_228 = arith.constant 16 : index
    %get3A_229 = vector.load %arg2[%get3A_227, %get3A_228] : memref<200x32xi32, #tpu.memory_space<vmem>>, vector<200x1xi32>
    %eq3A_230 = vector.broadcast %get3A_229 : vector<200x1xi32> to vector<200x10000xi32>
    %eq3A_231 = arith.cmpi eq, %iota3A, %eq3A_230 : vector<200x10000xi32>
    %get3A_232 = arith.constant 0 : index
    %get3A_233 = arith.constant 16 : index
    %get3A_234 = vector.load %arg3[%get3A_232, %get3A_233] : memref<200x32xf32, #tpu.memory_space<vmem>>, vector<200x1xf32>
    %jit3A_235 = arith.constant 0.000000e+00 : f32
    %broadcast_in_dim3A_236 = vector.shape_cast %get3A_234 : vector<200x1xf32> to vector<200x1xf32>
    %broadcast_in_dim3A_237 = vector.broadcast %broadcast_in_dim3A_236 : vector<200x1xf32> to vector<200x10000xf32>
    %broadcast_in_dim3A_238 = vector.broadcast %jit3A_235 : f32 to vector<200x10000xf32>
    %select_n3A_239 = arith.select %eq3A_231, %broadcast_in_dim3A_237, %broadcast_in_dim3A_238 : vector<200x10000xi1>, vector<200x10000xf32>
    %add3A_240 = arith.addf %add3A_226, %select_n3A_239 : vector<200x10000xf32>
    %get3A_241 = arith.constant 0 : index
    %get3A_242 = arith.constant 17 : index
    %get3A_243 = vector.load %arg2[%get3A_241, %get3A_242] : memref<200x32xi32, #tpu.memory_space<vmem>>, vector<200x1xi32>
    %eq3A_244 = vector.broadcast %get3A_243 : vector<200x1xi32> to vector<200x10000xi32>
    %eq3A_245 = arith.cmpi eq, %iota3A, %eq3A_244 : vector<200x10000xi32>
    %get3A_246 = arith.constant 0 : index
    %get3A_247 = arith.constant 17 : index
    %get3A_248 = vector.load %arg3[%get3A_246, %get3A_247] : memref<200x32xf32, #tpu.memory_space<vmem>>, vector<200x1xf32>
    %jit3A_249 = arith.constant 0.000000e+00 : f32
    %broadcast_in_dim3A_250 = vector.shape_cast %get3A_248 : vector<200x1xf32> to vector<200x1xf32>
    %broadcast_in_dim3A_251 = vector.broadcast %broadcast_in_dim3A_250 : vector<200x1xf32> to vector<200x10000xf32>
    %broadcast_in_dim3A_252 = vector.broadcast %jit3A_249 : f32 to vector<200x10000xf32>
    %select_n3A_253 = arith.select %eq3A_245, %broadcast_in_dim3A_251, %broadcast_in_dim3A_252 : vector<200x10000xi1>, vector<200x10000xf32>
    %add3A_254 = arith.addf %add3A_240, %select_n3A_253 : vector<200x10000xf32>
    %get3A_255 = arith.constant 0 : index
    %get3A_256 = arith.constant 18 : index
    %get3A_257 = vector.load %arg2[%get3A_255, %get3A_256] : memref<200x32xi32, #tpu.memory_space<vmem>>, vector<200x1xi32>
    %eq3A_258 = vector.broadcast %get3A_257 : vector<200x1xi32> to vector<200x10000xi32>
    %eq3A_259 = arith.cmpi eq, %iota3A, %eq3A_258 : vector<200x10000xi32>
    %get3A_260 = arith.constant 0 : index
    %get3A_261 = arith.constant 18 : index
    %get3A_262 = vector.load %arg3[%get3A_260, %get3A_261] : memref<200x32xf32, #tpu.memory_space<vmem>>, vector<200x1xf32>
    %jit3A_263 = arith.constant 0.000000e+00 : f32
    %broadcast_in_dim3A_264 = vector.shape_cast %get3A_262 : vector<200x1xf32> to vector<200x1xf32>
    %broadcast_in_dim3A_265 = vector.broadcast %broadcast_in_dim3A_264 : vector<200x1xf32> to vector<200x10000xf32>
    %broadcast_in_dim3A_266 = vector.broadcast %jit3A_263 : f32 to vector<200x10000xf32>
    %select_n3A_267 = arith.select %eq3A_259, %broadcast_in_dim3A_265, %broadcast_in_dim3A_266 : vector<200x10000xi1>, vector<200x10000xf32>
    %add3A_268 = arith.addf %add3A_254, %select_n3A_267 : vector<200x10000xf32>
    %get3A_269 = arith.constant 0 : index
    %get3A_270 = arith.constant 19 : index
    %get3A_271 = vector.load %arg2[%get3A_269, %get3A_270] : memref<200x32xi32, #tpu.memory_space<vmem>>, vector<200x1xi32>
    %eq3A_272 = vector.broadcast %get3A_271 : vector<200x1xi32> to vector<200x10000xi32>
    %eq3A_273 = arith.cmpi eq, %iota3A, %eq3A_272 : vector<200x10000xi32>
    %get3A_274 = arith.constant 0 : index
    %get3A_275 = arith.constant 19 : index
    %get3A_276 = vector.load %arg3[%get3A_274, %get3A_275] : memref<200x32xf32, #tpu.memory_space<vmem>>, vector<200x1xf32>
    %jit3A_277 = arith.constant 0.000000e+00 : f32
    %broadcast_in_dim3A_278 = vector.shape_cast %get3A_276 : vector<200x1xf32> to vector<200x1xf32>
    %broadcast_in_dim3A_279 = vector.broadcast %broadcast_in_dim3A_278 : vector<200x1xf32> to vector<200x10000xf32>
    %broadcast_in_dim3A_280 = vector.broadcast %jit3A_277 : f32 to vector<200x10000xf32>
    %select_n3A_281 = arith.select %eq3A_273, %broadcast_in_dim3A_279, %broadcast_in_dim3A_280 : vector<200x10000xi1>, vector<200x10000xf32>
    %add3A_282 = arith.addf %add3A_268, %select_n3A_281 : vector<200x10000xf32>
    %get3A_283 = arith.constant 0 : index
    %get3A_284 = arith.constant 20 : index
    %get3A_285 = vector.load %arg2[%get3A_283, %get3A_284] : memref<200x32xi32, #tpu.memory_space<vmem>>, vector<200x1xi32>
    %eq3A_286 = vector.broadcast %get3A_285 : vector<200x1xi32> to vector<200x10000xi32>
    %eq3A_287 = arith.cmpi eq, %iota3A, %eq3A_286 : vector<200x10000xi32>
    %get3A_288 = arith.constant 0 : index
    %get3A_289 = arith.constant 20 : index
    %get3A_290 = vector.load %arg3[%get3A_288, %get3A_289] : memref<200x32xf32, #tpu.memory_space<vmem>>, vector<200x1xf32>
    %jit3A_291 = arith.constant 0.000000e+00 : f32
    %broadcast_in_dim3A_292 = vector.shape_cast %get3A_290 : vector<200x1xf32> to vector<200x1xf32>
    %broadcast_in_dim3A_293 = vector.broadcast %broadcast_in_dim3A_292 : vector<200x1xf32> to vector<200x10000xf32>
    %broadcast_in_dim3A_294 = vector.broadcast %jit3A_291 : f32 to vector<200x10000xf32>
    %select_n3A_295 = arith.select %eq3A_287, %broadcast_in_dim3A_293, %broadcast_in_dim3A_294 : vector<200x10000xi1>, vector<200x10000xf32>
    %add3A_296 = arith.addf %add3A_282, %select_n3A_295 : vector<200x10000xf32>
    %get3A_297 = arith.constant 0 : index
    %get3A_298 = arith.constant 21 : index
    %get3A_299 = vector.load %arg2[%get3A_297, %get3A_298] : memref<200x32xi32, #tpu.memory_space<vmem>>, vector<200x1xi32>
    %eq3A_300 = vector.broadcast %get3A_299 : vector<200x1xi32> to vector<200x10000xi32>
    %eq3A_301 = arith.cmpi eq, %iota3A, %eq3A_300 : vector<200x10000xi32>
    %get3A_302 = arith.constant 0 : index
    %get3A_303 = arith.constant 21 : index
    %get3A_304 = vector.load %arg3[%get3A_302, %get3A_303] : memref<200x32xf32, #tpu.memory_space<vmem>>, vector<200x1xf32>
    %jit3A_305 = arith.constant 0.000000e+00 : f32
    %broadcast_in_dim3A_306 = vector.shape_cast %get3A_304 : vector<200x1xf32> to vector<200x1xf32>
    %broadcast_in_dim3A_307 = vector.broadcast %broadcast_in_dim3A_306 : vector<200x1xf32> to vector<200x10000xf32>
    %broadcast_in_dim3A_308 = vector.broadcast %jit3A_305 : f32 to vector<200x10000xf32>
    %select_n3A_309 = arith.select %eq3A_301, %broadcast_in_dim3A_307, %broadcast_in_dim3A_308 : vector<200x10000xi1>, vector<200x10000xf32>
    %add3A_310 = arith.addf %add3A_296, %select_n3A_309 : vector<200x10000xf32>
    %get3A_311 = arith.constant 0 : index
    %get3A_312 = arith.constant 22 : index
    %get3A_313 = vector.load %arg2[%get3A_311, %get3A_312] : memref<200x32xi32, #tpu.memory_space<vmem>>, vector<200x1xi32>
    %eq3A_314 = vector.broadcast %get3A_313 : vector<200x1xi32> to vector<200x10000xi32>
    %eq3A_315 = arith.cmpi eq, %iota3A, %eq3A_314 : vector<200x10000xi32>
    %get3A_316 = arith.constant 0 : index
    %get3A_317 = arith.constant 22 : index
    %get3A_318 = vector.load %arg3[%get3A_316, %get3A_317] : memref<200x32xf32, #tpu.memory_space<vmem>>, vector<200x1xf32>
    %jit3A_319 = arith.constant 0.000000e+00 : f32
    %broadcast_in_dim3A_320 = vector.shape_cast %get3A_318 : vector<200x1xf32> to vector<200x1xf32>
    %broadcast_in_dim3A_321 = vector.broadcast %broadcast_in_dim3A_320 : vector<200x1xf32> to vector<200x10000xf32>
    %broadcast_in_dim3A_322 = vector.broadcast %jit3A_319 : f32 to vector<200x10000xf32>
    %select_n3A_323 = arith.select %eq3A_315, %broadcast_in_dim3A_321, %broadcast_in_dim3A_322 : vector<200x10000xi1>, vector<200x10000xf32>
    %add3A_324 = arith.addf %add3A_310, %select_n3A_323 : vector<200x10000xf32>
    %get3A_325 = arith.constant 0 : index
    %get3A_326 = arith.constant 23 : index
    %get3A_327 = vector.load %arg2[%get3A_325, %get3A_326] : memref<200x32xi32, #tpu.memory_space<vmem>>, vector<200x1xi32>
    %eq3A_328 = vector.broadcast %get3A_327 : vector<200x1xi32> to vector<200x10000xi32>
    %eq3A_329 = arith.cmpi eq, %iota3A, %eq3A_328 : vector<200x10000xi32>
    %get3A_330 = arith.constant 0 : index
    %get3A_331 = arith.constant 23 : index
    %get3A_332 = vector.load %arg3[%get3A_330, %get3A_331] : memref<200x32xf32, #tpu.memory_space<vmem>>, vector<200x1xf32>
    %jit3A_333 = arith.constant 0.000000e+00 : f32
    %broadcast_in_dim3A_334 = vector.shape_cast %get3A_332 : vector<200x1xf32> to vector<200x1xf32>
    %broadcast_in_dim3A_335 = vector.broadcast %broadcast_in_dim3A_334 : vector<200x1xf32> to vector<200x10000xf32>
    %broadcast_in_dim3A_336 = vector.broadcast %jit3A_333 : f32 to vector<200x10000xf32>
    %select_n3A_337 = arith.select %eq3A_329, %broadcast_in_dim3A_335, %broadcast_in_dim3A_336 : vector<200x10000xi1>, vector<200x10000xf32>
    %add3A_338 = arith.addf %add3A_324, %select_n3A_337 : vector<200x10000xf32>
    %get3A_339 = arith.constant 0 : index
    %get3A_340 = arith.constant 24 : index
    %get3A_341 = vector.load %arg2[%get3A_339, %get3A_340] : memref<200x32xi32, #tpu.memory_space<vmem>>, vector<200x1xi32>
    %eq3A_342 = vector.broadcast %get3A_341 : vector<200x1xi32> to vector<200x10000xi32>
    %eq3A_343 = arith.cmpi eq, %iota3A, %eq3A_342 : vector<200x10000xi32>
    %get3A_344 = arith.constant 0 : index
    %get3A_345 = arith.constant 24 : index
    %get3A_346 = vector.load %arg3[%get3A_344, %get3A_345] : memref<200x32xf32, #tpu.memory_space<vmem>>, vector<200x1xf32>
    %jit3A_347 = arith.constant 0.000000e+00 : f32
    %broadcast_in_dim3A_348 = vector.shape_cast %get3A_346 : vector<200x1xf32> to vector<200x1xf32>
    %broadcast_in_dim3A_349 = vector.broadcast %broadcast_in_dim3A_348 : vector<200x1xf32> to vector<200x10000xf32>
    %broadcast_in_dim3A_350 = vector.broadcast %jit3A_347 : f32 to vector<200x10000xf32>
    %select_n3A_351 = arith.select %eq3A_343, %broadcast_in_dim3A_349, %broadcast_in_dim3A_350 : vector<200x10000xi1>, vector<200x10000xf32>
    %add3A_352 = arith.addf %add3A_338, %select_n3A_351 : vector<200x10000xf32>
    %get3A_353 = arith.constant 0 : index
    %get3A_354 = arith.constant 25 : index
    %get3A_355 = vector.load %arg2[%get3A_353, %get3A_354] : memref<200x32xi32, #tpu.memory_space<vmem>>, vector<200x1xi32>
    %eq3A_356 = vector.broadcast %get3A_355 : vector<200x1xi32> to vector<200x10000xi32>
    %eq3A_357 = arith.cmpi eq, %iota3A, %eq3A_356 : vector<200x10000xi32>
    %get3A_358 = arith.constant 0 : index
    %get3A_359 = arith.constant 25 : index
    %get3A_360 = vector.load %arg3[%get3A_358, %get3A_359] : memref<200x32xf32, #tpu.memory_space<vmem>>, vector<200x1xf32>
    %jit3A_361 = arith.constant 0.000000e+00 : f32
    %broadcast_in_dim3A_362 = vector.shape_cast %get3A_360 : vector<200x1xf32> to vector<200x1xf32>
    %broadcast_in_dim3A_363 = vector.broadcast %broadcast_in_dim3A_362 : vector<200x1xf32> to vector<200x10000xf32>
    %broadcast_in_dim3A_364 = vector.broadcast %jit3A_361 : f32 to vector<200x10000xf32>
    %select_n3A_365 = arith.select %eq3A_357, %broadcast_in_dim3A_363, %broadcast_in_dim3A_364 : vector<200x10000xi1>, vector<200x10000xf32>
    %add3A_366 = arith.addf %add3A_352, %select_n3A_365 : vector<200x10000xf32>
    %get3A_367 = arith.constant 0 : index
    %get3A_368 = arith.constant 26 : index
    %get3A_369 = vector.load %arg2[%get3A_367, %get3A_368] : memref<200x32xi32, #tpu.memory_space<vmem>>, vector<200x1xi32>
    %eq3A_370 = vector.broadcast %get3A_369 : vector<200x1xi32> to vector<200x10000xi32>
    %eq3A_371 = arith.cmpi eq, %iota3A, %eq3A_370 : vector<200x10000xi32>
    %get3A_372 = arith.constant 0 : index
    %get3A_373 = arith.constant 26 : index
    %get3A_374 = vector.load %arg3[%get3A_372, %get3A_373] : memref<200x32xf32, #tpu.memory_space<vmem>>, vector<200x1xf32>
    %jit3A_375 = arith.constant 0.000000e+00 : f32
    %broadcast_in_dim3A_376 = vector.shape_cast %get3A_374 : vector<200x1xf32> to vector<200x1xf32>
    %broadcast_in_dim3A_377 = vector.broadcast %broadcast_in_dim3A_376 : vector<200x1xf32> to vector<200x10000xf32>
    %broadcast_in_dim3A_378 = vector.broadcast %jit3A_375 : f32 to vector<200x10000xf32>
    %select_n3A_379 = arith.select %eq3A_371, %broadcast_in_dim3A_377, %broadcast_in_dim3A_378 : vector<200x10000xi1>, vector<200x10000xf32>
    %add3A_380 = arith.addf %add3A_366, %select_n3A_379 : vector<200x10000xf32>
    %get3A_381 = arith.constant 0 : index
    %get3A_382 = arith.constant 27 : index
    %get3A_383 = vector.load %arg2[%get3A_381, %get3A_382] : memref<200x32xi32, #tpu.memory_space<vmem>>, vector<200x1xi32>
    %eq3A_384 = vector.broadcast %get3A_383 : vector<200x1xi32> to vector<200x10000xi32>
    %eq3A_385 = arith.cmpi eq, %iota3A, %eq3A_384 : vector<200x10000xi32>
    %get3A_386 = arith.constant 0 : index
    %get3A_387 = arith.constant 27 : index
    %get3A_388 = vector.load %arg3[%get3A_386, %get3A_387] : memref<200x32xf32, #tpu.memory_space<vmem>>, vector<200x1xf32>
    %jit3A_389 = arith.constant 0.000000e+00 : f32
    %broadcast_in_dim3A_390 = vector.shape_cast %get3A_388 : vector<200x1xf32> to vector<200x1xf32>
    %broadcast_in_dim3A_391 = vector.broadcast %broadcast_in_dim3A_390 : vector<200x1xf32> to vector<200x10000xf32>
    %broadcast_in_dim3A_392 = vector.broadcast %jit3A_389 : f32 to vector<200x10000xf32>
    %select_n3A_393 = arith.select %eq3A_385, %broadcast_in_dim3A_391, %broadcast_in_dim3A_392 : vector<200x10000xi1>, vector<200x10000xf32>
    %add3A_394 = arith.addf %add3A_380, %select_n3A_393 : vector<200x10000xf32>
    %get3A_395 = arith.constant 0 : index
    %get3A_396 = arith.constant 28 : index
    %get3A_397 = vector.load %arg2[%get3A_395, %get3A_396] : memref<200x32xi32, #tpu.memory_space<vmem>>, vector<200x1xi32>
    %eq3A_398 = vector.broadcast %get3A_397 : vector<200x1xi32> to vector<200x10000xi32>
    %eq3A_399 = arith.cmpi eq, %iota3A, %eq3A_398 : vector<200x10000xi32>
    %get3A_400 = arith.constant 0 : index
    %get3A_401 = arith.constant 28 : index
    %get3A_402 = vector.load %arg3[%get3A_400, %get3A_401] : memref<200x32xf32, #tpu.memory_space<vmem>>, vector<200x1xf32>
    %jit3A_403 = arith.constant 0.000000e+00 : f32
    %broadcast_in_dim3A_404 = vector.shape_cast %get3A_402 : vector<200x1xf32> to vector<200x1xf32>
    %broadcast_in_dim3A_405 = vector.broadcast %broadcast_in_dim3A_404 : vector<200x1xf32> to vector<200x10000xf32>
    %broadcast_in_dim3A_406 = vector.broadcast %jit3A_403 : f32 to vector<200x10000xf32>
    %select_n3A_407 = arith.select %eq3A_399, %broadcast_in_dim3A_405, %broadcast_in_dim3A_406 : vector<200x10000xi1>, vector<200x10000xf32>
    %add3A_408 = arith.addf %add3A_394, %select_n3A_407 : vector<200x10000xf32>
    %get3A_409 = arith.constant 0 : index
    %get3A_410 = arith.constant 29 : index
    %get3A_411 = vector.load %arg2[%get3A_409, %get3A_410] : memref<200x32xi32, #tpu.memory_space<vmem>>, vector<200x1xi32>
    %eq3A_412 = vector.broadcast %get3A_411 : vector<200x1xi32> to vector<200x10000xi32>
    %eq3A_413 = arith.cmpi eq, %iota3A, %eq3A_412 : vector<200x10000xi32>
    %get3A_414 = arith.constant 0 : index
    %get3A_415 = arith.constant 29 : index
    %get3A_416 = vector.load %arg3[%get3A_414, %get3A_415] : memref<200x32xf32, #tpu.memory_space<vmem>>, vector<200x1xf32>
    %jit3A_417 = arith.constant 0.000000e+00 : f32
    %broadcast_in_dim3A_418 = vector.shape_cast %get3A_416 : vector<200x1xf32> to vector<200x1xf32>
    %broadcast_in_dim3A_419 = vector.broadcast %broadcast_in_dim3A_418 : vector<200x1xf32> to vector<200x10000xf32>
    %broadcast_in_dim3A_420 = vector.broadcast %jit3A_417 : f32 to vector<200x10000xf32>
    %select_n3A_421 = arith.select %eq3A_413, %broadcast_in_dim3A_419, %broadcast_in_dim3A_420 : vector<200x10000xi1>, vector<200x10000xf32>
    %add3A_422 = arith.addf %add3A_408, %select_n3A_421 : vector<200x10000xf32>
    %get3A_423 = arith.constant 0 : index
    %get3A_424 = arith.constant 30 : index
    %get3A_425 = vector.load %arg2[%get3A_423, %get3A_424] : memref<200x32xi32, #tpu.memory_space<vmem>>, vector<200x1xi32>
    %eq3A_426 = vector.broadcast %get3A_425 : vector<200x1xi32> to vector<200x10000xi32>
    %eq3A_427 = arith.cmpi eq, %iota3A, %eq3A_426 : vector<200x10000xi32>
    %get3A_428 = arith.constant 0 : index
    %get3A_429 = arith.constant 30 : index
    %get3A_430 = vector.load %arg3[%get3A_428, %get3A_429] : memref<200x32xf32, #tpu.memory_space<vmem>>, vector<200x1xf32>
    %jit3A_431 = arith.constant 0.000000e+00 : f32
    %broadcast_in_dim3A_432 = vector.shape_cast %get3A_430 : vector<200x1xf32> to vector<200x1xf32>
    %broadcast_in_dim3A_433 = vector.broadcast %broadcast_in_dim3A_432 : vector<200x1xf32> to vector<200x10000xf32>
    %broadcast_in_dim3A_434 = vector.broadcast %jit3A_431 : f32 to vector<200x10000xf32>
    %select_n3A_435 = arith.select %eq3A_427, %broadcast_in_dim3A_433, %broadcast_in_dim3A_434 : vector<200x10000xi1>, vector<200x10000xf32>
    %add3A_436 = arith.addf %add3A_422, %select_n3A_435 : vector<200x10000xf32>
    %get3A_437 = arith.constant 0 : index
    %get3A_438 = arith.constant 31 : index
    %get3A_439 = vector.load %arg2[%get3A_437, %get3A_438] : memref<200x32xi32, #tpu.memory_space<vmem>>, vector<200x1xi32>
    %eq3A_440 = vector.broadcast %get3A_439 : vector<200x1xi32> to vector<200x10000xi32>
    %eq3A_441 = arith.cmpi eq, %iota3A, %eq3A_440 : vector<200x10000xi32>
    %get3A_442 = arith.constant 0 : index
    %get3A_443 = arith.constant 31 : index
    %get3A_444 = vector.load %arg3[%get3A_442, %get3A_443] : memref<200x32xf32, #tpu.memory_space<vmem>>, vector<200x1xf32>
    %jit3A_445 = arith.constant 0.000000e+00 : f32
    %broadcast_in_dim3A_446 = vector.shape_cast %get3A_444 : vector<200x1xf32> to vector<200x1xf32>
    %broadcast_in_dim3A_447 = vector.broadcast %broadcast_in_dim3A_446 : vector<200x1xf32> to vector<200x10000xf32>
    %broadcast_in_dim3A_448 = vector.broadcast %jit3A_445 : f32 to vector<200x10000xf32>
    %select_n3A_449 = arith.select %eq3A_441, %broadcast_in_dim3A_447, %broadcast_in_dim3A_448 : vector<200x10000xi1>, vector<200x10000xf32>
    %add3A_450 = arith.addf %add3A_436, %select_n3A_449 : vector<200x10000xf32>
    %iota3A_451 = tpu.iota {dimensions = array<i32: 1>} : vector<200x10000xi32>
    %iota3A_452 = tpu.iota {dimensions = array<i32: 1>} : vector<200x32xi32>
    %broadcast_in_dim3A_453 = arith.constant 0x7F800000 : f32
    %broadcast_in_dim3A_454 = vector.broadcast %broadcast_in_dim3A_453 : f32 to vector<200x1xf32>
    %broadcast_in_dim3A_455 = arith.constant -1 : i32
    %broadcast_in_dim3A_456 = vector.broadcast %broadcast_in_dim3A_455 : i32 to vector<200x1xi32>
    %broadcast_in_dim3A_457 = arith.constant 0.000000e+00 : f32
    %broadcast_in_dim3A_458 = vector.broadcast %broadcast_in_dim3A_457 : f32 to vector<200x32xf32>
    %broadcast_in_dim3A_459 = arith.constant 0 : i32
    %broadcast_in_dim3A_460 = vector.broadcast %broadcast_in_dim3A_459 : i32 to vector<200x32xi32>
    %scan3A = arith.constant 0xFF800000 : f32
    %scan3A_461 = arith.constant 0 : i32
    %scan3A_462 = arith.constant 32 : i32
    %scan3A_463 = arith.addi %scan3A_461, %scan3A_462 : i32
    %scan3A_464 = arith.constant 1 : i32
    %scan3A_465:4 = scf.for %scan3A_472 = %scan3A_461 to %scan3A_463 step %scan3A_464 iter_args(%scan3A_473 = %broadcast_in_dim3A_454, %scan3A_474 = %broadcast_in_dim3A_456, %scan3A_475 = %broadcast_in_dim3A_458, %scan3A_476 = %broadcast_in_dim3A_460) -> (vector<200x1xf32>, vector<200x1xi32>, vector<200x32xf32>, vector<200x32xi32>)  : i32 {
      %lt3A = vector.broadcast %scan3A_473 : vector<200x1xf32> to vector<200x10000xf32>
      %lt3A_477 = arith.cmpf olt, %add3A_450, %lt3A : vector<200x10000xf32>
      %eq3A_478 = vector.broadcast %scan3A_473 : vector<200x1xf32> to vector<200x10000xf32>
      %eq3A_479 = arith.cmpf oeq, %add3A_450, %eq3A_478 : vector<200x10000xf32>
      %gt3A = vector.broadcast %scan3A_474 : vector<200x1xi32> to vector<200x10000xi32>
      %gt3A_480 = arith.cmpi sgt, %iota3A_451, %gt3A : vector<200x10000xi32>
      %and3A = arith.andi %eq3A_479, %gt3A_480 : vector<200x10000xi1>
      %or3A = arith.ori %lt3A_477, %and3A : vector<200x10000xi1>
      %broadcast_in_dim3A_481 = vector.broadcast %scan3A : f32 to vector<200x10000xf32>
      %select_n3A_482 = arith.select %or3A, %add3A_450, %broadcast_in_dim3A_481 : vector<200x10000xi1>, vector<200x10000xf32>
      %reduce_max3A = arith.constant dense<0xFF800000> : vector<200xf32>
      %reduce_max3A_483 = vector.multi_reduction <maximumf>, %select_n3A_482, %reduce_max3A [1] : vector<200x10000xf32> to vector<200xf32>
      %broadcast_in_dim3A_484 = vector.shape_cast %reduce_max3A_483 : vector<200xf32> to vector<200x1xf32>
      %eq3A_485 = vector.broadcast %broadcast_in_dim3A_484 : vector<200x1xf32> to vector<200x10000xf32>
      %eq3A_486 = arith.cmpf oeq, %add3A_450, %eq3A_485 : vector<200x10000xf32>
      %lt3A_487 = arith.cmpf olt, %broadcast_in_dim3A_484, %scan3A_473 : vector<200x1xf32>
      %gt3A_488 = vector.broadcast %scan3A_474 : vector<200x1xi32> to vector<200x10000xi32>
      %gt3A_489 = arith.cmpi sgt, %iota3A_451, %gt3A_488 : vector<200x10000xi32>
      %or3A_490 = vector.broadcast %lt3A_487 : vector<200x1xi1> to vector<200x10000xi1>
      %or3A_491 = arith.ori %or3A_490, %gt3A_489 : vector<200x10000xi1>
      %and3A_492 = arith.andi %eq3A_486, %or3A_491 : vector<200x10000xi1>
      %jit3A_493 = arith.constant 10000 : i32
      %broadcast_in_dim3A_494 = vector.broadcast %jit3A_493 : i32 to vector<200x10000xi32>
      %select_n3A_495 = arith.select %and3A_492, %iota3A_451, %broadcast_in_dim3A_494 : vector<200x10000xi1>, vector<200x10000xi32>
      %reduce_min3A = arith.constant dense<2147483647> : vector<200xi32>
      %reduce_min3A_496 = vector.multi_reduction <minsi>, %select_n3A_495, %reduce_min3A [1] : vector<200x10000xi32> to vector<200xi32>
      %broadcast_in_dim3A_497 = vector.shape_cast %reduce_min3A_496 : vector<200xi32> to vector<200x1xi32>
      %eq3A_498 = vector.broadcast %scan3A_472 : i32 to vector<200x32xi32>
      %eq3A_499 = arith.cmpi eq, %iota3A_452, %eq3A_498 : vector<200x32xi32>
      %broadcast_in_dim3A_500 = vector.shape_cast %broadcast_in_dim3A_484 : vector<200x1xf32> to vector<200x1xf32>
      %broadcast_in_dim3A_501 = vector.broadcast %broadcast_in_dim3A_500 : vector<200x1xf32> to vector<200x32xf32>
      %select_n3A_502 = arith.select %eq3A_499, %broadcast_in_dim3A_501, %scan3A_475 : vector<200x32xi1>, vector<200x32xf32>
      %eq3A_503 = vector.broadcast %scan3A_472 : i32 to vector<200x32xi32>
      %eq3A_504 = arith.cmpi eq, %iota3A_452, %eq3A_503 : vector<200x32xi32>
      %broadcast_in_dim3A_505 = vector.shape_cast %broadcast_in_dim3A_497 : vector<200x1xi32> to vector<200x1xi32>
      %broadcast_in_dim3A_506 = vector.broadcast %broadcast_in_dim3A_505 : vector<200x1xi32> to vector<200x32xi32>
      %select_n3A_507 = arith.select %eq3A_504, %broadcast_in_dim3A_506, %scan3A_476 : vector<200x32xi1>, vector<200x32xi32>
      scf.yield %broadcast_in_dim3A_484, %broadcast_in_dim3A_497, %select_n3A_502, %select_n3A_507 : vector<200x1xf32>, vector<200x1xi32>, vector<200x32xf32>, vector<200x32xi32>
    }
    %scan3A_466 = arith.constant 32 : i32
    %swap3A = arith.constant 0 : index
    %swap3A_467 = arith.constant 0 : index
    %swap3A_468 = vector.load %arg5[%swap3A, %swap3A_467] : memref<200x32xf32, #tpu.memory_space<vmem>>, vector<200x32xf32>
    tpu.vector_store %arg5[%swap3A, %swap3A_467], %scan3A_465#2 {strides = array<i32>} : memref<200x32xf32, #tpu.memory_space<vmem>>, vector<200x32xf32>,
    %swap3A_469 = arith.constant 0 : index
    %swap3A_470 = arith.constant 0 : index
    %swap3A_471 = vector.load %arg6[%swap3A_469, %swap3A_470] : memref<200x32xi32, #tpu.memory_space<vmem>>, vector<200x32xi32>
    tpu.vector_store %arg6[%swap3A_469, %swap3A_470], %scan3A_465#3 {strides = array<i32>} : memref<200x32xi32, #tpu.memory_space<vmem>>, vector<200x32xi32>,
    return
  }
  func.func @transform_0(%arg0: i32) -> (i32, i32) {
    %c0_i32 = arith.constant 0 : i32
    %c0_i32_0 = arith.constant 0 : i32
    return %arg0, %c0_i32 : i32, i32
  }
  func.func @transform_1(%arg0: i32) -> (i32, i32) {
    %c0_i32 = arith.constant 0 : i32
    %c0_i32_0 = arith.constant 0 : i32
    return %arg0, %c0_i32 : i32, i32
  }
  func.func @transform_2(%arg0: i32) -> (i32, i32) {
    %c0_i32 = arith.constant 0 : i32
    %c0_i32_0 = arith.constant 0 : i32
    return %arg0, %c0_i32 : i32, i32
  }
  func.func @transform_3(%arg0: i32) -> (i32, i32) {
    %c0_i32 = arith.constant 0 : i32
    %c0_i32_0 = arith.constant 0 : i32
    %c0_i32_1 = arith.constant 0 : i32
    return %c0_i32, %c0_i32_0 : i32, i32
  }
  func.func @transform_4(%arg0: i32) -> (i32, i32) {
    %c0_i32 = arith.constant 0 : i32
    %c0_i32_0 = arith.constant 0 : i32
    return %arg0, %c0_i32 : i32, i32
  }
  func.func @transform_5(%arg0: i32) -> (i32, i32) {
    %c0_i32 = arith.constant 0 : i32
    %c0_i32_0 = arith.constant 0 : i32
    return %arg0, %c0_i32 : i32, i32
  }
}

module attributes {stable_mosaic.version = 14 : i64} {
  func.func @_rel2_body(%arg0: i32, %arg1: memref<200x60xf32, #tpu.memory_space<vmem>>, %arg2: memref<10000x60xf32, #tpu.memory_space<vmem>>, %arg3: memref<200x32xf32, #tpu.memory_space<vmem>>, %arg4: memref<200x32xi32, #tpu.memory_space<vmem>>) attributes {dimension_semantics = [#tpu.dimension_semantics<arbitrary>], iteration_bounds = array<i64: 50>, scalar_prefetch = 0 : i64, scratch_operands = 0 : i64, tpu.core_type = #tpu.core_type<tc>, window_params = [{transform_indices = @transform_0, window_bounds = array<i64: 200, 60>}, {pipeline_mode = #tpu.pipeline_mode<synchronous>, transform_indices = @transform_1, window_bounds = array<i64: 10000, 60>}, {transform_indices = @transform_2, window_bounds = array<i64: 200, 32>}, {transform_indices = @transform_3, window_bounds = array<i64: 200, 32>}]} {
    %get3A = arith.constant 0 : index
    %get3A_0 = arith.constant 0 : index
    %get3A_1 = vector.load %arg1[%get3A, %get3A_0] : memref<200x60xf32, #tpu.memory_space<vmem>>, vector<200x60xf32>
    %get3A_2 = arith.constant 0 : index
    %get3A_3 = arith.constant 0 : index
    %get3A_4 = vector.load %arg2[%get3A_2, %get3A_3] : memref<10000x60xf32, #tpu.memory_space<vmem>>, vector<10000x60xf32>
    %dot_general3A = arith.constant dense<0.000000e+00> : vector<200x10000xf32>
    %dot_general3A_5 = tpu.matmul %get3A_1, %get3A_4, %dot_general3A {dimension_numbers = #tpu.dot_dimension_numbers<[1], [1], [0], [0], [0, 0, 1, 0], [], []>, precision = #tpu.contract_precision<fp32>, transpose_lhs_hint = false} : vector<200x60xf32>, vector<10000x60xf32>, vector<200x10000xf32> -> vector<200x10000xf32>
    %mul3A = arith.constant 0.0166666675 : f32
    %mul3A_6 = vector.broadcast %mul3A : f32 to vector<200x10000xf32>
    %mul3A_7 = arith.mulf %dot_general3A_5, %mul3A_6 : vector<200x10000xf32>
    %iota3A = tpu.iota {dimensions = array<i32: 1>} : vector<200x10000xi32>
    %iota3A_8 = tpu.iota {dimensions = array<i32: 1>} : vector<200x32xi32>
    %broadcast_in_dim3A = arith.constant 0x7F800000 : f32
    %broadcast_in_dim3A_9 = vector.broadcast %broadcast_in_dim3A : f32 to vector<200x1xf32>
    %broadcast_in_dim3A_10 = arith.constant -1 : i32
    %broadcast_in_dim3A_11 = vector.broadcast %broadcast_in_dim3A_10 : i32 to vector<200x1xi32>
    %broadcast_in_dim3A_12 = arith.constant 0.000000e+00 : f32
    %broadcast_in_dim3A_13 = vector.broadcast %broadcast_in_dim3A_12 : f32 to vector<200x32xf32>
    %broadcast_in_dim3A_14 = arith.constant 0 : i32
    %broadcast_in_dim3A_15 = vector.broadcast %broadcast_in_dim3A_14 : i32 to vector<200x32xi32>
    %scan3A = arith.constant 0xFF800000 : f32
    %scan3A_16 = arith.constant 0 : i32
    %scan3A_17 = arith.constant 32 : i32
    %scan3A_18 = arith.addi %scan3A_16, %scan3A_17 : i32
    %scan3A_19 = arith.constant 1 : i32
    %scan3A_20:4 = scf.for %scan3A_27 = %scan3A_16 to %scan3A_18 step %scan3A_19 iter_args(%scan3A_28 = %broadcast_in_dim3A_9, %scan3A_29 = %broadcast_in_dim3A_11, %scan3A_30 = %broadcast_in_dim3A_13, %scan3A_31 = %broadcast_in_dim3A_15) -> (vector<200x1xf32>, vector<200x1xi32>, vector<200x32xf32>, vector<200x32xi32>)  : i32 {
      %lt3A = vector.broadcast %scan3A_28 : vector<200x1xf32> to vector<200x10000xf32>
      %lt3A_32 = arith.cmpf olt, %mul3A_7, %lt3A : vector<200x10000xf32>
      %eq3A = vector.broadcast %scan3A_28 : vector<200x1xf32> to vector<200x10000xf32>
      %eq3A_33 = arith.cmpf oeq, %mul3A_7, %eq3A : vector<200x10000xf32>
      %gt3A = vector.broadcast %scan3A_29 : vector<200x1xi32> to vector<200x10000xi32>
      %gt3A_34 = arith.cmpi sgt, %iota3A, %gt3A : vector<200x10000xi32>
      %and3A = arith.andi %eq3A_33, %gt3A_34 : vector<200x10000xi1>
      %or3A = arith.ori %lt3A_32, %and3A : vector<200x10000xi1>
      %broadcast_in_dim3A_35 = vector.broadcast %scan3A : f32 to vector<200x10000xf32>
      %select_n3A = arith.select %or3A, %mul3A_7, %broadcast_in_dim3A_35 : vector<200x10000xi1>, vector<200x10000xf32>
      %reduce_max3A = arith.constant dense<0xFF800000> : vector<200xf32>
      %reduce_max3A_36 = vector.multi_reduction <maximumf>, %select_n3A, %reduce_max3A [1] : vector<200x10000xf32> to vector<200xf32>
      %broadcast_in_dim3A_37 = vector.shape_cast %reduce_max3A_36 : vector<200xf32> to vector<200x1xf32>
      %eq3A_38 = vector.broadcast %broadcast_in_dim3A_37 : vector<200x1xf32> to vector<200x10000xf32>
      %eq3A_39 = arith.cmpf oeq, %mul3A_7, %eq3A_38 : vector<200x10000xf32>
      %lt3A_40 = arith.cmpf olt, %broadcast_in_dim3A_37, %scan3A_28 : vector<200x1xf32>
      %gt3A_41 = vector.broadcast %scan3A_29 : vector<200x1xi32> to vector<200x10000xi32>
      %gt3A_42 = arith.cmpi sgt, %iota3A, %gt3A_41 : vector<200x10000xi32>
      %or3A_43 = vector.broadcast %lt3A_40 : vector<200x1xi1> to vector<200x10000xi1>
      %or3A_44 = arith.ori %or3A_43, %gt3A_42 : vector<200x10000xi1>
      %and3A_45 = arith.andi %eq3A_39, %or3A_44 : vector<200x10000xi1>
      %jit3A = arith.constant 10000 : i32
      %broadcast_in_dim3A_46 = vector.broadcast %jit3A : i32 to vector<200x10000xi32>
      %select_n3A_47 = arith.select %and3A_45, %iota3A, %broadcast_in_dim3A_46 : vector<200x10000xi1>, vector<200x10000xi32>
      %reduce_min3A = arith.constant dense<2147483647> : vector<200xi32>
      %reduce_min3A_48 = vector.multi_reduction <minsi>, %select_n3A_47, %reduce_min3A [1] : vector<200x10000xi32> to vector<200xi32>
      %broadcast_in_dim3A_49 = vector.shape_cast %reduce_min3A_48 : vector<200xi32> to vector<200x1xi32>
      %eq3A_50 = vector.broadcast %scan3A_27 : i32 to vector<200x32xi32>
      %eq3A_51 = arith.cmpi eq, %iota3A_8, %eq3A_50 : vector<200x32xi32>
      %broadcast_in_dim3A_52 = vector.shape_cast %broadcast_in_dim3A_37 : vector<200x1xf32> to vector<200x1xf32>
      %broadcast_in_dim3A_53 = vector.broadcast %broadcast_in_dim3A_52 : vector<200x1xf32> to vector<200x32xf32>
      %select_n3A_54 = arith.select %eq3A_51, %broadcast_in_dim3A_53, %scan3A_30 : vector<200x32xi1>, vector<200x32xf32>
      %eq3A_55 = vector.broadcast %scan3A_27 : i32 to vector<200x32xi32>
      %eq3A_56 = arith.cmpi eq, %iota3A_8, %eq3A_55 : vector<200x32xi32>
      %broadcast_in_dim3A_57 = vector.shape_cast %broadcast_in_dim3A_49 : vector<200x1xi32> to vector<200x1xi32>
      %broadcast_in_dim3A_58 = vector.broadcast %broadcast_in_dim3A_57 : vector<200x1xi32> to vector<200x32xi32>
      %select_n3A_59 = arith.select %eq3A_56, %broadcast_in_dim3A_58, %scan3A_31 : vector<200x32xi1>, vector<200x32xi32>
      scf.yield %broadcast_in_dim3A_37, %broadcast_in_dim3A_49, %select_n3A_54, %select_n3A_59 : vector<200x1xf32>, vector<200x1xi32>, vector<200x32xf32>, vector<200x32xi32>
    }
    %scan3A_21 = arith.constant 32 : i32
    %swap3A = arith.constant 0 : index
    %swap3A_22 = arith.constant 0 : index
    %swap3A_23 = vector.load %arg3[%swap3A, %swap3A_22] : memref<200x32xf32, #tpu.memory_space<vmem>>, vector<200x32xf32>
    tpu.vector_store %arg3[%swap3A, %swap3A_22], %scan3A_20#2 {strides = array<i32>} : memref<200x32xf32, #tpu.memory_space<vmem>>, vector<200x32xf32>,
    %swap3A_24 = arith.constant 0 : index
    %swap3A_25 = arith.constant 0 : index
    %swap3A_26 = vector.load %arg4[%swap3A_24, %swap3A_25] : memref<200x32xi32, #tpu.memory_space<vmem>>, vector<200x32xi32>
    tpu.vector_store %arg4[%swap3A_24, %swap3A_25], %scan3A_20#3 {strides = array<i32>} : memref<200x32xi32, #tpu.memory_space<vmem>>, vector<200x32xi32>,
    return
  }
  func.func @transform_0(%arg0: i32) -> (i32, i32) {
    %c0_i32 = arith.constant 0 : i32
    %c0_i32_0 = arith.constant 0 : i32
    return %arg0, %c0_i32 : i32, i32
  }
  func.func @transform_1(%arg0: i32) -> (i32, i32) {
    %c0_i32 = arith.constant 0 : i32
    %c0_i32_0 = arith.constant 0 : i32
    %c0_i32_1 = arith.constant 0 : i32
    return %c0_i32, %c0_i32_0 : i32, i32
  }
  func.func @transform_2(%arg0: i32) -> (i32, i32) {
    %c0_i32 = arith.constant 0 : i32
    %c0_i32_0 = arith.constant 0 : i32
    return %arg0, %c0_i32 : i32, i32
  }
  func.func @transform_3(%arg0: i32) -> (i32, i32) {
    %c0_i32 = arith.constant 0 : i32
    %c0_i32_0 = arith.constant 0 : i32
    return %arg0, %c0_i32 : i32, i32
  }
}

module attributes {stable_mosaic.version = 14 : i64} {
  func.func @_hw_body(%arg0: i32, %arg1: memref<2000x128xf32, #tpu.memory_space<vmem>>, %arg2: memref<2000x128xf32, #tpu.memory_space<vmem>>, %arg3: memref<2000x128xf32, #tpu.memory_space<vmem>>, %arg4: memref<2000x128xf32, #tpu.memory_space<vmem>>, %arg5: memref<4x128x128xf32, #tpu.memory_space<vmem>>, %arg6: memref<2000x128xf32, #tpu.memory_space<vmem>>, %arg7: memref<2000x128xf32, #tpu.memory_space<vmem>>, %arg8: memref<2000x128xf32, #tpu.memory_space<vmem>>, %arg9: memref<2000x128xf32, #tpu.memory_space<vmem>>) attributes {dimension_semantics = [#tpu.dimension_semantics<arbitrary>], iteration_bounds = array<i64: 5>, scalar_prefetch = 0 : i64, scratch_operands = 0 : i64, tpu.core_type = #tpu.core_type<tc>, window_params = [{transform_indices = @transform_0, window_bounds = array<i64: 2000, 128>}, {transform_indices = @transform_1, window_bounds = array<i64: 2000, 128>}, {transform_indices = @transform_2, window_bounds = array<i64: 2000, 128>}, {transform_indices = @transform_3, window_bounds = array<i64: 2000, 128>}, {pipeline_mode = #tpu.pipeline_mode<synchronous>, transform_indices = @transform_4, window_bounds = array<i64: 4, 128, 128>}, {transform_indices = @transform_5, window_bounds = array<i64: 2000, 128>}, {transform_indices = @transform_6, window_bounds = array<i64: 2000, 128>}, {transform_indices = @transform_7, window_bounds = array<i64: 2000, 128>}, {transform_indices = @transform_8, window_bounds = array<i64: 2000, 128>}]} {
    %get3A = arith.constant 0 : index
    %get3A_0 = arith.constant 0 : index
    %get3A_1 = arith.constant 0 : index
    %get3A_2 = vector.load %arg5[%get3A, %get3A_0, %get3A_1] : memref<4x128x128xf32, #tpu.memory_space<vmem>>, vector<4x128x128xf32>
    %get3A_3 = arith.constant 0 : index
    %get3A_4 = arith.constant 0 : index
    %get3A_5 = vector.load %arg1[%get3A_3, %get3A_4] : memref<2000x128xf32, #tpu.memory_space<vmem>>, vector<2000x128xf32>
    %slice3A = vector.extract_strided_slice %get3A_2 {offsets = [0, 0, 0], sizes = [1, 128, 128], strides = [1, 1, 1]} : vector<4x128x128xf32> to vector<1x128x128xf32>
    %squeeze3A = vector.shape_cast %slice3A : vector<1x128x128xf32> to vector<128x128xf32>
    %dot_general3A = arith.constant dense<0.000000e+00> : vector<2000x128xf32>
    %dot_general3A_6 = tpu.matmul %get3A_5, %squeeze3A, %dot_general3A {dimension_numbers = #tpu.dot_dimension_numbers<[1], [0], [0], [1], [0, 0, 1, 1], [], []>, precision = #tpu.contract_precision<fp32>, transpose_lhs_hint = false} : vector<2000x128xf32>, vector<128x128xf32>, vector<2000x128xf32> -> vector<2000x128xf32>
    %swap3A = arith.constant 0 : index
    %swap3A_7 = arith.constant 0 : index
    %swap3A_8 = vector.load %arg6[%swap3A, %swap3A_7] : memref<2000x128xf32, #tpu.memory_space<vmem>>, vector<2000x128xf32>
    tpu.vector_store %arg6[%swap3A, %swap3A_7], %dot_general3A_6 {strides = array<i32>} : memref<2000x128xf32, #tpu.memory_space<vmem>>, vector<2000x128xf32>,
    %get3A_9 = arith.constant 0 : index
    %get3A_10 = arith.constant 0 : index
    %get3A_11 = vector.load %arg2[%get3A_9, %get3A_10] : memref<2000x128xf32, #tpu.memory_space<vmem>>, vector<2000x128xf32>
    %slice3A_12 = vector.extract_strided_slice %get3A_2 {offsets = [1, 0, 0], sizes = [1, 128, 128], strides = [1, 1, 1]} : vector<4x128x128xf32> to vector<1x128x128xf32>
    %squeeze3A_13 = vector.shape_cast %slice3A_12 : vector<1x128x128xf32> to vector<128x128xf32>
    %dot_general3A_14 = arith.constant dense<0.000000e+00> : vector<2000x128xf32>
    %dot_general3A_15 = tpu.matmul %get3A_11, %squeeze3A_13, %dot_general3A_14 {dimension_numbers = #tpu.dot_dimension_numbers<[1], [0], [0], [1], [0, 0, 1, 1], [], []>, precision = #tpu.contract_precision<fp32>, transpose_lhs_hint = false} : vector<2000x128xf32>, vector<128x128xf32>, vector<2000x128xf32> -> vector<2000x128xf32>
    %swap3A_16 = arith.constant 0 : index
    %swap3A_17 = arith.constant 0 : index
    %swap3A_18 = vector.load %arg7[%swap3A_16, %swap3A_17] : memref<2000x128xf32, #tpu.memory_space<vmem>>, vector<2000x128xf32>
    tpu.vector_store %arg7[%swap3A_16, %swap3A_17], %dot_general3A_15 {strides = array<i32>} : memref<2000x128xf32, #tpu.memory_space<vmem>>, vector<2000x128xf32>,
    %get3A_19 = arith.constant 0 : index
    %get3A_20 = arith.constant 0 : index
    %get3A_21 = vector.load %arg3[%get3A_19, %get3A_20] : memref<2000x128xf32, #tpu.memory_space<vmem>>, vector<2000x128xf32>
    %slice3A_22 = vector.extract_strided_slice %get3A_2 {offsets = [2, 0, 0], sizes = [1, 128, 128], strides = [1, 1, 1]} : vector<4x128x128xf32> to vector<1x128x128xf32>
    %squeeze3A_23 = vector.shape_cast %slice3A_22 : vector<1x128x128xf32> to vector<128x128xf32>
    %dot_general3A_24 = arith.constant dense<0.000000e+00> : vector<2000x128xf32>
    %dot_general3A_25 = tpu.matmul %get3A_21, %squeeze3A_23, %dot_general3A_24 {dimension_numbers = #tpu.dot_dimension_numbers<[1], [0], [0], [1], [0, 0, 1, 1], [], []>, precision = #tpu.contract_precision<fp32>, transpose_lhs_hint = false} : vector<2000x128xf32>, vector<128x128xf32>, vector<2000x128xf32> -> vector<2000x128xf32>
    %swap3A_26 = arith.constant 0 : index
    %swap3A_27 = arith.constant 0 : index
    %swap3A_28 = vector.load %arg8[%swap3A_26, %swap3A_27] : memref<2000x128xf32, #tpu.memory_space<vmem>>, vector<2000x128xf32>
    tpu.vector_store %arg8[%swap3A_26, %swap3A_27], %dot_general3A_25 {strides = array<i32>} : memref<2000x128xf32, #tpu.memory_space<vmem>>, vector<2000x128xf32>,
    %get3A_29 = arith.constant 0 : index
    %get3A_30 = arith.constant 0 : index
    %get3A_31 = vector.load %arg4[%get3A_29, %get3A_30] : memref<2000x128xf32, #tpu.memory_space<vmem>>, vector<2000x128xf32>
    %slice3A_32 = vector.extract_strided_slice %get3A_2 {offsets = [3, 0, 0], sizes = [1, 128, 128], strides = [1, 1, 1]} : vector<4x128x128xf32> to vector<1x128x128xf32>
    %squeeze3A_33 = vector.shape_cast %slice3A_32 : vector<1x128x128xf32> to vector<128x128xf32>
    %dot_general3A_34 = arith.constant dense<0.000000e+00> : vector<2000x128xf32>
    %dot_general3A_35 = tpu.matmul %get3A_31, %squeeze3A_33, %dot_general3A_34 {dimension_numbers = #tpu.dot_dimension_numbers<[1], [0], [0], [1], [0, 0, 1, 1], [], []>, precision = #tpu.contract_precision<fp32>, transpose_lhs_hint = false} : vector<2000x128xf32>, vector<128x128xf32>, vector<2000x128xf32> -> vector<2000x128xf32>
    %swap3A_36 = arith.constant 0 : index
    %swap3A_37 = arith.constant 0 : index
    %swap3A_38 = vector.load %arg9[%swap3A_36, %swap3A_37] : memref<2000x128xf32, #tpu.memory_space<vmem>>, vector<2000x128xf32>
    tpu.vector_store %arg9[%swap3A_36, %swap3A_37], %dot_general3A_35 {strides = array<i32>} : memref<2000x128xf32, #tpu.memory_space<vmem>>, vector<2000x128xf32>,
    return
  }
  func.func @transform_0(%arg0: i32) -> (i32, i32) {
    %c0_i32 = arith.constant 0 : i32
    %c0_i32_0 = arith.constant 0 : i32
    return %arg0, %c0_i32 : i32, i32
  }
  func.func @transform_1(%arg0: i32) -> (i32, i32) {
    %c0_i32 = arith.constant 0 : i32
    %c0_i32_0 = arith.constant 0 : i32
    return %arg0, %c0_i32 : i32, i32
  }
  func.func @transform_2(%arg0: i32) -> (i32, i32) {
    %c0_i32 = arith.constant 0 : i32
    %c0_i32_0 = arith.constant 0 : i32
    return %arg0, %c0_i32 : i32, i32
  }
  func.func @transform_3(%arg0: i32) -> (i32, i32) {
    %c0_i32 = arith.constant 0 : i32
    %c0_i32_0 = arith.constant 0 : i32
    return %arg0, %c0_i32 : i32, i32
  }
  func.func @transform_4(%arg0: i32) -> (i32, i32, i32) {
    %c0_i32 = arith.constant 0 : i32
    %c0_i32_0 = arith.constant 0 : i32
    %c0_i32_1 = arith.constant 0 : i32
    %c0_i32_2 = arith.constant 0 : i32
    return %c0_i32, %c0_i32_0, %c0_i32_1 : i32, i32, i32
  }
  func.func @transform_5(%arg0: i32) -> (i32, i32) {
    %c0_i32 = arith.constant 0 : i32
    %c0_i32_0 = arith.constant 0 : i32
    return %arg0, %c0_i32 : i32, i32
  }
  func.func @transform_6(%arg0: i32) -> (i32, i32) {
    %c0_i32 = arith.constant 0 : i32
    %c0_i32_0 = arith.constant 0 : i32
    return %arg0, %c0_i32 : i32, i32
  }
  func.func @transform_7(%arg0: i32) -> (i32, i32) {
    %c0_i32 = arith.constant 0 : i32
    %c0_i32_0 = arith.constant 0 : i32
    return %arg0, %c0_i32 : i32, i32
  }
  func.func @transform_8(%arg0: i32) -> (i32, i32) {
    %c0_i32 = arith.constant 0 : i32
    %c0_i32_0 = arith.constant 0 : i32
    return %arg0, %c0_i32 : i32, i32
  }
}

module attributes {stable_mosaic.version = 14 : i64} {
  func.func @_combine_body(%arg0: i32, %arg1: memref<200x128xf32, #tpu.memory_space<vmem>>, %arg2: memref<200x4096xf32, #tpu.memory_space<vmem>>, %arg3: memref<200x32xf32, #tpu.memory_space<vmem>>, %arg4: memref<200x32xf32, #tpu.memory_space<vmem>>, %arg5: memref<2x16xf32, #tpu.memory_space<vmem>>, %arg6: memref<1x16xf32, #tpu.memory_space<vmem>>, %arg7: memref<16x128xf32, #tpu.memory_space<vmem>>, %arg8: memref<1x128xf32, #tpu.memory_space<vmem>>, %arg9: memref<128x128xf32, #tpu.memory_space<vmem>>, %arg10: memref<1x128xf32, #tpu.memory_space<vmem>>, %arg11: memref<1x128xf32, #tpu.memory_space<vmem>>, %arg12: memref<200x128xf32, #tpu.memory_space<vmem>>) attributes {dimension_semantics = [#tpu.dimension_semantics<arbitrary>], iteration_bounds = array<i64: 50>, scalar_prefetch = 0 : i64, scratch_operands = 0 : i64, tpu.core_type = #tpu.core_type<tc>, window_params = [{transform_indices = @transform_0, window_bounds = array<i64: 200, 128>}, {transform_indices = @transform_1, window_bounds = array<i64: 200, 4096>}, {transform_indices = @transform_2, window_bounds = array<i64: 200, 32>}, {transform_indices = @transform_3, window_bounds = array<i64: 200, 32>}, {pipeline_mode = #tpu.pipeline_mode<synchronous>, transform_indices = @transform_4, window_bounds = array<i64: 2, 16>}, {pipeline_mode = #tpu.pipeline_mode<synchronous>, transform_indices = @transform_5, window_bounds = array<i64: 1, 16>}, {pipeline_mode = #tpu.pipeline_mode<synchronous>, transform_indices = @transform_6, window_bounds = array<i64: 16, 128>}, {pipeline_mode = #tpu.pipeline_mode<synchronous>, transform_indices = @transform_7, window_bounds = array<i64: 1, 128>}, {pipeline_mode = #tpu.pipeline_mode<synchronous>, transform_indices = @transform_8, window_bounds = array<i64: 128, 128>}, {pipeline_mode = #tpu.pipeline_mode<synchronous>, transform_indices = @transform_9, window_bounds = array<i64: 1, 128>}, {pipeline_mode = #tpu.pipeline_mode<synchronous>, transform_indices = @transform_10, window_bounds = array<i64: 1, 128>}, {transform_indices = @transform_11, window_bounds = array<i64: 200, 128>}]} {
    %get3A = arith.constant 0 : index
    %get3A_0 = arith.constant 0 : index
    %get3A_1 = vector.load %arg5[%get3A, %get3A_0] : memref<2x16xf32, #tpu.memory_space<vmem>>, vector<1x16xf32>
    %get3A_2 = arith.constant 1 : index
    %get3A_3 = arith.constant 0 : index
    %get3A_4 = vector.load %arg5[%get3A_2, %get3A_3] : memref<2x16xf32, #tpu.memory_space<vmem>>, vector<1x16xf32>
    %get3A_5 = arith.constant 0 : index
    %get3A_6 = arith.constant 0 : index
    %get3A_7 = vector.load %arg6[%get3A_5, %get3A_6] : memref<1x16xf32, #tpu.memory_space<vmem>>, vector<1x16xf32>
    %get3A_8 = arith.constant 0 : index
    %get3A_9 = arith.constant 0 : index
    %get3A_10 = vector.load %arg3[%get3A_8, %get3A_9] : memref<200x32xf32, #tpu.memory_space<vmem>>, vector<200x1xf32>
    %mul3A = vector.broadcast %get3A_10 : vector<200x1xf32> to vector<200x16xf32>
    %mul3A_11 = vector.broadcast %get3A_1 : vector<1x16xf32> to vector<200x16xf32>
    %mul3A_12 = arith.mulf %mul3A, %mul3A_11 : vector<200x16xf32>
    %get3A_13 = arith.constant 0 : index
    %get3A_14 = arith.constant 0 : index
    %get3A_15 = vector.load %arg4[%get3A_13, %get3A_14] : memref<200x32xf32, #tpu.memory_space<vmem>>, vector<200x1xf32>
    %mul3A_16 = vector.broadcast %get3A_15 : vector<200x1xf32> to vector<200x16xf32>
    %mul3A_17 = vector.broadcast %get3A_4 : vector<1x16xf32> to vector<200x16xf32>
    %mul3A_18 = arith.mulf %mul3A_16, %mul3A_17 : vector<200x16xf32>
    %add3A = arith.addf %mul3A_12, %mul3A_18 : vector<200x16xf32>
    %add3A_19 = vector.broadcast %get3A_7 : vector<1x16xf32> to vector<200x16xf32>
    %add3A_20 = arith.addf %add3A, %add3A_19 : vector<200x16xf32>
    %max3A = arith.constant 0.000000e+00 : f32
    %max3A_21 = vector.broadcast %max3A : f32 to vector<200x16xf32>
    %max3A_22 = arith.maximumf %add3A_20, %max3A_21 : vector<200x16xf32>
    %get3A_23 = arith.constant 0 : index
    %get3A_24 = arith.constant 1 : index
    %get3A_25 = vector.load %arg3[%get3A_23, %get3A_24] : memref<200x32xf32, #tpu.memory_space<vmem>>, vector<200x1xf32>
    %mul3A_26 = vector.broadcast %get3A_25 : vector<200x1xf32> to vector<200x16xf32>
    %mul3A_27 = vector.broadcast %get3A_1 : vector<1x16xf32> to vector<200x16xf32>
    %mul3A_28 = arith.mulf %mul3A_26, %mul3A_27 : vector<200x16xf32>
    %get3A_29 = arith.constant 0 : index
    %get3A_30 = arith.constant 1 : index
    %get3A_31 = vector.load %arg4[%get3A_29, %get3A_30] : memref<200x32xf32, #tpu.memory_space<vmem>>, vector<200x1xf32>
    %mul3A_32 = vector.broadcast %get3A_31 : vector<200x1xf32> to vector<200x16xf32>
    %mul3A_33 = vector.broadcast %get3A_4 : vector<1x16xf32> to vector<200x16xf32>
    %mul3A_34 = arith.mulf %mul3A_32, %mul3A_33 : vector<200x16xf32>
    %add3A_35 = arith.addf %mul3A_28, %mul3A_34 : vector<200x16xf32>
    %add3A_36 = vector.broadcast %get3A_7 : vector<1x16xf32> to vector<200x16xf32>
    %add3A_37 = arith.addf %add3A_35, %add3A_36 : vector<200x16xf32>
    %max3A_38 = arith.constant 0.000000e+00 : f32
    %max3A_39 = vector.broadcast %max3A_38 : f32 to vector<200x16xf32>
    %max3A_40 = arith.maximumf %add3A_37, %max3A_39 : vector<200x16xf32>
    %get3A_41 = arith.constant 0 : index
    %get3A_42 = arith.constant 2 : index
    %get3A_43 = vector.load %arg3[%get3A_41, %get3A_42] : memref<200x32xf32, #tpu.memory_space<vmem>>, vector<200x1xf32>
    %mul3A_44 = vector.broadcast %get3A_43 : vector<200x1xf32> to vector<200x16xf32>
    %mul3A_45 = vector.broadcast %get3A_1 : vector<1x16xf32> to vector<200x16xf32>
    %mul3A_46 = arith.mulf %mul3A_44, %mul3A_45 : vector<200x16xf32>
    %get3A_47 = arith.constant 0 : index
    %get3A_48 = arith.constant 2 : index
    %get3A_49 = vector.load %arg4[%get3A_47, %get3A_48] : memref<200x32xf32, #tpu.memory_space<vmem>>, vector<200x1xf32>
    %mul3A_50 = vector.broadcast %get3A_49 : vector<200x1xf32> to vector<200x16xf32>
    %mul3A_51 = vector.broadcast %get3A_4 : vector<1x16xf32> to vector<200x16xf32>
    %mul3A_52 = arith.mulf %mul3A_50, %mul3A_51 : vector<200x16xf32>
    %add3A_53 = arith.addf %mul3A_46, %mul3A_52 : vector<200x16xf32>
    %add3A_54 = vector.broadcast %get3A_7 : vector<1x16xf32> to vector<200x16xf32>
    %add3A_55 = arith.addf %add3A_53, %add3A_54 : vector<200x16xf32>
    %max3A_56 = arith.constant 0.000000e+00 : f32
    %max3A_57 = vector.broadcast %max3A_56 : f32 to vector<200x16xf32>
    %max3A_58 = arith.maximumf %add3A_55, %max3A_57 : vector<200x16xf32>
    %get3A_59 = arith.constant 0 : index
    %get3A_60 = arith.constant 3 : index
    %get3A_61 = vector.load %arg3[%get3A_59, %get3A_60] : memref<200x32xf32, #tpu.memory_space<vmem>>, vector<200x1xf32>
    %mul3A_62 = vector.broadcast %get3A_61 : vector<200x1xf32> to vector<200x16xf32>
    %mul3A_63 = vector.broadcast %get3A_1 : vector<1x16xf32> to vector<200x16xf32>
    %mul3A_64 = arith.mulf %mul3A_62, %mul3A_63 : vector<200x16xf32>
    %get3A_65 = arith.constant 0 : index
    %get3A_66 = arith.constant 3 : index
    %get3A_67 = vector.load %arg4[%get3A_65, %get3A_66] : memref<200x32xf32, #tpu.memory_space<vmem>>, vector<200x1xf32>
    %mul3A_68 = vector.broadcast %get3A_67 : vector<200x1xf32> to vector<200x16xf32>
    %mul3A_69 = vector.broadcast %get3A_4 : vector<1x16xf32> to vector<200x16xf32>
    %mul3A_70 = arith.mulf %mul3A_68, %mul3A_69 : vector<200x16xf32>
    %add3A_71 = arith.addf %mul3A_64, %mul3A_70 : vector<200x16xf32>
    %add3A_72 = vector.broadcast %get3A_7 : vector<1x16xf32> to vector<200x16xf32>
    %add3A_73 = arith.addf %add3A_71, %add3A_72 : vector<200x16xf32>
    %max3A_74 = arith.constant 0.000000e+00 : f32
    %max3A_75 = vector.broadcast %max3A_74 : f32 to vector<200x16xf32>
    %max3A_76 = arith.maximumf %add3A_73, %max3A_75 : vector<200x16xf32>
    %get3A_77 = arith.constant 0 : index
    %get3A_78 = arith.constant 4 : index
    %get3A_79 = vector.load %arg3[%get3A_77, %get3A_78] : memref<200x32xf32, #tpu.memory_space<vmem>>, vector<200x1xf32>
    %mul3A_80 = vector.broadcast %get3A_79 : vector<200x1xf32> to vector<200x16xf32>
    %mul3A_81 = vector.broadcast %get3A_1 : vector<1x16xf32> to vector<200x16xf32>
    %mul3A_82 = arith.mulf %mul3A_80, %mul3A_81 : vector<200x16xf32>
    %get3A_83 = arith.constant 0 : index
    %get3A_84 = arith.constant 4 : index
    %get3A_85 = vector.load %arg4[%get3A_83, %get3A_84] : memref<200x32xf32, #tpu.memory_space<vmem>>, vector<200x1xf32>
    %mul3A_86 = vector.broadcast %get3A_85 : vector<200x1xf32> to vector<200x16xf32>
    %mul3A_87 = vector.broadcast %get3A_4 : vector<1x16xf32> to vector<200x16xf32>
    %mul3A_88 = arith.mulf %mul3A_86, %mul3A_87 : vector<200x16xf32>
    %add3A_89 = arith.addf %mul3A_82, %mul3A_88 : vector<200x16xf32>
    %add3A_90 = vector.broadcast %get3A_7 : vector<1x16xf32> to vector<200x16xf32>
    %add3A_91 = arith.addf %add3A_89, %add3A_90 : vector<200x16xf32>
    %max3A_92 = arith.constant 0.000000e+00 : f32
    %max3A_93 = vector.broadcast %max3A_92 : f32 to vector<200x16xf32>
    %max3A_94 = arith.maximumf %add3A_91, %max3A_93 : vector<200x16xf32>
    %get3A_95 = arith.constant 0 : index
    %get3A_96 = arith.constant 5 : index
    %get3A_97 = vector.load %arg3[%get3A_95, %get3A_96] : memref<200x32xf32, #tpu.memory_space<vmem>>, vector<200x1xf32>
    %mul3A_98 = vector.broadcast %get3A_97 : vector<200x1xf32> to vector<200x16xf32>
    %mul3A_99 = vector.broadcast %get3A_1 : vector<1x16xf32> to vector<200x16xf32>
    %mul3A_100 = arith.mulf %mul3A_98, %mul3A_99 : vector<200x16xf32>
    %get3A_101 = arith.constant 0 : index
    %get3A_102 = arith.constant 5 : index
    %get3A_103 = vector.load %arg4[%get3A_101, %get3A_102] : memref<200x32xf32, #tpu.memory_space<vmem>>, vector<200x1xf32>
    %mul3A_104 = vector.broadcast %get3A_103 : vector<200x1xf32> to vector<200x16xf32>
    %mul3A_105 = vector.broadcast %get3A_4 : vector<1x16xf32> to vector<200x16xf32>
    %mul3A_106 = arith.mulf %mul3A_104, %mul3A_105 : vector<200x16xf32>
    %add3A_107 = arith.addf %mul3A_100, %mul3A_106 : vector<200x16xf32>
    %add3A_108 = vector.broadcast %get3A_7 : vector<1x16xf32> to vector<200x16xf32>
    %add3A_109 = arith.addf %add3A_107, %add3A_108 : vector<200x16xf32>
    %max3A_110 = arith.constant 0.000000e+00 : f32
    %max3A_111 = vector.broadcast %max3A_110 : f32 to vector<200x16xf32>
    %max3A_112 = arith.maximumf %add3A_109, %max3A_111 : vector<200x16xf32>
    %get3A_113 = arith.constant 0 : index
    %get3A_114 = arith.constant 6 : index
    %get3A_115 = vector.load %arg3[%get3A_113, %get3A_114] : memref<200x32xf32, #tpu.memory_space<vmem>>, vector<200x1xf32>
    %mul3A_116 = vector.broadcast %get3A_115 : vector<200x1xf32> to vector<200x16xf32>
    %mul3A_117 = vector.broadcast %get3A_1 : vector<1x16xf32> to vector<200x16xf32>
    %mul3A_118 = arith.mulf %mul3A_116, %mul3A_117 : vector<200x16xf32>
    %get3A_119 = arith.constant 0 : index
    %get3A_120 = arith.constant 6 : index
    %get3A_121 = vector.load %arg4[%get3A_119, %get3A_120] : memref<200x32xf32, #tpu.memory_space<vmem>>, vector<200x1xf32>
    %mul3A_122 = vector.broadcast %get3A_121 : vector<200x1xf32> to vector<200x16xf32>
    %mul3A_123 = vector.broadcast %get3A_4 : vector<1x16xf32> to vector<200x16xf32>
    %mul3A_124 = arith.mulf %mul3A_122, %mul3A_123 : vector<200x16xf32>
    %add3A_125 = arith.addf %mul3A_118, %mul3A_124 : vector<200x16xf32>
    %add3A_126 = vector.broadcast %get3A_7 : vector<1x16xf32> to vector<200x16xf32>
    %add3A_127 = arith.addf %add3A_125, %add3A_126 : vector<200x16xf32>
    %max3A_128 = arith.constant 0.000000e+00 : f32
    %max3A_129 = vector.broadcast %max3A_128 : f32 to vector<200x16xf32>
    %max3A_130 = arith.maximumf %add3A_127, %max3A_129 : vector<200x16xf32>
    %get3A_131 = arith.constant 0 : index
    %get3A_132 = arith.constant 7 : index
    %get3A_133 = vector.load %arg3[%get3A_131, %get3A_132] : memref<200x32xf32, #tpu.memory_space<vmem>>, vector<200x1xf32>
    %mul3A_134 = vector.broadcast %get3A_133 : vector<200x1xf32> to vector<200x16xf32>
    %mul3A_135 = vector.broadcast %get3A_1 : vector<1x16xf32> to vector<200x16xf32>
    %mul3A_136 = arith.mulf %mul3A_134, %mul3A_135 : vector<200x16xf32>
    %get3A_137 = arith.constant 0 : index
    %get3A_138 = arith.constant 7 : index
    %get3A_139 = vector.load %arg4[%get3A_137, %get3A_138] : memref<200x32xf32, #tpu.memory_space<vmem>>, vector<200x1xf32>
    %mul3A_140 = vector.broadcast %get3A_139 : vector<200x1xf32> to vector<200x16xf32>
    %mul3A_141 = vector.broadcast %get3A_4 : vector<1x16xf32> to vector<200x16xf32>
    %mul3A_142 = arith.mulf %mul3A_140, %mul3A_141 : vector<200x16xf32>
    %add3A_143 = arith.addf %mul3A_136, %mul3A_142 : vector<200x16xf32>
    %add3A_144 = vector.broadcast %get3A_7 : vector<1x16xf32> to vector<200x16xf32>
    %add3A_145 = arith.addf %add3A_143, %add3A_144 : vector<200x16xf32>
    %max3A_146 = arith.constant 0.000000e+00 : f32
    %max3A_147 = vector.broadcast %max3A_146 : f32 to vector<200x16xf32>
    %max3A_148 = arith.maximumf %add3A_145, %max3A_147 : vector<200x16xf32>
    %get3A_149 = arith.constant 0 : index
    %get3A_150 = arith.constant 8 : index
    %get3A_151 = vector.load %arg3[%get3A_149, %get3A_150] : memref<200x32xf32, #tpu.memory_space<vmem>>, vector<200x1xf32>
    %mul3A_152 = vector.broadcast %get3A_151 : vector<200x1xf32> to vector<200x16xf32>
    %mul3A_153 = vector.broadcast %get3A_1 : vector<1x16xf32> to vector<200x16xf32>
    %mul3A_154 = arith.mulf %mul3A_152, %mul3A_153 : vector<200x16xf32>
    %get3A_155 = arith.constant 0 : index
    %get3A_156 = arith.constant 8 : index
    %get3A_157 = vector.load %arg4[%get3A_155, %get3A_156] : memref<200x32xf32, #tpu.memory_space<vmem>>, vector<200x1xf32>
    %mul3A_158 = vector.broadcast %get3A_157 : vector<200x1xf32> to vector<200x16xf32>
    %mul3A_159 = vector.broadcast %get3A_4 : vector<1x16xf32> to vector<200x16xf32>
    %mul3A_160 = arith.mulf %mul3A_158, %mul3A_159 : vector<200x16xf32>
    %add3A_161 = arith.addf %mul3A_154, %mul3A_160 : vector<200x16xf32>
    %add3A_162 = vector.broadcast %get3A_7 : vector<1x16xf32> to vector<200x16xf32>
    %add3A_163 = arith.addf %add3A_161, %add3A_162 : vector<200x16xf32>
    %max3A_164 = arith.constant 0.000000e+00 : f32
    %max3A_165 = vector.broadcast %max3A_164 : f32 to vector<200x16xf32>
    %max3A_166 = arith.maximumf %add3A_163, %max3A_165 : vector<200x16xf32>
    %get3A_167 = arith.constant 0 : index
    %get3A_168 = arith.constant 9 : index
    %get3A_169 = vector.load %arg3[%get3A_167, %get3A_168] : memref<200x32xf32, #tpu.memory_space<vmem>>, vector<200x1xf32>
    %mul3A_170 = vector.broadcast %get3A_169 : vector<200x1xf32> to vector<200x16xf32>
    %mul3A_171 = vector.broadcast %get3A_1 : vector<1x16xf32> to vector<200x16xf32>
    %mul3A_172 = arith.mulf %mul3A_170, %mul3A_171 : vector<200x16xf32>
    %get3A_173 = arith.constant 0 : index
    %get3A_174 = arith.constant 9 : index
    %get3A_175 = vector.load %arg4[%get3A_173, %get3A_174] : memref<200x32xf32, #tpu.memory_space<vmem>>, vector<200x1xf32>
    %mul3A_176 = vector.broadcast %get3A_175 : vector<200x1xf32> to vector<200x16xf32>
    %mul3A_177 = vector.broadcast %get3A_4 : vector<1x16xf32> to vector<200x16xf32>
    %mul3A_178 = arith.mulf %mul3A_176, %mul3A_177 : vector<200x16xf32>
    %add3A_179 = arith.addf %mul3A_172, %mul3A_178 : vector<200x16xf32>
    %add3A_180 = vector.broadcast %get3A_7 : vector<1x16xf32> to vector<200x16xf32>
    %add3A_181 = arith.addf %add3A_179, %add3A_180 : vector<200x16xf32>
    %max3A_182 = arith.constant 0.000000e+00 : f32
    %max3A_183 = vector.broadcast %max3A_182 : f32 to vector<200x16xf32>
    %max3A_184 = arith.maximumf %add3A_181, %max3A_183 : vector<200x16xf32>
    %get3A_185 = arith.constant 0 : index
    %get3A_186 = arith.constant 10 : index
    %get3A_187 = vector.load %arg3[%get3A_185, %get3A_186] : memref<200x32xf32, #tpu.memory_space<vmem>>, vector<200x1xf32>
    %mul3A_188 = vector.broadcast %get3A_187 : vector<200x1xf32> to vector<200x16xf32>
    %mul3A_189 = vector.broadcast %get3A_1 : vector<1x16xf32> to vector<200x16xf32>
    %mul3A_190 = arith.mulf %mul3A_188, %mul3A_189 : vector<200x16xf32>
    %get3A_191 = arith.constant 0 : index
    %get3A_192 = arith.constant 10 : index
    %get3A_193 = vector.load %arg4[%get3A_191, %get3A_192] : memref<200x32xf32, #tpu.memory_space<vmem>>, vector<200x1xf32>
    %mul3A_194 = vector.broadcast %get3A_193 : vector<200x1xf32> to vector<200x16xf32>
    %mul3A_195 = vector.broadcast %get3A_4 : vector<1x16xf32> to vector<200x16xf32>
    %mul3A_196 = arith.mulf %mul3A_194, %mul3A_195 : vector<200x16xf32>
    %add3A_197 = arith.addf %mul3A_190, %mul3A_196 : vector<200x16xf32>
    %add3A_198 = vector.broadcast %get3A_7 : vector<1x16xf32> to vector<200x16xf32>
    %add3A_199 = arith.addf %add3A_197, %add3A_198 : vector<200x16xf32>
    %max3A_200 = arith.constant 0.000000e+00 : f32
    %max3A_201 = vector.broadcast %max3A_200 : f32 to vector<200x16xf32>
    %max3A_202 = arith.maximumf %add3A_199, %max3A_201 : vector<200x16xf32>
    %get3A_203 = arith.constant 0 : index
    %get3A_204 = arith.constant 11 : index
    %get3A_205 = vector.load %arg3[%get3A_203, %get3A_204] : memref<200x32xf32, #tpu.memory_space<vmem>>, vector<200x1xf32>
    %mul3A_206 = vector.broadcast %get3A_205 : vector<200x1xf32> to vector<200x16xf32>
    %mul3A_207 = vector.broadcast %get3A_1 : vector<1x16xf32> to vector<200x16xf32>
    %mul3A_208 = arith.mulf %mul3A_206, %mul3A_207 : vector<200x16xf32>
    %get3A_209 = arith.constant 0 : index
    %get3A_210 = arith.constant 11 : index
    %get3A_211 = vector.load %arg4[%get3A_209, %get3A_210] : memref<200x32xf32, #tpu.memory_space<vmem>>, vector<200x1xf32>
    %mul3A_212 = vector.broadcast %get3A_211 : vector<200x1xf32> to vector<200x16xf32>
    %mul3A_213 = vector.broadcast %get3A_4 : vector<1x16xf32> to vector<200x16xf32>
    %mul3A_214 = arith.mulf %mul3A_212, %mul3A_213 : vector<200x16xf32>
    %add3A_215 = arith.addf %mul3A_208, %mul3A_214 : vector<200x16xf32>
    %add3A_216 = vector.broadcast %get3A_7 : vector<1x16xf32> to vector<200x16xf32>
    %add3A_217 = arith.addf %add3A_215, %add3A_216 : vector<200x16xf32>
    %max3A_218 = arith.constant 0.000000e+00 : f32
    %max3A_219 = vector.broadcast %max3A_218 : f32 to vector<200x16xf32>
    %max3A_220 = arith.maximumf %add3A_217, %max3A_219 : vector<200x16xf32>
    %get3A_221 = arith.constant 0 : index
    %get3A_222 = arith.constant 12 : index
    %get3A_223 = vector.load %arg3[%get3A_221, %get3A_222] : memref<200x32xf32, #tpu.memory_space<vmem>>, vector<200x1xf32>
    %mul3A_224 = vector.broadcast %get3A_223 : vector<200x1xf32> to vector<200x16xf32>
    %mul3A_225 = vector.broadcast %get3A_1 : vector<1x16xf32> to vector<200x16xf32>
    %mul3A_226 = arith.mulf %mul3A_224, %mul3A_225 : vector<200x16xf32>
    %get3A_227 = arith.constant 0 : index
    %get3A_228 = arith.constant 12 : index
    %get3A_229 = vector.load %arg4[%get3A_227, %get3A_228] : memref<200x32xf32, #tpu.memory_space<vmem>>, vector<200x1xf32>
    %mul3A_230 = vector.broadcast %get3A_229 : vector<200x1xf32> to vector<200x16xf32>
    %mul3A_231 = vector.broadcast %get3A_4 : vector<1x16xf32> to vector<200x16xf32>
    %mul3A_232 = arith.mulf %mul3A_230, %mul3A_231 : vector<200x16xf32>
    %add3A_233 = arith.addf %mul3A_226, %mul3A_232 : vector<200x16xf32>
    %add3A_234 = vector.broadcast %get3A_7 : vector<1x16xf32> to vector<200x16xf32>
    %add3A_235 = arith.addf %add3A_233, %add3A_234 : vector<200x16xf32>
    %max3A_236 = arith.constant 0.000000e+00 : f32
    %max3A_237 = vector.broadcast %max3A_236 : f32 to vector<200x16xf32>
    %max3A_238 = arith.maximumf %add3A_235, %max3A_237 : vector<200x16xf32>
    %get3A_239 = arith.constant 0 : index
    %get3A_240 = arith.constant 13 : index
    %get3A_241 = vector.load %arg3[%get3A_239, %get3A_240] : memref<200x32xf32, #tpu.memory_space<vmem>>, vector<200x1xf32>
    %mul3A_242 = vector.broadcast %get3A_241 : vector<200x1xf32> to vector<200x16xf32>
    %mul3A_243 = vector.broadcast %get3A_1 : vector<1x16xf32> to vector<200x16xf32>
    %mul3A_244 = arith.mulf %mul3A_242, %mul3A_243 : vector<200x16xf32>
    %get3A_245 = arith.constant 0 : index
    %get3A_246 = arith.constant 13 : index
    %get3A_247 = vector.load %arg4[%get3A_245, %get3A_246] : memref<200x32xf32, #tpu.memory_space<vmem>>, vector<200x1xf32>
    %mul3A_248 = vector.broadcast %get3A_247 : vector<200x1xf32> to vector<200x16xf32>
    %mul3A_249 = vector.broadcast %get3A_4 : vector<1x16xf32> to vector<200x16xf32>
    %mul3A_250 = arith.mulf %mul3A_248, %mul3A_249 : vector<200x16xf32>
    %add3A_251 = arith.addf %mul3A_244, %mul3A_250 : vector<200x16xf32>
    %add3A_252 = vector.broadcast %get3A_7 : vector<1x16xf32> to vector<200x16xf32>
    %add3A_253 = arith.addf %add3A_251, %add3A_252 : vector<200x16xf32>
    %max3A_254 = arith.constant 0.000000e+00 : f32
    %max3A_255 = vector.broadcast %max3A_254 : f32 to vector<200x16xf32>
    %max3A_256 = arith.maximumf %add3A_253, %max3A_255 : vector<200x16xf32>
    %get3A_257 = arith.constant 0 : index
    %get3A_258 = arith.constant 14 : index
    %get3A_259 = vector.load %arg3[%get3A_257, %get3A_258] : memref<200x32xf32, #tpu.memory_space<vmem>>, vector<200x1xf32>
    %mul3A_260 = vector.broadcast %get3A_259 : vector<200x1xf32> to vector<200x16xf32>
    %mul3A_261 = vector.broadcast %get3A_1 : vector<1x16xf32> to vector<200x16xf32>
    %mul3A_262 = arith.mulf %mul3A_260, %mul3A_261 : vector<200x16xf32>
    %get3A_263 = arith.constant 0 : index
    %get3A_264 = arith.constant 14 : index
    %get3A_265 = vector.load %arg4[%get3A_263, %get3A_264] : memref<200x32xf32, #tpu.memory_space<vmem>>, vector<200x1xf32>
    %mul3A_266 = vector.broadcast %get3A_265 : vector<200x1xf32> to vector<200x16xf32>
    %mul3A_267 = vector.broadcast %get3A_4 : vector<1x16xf32> to vector<200x16xf32>
    %mul3A_268 = arith.mulf %mul3A_266, %mul3A_267 : vector<200x16xf32>
    %add3A_269 = arith.addf %mul3A_262, %mul3A_268 : vector<200x16xf32>
    %add3A_270 = vector.broadcast %get3A_7 : vector<1x16xf32> to vector<200x16xf32>
    %add3A_271 = arith.addf %add3A_269, %add3A_270 : vector<200x16xf32>
    %max3A_272 = arith.constant 0.000000e+00 : f32
    %max3A_273 = vector.broadcast %max3A_272 : f32 to vector<200x16xf32>
    %max3A_274 = arith.maximumf %add3A_271, %max3A_273 : vector<200x16xf32>
    %get3A_275 = arith.constant 0 : index
    %get3A_276 = arith.constant 15 : index
    %get3A_277 = vector.load %arg3[%get3A_275, %get3A_276] : memref<200x32xf32, #tpu.memory_space<vmem>>, vector<200x1xf32>
    %mul3A_278 = vector.broadcast %get3A_277 : vector<200x1xf32> to vector<200x16xf32>
    %mul3A_279 = vector.broadcast %get3A_1 : vector<1x16xf32> to vector<200x16xf32>
    %mul3A_280 = arith.mulf %mul3A_278, %mul3A_279 : vector<200x16xf32>
    %get3A_281 = arith.constant 0 : index
    %get3A_282 = arith.constant 15 : index
    %get3A_283 = vector.load %arg4[%get3A_281, %get3A_282] : memref<200x32xf32, #tpu.memory_space<vmem>>, vector<200x1xf32>
    %mul3A_284 = vector.broadcast %get3A_283 : vector<200x1xf32> to vector<200x16xf32>
    %mul3A_285 = vector.broadcast %get3A_4 : vector<1x16xf32> to vector<200x16xf32>
    %mul3A_286 = arith.mulf %mul3A_284, %mul3A_285 : vector<200x16xf32>
    %add3A_287 = arith.addf %mul3A_280, %mul3A_286 : vector<200x16xf32>
    %add3A_288 = vector.broadcast %get3A_7 : vector<1x16xf32> to vector<200x16xf32>
    %add3A_289 = arith.addf %add3A_287, %add3A_288 : vector<200x16xf32>
    %max3A_290 = arith.constant 0.000000e+00 : f32
    %max3A_291 = vector.broadcast %max3A_290 : f32 to vector<200x16xf32>
    %max3A_292 = arith.maximumf %add3A_289, %max3A_291 : vector<200x16xf32>
    %get3A_293 = arith.constant 0 : index
    %get3A_294 = arith.constant 16 : index
    %get3A_295 = vector.load %arg3[%get3A_293, %get3A_294] : memref<200x32xf32, #tpu.memory_space<vmem>>, vector<200x1xf32>
    %mul3A_296 = vector.broadcast %get3A_295 : vector<200x1xf32> to vector<200x16xf32>
    %mul3A_297 = vector.broadcast %get3A_1 : vector<1x16xf32> to vector<200x16xf32>
    %mul3A_298 = arith.mulf %mul3A_296, %mul3A_297 : vector<200x16xf32>
    %get3A_299 = arith.constant 0 : index
    %get3A_300 = arith.constant 16 : index
    %get3A_301 = vector.load %arg4[%get3A_299, %get3A_300] : memref<200x32xf32, #tpu.memory_space<vmem>>, vector<200x1xf32>
    %mul3A_302 = vector.broadcast %get3A_301 : vector<200x1xf32> to vector<200x16xf32>
    %mul3A_303 = vector.broadcast %get3A_4 : vector<1x16xf32> to vector<200x16xf32>
    %mul3A_304 = arith.mulf %mul3A_302, %mul3A_303 : vector<200x16xf32>
    %add3A_305 = arith.addf %mul3A_298, %mul3A_304 : vector<200x16xf32>
    %add3A_306 = vector.broadcast %get3A_7 : vector<1x16xf32> to vector<200x16xf32>
    %add3A_307 = arith.addf %add3A_305, %add3A_306 : vector<200x16xf32>
    %max3A_308 = arith.constant 0.000000e+00 : f32
    %max3A_309 = vector.broadcast %max3A_308 : f32 to vector<200x16xf32>
    %max3A_310 = arith.maximumf %add3A_307, %max3A_309 : vector<200x16xf32>
    %get3A_311 = arith.constant 0 : index
    %get3A_312 = arith.constant 17 : index
    %get3A_313 = vector.load %arg3[%get3A_311, %get3A_312] : memref<200x32xf32, #tpu.memory_space<vmem>>, vector<200x1xf32>
    %mul3A_314 = vector.broadcast %get3A_313 : vector<200x1xf32> to vector<200x16xf32>
    %mul3A_315 = vector.broadcast %get3A_1 : vector<1x16xf32> to vector<200x16xf32>
    %mul3A_316 = arith.mulf %mul3A_314, %mul3A_315 : vector<200x16xf32>
    %get3A_317 = arith.constant 0 : index
    %get3A_318 = arith.constant 17 : index
    %get3A_319 = vector.load %arg4[%get3A_317, %get3A_318] : memref<200x32xf32, #tpu.memory_space<vmem>>, vector<200x1xf32>
    %mul3A_320 = vector.broadcast %get3A_319 : vector<200x1xf32> to vector<200x16xf32>
    %mul3A_321 = vector.broadcast %get3A_4 : vector<1x16xf32> to vector<200x16xf32>
    %mul3A_322 = arith.mulf %mul3A_320, %mul3A_321 : vector<200x16xf32>
    %add3A_323 = arith.addf %mul3A_316, %mul3A_322 : vector<200x16xf32>
    %add3A_324 = vector.broadcast %get3A_7 : vector<1x16xf32> to vector<200x16xf32>
    %add3A_325 = arith.addf %add3A_323, %add3A_324 : vector<200x16xf32>
    %max3A_326 = arith.constant 0.000000e+00 : f32
    %max3A_327 = vector.broadcast %max3A_326 : f32 to vector<200x16xf32>
    %max3A_328 = arith.maximumf %add3A_325, %max3A_327 : vector<200x16xf32>
    %get3A_329 = arith.constant 0 : index
    %get3A_330 = arith.constant 18 : index
    %get3A_331 = vector.load %arg3[%get3A_329, %get3A_330] : memref<200x32xf32, #tpu.memory_space<vmem>>, vector<200x1xf32>
    %mul3A_332 = vector.broadcast %get3A_331 : vector<200x1xf32> to vector<200x16xf32>
    %mul3A_333 = vector.broadcast %get3A_1 : vector<1x16xf32> to vector<200x16xf32>
    %mul3A_334 = arith.mulf %mul3A_332, %mul3A_333 : vector<200x16xf32>
    %get3A_335 = arith.constant 0 : index
    %get3A_336 = arith.constant 18 : index
    %get3A_337 = vector.load %arg4[%get3A_335, %get3A_336] : memref<200x32xf32, #tpu.memory_space<vmem>>, vector<200x1xf32>
    %mul3A_338 = vector.broadcast %get3A_337 : vector<200x1xf32> to vector<200x16xf32>
    %mul3A_339 = vector.broadcast %get3A_4 : vector<1x16xf32> to vector<200x16xf32>
    %mul3A_340 = arith.mulf %mul3A_338, %mul3A_339 : vector<200x16xf32>
    %add3A_341 = arith.addf %mul3A_334, %mul3A_340 : vector<200x16xf32>
    %add3A_342 = vector.broadcast %get3A_7 : vector<1x16xf32> to vector<200x16xf32>
    %add3A_343 = arith.addf %add3A_341, %add3A_342 : vector<200x16xf32>
    %max3A_344 = arith.constant 0.000000e+00 : f32
    %max3A_345 = vector.broadcast %max3A_344 : f32 to vector<200x16xf32>
    %max3A_346 = arith.maximumf %add3A_343, %max3A_345 : vector<200x16xf32>
    %get3A_347 = arith.constant 0 : index
    %get3A_348 = arith.constant 19 : index
    %get3A_349 = vector.load %arg3[%get3A_347, %get3A_348] : memref<200x32xf32, #tpu.memory_space<vmem>>, vector<200x1xf32>
    %mul3A_350 = vector.broadcast %get3A_349 : vector<200x1xf32> to vector<200x16xf32>
    %mul3A_351 = vector.broadcast %get3A_1 : vector<1x16xf32> to vector<200x16xf32>
    %mul3A_352 = arith.mulf %mul3A_350, %mul3A_351 : vector<200x16xf32>
    %get3A_353 = arith.constant 0 : index
    %get3A_354 = arith.constant 19 : index
    %get3A_355 = vector.load %arg4[%get3A_353, %get3A_354] : memref<200x32xf32, #tpu.memory_space<vmem>>, vector<200x1xf32>
    %mul3A_356 = vector.broadcast %get3A_355 : vector<200x1xf32> to vector<200x16xf32>
    %mul3A_357 = vector.broadcast %get3A_4 : vector<1x16xf32> to vector<200x16xf32>
    %mul3A_358 = arith.mulf %mul3A_356, %mul3A_357 : vector<200x16xf32>
    %add3A_359 = arith.addf %mul3A_352, %mul3A_358 : vector<200x16xf32>
    %add3A_360 = vector.broadcast %get3A_7 : vector<1x16xf32> to vector<200x16xf32>
    %add3A_361 = arith.addf %add3A_359, %add3A_360 : vector<200x16xf32>
    %max3A_362 = arith.constant 0.000000e+00 : f32
    %max3A_363 = vector.broadcast %max3A_362 : f32 to vector<200x16xf32>
    %max3A_364 = arith.maximumf %add3A_361, %max3A_363 : vector<200x16xf32>
    %get3A_365 = arith.constant 0 : index
    %get3A_366 = arith.constant 20 : index
    %get3A_367 = vector.load %arg3[%get3A_365, %get3A_366] : memref<200x32xf32, #tpu.memory_space<vmem>>, vector<200x1xf32>
    %mul3A_368 = vector.broadcast %get3A_367 : vector<200x1xf32> to vector<200x16xf32>
    %mul3A_369 = vector.broadcast %get3A_1 : vector<1x16xf32> to vector<200x16xf32>
    %mul3A_370 = arith.mulf %mul3A_368, %mul3A_369 : vector<200x16xf32>
    %get3A_371 = arith.constant 0 : index
    %get3A_372 = arith.constant 20 : index
    %get3A_373 = vector.load %arg4[%get3A_371, %get3A_372] : memref<200x32xf32, #tpu.memory_space<vmem>>, vector<200x1xf32>
    %mul3A_374 = vector.broadcast %get3A_373 : vector<200x1xf32> to vector<200x16xf32>
    %mul3A_375 = vector.broadcast %get3A_4 : vector<1x16xf32> to vector<200x16xf32>
    %mul3A_376 = arith.mulf %mul3A_374, %mul3A_375 : vector<200x16xf32>
    %add3A_377 = arith.addf %mul3A_370, %mul3A_376 : vector<200x16xf32>
    %add3A_378 = vector.broadcast %get3A_7 : vector<1x16xf32> to vector<200x16xf32>
    %add3A_379 = arith.addf %add3A_377, %add3A_378 : vector<200x16xf32>
    %max3A_380 = arith.constant 0.000000e+00 : f32
    %max3A_381 = vector.broadcast %max3A_380 : f32 to vector<200x16xf32>
    %max3A_382 = arith.maximumf %add3A_379, %max3A_381 : vector<200x16xf32>
    %get3A_383 = arith.constant 0 : index
    %get3A_384 = arith.constant 21 : index
    %get3A_385 = vector.load %arg3[%get3A_383, %get3A_384] : memref<200x32xf32, #tpu.memory_space<vmem>>, vector<200x1xf32>
    %mul3A_386 = vector.broadcast %get3A_385 : vector<200x1xf32> to vector<200x16xf32>
    %mul3A_387 = vector.broadcast %get3A_1 : vector<1x16xf32> to vector<200x16xf32>
    %mul3A_388 = arith.mulf %mul3A_386, %mul3A_387 : vector<200x16xf32>
    %get3A_389 = arith.constant 0 : index
    %get3A_390 = arith.constant 21 : index
    %get3A_391 = vector.load %arg4[%get3A_389, %get3A_390] : memref<200x32xf32, #tpu.memory_space<vmem>>, vector<200x1xf32>
    %mul3A_392 = vector.broadcast %get3A_391 : vector<200x1xf32> to vector<200x16xf32>
    %mul3A_393 = vector.broadcast %get3A_4 : vector<1x16xf32> to vector<200x16xf32>
    %mul3A_394 = arith.mulf %mul3A_392, %mul3A_393 : vector<200x16xf32>
    %add3A_395 = arith.addf %mul3A_388, %mul3A_394 : vector<200x16xf32>
    %add3A_396 = vector.broadcast %get3A_7 : vector<1x16xf32> to vector<200x16xf32>
    %add3A_397 = arith.addf %add3A_395, %add3A_396 : vector<200x16xf32>
    %max3A_398 = arith.constant 0.000000e+00 : f32
    %max3A_399 = vector.broadcast %max3A_398 : f32 to vector<200x16xf32>
    %max3A_400 = arith.maximumf %add3A_397, %max3A_399 : vector<200x16xf32>
    %get3A_401 = arith.constant 0 : index
    %get3A_402 = arith.constant 22 : index
    %get3A_403 = vector.load %arg3[%get3A_401, %get3A_402] : memref<200x32xf32, #tpu.memory_space<vmem>>, vector<200x1xf32>
    %mul3A_404 = vector.broadcast %get3A_403 : vector<200x1xf32> to vector<200x16xf32>
    %mul3A_405 = vector.broadcast %get3A_1 : vector<1x16xf32> to vector<200x16xf32>
    %mul3A_406 = arith.mulf %mul3A_404, %mul3A_405 : vector<200x16xf32>
    %get3A_407 = arith.constant 0 : index
    %get3A_408 = arith.constant 22 : index
    %get3A_409 = vector.load %arg4[%get3A_407, %get3A_408] : memref<200x32xf32, #tpu.memory_space<vmem>>, vector<200x1xf32>
    %mul3A_410 = vector.broadcast %get3A_409 : vector<200x1xf32> to vector<200x16xf32>
    %mul3A_411 = vector.broadcast %get3A_4 : vector<1x16xf32> to vector<200x16xf32>
    %mul3A_412 = arith.mulf %mul3A_410, %mul3A_411 : vector<200x16xf32>
    %add3A_413 = arith.addf %mul3A_406, %mul3A_412 : vector<200x16xf32>
    %add3A_414 = vector.broadcast %get3A_7 : vector<1x16xf32> to vector<200x16xf32>
    %add3A_415 = arith.addf %add3A_413, %add3A_414 : vector<200x16xf32>
    %max3A_416 = arith.constant 0.000000e+00 : f32
    %max3A_417 = vector.broadcast %max3A_416 : f32 to vector<200x16xf32>
    %max3A_418 = arith.maximumf %add3A_415, %max3A_417 : vector<200x16xf32>
    %get3A_419 = arith.constant 0 : index
    %get3A_420 = arith.constant 23 : index
    %get3A_421 = vector.load %arg3[%get3A_419, %get3A_420] : memref<200x32xf32, #tpu.memory_space<vmem>>, vector<200x1xf32>
    %mul3A_422 = vector.broadcast %get3A_421 : vector<200x1xf32> to vector<200x16xf32>
    %mul3A_423 = vector.broadcast %get3A_1 : vector<1x16xf32> to vector<200x16xf32>
    %mul3A_424 = arith.mulf %mul3A_422, %mul3A_423 : vector<200x16xf32>
    %get3A_425 = arith.constant 0 : index
    %get3A_426 = arith.constant 23 : index
    %get3A_427 = vector.load %arg4[%get3A_425, %get3A_426] : memref<200x32xf32, #tpu.memory_space<vmem>>, vector<200x1xf32>
    %mul3A_428 = vector.broadcast %get3A_427 : vector<200x1xf32> to vector<200x16xf32>
    %mul3A_429 = vector.broadcast %get3A_4 : vector<1x16xf32> to vector<200x16xf32>
    %mul3A_430 = arith.mulf %mul3A_428, %mul3A_429 : vector<200x16xf32>
    %add3A_431 = arith.addf %mul3A_424, %mul3A_430 : vector<200x16xf32>
    %add3A_432 = vector.broadcast %get3A_7 : vector<1x16xf32> to vector<200x16xf32>
    %add3A_433 = arith.addf %add3A_431, %add3A_432 : vector<200x16xf32>
    %max3A_434 = arith.constant 0.000000e+00 : f32
    %max3A_435 = vector.broadcast %max3A_434 : f32 to vector<200x16xf32>
    %max3A_436 = arith.maximumf %add3A_433, %max3A_435 : vector<200x16xf32>
    %get3A_437 = arith.constant 0 : index
    %get3A_438 = arith.constant 24 : index
    %get3A_439 = vector.load %arg3[%get3A_437, %get3A_438] : memref<200x32xf32, #tpu.memory_space<vmem>>, vector<200x1xf32>
    %mul3A_440 = vector.broadcast %get3A_439 : vector<200x1xf32> to vector<200x16xf32>
    %mul3A_441 = vector.broadcast %get3A_1 : vector<1x16xf32> to vector<200x16xf32>
    %mul3A_442 = arith.mulf %mul3A_440, %mul3A_441 : vector<200x16xf32>
    %get3A_443 = arith.constant 0 : index
    %get3A_444 = arith.constant 24 : index
    %get3A_445 = vector.load %arg4[%get3A_443, %get3A_444] : memref<200x32xf32, #tpu.memory_space<vmem>>, vector<200x1xf32>
    %mul3A_446 = vector.broadcast %get3A_445 : vector<200x1xf32> to vector<200x16xf32>
    %mul3A_447 = vector.broadcast %get3A_4 : vector<1x16xf32> to vector<200x16xf32>
    %mul3A_448 = arith.mulf %mul3A_446, %mul3A_447 : vector<200x16xf32>
    %add3A_449 = arith.addf %mul3A_442, %mul3A_448 : vector<200x16xf32>
    %add3A_450 = vector.broadcast %get3A_7 : vector<1x16xf32> to vector<200x16xf32>
    %add3A_451 = arith.addf %add3A_449, %add3A_450 : vector<200x16xf32>
    %max3A_452 = arith.constant 0.000000e+00 : f32
    %max3A_453 = vector.broadcast %max3A_452 : f32 to vector<200x16xf32>
    %max3A_454 = arith.maximumf %add3A_451, %max3A_453 : vector<200x16xf32>
    %get3A_455 = arith.constant 0 : index
    %get3A_456 = arith.constant 25 : index
    %get3A_457 = vector.load %arg3[%get3A_455, %get3A_456] : memref<200x32xf32, #tpu.memory_space<vmem>>, vector<200x1xf32>
    %mul3A_458 = vector.broadcast %get3A_457 : vector<200x1xf32> to vector<200x16xf32>
    %mul3A_459 = vector.broadcast %get3A_1 : vector<1x16xf32> to vector<200x16xf32>
    %mul3A_460 = arith.mulf %mul3A_458, %mul3A_459 : vector<200x16xf32>
    %get3A_461 = arith.constant 0 : index
    %get3A_462 = arith.constant 25 : index
    %get3A_463 = vector.load %arg4[%get3A_461, %get3A_462] : memref<200x32xf32, #tpu.memory_space<vmem>>, vector<200x1xf32>
    %mul3A_464 = vector.broadcast %get3A_463 : vector<200x1xf32> to vector<200x16xf32>
    %mul3A_465 = vector.broadcast %get3A_4 : vector<1x16xf32> to vector<200x16xf32>
    %mul3A_466 = arith.mulf %mul3A_464, %mul3A_465 : vector<200x16xf32>
    %add3A_467 = arith.addf %mul3A_460, %mul3A_466 : vector<200x16xf32>
    %add3A_468 = vector.broadcast %get3A_7 : vector<1x16xf32> to vector<200x16xf32>
    %add3A_469 = arith.addf %add3A_467, %add3A_468 : vector<200x16xf32>
    %max3A_470 = arith.constant 0.000000e+00 : f32
    %max3A_471 = vector.broadcast %max3A_470 : f32 to vector<200x16xf32>
    %max3A_472 = arith.maximumf %add3A_469, %max3A_471 : vector<200x16xf32>
    %get3A_473 = arith.constant 0 : index
    %get3A_474 = arith.constant 26 : index
    %get3A_475 = vector.load %arg3[%get3A_473, %get3A_474] : memref<200x32xf32, #tpu.memory_space<vmem>>, vector<200x1xf32>
    %mul3A_476 = vector.broadcast %get3A_475 : vector<200x1xf32> to vector<200x16xf32>
    %mul3A_477 = vector.broadcast %get3A_1 : vector<1x16xf32> to vector<200x16xf32>
    %mul3A_478 = arith.mulf %mul3A_476, %mul3A_477 : vector<200x16xf32>
    %get3A_479 = arith.constant 0 : index
    %get3A_480 = arith.constant 26 : index
    %get3A_481 = vector.load %arg4[%get3A_479, %get3A_480] : memref<200x32xf32, #tpu.memory_space<vmem>>, vector<200x1xf32>
    %mul3A_482 = vector.broadcast %get3A_481 : vector<200x1xf32> to vector<200x16xf32>
    %mul3A_483 = vector.broadcast %get3A_4 : vector<1x16xf32> to vector<200x16xf32>
    %mul3A_484 = arith.mulf %mul3A_482, %mul3A_483 : vector<200x16xf32>
    %add3A_485 = arith.addf %mul3A_478, %mul3A_484 : vector<200x16xf32>
    %add3A_486 = vector.broadcast %get3A_7 : vector<1x16xf32> to vector<200x16xf32>
    %add3A_487 = arith.addf %add3A_485, %add3A_486 : vector<200x16xf32>
    %max3A_488 = arith.constant 0.000000e+00 : f32
    %max3A_489 = vector.broadcast %max3A_488 : f32 to vector<200x16xf32>
    %max3A_490 = arith.maximumf %add3A_487, %max3A_489 : vector<200x16xf32>
    %get3A_491 = arith.constant 0 : index
    %get3A_492 = arith.constant 27 : index
    %get3A_493 = vector.load %arg3[%get3A_491, %get3A_492] : memref<200x32xf32, #tpu.memory_space<vmem>>, vector<200x1xf32>
    %mul3A_494 = vector.broadcast %get3A_493 : vector<200x1xf32> to vector<200x16xf32>
    %mul3A_495 = vector.broadcast %get3A_1 : vector<1x16xf32> to vector<200x16xf32>
    %mul3A_496 = arith.mulf %mul3A_494, %mul3A_495 : vector<200x16xf32>
    %get3A_497 = arith.constant 0 : index
    %get3A_498 = arith.constant 27 : index
    %get3A_499 = vector.load %arg4[%get3A_497, %get3A_498] : memref<200x32xf32, #tpu.memory_space<vmem>>, vector<200x1xf32>
    %mul3A_500 = vector.broadcast %get3A_499 : vector<200x1xf32> to vector<200x16xf32>
    %mul3A_501 = vector.broadcast %get3A_4 : vector<1x16xf32> to vector<200x16xf32>
    %mul3A_502 = arith.mulf %mul3A_500, %mul3A_501 : vector<200x16xf32>
    %add3A_503 = arith.addf %mul3A_496, %mul3A_502 : vector<200x16xf32>
    %add3A_504 = vector.broadcast %get3A_7 : vector<1x16xf32> to vector<200x16xf32>
    %add3A_505 = arith.addf %add3A_503, %add3A_504 : vector<200x16xf32>
    %max3A_506 = arith.constant 0.000000e+00 : f32
    %max3A_507 = vector.broadcast %max3A_506 : f32 to vector<200x16xf32>
    %max3A_508 = arith.maximumf %add3A_505, %max3A_507 : vector<200x16xf32>
    %get3A_509 = arith.constant 0 : index
    %get3A_510 = arith.constant 28 : index
    %get3A_511 = vector.load %arg3[%get3A_509, %get3A_510] : memref<200x32xf32, #tpu.memory_space<vmem>>, vector<200x1xf32>
    %mul3A_512 = vector.broadcast %get3A_511 : vector<200x1xf32> to vector<200x16xf32>
    %mul3A_513 = vector.broadcast %get3A_1 : vector<1x16xf32> to vector<200x16xf32>
    %mul3A_514 = arith.mulf %mul3A_512, %mul3A_513 : vector<200x16xf32>
    %get3A_515 = arith.constant 0 : index
    %get3A_516 = arith.constant 28 : index
    %get3A_517 = vector.load %arg4[%get3A_515, %get3A_516] : memref<200x32xf32, #tpu.memory_space<vmem>>, vector<200x1xf32>
    %mul3A_518 = vector.broadcast %get3A_517 : vector<200x1xf32> to vector<200x16xf32>
    %mul3A_519 = vector.broadcast %get3A_4 : vector<1x16xf32> to vector<200x16xf32>
    %mul3A_520 = arith.mulf %mul3A_518, %mul3A_519 : vector<200x16xf32>
    %add3A_521 = arith.addf %mul3A_514, %mul3A_520 : vector<200x16xf32>
    %add3A_522 = vector.broadcast %get3A_7 : vector<1x16xf32> to vector<200x16xf32>
    %add3A_523 = arith.addf %add3A_521, %add3A_522 : vector<200x16xf32>
    %max3A_524 = arith.constant 0.000000e+00 : f32
    %max3A_525 = vector.broadcast %max3A_524 : f32 to vector<200x16xf32>
    %max3A_526 = arith.maximumf %add3A_523, %max3A_525 : vector<200x16xf32>
    %get3A_527 = arith.constant 0 : index
    %get3A_528 = arith.constant 29 : index
    %get3A_529 = vector.load %arg3[%get3A_527, %get3A_528] : memref<200x32xf32, #tpu.memory_space<vmem>>, vector<200x1xf32>
    %mul3A_530 = vector.broadcast %get3A_529 : vector<200x1xf32> to vector<200x16xf32>
    %mul3A_531 = vector.broadcast %get3A_1 : vector<1x16xf32> to vector<200x16xf32>
    %mul3A_532 = arith.mulf %mul3A_530, %mul3A_531 : vector<200x16xf32>
    %get3A_533 = arith.constant 0 : index
    %get3A_534 = arith.constant 29 : index
    %get3A_535 = vector.load %arg4[%get3A_533, %get3A_534] : memref<200x32xf32, #tpu.memory_space<vmem>>, vector<200x1xf32>
    %mul3A_536 = vector.broadcast %get3A_535 : vector<200x1xf32> to vector<200x16xf32>
    %mul3A_537 = vector.broadcast %get3A_4 : vector<1x16xf32> to vector<200x16xf32>
    %mul3A_538 = arith.mulf %mul3A_536, %mul3A_537 : vector<200x16xf32>
    %add3A_539 = arith.addf %mul3A_532, %mul3A_538 : vector<200x16xf32>
    %add3A_540 = vector.broadcast %get3A_7 : vector<1x16xf32> to vector<200x16xf32>
    %add3A_541 = arith.addf %add3A_539, %add3A_540 : vector<200x16xf32>
    %max3A_542 = arith.constant 0.000000e+00 : f32
    %max3A_543 = vector.broadcast %max3A_542 : f32 to vector<200x16xf32>
    %max3A_544 = arith.maximumf %add3A_541, %max3A_543 : vector<200x16xf32>
    %get3A_545 = arith.constant 0 : index
    %get3A_546 = arith.constant 30 : index
    %get3A_547 = vector.load %arg3[%get3A_545, %get3A_546] : memref<200x32xf32, #tpu.memory_space<vmem>>, vector<200x1xf32>
    %mul3A_548 = vector.broadcast %get3A_547 : vector<200x1xf32> to vector<200x16xf32>
    %mul3A_549 = vector.broadcast %get3A_1 : vector<1x16xf32> to vector<200x16xf32>
    %mul3A_550 = arith.mulf %mul3A_548, %mul3A_549 : vector<200x16xf32>
    %get3A_551 = arith.constant 0 : index
    %get3A_552 = arith.constant 30 : index
    %get3A_553 = vector.load %arg4[%get3A_551, %get3A_552] : memref<200x32xf32, #tpu.memory_space<vmem>>, vector<200x1xf32>
    %mul3A_554 = vector.broadcast %get3A_553 : vector<200x1xf32> to vector<200x16xf32>
    %mul3A_555 = vector.broadcast %get3A_4 : vector<1x16xf32> to vector<200x16xf32>
    %mul3A_556 = arith.mulf %mul3A_554, %mul3A_555 : vector<200x16xf32>
    %add3A_557 = arith.addf %mul3A_550, %mul3A_556 : vector<200x16xf32>
    %add3A_558 = vector.broadcast %get3A_7 : vector<1x16xf32> to vector<200x16xf32>
    %add3A_559 = arith.addf %add3A_557, %add3A_558 : vector<200x16xf32>
    %max3A_560 = arith.constant 0.000000e+00 : f32
    %max3A_561 = vector.broadcast %max3A_560 : f32 to vector<200x16xf32>
    %max3A_562 = arith.maximumf %add3A_559, %max3A_561 : vector<200x16xf32>
    %get3A_563 = arith.constant 0 : index
    %get3A_564 = arith.constant 31 : index
    %get3A_565 = vector.load %arg3[%get3A_563, %get3A_564] : memref<200x32xf32, #tpu.memory_space<vmem>>, vector<200x1xf32>
    %mul3A_566 = vector.broadcast %get3A_565 : vector<200x1xf32> to vector<200x16xf32>
    %mul3A_567 = vector.broadcast %get3A_1 : vector<1x16xf32> to vector<200x16xf32>
    %mul3A_568 = arith.mulf %mul3A_566, %mul3A_567 : vector<200x16xf32>
    %get3A_569 = arith.constant 0 : index
    %get3A_570 = arith.constant 31 : index
    %get3A_571 = vector.load %arg4[%get3A_569, %get3A_570] : memref<200x32xf32, #tpu.memory_space<vmem>>, vector<200x1xf32>
    %mul3A_572 = vector.broadcast %get3A_571 : vector<200x1xf32> to vector<200x16xf32>
    %mul3A_573 = vector.broadcast %get3A_4 : vector<1x16xf32> to vector<200x16xf32>
    %mul3A_574 = arith.mulf %mul3A_572, %mul3A_573 : vector<200x16xf32>
    %add3A_575 = arith.addf %mul3A_568, %mul3A_574 : vector<200x16xf32>
    %add3A_576 = vector.broadcast %get3A_7 : vector<1x16xf32> to vector<200x16xf32>
    %add3A_577 = arith.addf %add3A_575, %add3A_576 : vector<200x16xf32>
    %max3A_578 = arith.constant 0.000000e+00 : f32
    %max3A_579 = vector.broadcast %max3A_578 : f32 to vector<200x16xf32>
    %max3A_580 = arith.maximumf %add3A_577, %max3A_579 : vector<200x16xf32>
    %concatenate3A = tpu.concatenate %max3A_22, %max3A_40, %max3A_58, %max3A_76, %max3A_94, %max3A_112, %max3A_130, %max3A_148, %max3A_166, %max3A_184, %max3A_202, %max3A_220, %max3A_238, %max3A_256, %max3A_274, %max3A_292, %max3A_310, %max3A_328, %max3A_346, %max3A_364, %max3A_382, %max3A_400, %max3A_418, %max3A_436, %max3A_454, %max3A_472, %max3A_490, %max3A_508, %max3A_526, %max3A_544, %max3A_562, %max3A_580 in 0 : vector<200x16xf32>, vector<200x16xf32>, vector<200x16xf32>, vector<200x16xf32>, vector<200x16xf32>, vector<200x16xf32>, vector<200x16xf32>, vector<200x16xf32>, vector<200x16xf32>, vector<200x16xf32>, vector<200x16xf32>, vector<200x16xf32>, vector<200x16xf32>, vector<200x16xf32>, vector<200x16xf32>, vector<200x16xf32>, vector<200x16xf32>, vector<200x16xf32>, vector<200x16xf32>, vector<200x16xf32>, vector<200x16xf32>, vector<200x16xf32>, vector<200x16xf32>, vector<200x16xf32>, vector<200x16xf32>, vector<200x16xf32>, vector<200x16xf32>, vector<200x16xf32>, vector<200x16xf32>, vector<200x16xf32>, vector<200x16xf32>, vector<200x16xf32> -> vector<6400x16xf32>
    %get3A_581 = arith.constant 0 : index
    %get3A_582 = arith.constant 0 : index
    %get3A_583 = vector.load %arg7[%get3A_581, %get3A_582] : memref<16x128xf32, #tpu.memory_space<vmem>>, vector<16x128xf32>
    %dot_general3A = arith.constant dense<0.000000e+00> : vector<6400x128xf32>
    %dot_general3A_584 = tpu.matmul %concatenate3A, %get3A_583, %dot_general3A {dimension_numbers = #tpu.dot_dimension_numbers<[1], [0], [0], [1], [0, 0, 1, 1], [], []>, precision = #tpu.contract_precision<fp32>, transpose_lhs_hint = false} : vector<6400x16xf32>, vector<16x128xf32>, vector<6400x128xf32> -> vector<6400x128xf32>
    %get3A_585 = arith.constant 0 : index
    %get3A_586 = arith.constant 0 : index
    %get3A_587 = vector.load %arg8[%get3A_585, %get3A_586] : memref<1x128xf32, #tpu.memory_space<vmem>>, vector<1x128xf32>
    %add3A_588 = vector.broadcast %get3A_587 : vector<1x128xf32> to vector<6400x128xf32>
    %add3A_589 = arith.addf %dot_general3A_584, %add3A_588 : vector<6400x128xf32>
    %neg3A = arith.constant 0.000000e+00 : f32
    %neg3A_590 = vector.broadcast %neg3A : f32 to vector<6400x128xf32>
    %neg3A_591 = arith.subf %neg3A_590, %add3A_589 : vector<6400x128xf32>
    %exp3A = math.exp %neg3A_591 : vector<6400x128xf32>
    %add3A_592 = arith.constant 1.000000e+00 : f32
    %add3A_593 = vector.broadcast %add3A_592 : f32 to vector<6400x128xf32>
    %add3A_594 = arith.addf %add3A_593, %exp3A : vector<6400x128xf32>
    %div3A = arith.constant 1.000000e+00 : f32
    %div3A_595 = vector.broadcast %div3A : f32 to vector<6400x128xf32>
    %div3A_596 = arith.divf %div3A_595, %add3A_594 : vector<6400x128xf32>
    %broadcast_in_dim3A = arith.constant 0.000000e+00 : f32
    %broadcast_in_dim3A_597 = vector.broadcast %broadcast_in_dim3A : f32 to vector<200x128xf32>
    %slice3A = vector.extract_strided_slice %div3A_596 {offsets = [0, 0], sizes = [200, 128], strides = [1, 1]} : vector<6400x128xf32> to vector<200x128xf32>
    %get3A_598 = arith.constant 0 : index
    %get3A_599 = arith.constant 0 : index
    %get3A_600 = vector.load %arg2[%get3A_598, %get3A_599] : memref<200x4096xf32, #tpu.memory_space<vmem>>, vector<200x128xf32>
    %mul3A_601 = arith.mulf %slice3A, %get3A_600 : vector<200x128xf32>
    %add3A_602 = arith.addf %broadcast_in_dim3A_597, %mul3A_601 : vector<200x128xf32>
    %slice3A_603 = vector.extract_strided_slice %div3A_596 {offsets = [200, 0], sizes = [200, 128], strides = [1, 1]} : vector<6400x128xf32> to vector<200x128xf32>
    %get3A_604 = arith.constant 0 : index
    %get3A_605 = arith.constant 128 : index
    %get3A_606 = vector.load %arg2[%get3A_604, %get3A_605] : memref<200x4096xf32, #tpu.memory_space<vmem>>, vector<200x128xf32>
    %mul3A_607 = arith.mulf %slice3A_603, %get3A_606 : vector<200x128xf32>
    %add3A_608 = arith.addf %add3A_602, %mul3A_607 : vector<200x128xf32>
    %slice3A_609 = vector.extract_strided_slice %div3A_596 {offsets = [400, 0], sizes = [200, 128], strides = [1, 1]} : vector<6400x128xf32> to vector<200x128xf32>
    %get3A_610 = arith.constant 0 : index
    %get3A_611 = arith.constant 256 : index
    %get3A_612 = vector.load %arg2[%get3A_610, %get3A_611] : memref<200x4096xf32, #tpu.memory_space<vmem>>, vector<200x128xf32>
    %mul3A_613 = arith.mulf %slice3A_609, %get3A_612 : vector<200x128xf32>
    %add3A_614 = arith.addf %add3A_608, %mul3A_613 : vector<200x128xf32>
    %slice3A_615 = vector.extract_strided_slice %div3A_596 {offsets = [600, 0], sizes = [200, 128], strides = [1, 1]} : vector<6400x128xf32> to vector<200x128xf32>
    %get3A_616 = arith.constant 0 : index
    %get3A_617 = arith.constant 384 : index
    %get3A_618 = vector.load %arg2[%get3A_616, %get3A_617] : memref<200x4096xf32, #tpu.memory_space<vmem>>, vector<200x128xf32>
    %mul3A_619 = arith.mulf %slice3A_615, %get3A_618 : vector<200x128xf32>
    %add3A_620 = arith.addf %add3A_614, %mul3A_619 : vector<200x128xf32>
    %slice3A_621 = vector.extract_strided_slice %div3A_596 {offsets = [800, 0], sizes = [200, 128], strides = [1, 1]} : vector<6400x128xf32> to vector<200x128xf32>
    %get3A_622 = arith.constant 0 : index
    %get3A_623 = arith.constant 512 : index
    %get3A_624 = vector.load %arg2[%get3A_622, %get3A_623] : memref<200x4096xf32, #tpu.memory_space<vmem>>, vector<200x128xf32>
    %mul3A_625 = arith.mulf %slice3A_621, %get3A_624 : vector<200x128xf32>
    %add3A_626 = arith.addf %add3A_620, %mul3A_625 : vector<200x128xf32>
    %slice3A_627 = vector.extract_strided_slice %div3A_596 {offsets = [1000, 0], sizes = [200, 128], strides = [1, 1]} : vector<6400x128xf32> to vector<200x128xf32>
    %get3A_628 = arith.constant 0 : index
    %get3A_629 = arith.constant 640 : index
    %get3A_630 = vector.load %arg2[%get3A_628, %get3A_629] : memref<200x4096xf32, #tpu.memory_space<vmem>>, vector<200x128xf32>
    %mul3A_631 = arith.mulf %slice3A_627, %get3A_630 : vector<200x128xf32>
    %add3A_632 = arith.addf %add3A_626, %mul3A_631 : vector<200x128xf32>
    %slice3A_633 = vector.extract_strided_slice %div3A_596 {offsets = [1200, 0], sizes = [200, 128], strides = [1, 1]} : vector<6400x128xf32> to vector<200x128xf32>
    %get3A_634 = arith.constant 0 : index
    %get3A_635 = arith.constant 768 : index
    %get3A_636 = vector.load %arg2[%get3A_634, %get3A_635] : memref<200x4096xf32, #tpu.memory_space<vmem>>, vector<200x128xf32>
    %mul3A_637 = arith.mulf %slice3A_633, %get3A_636 : vector<200x128xf32>
    %add3A_638 = arith.addf %add3A_632, %mul3A_637 : vector<200x128xf32>
    %slice3A_639 = vector.extract_strided_slice %div3A_596 {offsets = [1400, 0], sizes = [200, 128], strides = [1, 1]} : vector<6400x128xf32> to vector<200x128xf32>
    %get3A_640 = arith.constant 0 : index
    %get3A_641 = arith.constant 896 : index
    %get3A_642 = vector.load %arg2[%get3A_640, %get3A_641] : memref<200x4096xf32, #tpu.memory_space<vmem>>, vector<200x128xf32>
    %mul3A_643 = arith.mulf %slice3A_639, %get3A_642 : vector<200x128xf32>
    %add3A_644 = arith.addf %add3A_638, %mul3A_643 : vector<200x128xf32>
    %slice3A_645 = vector.extract_strided_slice %div3A_596 {offsets = [1600, 0], sizes = [200, 128], strides = [1, 1]} : vector<6400x128xf32> to vector<200x128xf32>
    %get3A_646 = arith.constant 0 : index
    %get3A_647 = arith.constant 1024 : index
    %get3A_648 = vector.load %arg2[%get3A_646, %get3A_647] : memref<200x4096xf32, #tpu.memory_space<vmem>>, vector<200x128xf32>
    %mul3A_649 = arith.mulf %slice3A_645, %get3A_648 : vector<200x128xf32>
    %add3A_650 = arith.addf %add3A_644, %mul3A_649 : vector<200x128xf32>
    %slice3A_651 = vector.extract_strided_slice %div3A_596 {offsets = [1800, 0], sizes = [200, 128], strides = [1, 1]} : vector<6400x128xf32> to vector<200x128xf32>
    %get3A_652 = arith.constant 0 : index
    %get3A_653 = arith.constant 1152 : index
    %get3A_654 = vector.load %arg2[%get3A_652, %get3A_653] : memref<200x4096xf32, #tpu.memory_space<vmem>>, vector<200x128xf32>
    %mul3A_655 = arith.mulf %slice3A_651, %get3A_654 : vector<200x128xf32>
    %add3A_656 = arith.addf %add3A_650, %mul3A_655 : vector<200x128xf32>
    %slice3A_657 = vector.extract_strided_slice %div3A_596 {offsets = [2000, 0], sizes = [200, 128], strides = [1, 1]} : vector<6400x128xf32> to vector<200x128xf32>
    %get3A_658 = arith.constant 0 : index
    %get3A_659 = arith.constant 1280 : index
    %get3A_660 = vector.load %arg2[%get3A_658, %get3A_659] : memref<200x4096xf32, #tpu.memory_space<vmem>>, vector<200x128xf32>
    %mul3A_661 = arith.mulf %slice3A_657, %get3A_660 : vector<200x128xf32>
    %add3A_662 = arith.addf %add3A_656, %mul3A_661 : vector<200x128xf32>
    %slice3A_663 = vector.extract_strided_slice %div3A_596 {offsets = [2200, 0], sizes = [200, 128], strides = [1, 1]} : vector<6400x128xf32> to vector<200x128xf32>
    %get3A_664 = arith.constant 0 : index
    %get3A_665 = arith.constant 1408 : index
    %get3A_666 = vector.load %arg2[%get3A_664, %get3A_665] : memref<200x4096xf32, #tpu.memory_space<vmem>>, vector<200x128xf32>
    %mul3A_667 = arith.mulf %slice3A_663, %get3A_666 : vector<200x128xf32>
    %add3A_668 = arith.addf %add3A_662, %mul3A_667 : vector<200x128xf32>
    %slice3A_669 = vector.extract_strided_slice %div3A_596 {offsets = [2400, 0], sizes = [200, 128], strides = [1, 1]} : vector<6400x128xf32> to vector<200x128xf32>
    %get3A_670 = arith.constant 0 : index
    %get3A_671 = arith.constant 1536 : index
    %get3A_672 = vector.load %arg2[%get3A_670, %get3A_671] : memref<200x4096xf32, #tpu.memory_space<vmem>>, vector<200x128xf32>
    %mul3A_673 = arith.mulf %slice3A_669, %get3A_672 : vector<200x128xf32>
    %add3A_674 = arith.addf %add3A_668, %mul3A_673 : vector<200x128xf32>
    %slice3A_675 = vector.extract_strided_slice %div3A_596 {offsets = [2600, 0], sizes = [200, 128], strides = [1, 1]} : vector<6400x128xf32> to vector<200x128xf32>
    %get3A_676 = arith.constant 0 : index
    %get3A_677 = arith.constant 1664 : index
    %get3A_678 = vector.load %arg2[%get3A_676, %get3A_677] : memref<200x4096xf32, #tpu.memory_space<vmem>>, vector<200x128xf32>
    %mul3A_679 = arith.mulf %slice3A_675, %get3A_678 : vector<200x128xf32>
    %add3A_680 = arith.addf %add3A_674, %mul3A_679 : vector<200x128xf32>
    %slice3A_681 = vector.extract_strided_slice %div3A_596 {offsets = [2800, 0], sizes = [200, 128], strides = [1, 1]} : vector<6400x128xf32> to vector<200x128xf32>
    %get3A_682 = arith.constant 0 : index
    %get3A_683 = arith.constant 1792 : index
    %get3A_684 = vector.load %arg2[%get3A_682, %get3A_683] : memref<200x4096xf32, #tpu.memory_space<vmem>>, vector<200x128xf32>
    %mul3A_685 = arith.mulf %slice3A_681, %get3A_684 : vector<200x128xf32>
    %add3A_686 = arith.addf %add3A_680, %mul3A_685 : vector<200x128xf32>
    %slice3A_687 = vector.extract_strided_slice %div3A_596 {offsets = [3000, 0], sizes = [200, 128], strides = [1, 1]} : vector<6400x128xf32> to vector<200x128xf32>
    %get3A_688 = arith.constant 0 : index
    %get3A_689 = arith.constant 1920 : index
    %get3A_690 = vector.load %arg2[%get3A_688, %get3A_689] : memref<200x4096xf32, #tpu.memory_space<vmem>>, vector<200x128xf32>
    %mul3A_691 = arith.mulf %slice3A_687, %get3A_690 : vector<200x128xf32>
    %add3A_692 = arith.addf %add3A_686, %mul3A_691 : vector<200x128xf32>
    %slice3A_693 = vector.extract_strided_slice %div3A_596 {offsets = [3200, 0], sizes = [200, 128], strides = [1, 1]} : vector<6400x128xf32> to vector<200x128xf32>
    %get3A_694 = arith.constant 0 : index
    %get3A_695 = arith.constant 2048 : index
    %get3A_696 = vector.load %arg2[%get3A_694, %get3A_695] : memref<200x4096xf32, #tpu.memory_space<vmem>>, vector<200x128xf32>
    %mul3A_697 = arith.mulf %slice3A_693, %get3A_696 : vector<200x128xf32>
    %add3A_698 = arith.addf %add3A_692, %mul3A_697 : vector<200x128xf32>
    %slice3A_699 = vector.extract_strided_slice %div3A_596 {offsets = [3400, 0], sizes = [200, 128], strides = [1, 1]} : vector<6400x128xf32> to vector<200x128xf32>
    %get3A_700 = arith.constant 0 : index
    %get3A_701 = arith.constant 2176 : index
    %get3A_702 = vector.load %arg2[%get3A_700, %get3A_701] : memref<200x4096xf32, #tpu.memory_space<vmem>>, vector<200x128xf32>
    %mul3A_703 = arith.mulf %slice3A_699, %get3A_702 : vector<200x128xf32>
    %add3A_704 = arith.addf %add3A_698, %mul3A_703 : vector<200x128xf32>
    %slice3A_705 = vector.extract_strided_slice %div3A_596 {offsets = [3600, 0], sizes = [200, 128], strides = [1, 1]} : vector<6400x128xf32> to vector<200x128xf32>
    %get3A_706 = arith.constant 0 : index
    %get3A_707 = arith.constant 2304 : index
    %get3A_708 = vector.load %arg2[%get3A_706, %get3A_707] : memref<200x4096xf32, #tpu.memory_space<vmem>>, vector<200x128xf32>
    %mul3A_709 = arith.mulf %slice3A_705, %get3A_708 : vector<200x128xf32>
    %add3A_710 = arith.addf %add3A_704, %mul3A_709 : vector<200x128xf32>
    %slice3A_711 = vector.extract_strided_slice %div3A_596 {offsets = [3800, 0], sizes = [200, 128], strides = [1, 1]} : vector<6400x128xf32> to vector<200x128xf32>
    %get3A_712 = arith.constant 0 : index
    %get3A_713 = arith.constant 2432 : index
    %get3A_714 = vector.load %arg2[%get3A_712, %get3A_713] : memref<200x4096xf32, #tpu.memory_space<vmem>>, vector<200x128xf32>
    %mul3A_715 = arith.mulf %slice3A_711, %get3A_714 : vector<200x128xf32>
    %add3A_716 = arith.addf %add3A_710, %mul3A_715 : vector<200x128xf32>
    %slice3A_717 = vector.extract_strided_slice %div3A_596 {offsets = [4000, 0], sizes = [200, 128], strides = [1, 1]} : vector<6400x128xf32> to vector<200x128xf32>
    %get3A_718 = arith.constant 0 : index
    %get3A_719 = arith.constant 2560 : index
    %get3A_720 = vector.load %arg2[%get3A_718, %get3A_719] : memref<200x4096xf32, #tpu.memory_space<vmem>>, vector<200x128xf32>
    %mul3A_721 = arith.mulf %slice3A_717, %get3A_720 : vector<200x128xf32>
    %add3A_722 = arith.addf %add3A_716, %mul3A_721 : vector<200x128xf32>
    %slice3A_723 = vector.extract_strided_slice %div3A_596 {offsets = [4200, 0], sizes = [200, 128], strides = [1, 1]} : vector<6400x128xf32> to vector<200x128xf32>
    %get3A_724 = arith.constant 0 : index
    %get3A_725 = arith.constant 2688 : index
    %get3A_726 = vector.load %arg2[%get3A_724, %get3A_725] : memref<200x4096xf32, #tpu.memory_space<vmem>>, vector<200x128xf32>
    %mul3A_727 = arith.mulf %slice3A_723, %get3A_726 : vector<200x128xf32>
    %add3A_728 = arith.addf %add3A_722, %mul3A_727 : vector<200x128xf32>
    %slice3A_729 = vector.extract_strided_slice %div3A_596 {offsets = [4400, 0], sizes = [200, 128], strides = [1, 1]} : vector<6400x128xf32> to vector<200x128xf32>
    %get3A_730 = arith.constant 0 : index
    %get3A_731 = arith.constant 2816 : index
    %get3A_732 = vector.load %arg2[%get3A_730, %get3A_731] : memref<200x4096xf32, #tpu.memory_space<vmem>>, vector<200x128xf32>
    %mul3A_733 = arith.mulf %slice3A_729, %get3A_732 : vector<200x128xf32>
    %add3A_734 = arith.addf %add3A_728, %mul3A_733 : vector<200x128xf32>
    %slice3A_735 = vector.extract_strided_slice %div3A_596 {offsets = [4600, 0], sizes = [200, 128], strides = [1, 1]} : vector<6400x128xf32> to vector<200x128xf32>
    %get3A_736 = arith.constant 0 : index
    %get3A_737 = arith.constant 2944 : index
    %get3A_738 = vector.load %arg2[%get3A_736, %get3A_737] : memref<200x4096xf32, #tpu.memory_space<vmem>>, vector<200x128xf32>
    %mul3A_739 = arith.mulf %slice3A_735, %get3A_738 : vector<200x128xf32>
    %add3A_740 = arith.addf %add3A_734, %mul3A_739 : vector<200x128xf32>
    %slice3A_741 = vector.extract_strided_slice %div3A_596 {offsets = [4800, 0], sizes = [200, 128], strides = [1, 1]} : vector<6400x128xf32> to vector<200x128xf32>
    %get3A_742 = arith.constant 0 : index
    %get3A_743 = arith.constant 3072 : index
    %get3A_744 = vector.load %arg2[%get3A_742, %get3A_743] : memref<200x4096xf32, #tpu.memory_space<vmem>>, vector<200x128xf32>
    %mul3A_745 = arith.mulf %slice3A_741, %get3A_744 : vector<200x128xf32>
    %add3A_746 = arith.addf %add3A_740, %mul3A_745 : vector<200x128xf32>
    %slice3A_747 = vector.extract_strided_slice %div3A_596 {offsets = [5000, 0], sizes = [200, 128], strides = [1, 1]} : vector<6400x128xf32> to vector<200x128xf32>
    %get3A_748 = arith.constant 0 : index
    %get3A_749 = arith.constant 3200 : index
    %get3A_750 = vector.load %arg2[%get3A_748, %get3A_749] : memref<200x4096xf32, #tpu.memory_space<vmem>>, vector<200x128xf32>
    %mul3A_751 = arith.mulf %slice3A_747, %get3A_750 : vector<200x128xf32>
    %add3A_752 = arith.addf %add3A_746, %mul3A_751 : vector<200x128xf32>
    %slice3A_753 = vector.extract_strided_slice %div3A_596 {offsets = [5200, 0], sizes = [200, 128], strides = [1, 1]} : vector<6400x128xf32> to vector<200x128xf32>
    %get3A_754 = arith.constant 0 : index
    %get3A_755 = arith.constant 3328 : index
    %get3A_756 = vector.load %arg2[%get3A_754, %get3A_755] : memref<200x4096xf32, #tpu.memory_space<vmem>>, vector<200x128xf32>
    %mul3A_757 = arith.mulf %slice3A_753, %get3A_756 : vector<200x128xf32>
    %add3A_758 = arith.addf %add3A_752, %mul3A_757 : vector<200x128xf32>
    %slice3A_759 = vector.extract_strided_slice %div3A_596 {offsets = [5400, 0], sizes = [200, 128], strides = [1, 1]} : vector<6400x128xf32> to vector<200x128xf32>
    %get3A_760 = arith.constant 0 : index
    %get3A_761 = arith.constant 3456 : index
    %get3A_762 = vector.load %arg2[%get3A_760, %get3A_761] : memref<200x4096xf32, #tpu.memory_space<vmem>>, vector<200x128xf32>
    %mul3A_763 = arith.mulf %slice3A_759, %get3A_762 : vector<200x128xf32>
    %add3A_764 = arith.addf %add3A_758, %mul3A_763 : vector<200x128xf32>
    %slice3A_765 = vector.extract_strided_slice %div3A_596 {offsets = [5600, 0], sizes = [200, 128], strides = [1, 1]} : vector<6400x128xf32> to vector<200x128xf32>
    %get3A_766 = arith.constant 0 : index
    %get3A_767 = arith.constant 3584 : index
    %get3A_768 = vector.load %arg2[%get3A_766, %get3A_767] : memref<200x4096xf32, #tpu.memory_space<vmem>>, vector<200x128xf32>
    %mul3A_769 = arith.mulf %slice3A_765, %get3A_768 : vector<200x128xf32>
    %add3A_770 = arith.addf %add3A_764, %mul3A_769 : vector<200x128xf32>
    %slice3A_771 = vector.extract_strided_slice %div3A_596 {offsets = [5800, 0], sizes = [200, 128], strides = [1, 1]} : vector<6400x128xf32> to vector<200x128xf32>
    %get3A_772 = arith.constant 0 : index
    %get3A_773 = arith.constant 3712 : index
    %get3A_774 = vector.load %arg2[%get3A_772, %get3A_773] : memref<200x4096xf32, #tpu.memory_space<vmem>>, vector<200x128xf32>
    %mul3A_775 = arith.mulf %slice3A_771, %get3A_774 : vector<200x128xf32>
    %add3A_776 = arith.addf %add3A_770, %mul3A_775 : vector<200x128xf32>
    %slice3A_777 = vector.extract_strided_slice %div3A_596 {offsets = [6000, 0], sizes = [200, 128], strides = [1, 1]} : vector<6400x128xf32> to vector<200x128xf32>
    %get3A_778 = arith.constant 0 : index
    %get3A_779 = arith.constant 3840 : index
    %get3A_780 = vector.load %arg2[%get3A_778, %get3A_779] : memref<200x4096xf32, #tpu.memory_space<vmem>>, vector<200x128xf32>
    %mul3A_781 = arith.mulf %slice3A_777, %get3A_780 : vector<200x128xf32>
    %add3A_782 = arith.addf %add3A_776, %mul3A_781 : vector<200x128xf32>
    %slice3A_783 = vector.extract_strided_slice %div3A_596 {offsets = [6200, 0], sizes = [200, 128], strides = [1, 1]} : vector<6400x128xf32> to vector<200x128xf32>
    %get3A_784 = arith.constant 0 : index
    %get3A_785 = arith.constant 3968 : index
    %get3A_786 = vector.load %arg2[%get3A_784, %get3A_785] : memref<200x4096xf32, #tpu.memory_space<vmem>>, vector<200x128xf32>
    %mul3A_787 = arith.mulf %slice3A_783, %get3A_786 : vector<200x128xf32>
    %add3A_788 = arith.addf %add3A_782, %mul3A_787 : vector<200x128xf32>
    %get3A_789 = arith.constant 0 : index
    %get3A_790 = arith.constant 0 : index
    %get3A_791 = vector.load %arg4[%get3A_789, %get3A_790] : memref<200x32xf32, #tpu.memory_space<vmem>>, vector<200x32xf32>
    %reduce_sum3A = arith.constant dense<0.000000e+00> : vector<200xf32>
    %reduce_sum3A_792 = vector.multi_reduction <add>, %get3A_791, %reduce_sum3A [1] : vector<200x32xf32> to vector<200xf32>
    %broadcast_in_dim3A_793 = vector.shape_cast %reduce_sum3A_792 : vector<200xf32> to vector<200x1xf32>
    %max3A_794 = arith.constant 1.000000e+00 : f32
    %max3A_795 = vector.broadcast %max3A_794 : f32 to vector<200x1xf32>
    %max3A_796 = arith.maximumf %broadcast_in_dim3A_793, %max3A_795 : vector<200x1xf32>
    %div3A_797 = vector.broadcast %max3A_796 : vector<200x1xf32> to vector<200x128xf32>
    %div3A_798 = arith.divf %add3A_788, %div3A_797 : vector<200x128xf32>
    %get3A_799 = arith.constant 0 : index
    %get3A_800 = arith.constant 0 : index
    %get3A_801 = vector.load %arg1[%get3A_799, %get3A_800] : memref<200x128xf32, #tpu.memory_space<vmem>>, vector<200x128xf32>
    %get3A_802 = arith.constant 0 : index
    %get3A_803 = arith.constant 0 : index
    %get3A_804 = vector.load %arg9[%get3A_802, %get3A_803] : memref<128x128xf32, #tpu.memory_space<vmem>>, vector<128x128xf32>
    %dot_general3A_805 = arith.constant dense<0.000000e+00> : vector<200x128xf32>
    %dot_general3A_806 = tpu.matmul %div3A_798, %get3A_804, %dot_general3A_805 {dimension_numbers = #tpu.dot_dimension_numbers<[1], [0], [0], [1], [0, 0, 1, 1], [], []>, precision = #tpu.contract_precision<fp32>, transpose_lhs_hint = false} : vector<200x128xf32>, vector<128x128xf32>, vector<200x128xf32> -> vector<200x128xf32>
    %max3A_807 = arith.constant 0.000000e+00 : f32
    %max3A_808 = vector.broadcast %max3A_807 : f32 to vector<200x128xf32>
    %max3A_809 = arith.maximumf %dot_general3A_806, %max3A_808 : vector<200x128xf32>
    %add3A_810 = arith.addf %get3A_801, %max3A_809 : vector<200x128xf32>
    %reduce_sum3A_811 = arith.constant dense<0.000000e+00> : vector<200xf32>
    %reduce_sum3A_812 = vector.multi_reduction <add>, %add3A_810, %reduce_sum3A_811 [1] : vector<200x128xf32> to vector<200xf32>
    %broadcast_in_dim3A_813 = vector.shape_cast %reduce_sum3A_812 : vector<200xf32> to vector<200x1xf32>
    %div3A_814 = arith.constant 1.280000e+02 : f32
    %div3A_815 = vector.broadcast %div3A_814 : f32 to vector<200x1xf32>
    %div3A_816 = arith.divf %broadcast_in_dim3A_813, %div3A_815 : vector<200x1xf32>
    %sub3A = vector.broadcast %div3A_816 : vector<200x1xf32> to vector<200x128xf32>
    %sub3A_817 = arith.subf %add3A_810, %sub3A : vector<200x128xf32>
    %mul3A_818 = arith.mulf %sub3A_817, %sub3A_817 : vector<200x128xf32>
    %reduce_sum3A_819 = arith.constant dense<0.000000e+00> : vector<200xf32>
    %reduce_sum3A_820 = vector.multi_reduction <add>, %mul3A_818, %reduce_sum3A_819 [1] : vector<200x128xf32> to vector<200xf32>
    %broadcast_in_dim3A_821 = vector.shape_cast %reduce_sum3A_820 : vector<200xf32> to vector<200x1xf32>
    %div3A_822 = arith.constant 1.280000e+02 : f32
    %div3A_823 = vector.broadcast %div3A_822 : f32 to vector<200x1xf32>
    %div3A_824 = arith.divf %broadcast_in_dim3A_821, %div3A_823 : vector<200x1xf32>
    %add3A_825 = arith.constant 9.99999974E-6 : f32
    %add3A_826 = vector.broadcast %add3A_825 : f32 to vector<200x1xf32>
    %add3A_827 = arith.addf %div3A_824, %add3A_826 : vector<200x1xf32>
    %sqrt3A = math.sqrt %add3A_827 : vector<200x1xf32>
    %div3A_828 = vector.broadcast %sqrt3A : vector<200x1xf32> to vector<200x128xf32>
    %div3A_829 = arith.divf %sub3A_817, %div3A_828 : vector<200x128xf32>
    %get3A_830 = arith.constant 0 : index
    %get3A_831 = arith.constant 0 : index
    %get3A_832 = vector.load %arg10[%get3A_830, %get3A_831] : memref<1x128xf32, #tpu.memory_space<vmem>>, vector<1x128xf32>
    %mul3A_833 = vector.broadcast %get3A_832 : vector<1x128xf32> to vector<200x128xf32>
    %mul3A_834 = arith.mulf %div3A_829, %mul3A_833 : vector<200x128xf32>
    %get3A_835 = arith.constant 0 : index
    %get3A_836 = arith.constant 0 : index
    %get3A_837 = vector.load %arg11[%get3A_835, %get3A_836] : memref<1x128xf32, #tpu.memory_space<vmem>>, vector<1x128xf32>
    %add3A_838 = vector.broadcast %get3A_837 : vector<1x128xf32> to vector<200x128xf32>
    %add3A_839 = arith.addf %mul3A_834, %add3A_838 : vector<200x128xf32>
    %swap3A = arith.constant 0 : index
    %swap3A_840 = arith.constant 0 : index
    %swap3A_841 = vector.load %arg12[%swap3A, %swap3A_840] : memref<200x128xf32, #tpu.memory_space<vmem>>, vector<200x128xf32>
    tpu.vector_store %arg12[%swap3A, %swap3A_840], %add3A_839 {strides = array<i32>} : memref<200x128xf32, #tpu.memory_space<vmem>>, vector<200x128xf32>,
    return
  }
  func.func @transform_0(%arg0: i32) -> (i32, i32) {
    %c0_i32 = arith.constant 0 : i32
    %c0_i32_0 = arith.constant 0 : i32
    return %arg0, %c0_i32 : i32, i32
  }
  func.func @transform_1(%arg0: i32) -> (i32, i32) {
    %c0_i32 = arith.constant 0 : i32
    %c0_i32_0 = arith.constant 0 : i32
    return %arg0, %c0_i32 : i32, i32
  }
  func.func @transform_2(%arg0: i32) -> (i32, i32) {
    %c0_i32 = arith.constant 0 : i32
    %c0_i32_0 = arith.constant 0 : i32
    return %arg0, %c0_i32 : i32, i32
  }
  func.func @transform_3(%arg0: i32) -> (i32, i32) {
    %c0_i32 = arith.constant 0 : i32
    %c0_i32_0 = arith.constant 0 : i32
    return %arg0, %c0_i32 : i32, i32
  }
  func.func @transform_4(%arg0: i32) -> (i32, i32) {
    %c0_i32 = arith.constant 0 : i32
    %c0_i32_0 = arith.constant 0 : i32
    %c0_i32_1 = arith.constant 0 : i32
    return %c0_i32, %c0_i32_0 : i32, i32
  }
  func.func @transform_5(%arg0: i32) -> (i32, i32) {
    %c0_i32 = arith.constant 0 : i32
    %c0_i32_0 = arith.constant 0 : i32
    %c0_i32_1 = arith.constant 0 : i32
    return %c0_i32, %c0_i32_0 : i32, i32
  }
  func.func @transform_6(%arg0: i32) -> (i32, i32) {
    %c0_i32 = arith.constant 0 : i32
    %c0_i32_0 = arith.constant 0 : i32
    %c0_i32_1 = arith.constant 0 : i32
    return %c0_i32, %c0_i32_0 : i32, i32
  }
  func.func @transform_7(%arg0: i32) -> (i32, i32) {
    %c0_i32 = arith.constant 0 : i32
    %c0_i32_0 = arith.constant 0 : i32
    %c0_i32_1 = arith.constant 0 : i32
    return %c0_i32, %c0_i32_0 : i32, i32
  }
  func.func @transform_8(%arg0: i32) -> (i32, i32) {
    %c0_i32 = arith.constant 0 : i32
    %c0_i32_0 = arith.constant 0 : i32
    %c0_i32_1 = arith.constant 0 : i32
    return %c0_i32, %c0_i32_0 : i32, i32
  }
  func.func @transform_9(%arg0: i32) -> (i32, i32) {
    %c0_i32 = arith.constant 0 : i32
    %c0_i32_0 = arith.constant 0 : i32
    %c0_i32_1 = arith.constant 0 : i32
    return %c0_i32, %c0_i32_0 : i32, i32
  }
  func.func @transform_10(%arg0: i32) -> (i32, i32) {
    %c0_i32 = arith.constant 0 : i32
    %c0_i32_0 = arith.constant 0 : i32
    %c0_i32_1 = arith.constant 0 : i32
    return %c0_i32, %c0_i32_0 : i32, i32
  }
  func.func @transform_11(%arg0: i32) -> (i32, i32) {
    %c0_i32 = arith.constant 0 : i32
    %c0_i32_0 = arith.constant 0 : i32
    return %arg0, %c0_i32 : i32, i32
  }
}

module attributes {stable_mosaic.version = 14 : i64} {
  func.func @_reg_body(%arg0: i32, %arg1: memref<10000x32xf32, #tpu.memory_space<vmem>>, %arg2: memref<1x1xf32, #tpu.memory_space<vmem>>) attributes {dimension_semantics = [#tpu.dimension_semantics<arbitrary>], iteration_bounds = array<i64: 1>, scalar_prefetch = 0 : i64, scratch_operands = 0 : i64, tpu.core_type = #tpu.core_type<tc>, window_params = [{pipeline_mode = #tpu.pipeline_mode<synchronous>, transform_indices = @transform_0, window_bounds = array<i64: 10000, 32>}, {pipeline_mode = #tpu.pipeline_mode<synchronous>, transform_indices = @transform_1, window_bounds = array<i64: 1, 1>}]} {
    %get3A = arith.constant 0 : index
    %get3A_0 = arith.constant 0 : index
    %get3A_1 = vector.load %arg1[%get3A, %get3A_0] : memref<10000x32xf32, #tpu.memory_space<vmem>>, vector<10000x32xf32>
    %abs3A = math.absf %get3A_1 : vector<10000x32xf32>
    %reduce_sum3A = arith.constant dense<0.000000e+00> : vector<32xf32>
    %reduce_sum3A_2 = vector.multi_reduction <add>, %abs3A, %reduce_sum3A [0] : vector<10000x32xf32> to vector<32xf32>
    %broadcast_in_dim3A = vector.shape_cast %reduce_sum3A_2 : vector<32xf32> to vector<1x32xf32>
    %reduce_sum3A_3 = arith.constant dense<0.000000e+00> : vector<1xf32>
    %reduce_sum3A_4 = vector.multi_reduction <add>, %broadcast_in_dim3A, %reduce_sum3A_3 [1] : vector<1x32xf32> to vector<1xf32>
    %broadcast_in_dim3A_5 = vector.shape_cast %reduce_sum3A_4 : vector<1xf32> to vector<1x1xf32>
    %mul3A = arith.constant 3.125000e-06 : f32
    %mul3A_6 = vector.broadcast %mul3A : f32 to vector<1x1xf32>
    %mul3A_7 = arith.mulf %broadcast_in_dim3A_5, %mul3A_6 : vector<1x1xf32>
    %swap3A = arith.constant 0 : index
    %swap3A_8 = arith.constant 0 : index
    %swap3A_9 = vector.load %arg2[%swap3A, %swap3A_8] : memref<1x1xf32, #tpu.memory_space<vmem>>, vector<1x1xf32>
    tpu.vector_store %arg2[%swap3A, %swap3A_8], %mul3A_7 {strides = array<i32>} : memref<1x1xf32, #tpu.memory_space<vmem>>, vector<1x1xf32>,
    return
  }
  func.func @transform_0(%arg0: i32) -> (i32, i32) {
    %c0_i32 = arith.constant 0 : i32
    %c0_i32_0 = arith.constant 0 : i32
    %c0_i32_1 = arith.constant 0 : i32
    return %c0_i32, %c0_i32_0 : i32, i32
  }
  func.func @transform_1(%arg0: i32) -> (i32, i32) {
    %c0_i32 = arith.constant 0 : i32
    %c0_i32_0 = arith.constant 0 : i32
    %c0_i32_1 = arith.constant 0 : i32
    return %c0_i32, %c0_i32_0 : i32, i32
  }
}

module attributes {stable_mosaic.version = 14 : i64} {
  func.func @_head_body(%arg0: i32, %arg1: memref<2000x128xf32, #tpu.memory_space<vmem>>, %arg2: memref<2000x128xf32, #tpu.memory_space<vmem>>, %arg3: memref<2000x128xf32, #tpu.memory_space<vmem>>, %arg4: memref<2000x128xf32, #tpu.memory_space<vmem>>, %arg5: memref<1x4xf32, #tpu.memory_space<vmem>>, %arg6: memref<128x128xf32, #tpu.memory_space<vmem>>, %arg7: memref<1x128xf32, #tpu.memory_space<vmem>>, %arg8: memref<128x1xf32, #tpu.memory_space<vmem>>, %arg9: memref<1x1xf32, #tpu.memory_space<vmem>>, %arg10: memref<2000x1xf32, #tpu.memory_space<vmem>>) attributes {dimension_semantics = [#tpu.dimension_semantics<arbitrary>], iteration_bounds = array<i64: 5>, scalar_prefetch = 0 : i64, scratch_operands = 0 : i64, tpu.core_type = #tpu.core_type<tc>, window_params = [{transform_indices = @transform_0, window_bounds = array<i64: 2000, 128>}, {transform_indices = @transform_1, window_bounds = array<i64: 2000, 128>}, {transform_indices = @transform_2, window_bounds = array<i64: 2000, 128>}, {transform_indices = @transform_3, window_bounds = array<i64: 2000, 128>}, {pipeline_mode = #tpu.pipeline_mode<synchronous>, transform_indices = @transform_4, window_bounds = array<i64: 1, 4>}, {pipeline_mode = #tpu.pipeline_mode<synchronous>, transform_indices = @transform_5, window_bounds = array<i64: 128, 128>}, {pipeline_mode = #tpu.pipeline_mode<synchronous>, transform_indices = @transform_6, window_bounds = array<i64: 1, 128>}, {pipeline_mode = #tpu.pipeline_mode<synchronous>, transform_indices = @transform_7, window_bounds = array<i64: 128, 1>}, {pipeline_mode = #tpu.pipeline_mode<synchronous>, transform_indices = @transform_8, window_bounds = array<i64: 1, 1>}, {transform_indices = @transform_9, window_bounds = array<i64: 2000, 1>}]} {
    %get3A = arith.constant 0 : index
    %get3A_0 = arith.constant 0 : index
    %get3A_1 = vector.load %arg5[%get3A, %get3A_0] : memref<1x4xf32, #tpu.memory_space<vmem>>, vector<1x4xf32>
    %get3A_2 = arith.constant 0 : index
    %get3A_3 = arith.constant 0 : index
    %get3A_4 = vector.load %arg1[%get3A_2, %get3A_3] : memref<2000x128xf32, #tpu.memory_space<vmem>>, vector<2000x128xf32>
    %slice3A = vector.extract_strided_slice %get3A_1 {offsets = [0, 0], sizes = [1, 1], strides = [1, 1]} : vector<1x4xf32> to vector<1x1xf32>
    %add3A = vector.broadcast %slice3A : vector<1x1xf32> to vector<2000x128xf32>
    %add3A_5 = arith.addf %get3A_4, %add3A : vector<2000x128xf32>
    %get3A_6 = arith.constant 0 : index
    %get3A_7 = arith.constant 0 : index
    %get3A_8 = vector.load %arg2[%get3A_6, %get3A_7] : memref<2000x128xf32, #tpu.memory_space<vmem>>, vector<2000x128xf32>
    %slice3A_9 = vector.extract_strided_slice %get3A_1 {offsets = [0, 1], sizes = [1, 1], strides = [1, 1]} : vector<1x4xf32> to vector<1x1xf32>
    %add3A_10 = vector.broadcast %slice3A_9 : vector<1x1xf32> to vector<2000x128xf32>
    %add3A_11 = arith.addf %get3A_8, %add3A_10 : vector<2000x128xf32>
    %get3A_12 = arith.constant 0 : index
    %get3A_13 = arith.constant 0 : index
    %get3A_14 = vector.load %arg3[%get3A_12, %get3A_13] : memref<2000x128xf32, #tpu.memory_space<vmem>>, vector<2000x128xf32>
    %slice3A_15 = vector.extract_strided_slice %get3A_1 {offsets = [0, 2], sizes = [1, 1], strides = [1, 1]} : vector<1x4xf32> to vector<1x1xf32>
    %add3A_16 = vector.broadcast %slice3A_15 : vector<1x1xf32> to vector<2000x128xf32>
    %add3A_17 = arith.addf %get3A_14, %add3A_16 : vector<2000x128xf32>
    %get3A_18 = arith.constant 0 : index
    %get3A_19 = arith.constant 0 : index
    %get3A_20 = vector.load %arg4[%get3A_18, %get3A_19] : memref<2000x128xf32, #tpu.memory_space<vmem>>, vector<2000x128xf32>
    %slice3A_21 = vector.extract_strided_slice %get3A_1 {offsets = [0, 3], sizes = [1, 1], strides = [1, 1]} : vector<1x4xf32> to vector<1x1xf32>
    %add3A_22 = vector.broadcast %slice3A_21 : vector<1x1xf32> to vector<2000x128xf32>
    %add3A_23 = arith.addf %get3A_20, %add3A_22 : vector<2000x128xf32>
    %max3A = arith.maximumf %add3A_5, %add3A_11 : vector<2000x128xf32>
    %max3A_24 = arith.maximumf %add3A_17, %add3A_23 : vector<2000x128xf32>
    %max3A_25 = arith.maximumf %max3A, %max3A_24 : vector<2000x128xf32>
    %sub3A = arith.subf %add3A_5, %max3A_25 : vector<2000x128xf32>
    %exp3A = math.exp %sub3A : vector<2000x128xf32>
    %sub3A_26 = arith.subf %add3A_11, %max3A_25 : vector<2000x128xf32>
    %exp3A_27 = math.exp %sub3A_26 : vector<2000x128xf32>
    %add3A_28 = arith.addf %exp3A, %exp3A_27 : vector<2000x128xf32>
    %sub3A_29 = arith.subf %add3A_17, %max3A_25 : vector<2000x128xf32>
    %exp3A_30 = math.exp %sub3A_29 : vector<2000x128xf32>
    %add3A_31 = arith.addf %add3A_28, %exp3A_30 : vector<2000x128xf32>
    %sub3A_32 = arith.subf %add3A_23, %max3A_25 : vector<2000x128xf32>
    %exp3A_33 = math.exp %sub3A_32 : vector<2000x128xf32>
    %add3A_34 = arith.addf %add3A_31, %exp3A_33 : vector<2000x128xf32>
    %log3A = math.log %add3A_34 : vector<2000x128xf32>
    %add3A_35 = arith.addf %max3A_25, %log3A : vector<2000x128xf32>
    %get3A_36 = arith.constant 0 : index
    %get3A_37 = arith.constant 0 : index
    %get3A_38 = vector.load %arg6[%get3A_36, %get3A_37] : memref<128x128xf32, #tpu.memory_space<vmem>>, vector<128x128xf32>
    %dot_general3A = arith.constant dense<0.000000e+00> : vector<2000x128xf32>
    %dot_general3A_39 = tpu.matmul %add3A_35, %get3A_38, %dot_general3A {dimension_numbers = #tpu.dot_dimension_numbers<[1], [0], [0], [1], [0, 0, 1, 1], [], []>, precision = #tpu.contract_precision<fp32>, transpose_lhs_hint = false} : vector<2000x128xf32>, vector<128x128xf32>, vector<2000x128xf32> -> vector<2000x128xf32>
    %get3A_40 = arith.constant 0 : index
    %get3A_41 = arith.constant 0 : index
    %get3A_42 = vector.load %arg7[%get3A_40, %get3A_41] : memref<1x128xf32, #tpu.memory_space<vmem>>, vector<1x128xf32>
    %add3A_43 = vector.broadcast %get3A_42 : vector<1x128xf32> to vector<2000x128xf32>
    %add3A_44 = arith.addf %dot_general3A_39, %add3A_43 : vector<2000x128xf32>
    %max3A_45 = arith.constant 0.000000e+00 : f32
    %max3A_46 = vector.broadcast %max3A_45 : f32 to vector<2000x128xf32>
    %max3A_47 = arith.maximumf %add3A_44, %max3A_46 : vector<2000x128xf32>
    %get3A_48 = arith.constant 0 : index
    %get3A_49 = arith.constant 0 : index
    %get3A_50 = vector.load %arg8[%get3A_48, %get3A_49] : memref<128x1xf32, #tpu.memory_space<vmem>>, vector<128x1xf32>
    %dot_general3A_51 = arith.constant dense<0.000000e+00> : vector<2000x1xf32>
    %dot_general3A_52 = tpu.matmul %max3A_47, %get3A_50, %dot_general3A_51 {dimension_numbers = #tpu.dot_dimension_numbers<[1], [0], [0], [1], [0, 0, 1, 1], [], []>, precision = #tpu.contract_precision<fp32>, transpose_lhs_hint = false} : vector<2000x128xf32>, vector<128x1xf32>, vector<2000x1xf32> -> vector<2000x1xf32>
    %get3A_53 = arith.constant 0 : index
    %get3A_54 = arith.constant 0 : index
    %get3A_55 = vector.load %arg9[%get3A_53, %get3A_54] : memref<1x1xf32, #tpu.memory_space<vmem>>, vector<1x1xf32>
    %add3A_56 = vector.broadcast %get3A_55 : vector<1x1xf32> to vector<2000x1xf32>
    %add3A_57 = arith.addf %dot_general3A_52, %add3A_56 : vector<2000x1xf32>
    %swap3A = arith.constant 0 : index
    %swap3A_58 = arith.constant 0 : index
    %swap3A_59 = vector.load %arg10[%swap3A, %swap3A_58] : memref<2000x1xf32, #tpu.memory_space<vmem>>, vector<2000x1xf32>
    tpu.vector_store %arg10[%swap3A, %swap3A_58], %add3A_57 {strides = array<i32>} : memref<2000x1xf32, #tpu.memory_space<vmem>>, vector<2000x1xf32>,
    return
  }
  func.func @transform_0(%arg0: i32) -> (i32, i32) {
    %c0_i32 = arith.constant 0 : i32
    %c0_i32_0 = arith.constant 0 : i32
    return %arg0, %c0_i32 : i32, i32
  }
  func.func @transform_1(%arg0: i32) -> (i32, i32) {
    %c0_i32 = arith.constant 0 : i32
    %c0_i32_0 = arith.constant 0 : i32
    return %arg0, %c0_i32 : i32, i32
  }
  func.func @transform_2(%arg0: i32) -> (i32, i32) {
    %c0_i32 = arith.constant 0 : i32
    %c0_i32_0 = arith.constant 0 : i32
    return %arg0, %c0_i32 : i32, i32
  }
  func.func @transform_3(%arg0: i32) -> (i32, i32) {
    %c0_i32 = arith.constant 0 : i32
    %c0_i32_0 = arith.constant 0 : i32
    return %arg0, %c0_i32 : i32, i32
  }
  func.func @transform_4(%arg0: i32) -> (i32, i32) {
    %c0_i32 = arith.constant 0 : i32
    %c0_i32_0 = arith.constant 0 : i32
    %c0_i32_1 = arith.constant 0 : i32
    return %c0_i32, %c0_i32_0 : i32, i32
  }
  func.func @transform_5(%arg0: i32) -> (i32, i32) {
    %c0_i32 = arith.constant 0 : i32
    %c0_i32_0 = arith.constant 0 : i32
    %c0_i32_1 = arith.constant 0 : i32
    return %c0_i32, %c0_i32_0 : i32, i32
  }
  func.func @transform_6(%arg0: i32) -> (i32, i32) {
    %c0_i32 = arith.constant 0 : i32
    %c0_i32_0 = arith.constant 0 : i32
    %c0_i32_1 = arith.constant 0 : i32
    return %c0_i32, %c0_i32_0 : i32, i32
  }
  func.func @transform_7(%arg0: i32) -> (i32, i32) {
    %c0_i32 = arith.constant 0 : i32
    %c0_i32_0 = arith.constant 0 : i32
    %c0_i32_1 = arith.constant 0 : i32
    return %c0_i32, %c0_i32_0 : i32, i32
  }
  func.func @transform_8(%arg0: i32) -> (i32, i32) {
    %c0_i32 = arith.constant 0 : i32
    %c0_i32_0 = arith.constant 0 : i32
    %c0_i32_1 = arith.constant 0 : i32
    return %c0_i32, %c0_i32_0 : i32, i32
  }
  func.func @transform_9(%arg0: i32) -> (i32, i32) {
    %c0_i32 = arith.constant 0 : i32
    %c0_i32_0 = arith.constant 0 : i32
    return %arg0, %c0_i32 : i32, i32
  }
}

</mosaic_0001>

<sc_bundles>
// kernel: kernel.20.cloned.1.call-start
scs
__scs_entry_jumppad:
0x0: {  	(pc) =	sbr.rel $0x88, $3  }
0x1: {  	(tag) =	ssettag $0x0;
	lr =	simm.s32 $0x1  }
0x2: {  	[smem:$0x3F85] =	sst lr;
	_ =	strace $0xD0000000  }
0x3: {  	_ = 	snop  }
0x4: {  	_ = 	snop  }
0x5: {  	_ = 	snop  }
0x6: {  	_ = 	snop  }
0x7: {  	_ = 	snop  }
__scs_overlays_trampoline_lowered:
0x8: {  	[smem:$0x3F94] =	sst s0  }
0x9: {  	[smem:$0x3F95] =	sst s1  }
0xa: {  	[smem:$0x3F96] =	sst s2  }
0xb: {  	[smem:$0x3F97] =	sst s3  }
0xc: {  	[smem:$0x3F98] =	sst s4  }
0xd: {  	[smem:$0x3F99] =	sst s5  }
0xe: {  	[smem:$0x3F9A] =	sst s6  }
0xf: {  	[smem:$0x3F9B] =	sst s7  }
0x10: {  	[smem:$0x3F9C] =	sst s8  }
0x11: {  	[smem:$0x3F9D] =	sst s9;
	s0 =	simm.s32 @!p0 $0x0  }
0x12: {  	s1 =	sld [smem:$0x3F83];
	s0 =	simm.s32 @p0 $0x1  }
0x13: {  	[smem:$0x3F9E] =	sst s0;
	s0 =	simm.s32 @!p1 $0x0  }
0x14: {  	s2 =	sld [smem:$0x3F82];
	s0 =	simm.s32 @p1 $0x1  }
0x15: {  	[smem:$0x3F9F] =	sst s0;
	s0 =	simm.s32 @!p2 $0x0  }
0x16: {  	s3 =	sld [smem:$0x3FDB];
	s0 =	simm.s32 @p2 $0x1  }
0x17: {  	s4 =	simm.s32 $0x1BF5;
	[smem:$0x3FA1] =	sst s0  }
0x18: {  	s0 =	sld [smem:$0x3F84];
	_ =	swait.ge [sflag:s4], $0x0  }
0x19: {  	s7 =	sld [smem:$0x3F85]  }
0x1a: {  	s8 =	sadd.s32 $0xFFFFE003, lr  }
0x1b: {  	s9 =	sadd.s32 $0xFFFFFEF7, lr;
	s5 =	simm.s32 $0xFFFFFFFF;
	p2 =	slt.u32 s8, $0xFFFFF086  }
0x1c: {  	p1 =	slt.u32 s9, $0xF7A;
	s5 =	simm.s32 @!p2 $0x0  }
0x1d: {  	s5 =	simm.s32 @p1 $0x1;
	p0 =	seq.s32 s7, s2  }
0x1e: {  	s7 =	smul.u32 @!p0 $0xF7A, s2;
	p2 =	seq.s32 @!p0 s5, $0x0  }
0x1f: {  	s9 =	smul.u32 $0xF7A, s1;
	s8 =	simm.s32 @!p0 $0x1BF5;
	p2 =	por !p2, p0  }
0x20: {  	[sflag:s8] =	ssyncset.s32 @!p0 $0xFFFFF086;
	s6 =	sadd.s32 @!p0 s3, s7;
	s7 =	simm.s32 @!p0 $0x108  }
0x21: {  	s3 =	sadd.s32 s3, s9;
	s6 =	sadd.s32 @!p0 $0x88, s6;
	s7 =	simm.s32 @p2 $0x1082  }
0x22: {  	[simem:s7], [sflag:s8] =	dma.local @!p0 [hbm:s6], $0xF7A  }
0x23: {  	s9 =	sor.u32 $0xD0000000, s2;
	s6 =	simm.s32 $0x108;
	_ =	swait.ge @!p0 [sflag:s8], $0x0  }
0x24: {  	s3 =	sadd.s32 $0x88, s3;
	s6 =	simm.s32 @!p1 $0x1082;
	[sflag:s4] =	ssyncset.s32 $0xFFFFF086  }
0x25: {  	[simem:s6], [sflag:s4] =	dma.local [hbm:s3], $0xF7A  }
0x26: {  	[smem:$0x3F85] =	sst s1;
	(tag) =	ssettag s2;
	_ =	strace s9  }
0x27: {  	s1 =	sld [smem:$0x3F95]  }
0x28: {  	s2 =	sld [smem:$0x3F96]  }
0x29: {  	s4 =	sld [smem:$0x3F98]  }
0x2a: {  	p0 =	seq.s32 s5, $0x0;
	s5 =	sld [smem:$0x3F99]  }
0x2b: {  	s6 =	sld [smem:$0x3F9A]  }
0x2c: {  	s7 =	sld [smem:$0x3F9B]  }
0x2d: {  	s3 =	simm.s32 $0x108;
	s8 =	sld [smem:$0x3F9C]  }
0x2e: {  	s3 =	simm.s32 @!p0 $0x1082;
	s9 =	sld [smem:$0x3F9D]  }
0x2f: {  	lr =	sadd.s32 s0, s3;
	s0 =	sld [smem:$0x3F94]  }
0x30: {  	s3 =	sld [smem:$0x3F97]  }
0x31: {  	[smem:$0x3FA0] =	sst s10  }
0x32: {  	s10 =	sld [smem:$0x3F9E];
	_ =	sdelay $0x3  }
0x33: {  	p0 =	seq.s32 s10, $0x1;
	s10 =	sld [smem:$0x3FA0];
	_ =	sdelay $0x3  }
0x34: {  	[smem:$0x3FA0] =	sst s10  }
0x35: {  	s10 =	sld [smem:$0x3F9F];
	_ =	sdelay $0x3  }
0x36: {  	p1 =	seq.s32 s10, $0x1;
	s10 =	sld [smem:$0x3FA0];
	_ =	sdelay $0x3  }
0x37: {  	[smem:$0x3FA0] =	sst s10  }
0x38: {  	s10 =	sld [smem:$0x3FA1]  }
0x39: {  	_ = 	snop;
	(pc) =	sbr.ind lr, $3  }
0x3a: {  	_ = 	snop  }
0x3b: {  	_ = 	snop  }
0x3c: {  	p2 =	seq.s32 s10, $0x1;
	s10 =	sld [smem:$0x3FA0]  }
0x3d: {  	_ =	shalt  }
0x3e: {  	_ =	shalt  }
0x3f: {  	_ =	shalt  }
0x40: {  	_ =	shalt  }
0x41: {  	_ =	shalt  }
0x42: {  	_ =	shalt  }
0x43: {  	_ =	shalt  }
0x44: {  	_ =	shalt  }
0x45: {  	_ =	shalt  }
0x46: {  	_ =	shalt  }
0x47: {  	_ =	shalt  }
0x48: {  	_ =	shalt  }
0x49: {  	_ =	shalt  }
0x4a: {  	_ =	shalt  }
0x4b: {  	_ =	shalt  }
0x4c: {  	_ =	shalt  }
0x4d: {  	_ =	shalt  }
0x4e: {  	_ =	shalt  }
0x4f: {  	_ =	shalt  }
0x50: {  	_ =	shalt  }
0x51: {  	_ =	shalt  }
0x52: {  	_ =	shalt  }
0x53: {  	_ =	shalt  }
0x54: {  	_ =	shalt  }
0x55: {  	_ =	shalt  }
0x56: {  	_ =	shalt  }
0x57: {  	_ =	shalt  }
0x58: {  	_ =	shalt  }
0x59: {  	_ =	shalt  }
0x5a: {  	_ =	shalt  }
0x5b: {  	_ =	shalt  }
0x5c: {  	_ =	shalt  }
0x5d: {  	_ =	shalt  }
0x5e: {  	_ =	shalt  }
0x5f: {  	_ =	shalt  }
0x60: {  	_ =	shalt  }
0x61: {  	_ =	shalt  }
0x62: {  	_ =	shalt  }
0x63: {  	_ =	shalt  }
0x64: {  	_ =	shalt  }
0x65: {  	_ =	shalt  }
0x66: {  	_ =	shalt  }
0x67: {  	_ =	shalt  }
0x68: {  	_ =	shalt  }
0x69: {  	_ =	shalt  }
0x6a: {  	_ =	shalt  }
0x6b: {  	_ =	shalt  }
0x6c: {  	_ =	shalt  }
0x6d: {  	_ =	shalt  }
0x6e: {  	_ =	shalt  }
0x6f: {  	_ =	shalt  }
0x70: {  	_ =	shalt  }
0x71: {  	_ =	shalt  }
0x72: {  	_ =	shalt  }
0x73: {  	_ =	shalt  }
0x74: {  	_ =	shalt  }
0x75: {  	_ =	shalt  }
0x76: {  	_ =	shalt  }
0x77: {  	_ =	shalt  }
0x78: {  	_ =	shalt  }
0x79: {  	_ =	shalt  }
0x7a: {  	_ =	shalt  }
0x7b: {  	_ =	shalt  }
0x7c: {  	_ =	shalt  }
0x7d: {  	_ =	shalt  }
0x7e: {  	_ =	shalt  }
0x7f: {  	_ =	shalt  }
0x80: {  	_ =	shalt  }
0x81: {  	_ =	shalt  }
0x82: {  	_ =	shalt  }
0x83: {  	_ =	shalt  }
0x84: {  	_ =	shalt  }
0x85: {  	_ =	shalt  }
0x86: {  	_ =	shalt  }
0x87: {  	_ =	shalt  }
.Lfunc_end0:
.L_simem_size_0:
called_computation_lowered:
.L_overlay_start_0:
0x88: {  	s2 =	sld [smem:$0x3FD9]  }
0x89: {  	s3 =	sld [smem:$0x3FFE];
	_ =	sdelay $0x1  }
0x8a: {  	s1 =	srdreg.scid  }
0x8b: {  	s0 =	sand.u32 $0x1, s1  }
0x8c: {  	s16 =	sshll.u32 s0, $0xA;
	s2 =	sadd.s32 s3, s2  }
0x8d: {  	s2 =	sadd.s32 s2, s16  }
0x8e: {  	[smem:$0x3FAC] =	sst s2  }
0x8f: {  	_ = 	snop  }
0x90: {  	(tm) =	ssettm $0x1  }
0x91: {  	s17 =	sld [smem:$0x3FFB];
	_ =	sdelay $0x3  }
0x92: {  	_ =	strace s17  }
0x93: {  	s2 =	sld [smem:$0x3FFC];
	_ =	sdelay $0x3  }
0x94: {  	_ =	strace s2  }
0x95: {  	s2 =	sld [smem:$0x3FFD];
	_ =	sdelay $0x3  }
0x96: {  	_ =	strace s2  }
0x97: {  	_ =	strace $0x8FFFFFFF  }
0x98: {  	s18 =	sld [smem:$0x3FDB];
	_ =	sdelay $0x1  }
0x99: {  	s19 =	simm.s32 $_scs_section_size  }
0x9a: {  	s4 =	simm.s32 $_size__tile_overlayer_lowered;
	s5 =	simm.s32 $_tile_overlayer_lowered  }
0x9b: {  	s22 =	simm.s32 $0x1BFF;
	s21 =	sshll.u32 s5, $0x1;
	s2 =	sadd.s32 s19, s18  }
0x9c: {  	s6 =	simm.s32 $0x0;
	s20 =	sshll.u32 s4, $0x1;
	s4 =	sadd.s32 s21, s2  }
0x9d: {  	[timem:s6], [sflag:s22] =	dma.local [hbm:s4], s20  }
0x9e: {  	_ =	swait.ge [sflag:s22], s20  }
0x9f: {  	s3 =	ssub.s32 $0x0, s20;
	[sflag:s22] =	ssyncset.done $0x0  }
0xa0: {  	[sflag:s22] =	ssyncadd.s32 s3;
	_ =	sdelay $0x1  }
0xa1: {  	s23 =	simm.s32 $0x1B8B  }
0xa2: {  	_ =	swait.ge [sflag:s23], $0x1  }
0xa3: {  	[sflag:s23] =	ssyncset.done $0x0  }
0xa4: {  	s25 =	simm.s32 $0x1B8E;
	s24 =	sld [smem:$0x3FFE];
	[sflag:s23] =	ssyncadd.s32 $0xFFFFFFFF  }
0xa5: {  	s26 =	simm.s32 $execute0_lowered;
	[smem:$0x3FD2] =	sst s25  }
0xa6: {  	s4 =	sshll.u32 s26, $0x1;
	_ =	strace $0x80000046;
	[dreg:$0x1] =	wrdreg $0xFFFFFFFF  }
0xa7: {  	s28 =	simm.s32 $_size_execute0_lowered;
	s2 =	sadd.s32 s2, s4;
	[dreg:$0x0] =	wrdreg $0x0  }
0xa8: {  	s4 =	sshll.u32 s28, $0x1;
	[dreg:$0x2] =	wrdreg s2  }
0xa9: {  	[dreg:$0x3] =	wrdreg s4  }
0xaa: {  	[dreg:$0x4] =	wrdreg $0xC0  }
0xab: {  	_ =	task [dreg:s6], $0x5FFFF  }
0xac: {  	[dreg:$0x1] =	wrdreg $0xFFFFFFFF  }
0xad: {  	[dreg:$0x0] =	wrdreg $0x60  }
0xae: {  	[dreg:$0x2] =	wrdreg s24  }
0xaf: {  	[dreg:$0x3] =	wrdreg $0x9  }
0xb0: {  	_ =	task.clear_ibuf [dreg:s6], $0x4FFFF;
	_ =	strace $0x90000046  }
0xb1: {  	s29 =	simm.s32 $0x9;
	_ =	strace $0x80000048  }
0xb2: {  	_ =	swait.ge [sflag:s29], $0x1  }
0xb3: {  	[sflag:s29] =	ssyncadd.s32 $0xFFFFFFFF  }
0xb4: {  	_ =	strace $0x90000048  }
0xb5: {  	_ =	sfence  }
0xb6: {  	s30 =	sld [smem:$0x0];
	_ =	sdelay $0x2  }
0xb7: {  	s31 =	sshll.u32 s1, $0xD;
	s1 =	sshrl.u32 s1, $0x2  }
0xb8: {  	s3 =	sand.u32 $0x4000, s31;
	s1 =	sadd.s32 s1, s30  }
0xb9: {  	s0 =	sor.u32 s3, s0;
	s1 =	sshll.u32 s1, $0x11  }
0xba: {  	s0 =	sor.u32 s1, s0  }
0xbb: {  	s0 =	sadd.s32 $0x8F2B, s0  }
0xbc: {  	[sflag:s0] =	ssyncadd.remote.s32 $0x1  }
0xbd: {  	_ =	sfence.sel $0xFFFF  }
0xbe: {  	[dreg:$0x0] =	wrdreg $0xFFFFFFFF;
	(pc) =	sbr.abs _section_cstart, $3  }
0xbf: {  	[dreg:$0x1] =	wrdreg $0xFFFFFFFF  }
0xc0: {  	_ =	task.clear_ibuf [dreg:s6], $0x2FFFF;
	_ =	strace $0x9FFFFFFF  }
0xc1: {  	(tm) =	ssettm $0x7FFFFFFF  }
tec
execute0_lowered:
.L_overlay_start_1:
0x0: {  	(tag) =	ssettag $0x1  }
0x1: {  	s0 =	rddreg [dreg:$0x0];
	s2 =	simm.s32 $0x0;
	s1 =	srdreg.scid  }
0x2: {  	s12 =	stileid.u32;
	s29 =	simm.s32 $0x3;
	s30 =	simm.s32 $0x190  }
0x3: {  	s31 =	simm.s32 $0x400;
	[smem:$0x7FF] =	sst s2;
	s3 =	sadd.s32 $0x127200, s0  }
0x4: {  	s1 =	sand.u32 $0x1, s1;
	s4 =	sshll.u32 s12, $0x1;
	s5 =	sadd.s32 $0xE4C00, s0  }
0x5: {  	s6 =	sadd.s32 $0xEEA00, s0;
	s7 =	sadd.s32 $0xD8E00, s0;
	s4 =	sor.u32 s1, s4  }
0x6: {  	s8 =	sadd.s32 $0x1073800, s0;
	s9 =	ssub.s32 $0x2, s1;
	s4 =	smul.u32 $0x2710, s4  }
0x7: {  	s14 =	sadd.s32 $0x6AF800, s0;
	s15 =	sadd.s32 $0xB91800, s0;
	s10 =	sshrl.u32 s9, $0x1  }
0x8: {  	s16 =	sadd.s32 $0x1CD800, s0;
	s28 =	ssub.s32 s9, s10;
	s4 =	sadd.s32 $0x2580, s4  }
0x9: {  	_ =	strace $0x80000047;
	s28 =	smax.u32 s28, $0x1;
	s23 =	sshrl.u32 s4, $0x3  }
0xa: {  	s4 =	sshll.u32 s4, $0x4;
	[dreg:$0xa] =	wrdreg s28;
	s24 =	sadd.s32 s3, s23  }
0xb: {  	s26 =	smul.u32 $0x4E20, s12;
	s25 =	sadd.s32 s8, s4;
	[dreg:$0x2] =	wrdreg s24  }
0xc: {  	s17 =	smul.u32 $0x4E200, s12;
	s11 =	sadd.s32 s5, s23;
	[dreg:$0x3] =	wrdreg s25  }
0xd: {  	s19 =	smul.u32 $0x2710, s1;
	s18 =	sadd.s32 s14, s4;
	[dreg:$0x4] =	wrdreg s11  }
0xe: {  	s1 =	smul.u32 $0x27100, s1;
	s13 =	sadd.s32 s6, s23;
	[dreg:$0x5] =	wrdreg s18  }
0xf: {  	s22 =	sadd.s32 s17, s8;
	s20 =	sadd.s32 s15, s4;
	[dreg:$0x6] =	wrdreg s13  }
0x10: {  	s21 =	sadd.s32 s19, s26;
	s9 =	sadd.s32 s7, s23;
	[dreg:$0x7] =	wrdreg s20  }
0x11: {  	s26 =	sadd.s32 s17, s15;
	s4 =	sadd.s32 s16, s4;
	[dreg:$0x8] =	wrdreg s9  }
0x12: {  	s23 =	sadd.s32 $0x190, s21;
	[dreg:$0x9] =	wrdreg s4;
	s11 =	sadd.s32 s1, s22  }
0x13: {  	s24 =	sshrl.u32 s21, $0x3;
	s8 =	sshrl.u32 s23, $0x3;
	s25 =	sadd.s32 s17, s14  }
0x14: {  	s18 =	sadd.s32 s17, s16;
	s17 =	sadd.s32 s1, s26;
	s22 =	sadd.s32 $0x131000, s0  }
0x15: {  	s23 =	sadd.s32 $0x158200, s0;
	s26 =	sadd.s32 $0x1A6600, s0;
	s4 =	simm.s32 $0x2  }
0x16: {  	s12 =	sadd.s32 s24, s3;
	s13 =	sadd.s32 s8, s3;
	s14 =	sadd.s32 s1, s25  }
0x17: {  	s15 =	sadd.s32 s24, s5;
	s16 =	sadd.s32 s8, s5;
	s18 =	sadd.s32 s1, s18  }
0x18: {  	s19 =	sadd.s32 s24, s6;
	s20 =	sadd.s32 s8, s6;
	s21 =	sadd.s32 s24, s7  }
0x19: {  	s24 =	sadd.s32 s8, s7;
	s25 =	sadd.s32 $0x17F400, s0;
	s0 =	simm.s32 $0x200  }
0x1a: {  	s1 =	simm.s32 $0x1;
	s3 =	simm.s32 $0xCC00;
	s5 =	simm.s32 $0x0  }
.LBB2_1:
0x1b: {  	s6 =	sadd.s32 $0x0, s12  }
0x1c: {  	[tilespmem:s2], [sflag:$0x3] =	stream.linear.gather [hbm4b:s6+s2], $0x190, $0x38;
	[tilespmem:$0x19400] =	vst v63  }
0x1d: {  	_ =	swait.ge [sflag:s29], $0x190  }
0x1e: {  	[sflag:s29] =	ssyncset.done $0x0  }
0x1f: {  	[sflag:s29] =	ssyncadd.s32 $0xFFFFFE70  }
0x20: {  	[tilespmem:s31], [sflag:$0x1] =	stream.indirect.gather [hbm4b:s22+s30], $0x80, s2, s30, $0xb8;
	[tilespmem:$0x19400] =	vst v63  }
0x21: {  	s10 =	sadd.s32 $0x0, s13  }
0x22: {  	[tilespmem:s0], [sflag:$0x3] =	stream.linear.gather [hbm4b:s10+s2], $0x190, $0x38;
	[tilespmem:$0x19400] =	vst v63  }
0x23: {  	_ =	swait.ge [sflag:s29], $0x190  }
0x24: {  	[sflag:s29] =	ssyncset.done $0x0  }
0x25: {  	[sflag:s29] =	ssyncadd.s32 $0xFFFFFE70  }
0x26: {  	_ =	swait.ge [sflag:s1], $0xC800  }
0x27: {  	[sflag:s1] =	ssyncset.done $0x0  }
0x28: {  	[sflag:s1] =	ssyncadd.s32 $0xFFFF3800  }
0x29: {  	[tilespmem:s3], [sflag:$0x2] =	stream.indirect.gather [hbm4b:s22+s30], $0x80, s0, s30, $0xb8;
	[tilespmem:$0x19400] =	vst v63  }
0x2a: {  	_ = 	snop  }
0x2b: {  	[hbm4b:s11+s2] =	stream.linear.scatter [tilespmem:s31], [sflag:$0x3], $0xC800, $0x38;
	[tilespmem:$0x19400] =	vst v63  }
0x2c: {  	_ =	swait.ge [sflag:s29], $0xC800  }
0x2d: {  	[sflag:s29] =	ssyncset.done $0x0  }
0x2e: {  	[sflag:s29] =	ssyncadd.s32 $0xFFFF3800  }
0x2f: {  	_ =	swait.ge [sflag:s4], $0xC800  }
0x30: {  	[sflag:s4] =	ssyncset.done $0x0  }
0x31: {  	s28 =	sadd.s32 $0x1900, s11;
	[sflag:s4] =	ssyncadd.s32 $0xFFFF3800  }
0x32: {  	[hbm4b:s28+s2] =	stream.linear.scatter [tilespmem:s3], [sflag:$0x3], $0xC800, $0x38;
	[tilespmem:$0x19400] =	vst v63  }
0x33: {  	s7 =	simm.s32 $0x64;
	_ =	swait.ge [sflag:s29], $0xC800  }
0x34: {  	s8 =	simm.s32 $0xC8;
	s6 =	sadd.s32 $0x3200, s11;
	[sflag:s29] =	ssyncset.done $0x0  }
.LBB2_2:
0x35: {  	s9 =	sadd.s32 s7, s12  }
0x36: {  	[sflag:s29] =	ssyncadd.s32 $0xFFFF3800;
	s10 =	smov.u32 s8;
	s28 =	sadd.s32 $0x64, s8  }
0x37: {  	[tilespmem:s2], [sflag:$0x3] =	stream.linear.gather [hbm4b:s9+s2], $0x190, $0x38;
	[tilespmem:$0x19400] =	vst v63  }
0x38: {  	p0 =	sne.s32 s8, $0x44C;
	_ =	swait.ge [sflag:s29], $0x190  }
0x39: {  	[sflag:s29] =	ssyncset.done $0x0  }
0x3a: {  	[sflag:s29] =	ssyncadd.s32 $0xFFFFFE70  }
0x3b: {  	[tilespmem:s31], [sflag:$0x1] =	stream.indirect.gather [hbm4b:s22+s30], $0x80, s2, s30, $0xb8;
	[tilespmem:$0x19400] =	vst v63  }
0x3c: {  	s8 =	sadd.s32 s7, s13;
	s7 =	smov.u32 s10  }
0x3d: {  	[tilespmem:s0], [sflag:$0x3] =	stream.linear.gather [hbm4b:s8+s2], $0x190, $0x38;
	[tilespmem:$0x19400] =	vst v63  }
0x3e: {  	_ =	swait.ge [sflag:s29], $0x190  }
0x3f: {  	[sflag:s29] =	ssyncset.done $0x0  }
0x40: {  	[sflag:s29] =	ssyncadd.s32 $0xFFFFFE70  }
0x41: {  	_ =	swait.ge [sflag:s1], $0xC800  }
0x42: {  	[sflag:s1] =	ssyncset.done $0x0  }
0x43: {  	[sflag:s1] =	ssyncadd.s32 $0xFFFF3800  }
0x44: {  	[tilespmem:s3], [sflag:$0x2] =	stream.indirect.gather [hbm4b:s22+s30], $0x80, s0, s30, $0xb8;
	[tilespmem:$0x19400] =	vst v63  }
0x45: {  	_ = 	snop  }
0x46: {  	[hbm4b:s6+s2] =	stream.linear.scatter [tilespmem:s31], [sflag:$0x3], $0xC800, $0x38;
	[tilespmem:$0x19400] =	vst v63  }
0x47: {  	_ =	swait.ge [sflag:s29], $0xC800  }
0x48: {  	[sflag:s29] =	ssyncset.done $0x0  }
0x49: {  	[sflag:s29] =	ssyncadd.s32 $0xFFFF3800  }
0x4a: {  	_ =	swait.ge [sflag:s4], $0xC800  }
.Ltmp0:
0x4b: {  	[sflag:s4] =	ssyncset.done $0x0;
	(pc) =	sbr.rel @p0 .LBB2_2-.Ltmp0, $4  }
0x4c: {  	s8 =	sadd.s32 $0x1900, s6;
	[sflag:s4] =	ssyncadd.s32 $0xFFFF3800  }
0x4d: {  	[hbm4b:s8+s2] =	stream.linear.scatter [tilespmem:s3], [sflag:$0x3], $0xC800, $0x38;
	[tilespmem:$0x19400] =	vst v63  }
0x4e: {  	_ =	swait.ge [sflag:s29], $0xC800  }
0x4f: {  	s6 =	sadd.s32 $0x3200, s6;
	s8 =	smov.u32 s28;
	[sflag:s29] =	ssyncset.done $0x0  }
0x50: {  	s8 =	sadd.s32 s7, s12;
	[sflag:s29] =	ssyncadd.s32 $0xFFFF3800  }
0x51: {  	[tilespmem:s2], [sflag:$0x3] =	stream.linear.gather [hbm4b:s8+s2], $0x190, $0x38;
	[tilespmem:$0x19400] =	vst v63  }
0x52: {  	_ =	swait.ge [sflag:s29], $0x190  }
0x53: {  	[sflag:s29] =	ssyncset.done $0x0  }
0x54: {  	[sflag:s29] =	ssyncadd.s32 $0xFFFFFE70  }
0x55: {  	[tilespmem:s31], [sflag:$0x1] =	stream.indirect.gather [hbm4b:s22+s30], $0x80, s2, s30, $0xb8;
	[tilespmem:$0x19400] =	vst v63  }
0x56: {  	s8 =	sadd.s32 s7, s13  }
0x57: {  	[tilespmem:s0], [sflag:$0x3] =	stream.linear.gather [hbm4b:s8+s2], $0x190, $0x38;
	[tilespmem:$0x19400] =	vst v63  }
0x58: {  	_ =	swait.ge [sflag:s29], $0x190  }
0x59: {  	[sflag:s29] =	ssyncset.done $0x0  }
0x5a: {  	[sflag:s29] =	ssyncadd.s32 $0xFFFFFE70  }
0x5b: {  	_ =	swait.ge [sflag:s1], $0xC800  }
0x5c: {  	[sflag:s1] =	ssyncset.done $0x0  }
0x5d: {  	[sflag:s1] =	ssyncadd.s32 $0xFFFF3800  }
0x5e: {  	[tilespmem:s3], [sflag:$0x2] =	stream.indirect.gather [hbm4b:s22+s30], $0x80, s0, s30, $0xb8;
	[tilespmem:$0x19400] =	vst v63  }
0x5f: {  	_ = 	snop  }
0x60: {  	[hbm4b:s6+s2] =	stream.linear.scatter [tilespmem:s31], [sflag:$0x3], $0xC800, $0x38;
	[tilespmem:$0x19400] =	vst v63  }
0x61: {  	_ =	swait.ge [sflag:s29], $0xC800  }
0x62: {  	[sflag:s29] =	ssyncset.done $0x0  }
0x63: {  	[sflag:s29] =	ssyncadd.s32 $0xFFFF3800  }
0x64: {  	_ =	swait.ge [sflag:s4], $0xC800  }
0x65: {  	[sflag:s4] =	ssyncset.done $0x0  }
0x66: {  	s9 =	sadd.s32 $0x1900, s6;
	[sflag:s4] =	ssyncadd.s32 $0xFFFF3800  }
0x67: {  	[hbm4b:s9+s2] =	stream.linear.scatter [tilespmem:s3], [sflag:$0x3], $0xC800, $0x38;
	[tilespmem:$0x19400] =	vst v63  }
0x68: {  	_ =	swait.ge [sflag:s29], $0xC800  }
0x69: {  	[sflag:s29] =	ssyncset.done $0x0  }
0x6a: {  	s10 =	simm.s32 $0x0;
	s28 =	rddreg [dreg:$0x2];
	[sflag:s29] =	ssyncadd.s32 $0xFFFF3800  }
0x6b: {  	[tilespmem:s10], [sflag:$0x3] =	stream.linear.gather [hbm4b:s28+s10], $0x190, $0x38;
	[tilespmem:$0x19400] =	vst v63  }
0x6c: {  	_ =	swait.ge [sflag:s29], $0x190  }
0x6d: {  	[sflag:s29] =	ssyncset.done $0x0  }
0x6e: {  	[sflag:s29] =	ssyncadd.s32 $0xFFFFFE70  }
0x6f: {  	[tilespmem:s31], [sflag:$0x1] =	stream.indirect.gather [hbm4b:s22+s30], $0x80, s10, s30, $0xb8;
	[tilespmem:$0x19400] =	vst v63  }
0x70: {  	_ =	swait.ge [sflag:s1], $0xC800  }
0x71: {  	[sflag:s1] =	ssyncset.done $0x0  }
0x72: {  	s8 =	rddreg [dreg:$0x3];
	[sflag:s1] =	ssyncadd.s32 $0xFFFF3800  }
0x73: {  	[hbm4b:s8+s10] =	stream.linear.scatter [tilespmem:s31], [sflag:$0x3], $0xC800, $0x38;
	[tilespmem:$0x19400] =	vst v63  }
0x74: {  	_ =	swait.ge [sflag:s29], $0xC800  }
0x75: {  	[sflag:s29] =	ssyncset.done $0x0  }
0x76: {  	s9 =	sadd.s32 $0x0, s15;
	[sflag:s29] =	ssyncadd.s32 $0xFFFF3800  }
0x77: {  	[tilespmem:s2], [sflag:$0x3] =	stream.linear.gather [hbm4b:s9+s2], $0x190, $0x38;
	[tilespmem:$0x19400] =	vst v63  }
0x78: {  	_ =	swait.ge [sflag:s29], $0x190  }
0x79: {  	[sflag:s29] =	ssyncset.done $0x0  }
0x7a: {  	[sflag:s29] =	ssyncadd.s32 $0xFFFFFE70  }
0x7b: {  	[tilespmem:s31], [sflag:$0x1] =	stream.indirect.gather [hbm4b:s23+s30], $0x80, s2, s30, $0xb8;
	[tilespmem:$0x19400] =	vst v63  }
0x7c: {  	s10 =	sadd.s32 $0x0, s16  }
0x7d: {  	[tilespmem:s0], [sflag:$0x3] =	stream.linear.gather [hbm4b:s10+s2], $0x190, $0x38;
	[tilespmem:$0x19400] =	vst v63  }
0x7e: {  	_ =	swait.ge [sflag:s29], $0x190  }
0x7f: {  	[sflag:s29] =	ssyncset.done $0x0  }
0x80: {  	[sflag:s29] =	ssyncadd.s32 $0xFFFFFE70  }
0x81: {  	_ =	swait.ge [sflag:s1], $0xC800  }
0x82: {  	[sflag:s1] =	ssyncset.done $0x0  }
0x83: {  	[sflag:s1] =	ssyncadd.s32 $0xFFFF3800  }
0x84: {  	[tilespmem:s3], [sflag:$0x2] =	stream.indirect.gather [hbm4b:s23+s30], $0x80, s0, s30, $0xb8;
	[tilespmem:$0x19400] =	vst v63  }
0x85: {  	_ = 	snop  }
0x86: {  	[hbm4b:s14+s2] =	stream.linear.scatter [tilespmem:s31], [sflag:$0x3], $0xC800, $0x38;
	[tilespmem:$0x19400] =	vst v63  }
0x87: {  	_ =	swait.ge [sflag:s29], $0xC800  }
0x88: {  	[sflag:s29] =	ssyncset.done $0x0  }
0x89: {  	[sflag:s29] =	ssyncadd.s32 $0xFFFF3800  }
0x8a: {  	_ =	swait.ge [sflag:s4], $0xC800  }
0x8b: {  	[sflag:s4] =	ssyncset.done $0x0  }
0x8c: {  	s28 =	sadd.s32 $0x1900, s14;
	[sflag:s4] =	ssyncadd.s32 $0xFFFF3800  }
0x8d: {  	[hbm4b:s28+s2] =	stream.linear.scatter [tilespmem:s3], [sflag:$0x3], $0xC800, $0x38;
	[tilespmem:$0x19400] =	vst v63  }
0x8e: {  	s7 =	simm.s32 $0x64;
	_ =	swait.ge [sflag:s29], $0xC800  }
0x8f: {  	s6 =	sadd.s32 $0x3200, s14;
	s8 =	simm.s32 $0xC8;
	[sflag:s29] =	ssyncset.done $0x0  }
.LBB2_4:
0x90: {  	s9 =	sadd.s32 s7, s15  }
0x91: {  	[sflag:s29] =	ssyncadd.s32 $0xFFFF3800;
	s10 =	smov.u32 s8;
	s28 =	sadd.s32 $0x64, s8  }
0x92: {  	[tilespmem:s2], [sflag:$0x3] =	stream.linear.gather [hbm4b:s9+s2], $0x190, $0x38;
	[tilespmem:$0x19400] =	vst v63  }
0x93: {  	p0 =	sne.s32 s8, $0x44C;
	_ =	swait.ge [sflag:s29], $0x190  }
0x94: {  	[sflag:s29] =	ssyncset.done $0x0  }
0x95: {  	[sflag:s29] =	ssyncadd.s32 $0xFFFFFE70  }
0x96: {  	[tilespmem:s31], [sflag:$0x1] =	stream.indirect.gather [hbm4b:s23+s30], $0x80, s2, s30, $0xb8;
	[tilespmem:$0x19400] =	vst v63  }
0x97: {  	s8 =	sadd.s32 s7, s16;
	s7 =	smov.u32 s10  }
0x98: {  	[tilespmem:s0], [sflag:$0x3] =	stream.linear.gather [hbm4b:s8+s2], $0x190, $0x38;
	[tilespmem:$0x19400] =	vst v63  }
0x99: {  	_ =	swait.ge [sflag:s29], $0x190  }
0x9a: {  	[sflag:s29] =	ssyncset.done $0x0  }
0x9b: {  	[sflag:s29] =	ssyncadd.s32 $0xFFFFFE70  }
0x9c: {  	_ =	swait.ge [sflag:s1], $0xC800  }
0x9d: {  	[sflag:s1] =	ssyncset.done $0x0  }
0x9e: {  	[sflag:s1] =	ssyncadd.s32 $0xFFFF3800  }
0x9f: {  	[tilespmem:s3], [sflag:$0x2] =	stream.indirect.gather [hbm4b:s23+s30], $0x80, s0, s30, $0xb8;
	[tilespmem:$0x19400] =	vst v63  }
0xa0: {  	_ = 	snop  }
0xa1: {  	[hbm4b:s6+s2] =	stream.linear.scatter [tilespmem:s31], [sflag:$0x3], $0xC800, $0x38;
	[tilespmem:$0x19400] =	vst v63  }
0xa2: {  	_ =	swait.ge [sflag:s29], $0xC800  }
0xa3: {  	[sflag:s29] =	ssyncset.done $0x0  }
0xa4: {  	[sflag:s29] =	ssyncadd.s32 $0xFFFF3800  }
0xa5: {  	_ =	swait.ge [sflag:s4], $0xC800  }
.Ltmp1:
0xa6: {  	[sflag:s4] =	ssyncset.done $0x0;
	(pc) =	sbr.rel @p0 .LBB2_4-.Ltmp1, $4  }
0xa7: {  	s8 =	sadd.s32 $0x1900, s6;
	[sflag:s4] =	ssyncadd.s32 $0xFFFF3800  }
0xa8: {  	[hbm4b:s8+s2] =	stream.linear.scatter [tilespmem:s3], [sflag:$0x3], $0xC800, $0x38;
	[tilespmem:$0x19400] =	vst v63  }
0xa9: {  	_ =	swait.ge [sflag:s29], $0xC800  }
0xaa: {  	s6 =	sadd.s32 $0x3200, s6;
	s8 =	smov.u32 s28;
	[sflag:s29] =	ssyncset.done $0x0  }
0xab: {  	s8 =	sadd.s32 s7, s15;
	[sflag:s29] =	ssyncadd.s32 $0xFFFF3800  }
0xac: {  	[tilespmem:s2], [sflag:$0x3] =	stream.linear.gather [hbm4b:s8+s2], $0x190, $0x38;
	[tilespmem:$0x19400] =	vst v63  }
0xad: {  	_ =	swait.ge [sflag:s29], $0x190  }
0xae: {  	[sflag:s29] =	ssyncset.done $0x0  }
0xaf: {  	[sflag:s29] =	ssyncadd.s32 $0xFFFFFE70  }
0xb0: {  	[tilespmem:s31], [sflag:$0x1] =	stream.indirect.gather [hbm4b:s23+s30], $0x80, s2, s30, $0xb8;
	[tilespmem:$0x19400] =	vst v63  }
0xb1: {  	s8 =	sadd.s32 s7, s16  }
0xb2: {  	[tilespmem:s0], [sflag:$0x3] =	stream.linear.gather [hbm4b:s8+s2], $0x190, $0x38;
	[tilespmem:$0x19400] =	vst v63  }
0xb3: {  	_ =	swait.ge [sflag:s29], $0x190  }
0xb4: {  	[sflag:s29] =	ssyncset.done $0x0  }
0xb5: {  	[sflag:s29] =	ssyncadd.s32 $0xFFFFFE70  }
0xb6: {  	_ =	swait.ge [sflag:s1], $0xC800  }
0xb7: {  	[sflag:s1] =	ssyncset.done $0x0  }
0xb8: {  	[sflag:s1] =	ssyncadd.s32 $0xFFFF3800  }
0xb9: {  	[tilespmem:s3], [sflag:$0x2] =	stream.indirect.gather [hbm4b:s23+s30], $0x80, s0, s30, $0xb8;
	[tilespmem:$0x19400] =	vst v63  }
0xba: {  	_ = 	snop  }
0xbb: {  	[hbm4b:s6+s2] =	stream.linear.scatter [tilespmem:s31], [sflag:$0x3], $0xC800, $0x38;
	[tilespmem:$0x19400] =	vst v63  }
0xbc: {  	_ =	swait.ge [sflag:s29], $0xC800  }
0xbd: {  	[sflag:s29] =	ssyncset.done $0x0  }
0xbe: {  	[sflag:s29] =	ssyncadd.s32 $0xFFFF3800  }
0xbf: {  	_ =	swait.ge [sflag:s4], $0xC800  }
0xc0: {  	[sflag:s4] =	ssyncset.done $0x0  }
0xc1: {  	s9 =	sadd.s32 $0x1900, s6;
	[sflag:s4] =	ssyncadd.s32 $0xFFFF3800  }
0xc2: {  	[hbm4b:s9+s2] =	stream.linear.scatter [tilespmem:s3], [sflag:$0x3], $0xC800, $0x38;
	[tilespmem:$0x19400] =	vst v63  }
0xc3: {  	_ =	swait.ge [sflag:s29], $0xC800  }
0xc4: {  	[sflag:s29] =	ssyncset.done $0x0  }
0xc5: {  	s10 =	simm.s32 $0x0;
	s28 =	rddreg [dreg:$0x4];
	[sflag:s29] =	ssyncadd.s32 $0xFFFF3800  }
0xc6: {  	[tilespmem:s10], [sflag:$0x3] =	stream.linear.gather [hbm4b:s28+s10], $0x190, $0x38;
	[tilespmem:$0x19400] =	vst v63  }
0xc7: {  	_ =	swait.ge [sflag:s29], $0x190  }
0xc8: {  	[sflag:s29] =	ssyncset.done $0x0  }
0xc9: {  	[sflag:s29] =	ssyncadd.s32 $0xFFFFFE70  }
0xca: {  	[tilespmem:s31], [sflag:$0x1] =	stream.indirect.gather [hbm4b:s23+s30], $0x80, s10, s30, $0xb8;
	[tilespmem:$0x19400] =	vst v63  }
0xcb: {  	_ =	swait.ge [sflag:s1], $0xC800  }
0xcc: {  	[sflag:s1] =	ssyncset.done $0x0  }
0xcd: {  	s8 =	rddreg [dreg:$0x5];
	[sflag:s1] =	ssyncadd.s32 $0xFFFF3800  }
0xce: {  	[hbm4b:s8+s10] =	stream.linear.scatter [tilespmem:s31], [sflag:$0x3], $0xC800, $0x38;
	[tilespmem:$0x19400] =	vst v63  }
0xcf: {  	_ =	swait.ge [sflag:s29], $0xC800  }
0xd0: {  	[sflag:s29] =	ssyncset.done $0x0  }
0xd1: {  	s9 =	sadd.s32 $0x0, s19;
	[sflag:s29] =	ssyncadd.s32 $0xFFFF3800  }
0xd2: {  	[tilespmem:s2], [sflag:$0x3] =	stream.linear.gather [hbm4b:s9+s2], $0x190, $0x38;
	[tilespmem:$0x19400] =	vst v63  }
0xd3: {  	_ =	swait.ge [sflag:s29], $0x190  }
0xd4: {  	[sflag:s29] =	ssyncset.done $0x0  }
0xd5: {  	[sflag:s29] =	ssyncadd.s32 $0xFFFFFE70  }
0xd6: {  	[tilespmem:s31], [sflag:$0x1] =	stream.indirect.gather [hbm4b:s25+s30], $0x80, s2, s30, $0xb8;
	[tilespmem:$0x19400] =	vst v63  }
0xd7: {  	s10 =	sadd.s32 $0x0, s20  }
0xd8: {  	[tilespmem:s0], [sflag:$0x3] =	stream.linear.gather [hbm4b:s10+s2], $0x190, $0x38;
	[tilespmem:$0x19400] =	vst v63  }
0xd9: {  	_ =	swait.ge [sflag:s29], $0x190  }
0xda: {  	[sflag:s29] =	ssyncset.done $0x0  }
0xdb: {  	[sflag:s29] =	ssyncadd.s32 $0xFFFFFE70  }
0xdc: {  	_ =	swait.ge [sflag:s1], $0xC800  }
0xdd: {  	[sflag:s1] =	ssyncset.done $0x0  }
0xde: {  	[sflag:s1] =	ssyncadd.s32 $0xFFFF3800  }
0xdf: {  	[tilespmem:s3], [sflag:$0x2] =	stream.indirect.gather [hbm4b:s25+s30], $0x80, s0, s30, $0xb8;
	[tilespmem:$0x19400] =	vst v63  }
0xe0: {  	_ = 	snop  }
0xe1: {  	[hbm4b:s17+s2] =	stream.linear.scatter [tilespmem:s31], [sflag:$0x3], $0xC800, $0x38;
	[tilespmem:$0x19400] =	vst v63  }
0xe2: {  	_ =	swait.ge [sflag:s29], $0xC800  }
0xe3: {  	[sflag:s29] =	ssyncset.done $0x0  }
0xe4: {  	[sflag:s29] =	ssyncadd.s32 $0xFFFF3800  }
0xe5: {  	_ =	swait.ge [sflag:s4], $0xC800  }
0xe6: {  	[sflag:s4] =	ssyncset.done $0x0  }
0xe7: {  	s28 =	sadd.s32 $0x1900, s17;
	[sflag:s4] =	ssyncadd.s32 $0xFFFF3800  }
0xe8: {  	[hbm4b:s28+s2] =	stream.linear.scatter [tilespmem:s3], [sflag:$0x3], $0xC800, $0x38;
	[tilespmem:$0x19400] =	vst v63  }
0xe9: {  	s7 =	simm.s32 $0x64;
	_ =	swait.ge [sflag:s29], $0xC800  }
0xea: {  	s6 =	sadd.s32 $0x3200, s17;
	s8 =	simm.s32 $0xC8;
	[sflag:s29] =	ssyncset.done $0x0  }
.LBB2_6:
0xeb: {  	s9 =	sadd.s32 s7, s19  }
0xec: {  	[sflag:s29] =	ssyncadd.s32 $0xFFFF3800;
	s10 =	smov.u32 s8;
	s28 =	sadd.s32 $0x64, s8  }
0xed: {  	[tilespmem:s2], [sflag:$0x3] =	stream.linear.gather [hbm4b:s9+s2], $0x190, $0x38;
	[tilespmem:$0x19400] =	vst v63  }
0xee: {  	p0 =	sne.s32 s8, $0x44C;
	_ =	swait.ge [sflag:s29], $0x190  }
0xef: {  	[sflag:s29] =	ssyncset.done $0x0  }
0xf0: {  	[sflag:s29] =	ssyncadd.s32 $0xFFFFFE70  }
0xf1: {  	[tilespmem:s31], [sflag:$0x1] =	stream.indirect.gather [hbm4b:s25+s30], $0x80, s2, s30, $0xb8;
	[tilespmem:$0x19400] =	vst v63  }
0xf2: {  	s8 =	sadd.s32 s7, s20;
	s7 =	smov.u32 s10  }
0xf3: {  	[tilespmem:s0], [sflag:$0x3] =	stream.linear.gather [hbm4b:s8+s2], $0x190, $0x38;
	[tilespmem:$0x19400] =	vst v63  }
0xf4: {  	_ =	swait.ge [sflag:s29], $0x190  }
0xf5: {  	[sflag:s29] =	ssyncset.done $0x0  }
0xf6: {  	[sflag:s29] =	ssyncadd.s32 $0xFFFFFE70  }
0xf7: {  	_ =	swait.ge [sflag:s1], $0xC800  }
0xf8: {  	[sflag:s1] =	ssyncset.done $0x0  }
0xf9: {  	[sflag:s1] =	ssyncadd.s32 $0xFFFF3800  }
0xfa: {  	[tilespmem:s3], [sflag:$0x2] =	stream.indirect.gather [hbm4b:s25+s30], $0x80, s0, s30, $0xb8;
	[tilespmem:$0x19400] =	vst v63  }
0xfb: {  	_ = 	snop  }
0xfc: {  	[hbm4b:s6+s2] =	stream.linear.scatter [tilespmem:s31], [sflag:$0x3], $0xC800, $0x38;
	[tilespmem:$0x19400] =	vst v63  }
0xfd: {  	_ =	swait.ge [sflag:s29], $0xC800  }
0xfe: {  	[sflag:s29] =	ssyncset.done $0x0  }
0xff: {  	[sflag:s29] =	ssyncadd.s32 $0xFFFF3800  }
0x100: {  	_ =	swait.ge [sflag:s4], $0xC800  }
.Ltmp2:
0x101: {  	[sflag:s4] =	ssyncset.done $0x0;
	(pc) =	sbr.rel @p0 .LBB2_6-.Ltmp2, $4  }
0x102: {  	s8 =	sadd.s32 $0x1900, s6;
	[sflag:s4] =	ssyncadd.s32 $0xFFFF3800  }
0x103: {  	[hbm4b:s8+s2] =	stream.linear.scatter [tilespmem:s3], [sflag:$0x3], $0xC800, $0x38;
	[tilespmem:$0x19400] =	vst v63  }
0x104: {  	_ =	swait.ge [sflag:s29], $0xC800  }
0x105: {  	s6 =	sadd.s32 $0x3200, s6;
	s8 =	smov.u32 s28;
	[sflag:s29] =	ssyncset.done $0x0  }
0x106: {  	s8 =	sadd.s32 s7, s19;
	[sflag:s29] =	ssyncadd.s32 $0xFFFF3800  }
0x107: {  	[tilespmem:s2], [sflag:$0x3] =	stream.linear.gather [hbm4b:s8+s2], $0x190, $0x38;
	[tilespmem:$0x19400] =	vst v63  }
0x108: {  	_ =	swait.ge [sflag:s29], $0x190  }
0x109: {  	[sflag:s29] =	ssyncset.done $0x0  }
0x10a: {  	[sflag:s29] =	ssyncadd.s32 $0xFFFFFE70  }
0x10b: {  	[tilespmem:s31], [sflag:$0x1] =	stream.indirect.gather [hbm4b:s25+s30], $0x80, s2, s30, $0xb8;
	[tilespmem:$0x19400] =	vst v63  }
0x10c: {  	s8 =	sadd.s32 s7, s20  }
0x10d: {  	[tilespmem:s0], [sflag:$0x3] =	stream.linear.gather [hbm4b:s8+s2], $0x190, $0x38;
	[tilespmem:$0x19400] =	vst v63  }
0x10e: {  	_ =	swait.ge [sflag:s29], $0x190  }
0x10f: {  	[sflag:s29] =	ssyncset.done $0x0  }
0x110: {  	[sflag:s29] =	ssyncadd.s32 $0xFFFFFE70  }
0x111: {  	_ =	swait.ge [sflag:s1], $0xC800  }
0x112: {  	[sflag:s1] =	ssyncset.done $0x0  }
0x113: {  	[sflag:s1] =	ssyncadd.s32 $0xFFFF3800  }
0x114: {  	[tilespmem:s3], [sflag:$0x2] =	stream.indirect.gather [hbm4b:s25+s30], $0x80, s0, s30, $0xb8;
	[tilespmem:$0x19400] =	vst v63  }
0x115: {  	_ = 	snop  }
0x116: {  	[hbm4b:s6+s2] =	stream.linear.scatter [tilespmem:s31], [sflag:$0x3], $0xC800, $0x38;
	[tilespmem:$0x19400] =	vst v63  }
0x117: {  	_ =	swait.ge [sflag:s29], $0xC800  }
0x118: {  	[sflag:s29] =	ssyncset.done $0x0  }
0x119: {  	[sflag:s29] =	ssyncadd.s32 $0xFFFF3800  }
0x11a: {  	_ =	swait.ge [sflag:s4], $0xC800  }
0x11b: {  	[sflag:s4] =	ssyncset.done $0x0  }
0x11c: {  	s9 =	sadd.s32 $0x1900, s6;
	[sflag:s4] =	ssyncadd.s32 $0xFFFF3800  }
0x11d: {  	[hbm4b:s9+s2] =	stream.linear.scatter [tilespmem:s3], [sflag:$0x3], $0xC800, $0x38;
	[tilespmem:$0x19400] =	vst v63  }
0x11e: {  	_ =	swait.ge [sflag:s29], $0xC800  }
0x11f: {  	[sflag:s29] =	ssyncset.done $0x0  }
0x120: {  	s10 =	simm.s32 $0x0;
	s28 =	rddreg [dreg:$0x6];
	[sflag:s29] =	ssyncadd.s32 $0xFFFF3800  }
0x121: {  	[tilespmem:s10], [sflag:$0x3] =	stream.linear.gather [hbm4b:s28+s10], $0x190, $0x38;
	[tilespmem:$0x19400] =	vst v63  }
0x122: {  	_ =	swait.ge [sflag:s29], $0x190  }
0x123: {  	[sflag:s29] =	ssyncset.done $0x0  }
0x124: {  	[sflag:s29] =	ssyncadd.s32 $0xFFFFFE70  }
0x125: {  	[tilespmem:s31], [sflag:$0x1] =	stream.indirect.gather [hbm4b:s25+s30], $0x80, s10, s30, $0xb8;
	[tilespmem:$0x19400] =	vst v63  }
0x126: {  	_ =	swait.ge [sflag:s1], $0xC800  }
0x127: {  	[sflag:s1] =	ssyncset.done $0x0  }
0x128: {  	s8 =	rddreg [dreg:$0x7];
	[sflag:s1] =	ssyncadd.s32 $0xFFFF3800  }
0x129: {  	[hbm4b:s8+s10] =	stream.linear.scatter [tilespmem:s31], [sflag:$0x3], $0xC800, $0x38;
	[tilespmem:$0x19400] =	vst v63  }
0x12a: {  	_ =	swait.ge [sflag:s29], $0xC800  }
0x12b: {  	[sflag:s29] =	ssyncset.done $0x0  }
0x12c: {  	s9 =	sadd.s32 $0x0, s21;
	[sflag:s29] =	ssyncadd.s32 $0xFFFF3800  }
0x12d: {  	[tilespmem:s2], [sflag:$0x3] =	stream.linear.gather [hbm4b:s9+s2], $0x190, $0x38;
	[tilespmem:$0x19400] =	vst v63  }
0x12e: {  	_ =	swait.ge [sflag:s29], $0x190  }
0x12f: {  	[sflag:s29] =	ssyncset.done $0x0  }
0x130: {  	[sflag:s29] =	ssyncadd.s32 $0xFFFFFE70  }
0x131: {  	[tilespmem:s31], [sflag:$0x1] =	stream.indirect.gather [hbm4b:s26+s30], $0x80, s2, s30, $0xb8;
	[tilespmem:$0x19400] =	vst v63  }
0x132: {  	s10 =	sadd.s32 $0x0, s24  }
0x133: {  	[tilespmem:s0], [sflag:$0x3] =	stream.linear.gather [hbm4b:s10+s2], $0x190, $0x38;
	[tilespmem:$0x19400] =	vst v63  }
0x134: {  	_ =	swait.ge [sflag:s29], $0x190  }
0x135: {  	[sflag:s29] =	ssyncset.done $0x0  }
0x136: {  	[sflag:s29] =	ssyncadd.s32 $0xFFFFFE70  }
0x137: {  	_ =	swait.ge [sflag:s1], $0xC800  }
0x138: {  	[sflag:s1] =	ssyncset.done $0x0  }
0x139: {  	[sflag:s1] =	ssyncadd.s32 $0xFFFF3800  }
0x13a: {  	[tilespmem:s3], [sflag:$0x2] =	stream.indirect.gather [hbm4b:s26+s30], $0x80, s0, s30, $0xb8;
	[tilespmem:$0x19400] =	vst v63  }
0x13b: {  	_ = 	snop  }
0x13c: {  	[hbm4b:s18+s2] =	stream.linear.scatter [tilespmem:s31], [sflag:$0x3], $0xC800, $0x38;
	[tilespmem:$0x19400] =	vst v63  }
0x13d: {  	_ =	swait.ge [sflag:s29], $0xC800  }
0x13e: {  	[sflag:s29] =	ssyncset.done $0x0  }
0x13f: {  	[sflag:s29] =	ssyncadd.s32 $0xFFFF3800  }
0x140: {  	_ =	swait.ge [sflag:s4], $0xC800  }
0x141: {  	[sflag:s4] =	ssyncset.done $0x0  }
0x142: {  	s28 =	sadd.s32 $0x1900, s18;
	[sflag:s4] =	ssyncadd.s32 $0xFFFF3800  }
0x143: {  	[hbm4b:s28+s2] =	stream.linear.scatter [tilespmem:s3], [sflag:$0x3], $0xC800, $0x38;
	[tilespmem:$0x19400] =	vst v63  }
0x144: {  	s7 =	simm.s32 $0x64;
	_ =	swait.ge [sflag:s29], $0xC800  }
0x145: {  	s6 =	sadd.s32 $0x3200, s18;
	s8 =	simm.s32 $0xC8;
	[sflag:s29] =	ssyncset.done $0x0  }
.LBB2_8:
0x146: {  	s9 =	sadd.s32 s7, s21  }
0x147: {  	[sflag:s29] =	ssyncadd.s32 $0xFFFF3800;
	s10 =	smov.u32 s8;
	s28 =	sadd.s32 $0x64, s8  }
0x148: {  	[tilespmem:s2], [sflag:$0x3] =	stream.linear.gather [hbm4b:s9+s2], $0x190, $0x38;
	[tilespmem:$0x19400] =	vst v63  }
0x149: {  	p0 =	sne.s32 s8, $0x44C;
	_ =	swait.ge [sflag:s29], $0x190  }
0x14a: {  	[sflag:s29] =	ssyncset.done $0x0  }
0x14b: {  	[sflag:s29] =	ssyncadd.s32 $0xFFFFFE70  }
0x14c: {  	[tilespmem:s31], [sflag:$0x1] =	stream.indirect.gather [hbm4b:s26+s30], $0x80, s2, s30, $0xb8;
	[tilespmem:$0x19400] =	vst v63  }
0x14d: {  	s8 =	sadd.s32 s7, s24;
	s7 =	smov.u32 s10  }
0x14e: {  	[tilespmem:s0], [sflag:$0x3] =	stream.linear.gather [hbm4b:s8+s2], $0x190, $0x38;
	[tilespmem:$0x19400] =	vst v63  }
0x14f: {  	_ =	swait.ge [sflag:s29], $0x190  }
0x150: {  	[sflag:s29] =	ssyncset.done $0x0  }
0x151: {  	[sflag:s29] =	ssyncadd.s32 $0xFFFFFE70  }
0x152: {  	_ =	swait.ge [sflag:s1], $0xC800  }
0x153: {  	[sflag:s1] =	ssyncset.done $0x0  }
0x154: {  	[sflag:s1] =	ssyncadd.s32 $0xFFFF3800  }
0x155: {  	[tilespmem:s3], [sflag:$0x2] =	stream.indirect.gather [hbm4b:s26+s30], $0x80, s0, s30, $0xb8;
	[tilespmem:$0x19400] =	vst v63  }
0x156: {  	_ = 	snop  }
0x157: {  	[hbm4b:s6+s2] =	stream.linear.scatter [tilespmem:s31], [sflag:$0x3], $0xC800, $0x38;
	[tilespmem:$0x19400] =	vst v63  }
0x158: {  	_ =	swait.ge [sflag:s29], $0xC800  }
0x159: {  	[sflag:s29] =	ssyncset.done $0x0  }
0x15a: {  	[sflag:s29] =	ssyncadd.s32 $0xFFFF3800  }
0x15b: {  	_ =	swait.ge [sflag:s4], $0xC800  }
.Ltmp3:
0x15c: {  	[sflag:s4] =	ssyncset.done $0x0;
	(pc) =	sbr.rel @p0 .LBB2_8-.Ltmp3, $4  }
0x15d: {  	s8 =	sadd.s32 $0x1900, s6;
	[sflag:s4] =	ssyncadd.s32 $0xFFFF3800  }
0x15e: {  	[hbm4b:s8+s2] =	stream.linear.scatter [tilespmem:s3], [sflag:$0x3], $0xC800, $0x38;
	[tilespmem:$0x19400] =	vst v63  }
0x15f: {  	_ =	swait.ge [sflag:s29], $0xC800  }
0x160: {  	s6 =	sadd.s32 $0x3200, s6;
	s8 =	smov.u32 s28;
	[sflag:s29] =	ssyncset.done $0x0  }
0x161: {  	s8 =	sadd.s32 s7, s21;
	[sflag:s29] =	ssyncadd.s32 $0xFFFF3800  }
0x162: {  	[tilespmem:s2], [sflag:$0x3] =	stream.linear.gather [hbm4b:s8+s2], $0x190, $0x38;
	[tilespmem:$0x19400] =	vst v63  }
0x163: {  	_ =	swait.ge [sflag:s29], $0x190  }
0x164: {  	[sflag:s29] =	ssyncset.done $0x0  }
0x165: {  	[sflag:s29] =	ssyncadd.s32 $0xFFFFFE70  }
0x166: {  	[tilespmem:s31], [sflag:$0x1] =	stream.indirect.gather [hbm4b:s26+s30], $0x80, s2, s30, $0xb8;
	[tilespmem:$0x19400] =	vst v63  }
0x167: {  	s28 =	sadd.s32 s7, s24  }
0x168: {  	[tilespmem:s0], [sflag:$0x3] =	stream.linear.gather [hbm4b:s28+s2], $0x190, $0x38;
	[tilespmem:$0x19400] =	vst v63  }
0x169: {  	_ =	swait.ge [sflag:s29], $0x190  }
0x16a: {  	[sflag:s29] =	ssyncset.done $0x0  }
0x16b: {  	[sflag:s29] =	ssyncadd.s32 $0xFFFFFE70  }
0x16c: {  	_ =	swait.ge [sflag:s1], $0xC800  }
0x16d: {  	[sflag:s1] =	ssyncset.done $0x0  }
0x16e: {  	[sflag:s1] =	ssyncadd.s32 $0xFFFF3800  }
0x16f: {  	[tilespmem:s3], [sflag:$0x2] =	stream.indirect.gather [hbm4b:s26+s30], $0x80, s0, s30, $0xb8;
	[tilespmem:$0x19400] =	vst v63  }
0x170: {  	_ = 	snop  }
0x171: {  	[hbm4b:s6+s2] =	stream.linear.scatter [tilespmem:s31], [sflag:$0x3], $0xC800, $0x38;
	[tilespmem:$0x19400] =	vst v63  }
0x172: {  	_ =	swait.ge [sflag:s29], $0xC800  }
0x173: {  	[sflag:s29] =	ssyncset.done $0x0  }
0x174: {  	[sflag:s29] =	ssyncadd.s32 $0xFFFF3800  }
0x175: {  	_ =	swait.ge [sflag:s4], $0xC800  }
0x176: {  	[sflag:s4] =	ssyncset.done $0x0  }
0x177: {  	s8 =	sadd.s32 $0x1900, s6;
	[sflag:s4] =	ssyncadd.s32 $0xFFFF3800  }
0x178: {  	[hbm4b:s8+s2] =	stream.linear.scatter [tilespmem:s3], [sflag:$0x3], $0xC800, $0x38;
	[tilespmem:$0x19400] =	vst v63  }
0x179: {  	_ =	swait.ge [sflag:s29], $0xC800  }
0x17a: {  	[sflag:s29] =	ssyncset.done $0x0  }
0x17b: {  	s9 =	rddreg [dreg:$0x8];
	[sflag:s29] =	ssyncadd.s32 $0xFFFF3800  }
0x17c: {  	[tilespmem:s2], [sflag:$0x3] =	stream.linear.gather [hbm4b:s9+s2], $0x190, $0x38;
	[tilespmem:$0x19400] =	vst v63  }
0x17d: {  	_ =	swait.ge [sflag:s29], $0x190  }
0x17e: {  	[sflag:s29] =	ssyncset.done $0x0  }
0x17f: {  	[sflag:s29] =	ssyncadd.s32 $0xFFFFFE70  }
0x180: {  	[tilespmem:s31], [sflag:$0x1] =	stream.indirect.gather [hbm4b:s26+s30], $0x80, s2, s30, $0xb8;
	[tilespmem:$0x19400] =	vst v63  }
0x181: {  	_ =	swait.ge [sflag:s1], $0xC800  }
0x182: {  	[sflag:s1] =	ssyncset.done $0x0  }
0x183: {  	s10 =	rddreg [dreg:$0x9];
	[sflag:s1] =	ssyncadd.s32 $0xFFFF3800  }
0x184: {  	[hbm4b:s10+s2] =	stream.linear.scatter [tilespmem:s31], [sflag:$0x3], $0xC800, $0x38;
	[tilespmem:$0x19400] =	vst v63  }
0x185: {  	_ =	swait.ge [sflag:s29], $0xC800  }
0x186: {  	s5 =	sadd.s32 $0x1, s5;
	s28 =	rddreg [dreg:$0xa]  }
0x187: {  	p0 =	sne.s32 s5, s28  }
.Ltmp4:
0x188: {  	_ = 	snop;
	(pc) =	sbr.rel @p0 .LBB2_1-.Ltmp4, $3  }
0x189: {  	_ =	sdelay $0x1  }
0x18a: {  	[sflag:s29] =	ssyncset.done $0x0  }
0x18b: {  	[sflag:s29] =	ssyncadd.s32 $0xFFFF3800  }
0x18c: {  	_ =	sfence.sel $0x180000  }
0x18d: {  	[bflag:$0x0] =	sbarrier.arrive $0xFFFF  }
0x18e: {  	_ =	strace $0x90000047  }
0x18f: {  	s0 =	stileid.u32;
	[bflag:$0x2] =	sbarrier.arrive $0xFFFF  }
0x190: {  	p0 =	sne.s32 s0, $0x0;
	s0 =	rddreg [dreg:$0x1]  }
0x191: {  	s0 =	sadd.s32 @!p0 $0x100000, s0  }
0x192: {  	[sflag:s0] =	ssyncadd.tile.s32 @!p0 $0x1;
	_ =	shalt  }
.Lfunc_end2:
_tile_overlayer_lowered:
.L_overlay_start_2:
0x193: {  	(tag) =	ssettag $0x2  }
0x194: {  	s0 =	rddreg [dreg:$0x0];
	s2 =	stileid.u32  }
0x195: {  	s1 =	rddreg [dreg:$0x1];
	p0 =	sne.s32 s2, $0x0  }
0x196: {  	s3 =	rddreg [dreg:$0x2];
	[bflag:$0x3] =	sbarrier.arrive $0xFFFF;
	s2 =	simm.s32 @!p0 $0x1C03  }
0x197: {  	[timem:s3], [sflag:s2] =	dma.local @!p0 [hbm:s0], s1  }
0x198: {  	s0 =	simm.s32 @!p0 $0x3  }
0x199: {  	_ =	swait.ge @!p0 [sflag:s0], s1  }
0x19a: {  	s1 =	ssub.s32 @!p0 $0x0, s1;
	[sflag:s0] =	ssyncset.done @!p0 $0x0  }
0x19b: {  	[sflag:s0] =	ssyncadd.s32 @!p0 s1  }
0x19c: {  	[bflag:$0x3] =	sbarrier.arrive $0xFFFF  }
0x19d: {  	_ =	shalt  }

// kernel: kernel.23.cloned.1.call-start
scs
__scs_entry_jumppad:
0x0: {  	(pc) =	sbr.rel $0x88, $3  }
0x1: {  	(tag) =	ssettag $0x0;
	lr =	simm.s32 $0x1  }
0x2: {  	[smem:$0x3F85] =	sst lr;
	_ =	strace $0xD0000000  }
0x3: {  	_ = 	snop  }
0x4: {  	_ = 	snop  }
0x5: {  	_ = 	snop  }
0x6: {  	_ = 	snop  }
0x7: {  	_ = 	snop  }
__scs_overlays_trampoline_lowered:
0x8: {  	[smem:$0x3F94] =	sst s0  }
0x9: {  	[smem:$0x3F95] =	sst s1  }
0xa: {  	[smem:$0x3F96] =	sst s2  }
0xb: {  	[smem:$0x3F97] =	sst s3  }
0xc: {  	[smem:$0x3F98] =	sst s4  }
0xd: {  	[smem:$0x3F99] =	sst s5  }
0xe: {  	[smem:$0x3F9A] =	sst s6  }
0xf: {  	[smem:$0x3F9B] =	sst s7  }
0x10: {  	[smem:$0x3F9C] =	sst s8  }
0x11: {  	[smem:$0x3F9D] =	sst s9;
	s0 =	simm.s32 @!p0 $0x0  }
0x12: {  	s1 =	sld [smem:$0x3F83];
	s0 =	simm.s32 @p0 $0x1  }
0x13: {  	[smem:$0x3F9E] =	sst s0;
	s0 =	simm.s32 @!p1 $0x0  }
0x14: {  	s2 =	sld [smem:$0x3F82];
	s0 =	simm.s32 @p1 $0x1  }
0x15: {  	[smem:$0x3F9F] =	sst s0;
	s0 =	simm.s32 @!p2 $0x0  }
0x16: {  	s3 =	sld [smem:$0x3FDB];
	s0 =	simm.s32 @p2 $0x1  }
0x17: {  	s4 =	simm.s32 $0x1BF5;
	[smem:$0x3FA1] =	sst s0  }
0x18: {  	s0 =	sld [smem:$0x3F84];
	_ =	swait.ge [sflag:s4], $0x0  }
0x19: {  	s7 =	sld [smem:$0x3F85]  }
0x1a: {  	s8 =	sadd.s32 $0xFFFFE003, lr  }
0x1b: {  	s9 =	sadd.s32 $0xFFFFFEF7, lr;
	s5 =	simm.s32 $0xFFFFFFFF;
	p2 =	slt.u32 s8, $0xFFFFF086  }
0x1c: {  	p1 =	slt.u32 s9, $0xF7A;
	s5 =	simm.s32 @!p2 $0x0  }
0x1d: {  	s5 =	simm.s32 @p1 $0x1;
	p0 =	seq.s32 s7, s2  }
0x1e: {  	s7 =	smul.u32 @!p0 $0xF7A, s2;
	p2 =	seq.s32 @!p0 s5, $0x0  }
0x1f: {  	s9 =	smul.u32 $0xF7A, s1;
	s8 =	simm.s32 @!p0 $0x1BF5;
	p2 =	por !p2, p0  }
0x20: {  	[sflag:s8] =	ssyncset.s32 @!p0 $0xFFFFF086;
	s6 =	sadd.s32 @!p0 s3, s7;
	s7 =	simm.s32 @!p0 $0x108  }
0x21: {  	s3 =	sadd.s32 s3, s9;
	s6 =	sadd.s32 @!p0 $0x88, s6;
	s7 =	simm.s32 @p2 $0x1082  }
0x22: {  	[simem:s7], [sflag:s8] =	dma.local @!p0 [hbm:s6], $0xF7A  }
0x23: {  	s9 =	sor.u32 $0xD0000000, s2;
	s6 =	simm.s32 $0x108;
	_ =	swait.ge @!p0 [sflag:s8], $0x0  }
0x24: {  	s3 =	sadd.s32 $0x88, s3;
	s6 =	simm.s32 @!p1 $0x1082;
	[sflag:s4] =	ssyncset.s32 $0xFFFFF086  }
0x25: {  	[simem:s6], [sflag:s4] =	dma.local [hbm:s3], $0xF7A  }
0x26: {  	[smem:$0x3F85] =	sst s1;
	(tag) =	ssettag s2;
	_ =	strace s9  }
0x27: {  	s1 =	sld [smem:$0x3F95]  }
0x28: {  	s2 =	sld [smem:$0x3F96]  }
0x29: {  	s4 =	sld [smem:$0x3F98]  }
0x2a: {  	p0 =	seq.s32 s5, $0x0;
	s5 =	sld [smem:$0x3F99]  }
0x2b: {  	s6 =	sld [smem:$0x3F9A]  }
0x2c: {  	s7 =	sld [smem:$0x3F9B]  }
0x2d: {  	s3 =	simm.s32 $0x108;
	s8 =	sld [smem:$0x3F9C]  }
0x2e: {  	s3 =	simm.s32 @!p0 $0x1082;
	s9 =	sld [smem:$0x3F9D]  }
0x2f: {  	lr =	sadd.s32 s0, s3;
	s0 =	sld [smem:$0x3F94]  }
0x30: {  	s3 =	sld [smem:$0x3F97]  }
0x31: {  	[smem:$0x3FA0] =	sst s10  }
0x32: {  	s10 =	sld [smem:$0x3F9E];
	_ =	sdelay $0x3  }
0x33: {  	p0 =	seq.s32 s10, $0x1;
	s10 =	sld [smem:$0x3FA0];
	_ =	sdelay $0x3  }
0x34: {  	[smem:$0x3FA0] =	sst s10  }
0x35: {  	s10 =	sld [smem:$0x3F9F];
	_ =	sdelay $0x3  }
0x36: {  	p1 =	seq.s32 s10, $0x1;
	s10 =	sld [smem:$0x3FA0];
	_ =	sdelay $0x3  }
0x37: {  	[smem:$0x3FA0] =	sst s10  }
0x38: {  	s10 =	sld [smem:$0x3FA1]  }
0x39: {  	_ = 	snop;
	(pc) =	sbr.ind lr, $3  }
0x3a: {  	_ = 	snop  }
0x3b: {  	_ = 	snop  }
0x3c: {  	p2 =	seq.s32 s10, $0x1;
	s10 =	sld [smem:$0x3FA0]  }
0x3d: {  	_ =	shalt  }
0x3e: {  	_ =	shalt  }
0x3f: {  	_ =	shalt  }
0x40: {  	_ =	shalt  }
0x41: {  	_ =	shalt  }
0x42: {  	_ =	shalt  }
0x43: {  	_ =	shalt  }
0x44: {  	_ =	shalt  }
0x45: {  	_ =	shalt  }
0x46: {  	_ =	shalt  }
0x47: {  	_ =	shalt  }
0x48: {  	_ =	shalt  }
0x49: {  	_ =	shalt  }
0x4a: {  	_ =	shalt  }
0x4b: {  	_ =	shalt  }
0x4c: {  	_ =	shalt  }
0x4d: {  	_ =	shalt  }
0x4e: {  	_ =	shalt  }
0x4f: {  	_ =	shalt  }
0x50: {  	_ =	shalt  }
0x51: {  	_ =	shalt  }
0x52: {  	_ =	shalt  }
0x53: {  	_ =	shalt  }
0x54: {  	_ =	shalt  }
0x55: {  	_ =	shalt  }
0x56: {  	_ =	shalt  }
0x57: {  	_ =	shalt  }
0x58: {  	_ =	shalt  }
0x59: {  	_ =	shalt  }
0x5a: {  	_ =	shalt  }
0x5b: {  	_ =	shalt  }
0x5c: {  	_ =	shalt  }
0x5d: {  	_ =	shalt  }
0x5e: {  	_ =	shalt  }
0x5f: {  	_ =	shalt  }
0x60: {  	_ =	shalt  }
0x61: {  	_ =	shalt  }
0x62: {  	_ =	shalt  }
0x63: {  	_ =	shalt  }
0x64: {  	_ =	shalt  }
0x65: {  	_ =	shalt  }
0x66: {  	_ =	shalt  }
0x67: {  	_ =	shalt  }
0x68: {  	_ =	shalt  }
0x69: {  	_ =	shalt  }
0x6a: {  	_ =	shalt  }
0x6b: {  	_ =	shalt  }
0x6c: {  	_ =	shalt  }
0x6d: {  	_ =	shalt  }
0x6e: {  	_ =	shalt  }
0x6f: {  	_ =	shalt  }
0x70: {  	_ =	shalt  }
0x71: {  	_ =	shalt  }
0x72: {  	_ =	shalt  }
0x73: {  	_ =	shalt  }
0x74: {  	_ =	shalt  }
0x75: {  	_ =	shalt  }
0x76: {  	_ =	shalt  }
0x77: {  	_ =	shalt  }
0x78: {  	_ =	shalt  }
0x79: {  	_ =	shalt  }
0x7a: {  	_ =	shalt  }
0x7b: {  	_ =	shalt  }
0x7c: {  	_ =	shalt  }
0x7d: {  	_ =	shalt  }
0x7e: {  	_ =	shalt  }
0x7f: {  	_ =	shalt  }
0x80: {  	_ =	shalt  }
0x81: {  	_ =	shalt  }
0x82: {  	_ =	shalt  }
0x83: {  	_ =	shalt  }
0x84: {  	_ =	shalt  }
0x85: {  	_ =	shalt  }
0x86: {  	_ =	shalt  }
0x87: {  	_ =	shalt  }
.Lfunc_end0:
.L_simem_size_0:
called_computation.1_lowered:
.L_overlay_start_0:
0x88: {  	s2 =	sld [smem:$0x3FD9]  }
0x89: {  	s3 =	sld [smem:$0x3FFE];
	_ =	sdelay $0x1  }
0x8a: {  	s1 =	srdreg.scid  }
0x8b: {  	s0 =	sand.u32 $0x1, s1  }
0x8c: {  	s16 =	sshll.u32 s0, $0xA;
	s2 =	sadd.s32 s3, s2  }
0x8d: {  	s2 =	sadd.s32 s2, s16  }
0x8e: {  	[smem:$0x3FAC] =	sst s2  }
0x8f: {  	_ = 	snop  }
0x90: {  	(tm) =	ssettm $0x1  }
0x91: {  	s17 =	sld [smem:$0x3FFB];
	_ =	sdelay $0x3  }
0x92: {  	_ =	strace s17  }
0x93: {  	s2 =	sld [smem:$0x3FFC];
	_ =	sdelay $0x3  }
0x94: {  	_ =	strace s2  }
0x95: {  	s2 =	sld [smem:$0x3FFD];
	_ =	sdelay $0x3  }
0x96: {  	_ =	strace s2  }
0x97: {  	_ =	strace $0x8FFFFFFF  }
0x98: {  	s18 =	sld [smem:$0x3FDB];
	_ =	sdelay $0x1  }
0x99: {  	s19 =	simm.s32 $_scs_section_size  }
0x9a: {  	s4 =	simm.s32 $_size__tile_overlayer_lowered;
	s5 =	simm.s32 $_tile_overlayer_lowered  }
0x9b: {  	s22 =	simm.s32 $0x1BFF;
	s21 =	sshll.u32 s5, $0x1;
	s2 =	sadd.s32 s19, s18  }
0x9c: {  	s6 =	simm.s32 $0x0;
	s20 =	sshll.u32 s4, $0x1;
	s4 =	sadd.s32 s21, s2  }
0x9d: {  	[timem:s6], [sflag:s22] =	dma.local [hbm:s4], s20  }
0x9e: {  	_ =	swait.ge [sflag:s22], s20  }
0x9f: {  	s3 =	ssub.s32 $0x0, s20;
	[sflag:s22] =	ssyncset.done $0x0  }
0xa0: {  	[sflag:s22] =	ssyncadd.s32 s3;
	_ =	sdelay $0x1  }
0xa1: {  	s23 =	simm.s32 $0x1B8B  }
0xa2: {  	_ =	swait.ge [sflag:s23], $0x1  }
0xa3: {  	[sflag:s23] =	ssyncset.done $0x0  }
0xa4: {  	s25 =	simm.s32 $0x1B8E;
	s24 =	sld [smem:$0x3FFE];
	[sflag:s23] =	ssyncadd.s32 $0xFFFFFFFF  }
0xa5: {  	s26 =	simm.s32 $execute0_lowered;
	[smem:$0x3FD2] =	sst s25  }
0xa6: {  	s4 =	sshll.u32 s26, $0x1;
	_ =	strace $0x80000049;
	[dreg:$0x1] =	wrdreg $0xFFFFFFFF  }
0xa7: {  	s28 =	simm.s32 $_size_execute0_lowered;
	s2 =	sadd.s32 s2, s4;
	[dreg:$0x0] =	wrdreg $0x0  }
0xa8: {  	s4 =	sshll.u32 s28, $0x1;
	[dreg:$0x2] =	wrdreg s2  }
0xa9: {  	[dreg:$0x3] =	wrdreg s4  }
0xaa: {  	[dreg:$0x4] =	wrdreg $0xC0  }
0xab: {  	_ =	task [dreg:s6], $0x5FFFF  }
0xac: {  	[dreg:$0x1] =	wrdreg $0xFFFFFFFF  }
0xad: {  	[dreg:$0x0] =	wrdreg $0x60  }
0xae: {  	[dreg:$0x2] =	wrdreg s24  }
0xaf: {  	[dreg:$0x3] =	wrdreg $0x9  }
0xb0: {  	_ =	task.clear_ibuf [dreg:s6], $0x4FFFF;
	_ =	strace $0x90000049  }
0xb1: {  	s29 =	simm.s32 $0x9;
	_ =	strace $0x8000004B  }
0xb2: {  	_ =	swait.ge [sflag:s29], $0x1  }
0xb3: {  	[sflag:s29] =	ssyncadd.s32 $0xFFFFFFFF  }
0xb4: {  	_ =	strace $0x9000004B  }
0xb5: {  	_ =	sfence  }
0xb6: {  	s30 =	sld [smem:$0x0];
	_ =	sdelay $0x2  }
0xb7: {  	s31 =	sshll.u32 s1, $0xD;
	s1 =	sshrl.u32 s1, $0x2  }
0xb8: {  	s3 =	sand.u32 $0x4000, s31;
	s1 =	sadd.s32 s1, s30  }
0xb9: {  	s0 =	sor.u32 s3, s0;
	s1 =	sshll.u32 s1, $0x11  }
0xba: {  	s0 =	sor.u32 s1, s0  }
0xbb: {  	s0 =	sadd.s32 $0x8F2B, s0  }
0xbc: {  	[sflag:s0] =	ssyncadd.remote.s32 $0x1  }
0xbd: {  	_ =	sfence.sel $0xFFFF  }
0xbe: {  	[dreg:$0x0] =	wrdreg $0xFFFFFFFF;
	(pc) =	sbr.abs _section_cstart, $3  }
0xbf: {  	[dreg:$0x1] =	wrdreg $0xFFFFFFFF  }
0xc0: {  	_ =	task.clear_ibuf [dreg:s6], $0x2FFFF;
	_ =	strace $0x9FFFFFFF  }
0xc1: {  	(tm) =	ssettm $0x7FFFFFFF  }
tec
execute0_lowered:
.L_overlay_start_1:
0x0: {  	(tag) =	ssettag $0x1  }
0x1: {  	s0 =	rddreg [dreg:$0x0];
	s2 =	simm.s32 $0x0;
	s1 =	srdreg.scid  }
0x2: {  	s12 =	stileid.u32;
	s29 =	simm.s32 $0x3;
	s30 =	simm.s32 $0x190  }
0x3: {  	s31 =	simm.s32 $0x400;
	[smem:$0x7FF] =	sst s2;
	s3 =	sadd.s32 $0x127200, s0  }
0x4: {  	s1 =	sand.u32 $0x1, s1;
	s4 =	sshll.u32 s12, $0x1;
	s5 =	sadd.s32 $0xE4C00, s0  }
0x5: {  	s6 =	sadd.s32 $0xEEA00, s0;
	s7 =	sadd.s32 $0xD8E00, s0;
	s4 =	sor.u32 s1, s4  }
0x6: {  	s8 =	sadd.s32 $0x1A3A000, s0;
	s9 =	ssub.s32 $0x2, s1;
	s4 =	smul.u32 $0x2710, s4  }
0x7: {  	s14 =	sadd.s32 $0x1558000, s0;
	s15 =	sadd.s32 $0x63A200, s0;
	s10 =	sshrl.u32 s9, $0x1  }
0x8: {  	s16 =	sadd.s32 $0x158200, s0;
	s28 =	ssub.s32 s9, s10;
	s4 =	sadd.s32 $0x2580, s4  }
0x9: {  	_ =	strace $0x8000004A;
	s28 =	smax.u32 s28, $0x1;
	s23 =	sshrl.u32 s4, $0x3  }
0xa: {  	s4 =	sshll.u32 s4, $0x4;
	[dreg:$0xa] =	wrdreg s28;
	s24 =	sadd.s32 s3, s23  }
0xb: {  	s26 =	smul.u32 $0x4E20, s12;
	s25 =	sadd.s32 s8, s4;
	[dreg:$0x2] =	wrdreg s24  }
0xc: {  	s17 =	smul.u32 $0x4E200, s12;
	s11 =	sadd.s32 s5, s23;
	[dreg:$0x3] =	wrdreg s25  }
0xd: {  	s19 =	smul.u32 $0x2710, s1;
	s18 =	sadd.s32 s14, s4;
	[dreg:$0x4] =	wrdreg s11  }
0xe: {  	s1 =	smul.u32 $0x27100, s1;
	s13 =	sadd.s32 s6, s23;
	[dreg:$0x5] =	wrdreg s18  }
0xf: {  	s22 =	sadd.s32 s17, s8;
	s20 =	sadd.s32 s15, s4;
	[dreg:$0x6] =	wrdreg s13  }
0x10: {  	s21 =	sadd.s32 s19, s26;
	s9 =	sadd.s32 s7, s23;
	[dreg:$0x7] =	wrdreg s20  }
0x11: {  	s26 =	sadd.s32 s17, s15;
	s4 =	sadd.s32 s16, s4;
	[dreg:$0x8] =	wrdreg s9  }
0x12: {  	s23 =	sadd.s32 $0x190, s21;
	[dreg:$0x9] =	wrdreg s4;
	s11 =	sadd.s32 s1, s22  }
0x13: {  	s24 =	sshrl.u32 s21, $0x3;
	s8 =	sshrl.u32 s23, $0x3;
	s25 =	sadd.s32 s17, s14  }
0x14: {  	s18 =	sadd.s32 s17, s16;
	s17 =	sadd.s32 s1, s26;
	s22 =	sadd.s32 $0x104C600, s0  }
0x15: {  	s23 =	sadd.s32 $0x1073800, s0;
	s26 =	sadd.s32 $0x10C1C00, s0;
	s4 =	simm.s32 $0x2  }
0x16: {  	s12 =	sadd.s32 s24, s3;
	s13 =	sadd.s32 s8, s3;
	s14 =	sadd.s32 s1, s25  }
0x17: {  	s15 =	sadd.s32 s24, s5;
	s16 =	sadd.s32 s8, s5;
	s18 =	sadd.s32 s1, s18  }
0x18: {  	s19 =	sadd.s32 s24, s6;
	s20 =	sadd.s32 s8, s6;
	s21 =	sadd.s32 s24, s7  }
0x19: {  	s24 =	sadd.s32 s8, s7;
	s25 =	sadd.s32 $0x109AA00, s0;
	s0 =	simm.s32 $0x200  }
0x1a: {  	s1 =	simm.s32 $0x1;
	s3 =	simm.s32 $0xCC00;
	s5 =	simm.s32 $0x0  }
.LBB2_1:
0x1b: {  	s6 =	sadd.s32 $0x0, s12  }
0x1c: {  	[tilespmem:s2], [sflag:$0x3] =	stream.linear.gather [hbm4b:s6+s2], $0x190, $0x38;
	[tilespmem:$0x19400] =	vst v63  }
0x1d: {  	_ =	swait.ge [sflag:s29], $0x190  }
0x1e: {  	[sflag:s29] =	ssyncset.done $0x0  }
0x1f: {  	[sflag:s29] =	ssyncadd.s32 $0xFFFFFE70  }
0x20: {  	[tilespmem:s31], [sflag:$0x1] =	stream.indirect.gather [hbm4b:s22+s30], $0x80, s2, s30, $0xb8;
	[tilespmem:$0x19400] =	vst v63  }
0x21: {  	s10 =	sadd.s32 $0x0, s13  }
0x22: {  	[tilespmem:s0], [sflag:$0x3] =	stream.linear.gather [hbm4b:s10+s2], $0x190, $0x38;
	[tilespmem:$0x19400] =	vst v63  }
0x23: {  	_ =	swait.ge [sflag:s29], $0x190  }
0x24: {  	[sflag:s29] =	ssyncset.done $0x0  }
0x25: {  	[sflag:s29] =	ssyncadd.s32 $0xFFFFFE70  }
0x26: {  	_ =	swait.ge [sflag:s1], $0xC800  }
0x27: {  	[sflag:s1] =	ssyncset.done $0x0  }
0x28: {  	[sflag:s1] =	ssyncadd.s32 $0xFFFF3800  }
0x29: {  	[tilespmem:s3], [sflag:$0x2] =	stream.indirect.gather [hbm4b:s22+s30], $0x80, s0, s30, $0xb8;
	[tilespmem:$0x19400] =	vst v63  }
0x2a: {  	_ = 	snop  }
0x2b: {  	[hbm4b:s11+s2] =	stream.linear.scatter [tilespmem:s31], [sflag:$0x3], $0xC800, $0x38;
	[tilespmem:$0x19400] =	vst v63  }
0x2c: {  	_ =	swait.ge [sflag:s29], $0xC800  }
0x2d: {  	[sflag:s29] =	ssyncset.done $0x0  }
0x2e: {  	[sflag:s29] =	ssyncadd.s32 $0xFFFF3800  }
0x2f: {  	_ =	swait.ge [sflag:s4], $0xC800  }
0x30: {  	[sflag:s4] =	ssyncset.done $0x0  }
0x31: {  	s28 =	sadd.s32 $0x1900, s11;
	[sflag:s4] =	ssyncadd.s32 $0xFFFF3800  }
0x32: {  	[hbm4b:s28+s2] =	stream.linear.scatter [tilespmem:s3], [sflag:$0x3], $0xC800, $0x38;
	[tilespmem:$0x19400] =	vst v63  }
0x33: {  	s7 =	simm.s32 $0x64;
	_ =	swait.ge [sflag:s29], $0xC800  }
0x34: {  	s8 =	simm.s32 $0xC8;
	s6 =	sadd.s32 $0x3200, s11;
	[sflag:s29] =	ssyncset.done $0x0  }
.LBB2_2:
0x35: {  	s9 =	sadd.s32 s7, s12  }
0x36: {  	[sflag:s29] =	ssyncadd.s32 $0xFFFF3800;
	s10 =	smov.u32 s8;
	s28 =	sadd.s32 $0x64, s8  }
0x37: {  	[tilespmem:s2], [sflag:$0x3] =	stream.linear.gather [hbm4b:s9+s2], $0x190, $0x38;
	[tilespmem:$0x19400] =	vst v63  }
0x38: {  	p0 =	sne.s32 s8, $0x44C;
	_ =	swait.ge [sflag:s29], $0x190  }
0x39: {  	[sflag:s29] =	ssyncset.done $0x0  }
0x3a: {  	[sflag:s29] =	ssyncadd.s32 $0xFFFFFE70  }
0x3b: {  	[tilespmem:s31], [sflag:$0x1] =	stream.indirect.gather [hbm4b:s22+s30], $0x80, s2, s30, $0xb8;
	[tilespmem:$0x19400] =	vst v63  }
0x3c: {  	s8 =	sadd.s32 s7, s13;
	s7 =	smov.u32 s10  }
0x3d: {  	[tilespmem:s0], [sflag:$0x3] =	stream.linear.gather [hbm4b:s8+s2], $0x190, $0x38;
	[tilespmem:$0x19400] =	vst v63  }
0x3e: {  	_ =	swait.ge [sflag:s29], $0x190  }
0x3f: {  	[sflag:s29] =	ssyncset.done $0x0  }
0x40: {  	[sflag:s29] =	ssyncadd.s32 $0xFFFFFE70  }
0x41: {  	_ =	swait.ge [sflag:s1], $0xC800  }
0x42: {  	[sflag:s1] =	ssyncset.done $0x0  }
0x43: {  	[sflag:s1] =	ssyncadd.s32 $0xFFFF3800  }
0x44: {  	[tilespmem:s3], [sflag:$0x2] =	stream.indirect.gather [hbm4b:s22+s30], $0x80, s0, s30, $0xb8;
	[tilespmem:$0x19400] =	vst v63  }
0x45: {  	_ = 	snop  }
0x46: {  	[hbm4b:s6+s2] =	stream.linear.scatter [tilespmem:s31], [sflag:$0x3], $0xC800, $0x38;
	[tilespmem:$0x19400] =	vst v63  }
0x47: {  	_ =	swait.ge [sflag:s29], $0xC800  }
0x48: {  	[sflag:s29] =	ssyncset.done $0x0  }
0x49: {  	[sflag:s29] =	ssyncadd.s32 $0xFFFF3800  }
0x4a: {  	_ =	swait.ge [sflag:s4], $0xC800  }
.Ltmp0:
0x4b: {  	[sflag:s4] =	ssyncset.done $0x0;
	(pc) =	sbr.rel @p0 .LBB2_2-.Ltmp0, $4  }
0x4c: {  	s8 =	sadd.s32 $0x1900, s6;
	[sflag:s4] =	ssyncadd.s32 $0xFFFF3800  }
0x4d: {  	[hbm4b:s8+s2] =	stream.linear.scatter [tilespmem:s3], [sflag:$0x3], $0xC800, $0x38;
	[tilespmem:$0x19400] =	vst v63  }
0x4e: {  	_ =	swait.ge [sflag:s29], $0xC800  }
0x4f: {  	s6 =	sadd.s32 $0x3200, s6;
	s8 =	smov.u32 s28;
	[sflag:s29] =	ssyncset.done $0x0  }
0x50: {  	s8 =	sadd.s32 s7, s12;
	[sflag:s29] =	ssyncadd.s32 $0xFFFF3800  }
0x51: {  	[tilespmem:s2], [sflag:$0x3] =	stream.linear.gather [hbm4b:s8+s2], $0x190, $0x38;
	[tilespmem:$0x19400] =	vst v63  }
0x52: {  	_ =	swait.ge [sflag:s29], $0x190  }
0x53: {  	[sflag:s29] =	ssyncset.done $0x0  }
0x54: {  	[sflag:s29] =	ssyncadd.s32 $0xFFFFFE70  }
0x55: {  	[tilespmem:s31], [sflag:$0x1] =	stream.indirect.gather [hbm4b:s22+s30], $0x80, s2, s30, $0xb8;
	[tilespmem:$0x19400] =	vst v63  }
0x56: {  	s8 =	sadd.s32 s7, s13  }
0x57: {  	[tilespmem:s0], [sflag:$0x3] =	stream.linear.gather [hbm4b:s8+s2], $0x190, $0x38;
	[tilespmem:$0x19400] =	vst v63  }
0x58: {  	_ =	swait.ge [sflag:s29], $0x190  }
0x59: {  	[sflag:s29] =	ssyncset.done $0x0  }
0x5a: {  	[sflag:s29] =	ssyncadd.s32 $0xFFFFFE70  }
0x5b: {  	_ =	swait.ge [sflag:s1], $0xC800  }
0x5c: {  	[sflag:s1] =	ssyncset.done $0x0  }
0x5d: {  	[sflag:s1] =	ssyncadd.s32 $0xFFFF3800  }
0x5e: {  	[tilespmem:s3], [sflag:$0x2] =	stream.indirect.gather [hbm4b:s22+s30], $0x80, s0, s30, $0xb8;
	[tilespmem:$0x19400] =	vst v63  }
0x5f: {  	_ = 	snop  }
0x60: {  	[hbm4b:s6+s2] =	stream.linear.scatter [tilespmem:s31], [sflag:$0x3], $0xC800, $0x38;
	[tilespmem:$0x19400] =	vst v63  }
0x61: {  	_ =	swait.ge [sflag:s29], $0xC800  }
0x62: {  	[sflag:s29] =	ssyncset.done $0x0  }
0x63: {  	[sflag:s29] =	ssyncadd.s32 $0xFFFF3800  }
0x64: {  	_ =	swait.ge [sflag:s4], $0xC800  }
0x65: {  	[sflag:s4] =	ssyncset.done $0x0  }
0x66: {  	s9 =	sadd.s32 $0x1900, s6;
	[sflag:s4] =	ssyncadd.s32 $0xFFFF3800  }
0x67: {  	[hbm4b:s9+s2] =	stream.linear.scatter [tilespmem:s3], [sflag:$0x3], $0xC800, $0x38;
	[tilespmem:$0x19400] =	vst v63  }
0x68: {  	_ =	swait.ge [sflag:s29], $0xC800  }
0x69: {  	[sflag:s29] =	ssyncset.done $0x0  }
0x6a: {  	s10 =	simm.s32 $0x0;
	s28 =	rddreg [dreg:$0x2];
	[sflag:s29] =	ssyncadd.s32 $0xFFFF3800  }
0x6b: {  	[tilespmem:s10], [sflag:$0x3] =	stream.linear.gather [hbm4b:s28+s10], $0x190, $0x38;
	[tilespmem:$0x19400] =	vst v63  }
0x6c: {  	_ =	swait.ge [sflag:s29], $0x190  }
0x6d: {  	[sflag:s29] =	ssyncset.done $0x0  }
0x6e: {  	[sflag:s29] =	ssyncadd.s32 $0xFFFFFE70  }
0x6f: {  	[tilespmem:s31], [sflag:$0x1] =	stream.indirect.gather [hbm4b:s22+s30], $0x80, s10, s30, $0xb8;
	[tilespmem:$0x19400] =	vst v63  }
0x70: {  	_ =	swait.ge [sflag:s1], $0xC800  }
0x71: {  	[sflag:s1] =	ssyncset.done $0x0  }
0x72: {  	s8 =	rddreg [dreg:$0x3];
	[sflag:s1] =	ssyncadd.s32 $0xFFFF3800  }
0x73: {  	[hbm4b:s8+s10] =	stream.linear.scatter [tilespmem:s31], [sflag:$0x3], $0xC800, $0x38;
	[tilespmem:$0x19400] =	vst v63  }
0x74: {  	_ =	swait.ge [sflag:s29], $0xC800  }
0x75: {  	[sflag:s29] =	ssyncset.done $0x0  }
0x76: {  	s9 =	sadd.s32 $0x0, s15;
	[sflag:s29] =	ssyncadd.s32 $0xFFFF3800  }
0x77: {  	[tilespmem:s2], [sflag:$0x3] =	stream.linear.gather [hbm4b:s9+s2], $0x190, $0x38;
	[tilespmem:$0x19400] =	vst v63  }
0x78: {  	_ =	swait.ge [sflag:s29], $0x190  }
0x79: {  	[sflag:s29] =	ssyncset.done $0x0  }
0x7a: {  	[sflag:s29] =	ssyncadd.s32 $0xFFFFFE70  }
0x7b: {  	[tilespmem:s31], [sflag:$0x1] =	stream.indirect.gather [hbm4b:s23+s30], $0x80, s2, s30, $0xb8;
	[tilespmem:$0x19400] =	vst v63  }
0x7c: {  	s10 =	sadd.s32 $0x0, s16  }
0x7d: {  	[tilespmem:s0], [sflag:$0x3] =	stream.linear.gather [hbm4b:s10+s2], $0x190, $0x38;
	[tilespmem:$0x19400] =	vst v63  }
0x7e: {  	_ =	swait.ge [sflag:s29], $0x190  }
0x7f: {  	[sflag:s29] =	ssyncset.done $0x0  }
0x80: {  	[sflag:s29] =	ssyncadd.s32 $0xFFFFFE70  }
0x81: {  	_ =	swait.ge [sflag:s1], $0xC800  }
0x82: {  	[sflag:s1] =	ssyncset.done $0x0  }
0x83: {  	[sflag:s1] =	ssyncadd.s32 $0xFFFF3800  }
0x84: {  	[tilespmem:s3], [sflag:$0x2] =	stream.indirect.gather [hbm4b:s23+s30], $0x80, s0, s30, $0xb8;
	[tilespmem:$0x19400] =	vst v63  }
0x85: {  	_ = 	snop  }
0x86: {  	[hbm4b:s14+s2] =	stream.linear.scatter [tilespmem:s31], [sflag:$0x3], $0xC800, $0x38;
	[tilespmem:$0x19400] =	vst v63  }
0x87: {  	_ =	swait.ge [sflag:s29], $0xC800  }
0x88: {  	[sflag:s29] =	ssyncset.done $0x0  }
0x89: {  	[sflag:s29] =	ssyncadd.s32 $0xFFFF3800  }
0x8a: {  	_ =	swait.ge [sflag:s4], $0xC800  }
0x8b: {  	[sflag:s4] =	ssyncset.done $0x0  }
0x8c: {  	s28 =	sadd.s32 $0x1900, s14;
	[sflag:s4] =	ssyncadd.s32 $0xFFFF3800  }
0x8d: {  	[hbm4b:s28+s2] =	stream.linear.scatter [tilespmem:s3], [sflag:$0x3], $0xC800, $0x38;
	[tilespmem:$0x19400] =	vst v63  }
0x8e: {  	s7 =	simm.s32 $0x64;
	_ =	swait.ge [sflag:s29], $0xC800  }
0x8f: {  	s6 =	sadd.s32 $0x3200, s14;
	s8 =	simm.s32 $0xC8;
	[sflag:s29] =	ssyncset.done $0x0  }
.LBB2_4:
0x90: {  	s9 =	sadd.s32 s7, s15  }
0x91: {  	[sflag:s29] =	ssyncadd.s32 $0xFFFF3800;
	s10 =	smov.u32 s8;
	s28 =	sadd.s32 $0x64, s8  }
0x92: {  	[tilespmem:s2], [sflag:$0x3] =	stream.linear.gather [hbm4b:s9+s2], $0x190, $0x38;
	[tilespmem:$0x19400] =	vst v63  }
0x93: {  	p0 =	sne.s32 s8, $0x44C;
	_ =	swait.ge [sflag:s29], $0x190  }
0x94: {  	[sflag:s29] =	ssyncset.done $0x0  }
0x95: {  	[sflag:s29] =	ssyncadd.s32 $0xFFFFFE70  }
0x96: {  	[tilespmem:s31], [sflag:$0x1] =	stream.indirect.gather [hbm4b:s23+s30], $0x80, s2, s30, $0xb8;
	[tilespmem:$0x19400] =	vst v63  }
0x97: {  	s8 =	sadd.s32 s7, s16;
	s7 =	smov.u32 s10  }
0x98: {  	[tilespmem:s0], [sflag:$0x3] =	stream.linear.gather [hbm4b:s8+s2], $0x190, $0x38;
	[tilespmem:$0x19400] =	vst v63  }
0x99: {  	_ =	swait.ge [sflag:s29], $0x190  }
0x9a: {  	[sflag:s29] =	ssyncset.done $0x0  }
0x9b: {  	[sflag:s29] =	ssyncadd.s32 $0xFFFFFE70  }
0x9c: {  	_ =	swait.ge [sflag:s1], $0xC800  }
0x9d: {  	[sflag:s1] =	ssyncset.done $0x0  }
0x9e: {  	[sflag:s1] =	ssyncadd.s32 $0xFFFF3800  }
0x9f: {  	[tilespmem:s3], [sflag:$0x2] =	stream.indirect.gather [hbm4b:s23+s30], $0x80, s0, s30, $0xb8;
	[tilespmem:$0x19400] =	vst v63  }
0xa0: {  	_ = 	snop  }
0xa1: {  	[hbm4b:s6+s2] =	stream.linear.scatter [tilespmem:s31], [sflag:$0x3], $0xC800, $0x38;
	[tilespmem:$0x19400] =	vst v63  }
0xa2: {  	_ =	swait.ge [sflag:s29], $0xC800  }
0xa3: {  	[sflag:s29] =	ssyncset.done $0x0  }
0xa4: {  	[sflag:s29] =	ssyncadd.s32 $0xFFFF3800  }
0xa5: {  	_ =	swait.ge [sflag:s4], $0xC800  }
.Ltmp1:
0xa6: {  	[sflag:s4] =	ssyncset.done $0x0;
	(pc) =	sbr.rel @p0 .LBB2_4-.Ltmp1, $4  }
0xa7: {  	s8 =	sadd.s32 $0x1900, s6;
	[sflag:s4] =	ssyncadd.s32 $0xFFFF3800  }
0xa8: {  	[hbm4b:s8+s2] =	stream.linear.scatter [tilespmem:s3], [sflag:$0x3], $0xC800, $0x38;
	[tilespmem:$0x19400] =	vst v63  }
0xa9: {  	_ =	swait.ge [sflag:s29], $0xC800  }
0xaa: {  	s6 =	sadd.s32 $0x3200, s6;
	s8 =	smov.u32 s28;
	[sflag:s29] =	ssyncset.done $0x0  }
0xab: {  	s8 =	sadd.s32 s7, s15;
	[sflag:s29] =	ssyncadd.s32 $0xFFFF3800  }
0xac: {  	[tilespmem:s2], [sflag:$0x3] =	stream.linear.gather [hbm4b:s8+s2], $0x190, $0x38;
	[tilespmem:$0x19400] =	vst v63  }
0xad: {  	_ =	swait.ge [sflag:s29], $0x190  }
0xae: {  	[sflag:s29] =	ssyncset.done $0x0  }
0xaf: {  	[sflag:s29] =	ssyncadd.s32 $0xFFFFFE70  }
0xb0: {  	[tilespmem:s31], [sflag:$0x1] =	stream.indirect.gather [hbm4b:s23+s30], $0x80, s2, s30, $0xb8;
	[tilespmem:$0x19400] =	vst v63  }
0xb1: {  	s8 =	sadd.s32 s7, s16  }
0xb2: {  	[tilespmem:s0], [sflag:$0x3] =	stream.linear.gather [hbm4b:s8+s2], $0x190, $0x38;
	[tilespmem:$0x19400] =	vst v63  }
0xb3: {  	_ =	swait.ge [sflag:s29], $0x190  }
0xb4: {  	[sflag:s29] =	ssyncset.done $0x0  }
0xb5: {  	[sflag:s29] =	ssyncadd.s32 $0xFFFFFE70  }
0xb6: {  	_ =	swait.ge [sflag:s1], $0xC800  }
0xb7: {  	[sflag:s1] =	ssyncset.done $0x0  }
0xb8: {  	[sflag:s1] =	ssyncadd.s32 $0xFFFF3800  }
0xb9: {  	[tilespmem:s3], [sflag:$0x2] =	stream.indirect.gather [hbm4b:s23+s30], $0x80, s0, s30, $0xb8;
	[tilespmem:$0x19400] =	vst v63  }
0xba: {  	_ = 	snop  }
0xbb: {  	[hbm4b:s6+s2] =	stream.linear.scatter [tilespmem:s31], [sflag:$0x3], $0xC800, $0x38;
	[tilespmem:$0x19400] =	vst v63  }
0xbc: {  	_ =	swait.ge [sflag:s29], $0xC800  }
0xbd: {  	[sflag:s29] =	ssyncset.done $0x0  }
0xbe: {  	[sflag:s29] =	ssyncadd.s32 $0xFFFF3800  }
0xbf: {  	_ =	swait.ge [sflag:s4], $0xC800  }
0xc0: {  	[sflag:s4] =	ssyncset.done $0x0  }
0xc1: {  	s9 =	sadd.s32 $0x1900, s6;
	[sflag:s4] =	ssyncadd.s32 $0xFFFF3800  }
0xc2: {  	[hbm4b:s9+s2] =	stream.linear.scatter [tilespmem:s3], [sflag:$0x3], $0xC800, $0x38;
	[tilespmem:$0x19400] =	vst v63  }
0xc3: {  	_ =	swait.ge [sflag:s29], $0xC800  }
0xc4: {  	[sflag:s29] =	ssyncset.done $0x0  }
0xc5: {  	s10 =	simm.s32 $0x0;
	s28 =	rddreg [dreg:$0x4];
	[sflag:s29] =	ssyncadd.s32 $0xFFFF3800  }
0xc6: {  	[tilespmem:s10], [sflag:$0x3] =	stream.linear.gather [hbm4b:s28+s10], $0x190, $0x38;
	[tilespmem:$0x19400] =	vst v63  }
0xc7: {  	_ =	swait.ge [sflag:s29], $0x190  }
0xc8: {  	[sflag:s29] =	ssyncset.done $0x0  }
0xc9: {  	[sflag:s29] =	ssyncadd.s32 $0xFFFFFE70  }
0xca: {  	[tilespmem:s31], [sflag:$0x1] =	stream.indirect.gather [hbm4b:s23+s30], $0x80, s10, s30, $0xb8;
	[tilespmem:$0x19400] =	vst v63  }
0xcb: {  	_ =	swait.ge [sflag:s1], $0xC800  }
0xcc: {  	[sflag:s1] =	ssyncset.done $0x0  }
0xcd: {  	s8 =	rddreg [dreg:$0x5];
	[sflag:s1] =	ssyncadd.s32 $0xFFFF3800  }
0xce: {  	[hbm4b:s8+s10] =	stream.linear.scatter [tilespmem:s31], [sflag:$0x3], $0xC800, $0x38;
	[tilespmem:$0x19400] =	vst v63  }
0xcf: {  	_ =	swait.ge [sflag:s29], $0xC800  }
0xd0: {  	[sflag:s29] =	ssyncset.done $0x0  }
0xd1: {  	s9 =	sadd.s32 $0x0, s19;
	[sflag:s29] =	ssyncadd.s32 $0xFFFF3800  }
0xd2: {  	[tilespmem:s2], [sflag:$0x3] =	stream.linear.gather [hbm4b:s9+s2], $0x190, $0x38;
	[tilespmem:$0x19400] =	vst v63  }
0xd3: {  	_ =	swait.ge [sflag:s29], $0x190  }
0xd4: {  	[sflag:s29] =	ssyncset.done $0x0  }
0xd5: {  	[sflag:s29] =	ssyncadd.s32 $0xFFFFFE70  }
0xd6: {  	[tilespmem:s31], [sflag:$0x1] =	stream.indirect.gather [hbm4b:s25+s30], $0x80, s2, s30, $0xb8;
	[tilespmem:$0x19400] =	vst v63  }
0xd7: {  	s10 =	sadd.s32 $0x0, s20  }
0xd8: {  	[tilespmem:s0], [sflag:$0x3] =	stream.linear.gather [hbm4b:s10+s2], $0x190, $0x38;
	[tilespmem:$0x19400] =	vst v63  }
0xd9: {  	_ =	swait.ge [sflag:s29], $0x190  }
0xda: {  	[sflag:s29] =	ssyncset.done $0x0  }
0xdb: {  	[sflag:s29] =	ssyncadd.s32 $0xFFFFFE70  }
0xdc: {  	_ =	swait.ge [sflag:s1], $0xC800  }
0xdd: {  	[sflag:s1] =	ssyncset.done $0x0  }
0xde: {  	[sflag:s1] =	ssyncadd.s32 $0xFFFF3800  }
0xdf: {  	[tilespmem:s3], [sflag:$0x2] =	stream.indirect.gather [hbm4b:s25+s30], $0x80, s0, s30, $0xb8;
	[tilespmem:$0x19400] =	vst v63  }
0xe0: {  	_ = 	snop  }
0xe1: {  	[hbm4b:s17+s2] =	stream.linear.scatter [tilespmem:s31], [sflag:$0x3], $0xC800, $0x38;
	[tilespmem:$0x19400] =	vst v63  }
0xe2: {  	_ =	swait.ge [sflag:s29], $0xC800  }
0xe3: {  	[sflag:s29] =	ssyncset.done $0x0  }
0xe4: {  	[sflag:s29] =	ssyncadd.s32 $0xFFFF3800  }
0xe5: {  	_ =	swait.ge [sflag:s4], $0xC800  }
0xe6: {  	[sflag:s4] =	ssyncset.done $0x0  }
0xe7: {  	s28 =	sadd.s32 $0x1900, s17;
	[sflag:s4] =	ssyncadd.s32 $0xFFFF3800  }
0xe8: {  	[hbm4b:s28+s2] =	stream.linear.scatter [tilespmem:s3], [sflag:$0x3], $0xC800, $0x38;
	[tilespmem:$0x19400] =	vst v63  }
0xe9: {  	s7 =	simm.s32 $0x64;
	_ =	swait.ge [sflag:s29], $0xC800  }
0xea: {  	s6 =	sadd.s32 $0x3200, s17;
	s8 =	simm.s32 $0xC8;
	[sflag:s29] =	ssyncset.done $0x0  }
.LBB2_6:
0xeb: {  	s9 =	sadd.s32 s7, s19  }
0xec: {  	[sflag:s29] =	ssyncadd.s32 $0xFFFF3800;
	s10 =	smov.u32 s8;
	s28 =	sadd.s32 $0x64, s8  }
0xed: {  	[tilespmem:s2], [sflag:$0x3] =	stream.linear.gather [hbm4b:s9+s2], $0x190, $0x38;
	[tilespmem:$0x19400] =	vst v63  }
0xee: {  	p0 =	sne.s32 s8, $0x44C;
	_ =	swait.ge [sflag:s29], $0x190  }
0xef: {  	[sflag:s29] =	ssyncset.done $0x0  }
0xf0: {  	[sflag:s29] =	ssyncadd.s32 $0xFFFFFE70  }
0xf1: {  	[tilespmem:s31], [sflag:$0x1] =	stream.indirect.gather [hbm4b:s25+s30], $0x80, s2, s30, $0xb8;
	[tilespmem:$0x19400] =	vst v63  }
0xf2: {  	s8 =	sadd.s32 s7, s20;
	s7 =	smov.u32 s10  }
0xf3: {  	[tilespmem:s0], [sflag:$0x3] =	stream.linear.gather [hbm4b:s8+s2], $0x190, $0x38;
	[tilespmem:$0x19400] =	vst v63  }
0xf4: {  	_ =	swait.ge [sflag:s29], $0x190  }
0xf5: {  	[sflag:s29] =	ssyncset.done $0x0  }
0xf6: {  	[sflag:s29] =	ssyncadd.s32 $0xFFFFFE70  }
0xf7: {  	_ =	swait.ge [sflag:s1], $0xC800  }
0xf8: {  	[sflag:s1] =	ssyncset.done $0x0  }
0xf9: {  	[sflag:s1] =	ssyncadd.s32 $0xFFFF3800  }
0xfa: {  	[tilespmem:s3], [sflag:$0x2] =	stream.indirect.gather [hbm4b:s25+s30], $0x80, s0, s30, $0xb8;
	[tilespmem:$0x19400] =	vst v63  }
0xfb: {  	_ = 	snop  }
0xfc: {  	[hbm4b:s6+s2] =	stream.linear.scatter [tilespmem:s31], [sflag:$0x3], $0xC800, $0x38;
	[tilespmem:$0x19400] =	vst v63  }
0xfd: {  	_ =	swait.ge [sflag:s29], $0xC800  }
0xfe: {  	[sflag:s29] =	ssyncset.done $0x0  }
0xff: {  	[sflag:s29] =	ssyncadd.s32 $0xFFFF3800  }
0x100: {  	_ =	swait.ge [sflag:s4], $0xC800  }
.Ltmp2:
0x101: {  	[sflag:s4] =	ssyncset.done $0x0;
	(pc) =	sbr.rel @p0 .LBB2_6-.Ltmp2, $4  }
0x102: {  	s8 =	sadd.s32 $0x1900, s6;
	[sflag:s4] =	ssyncadd.s32 $0xFFFF3800  }
0x103: {  	[hbm4b:s8+s2] =	stream.linear.scatter [tilespmem:s3], [sflag:$0x3], $0xC800, $0x38;
	[tilespmem:$0x19400] =	vst v63  }
0x104: {  	_ =	swait.ge [sflag:s29], $0xC800  }
0x105: {  	s6 =	sadd.s32 $0x3200, s6;
	s8 =	smov.u32 s28;
	[sflag:s29] =	ssyncset.done $0x0  }
0x106: {  	s8 =	sadd.s32 s7, s19;
	[sflag:s29] =	ssyncadd.s32 $0xFFFF3800  }
0x107: {  	[tilespmem:s2], [sflag:$0x3] =	stream.linear.gather [hbm4b:s8+s2], $0x190, $0x38;
	[tilespmem:$0x19400] =	vst v63  }
0x108: {  	_ =	swait.ge [sflag:s29], $0x190  }
0x109: {  	[sflag:s29] =	ssyncset.done $0x0  }
0x10a: {  	[sflag:s29] =	ssyncadd.s32 $0xFFFFFE70  }
0x10b: {  	[tilespmem:s31], [sflag:$0x1] =	stream.indirect.gather [hbm4b:s25+s30], $0x80, s2, s30, $0xb8;
	[tilespmem:$0x19400] =	vst v63  }
0x10c: {  	s8 =	sadd.s32 s7, s20  }
0x10d: {  	[tilespmem:s0], [sflag:$0x3] =	stream.linear.gather [hbm4b:s8+s2], $0x190, $0x38;
	[tilespmem:$0x19400] =	vst v63  }
0x10e: {  	_ =	swait.ge [sflag:s29], $0x190  }
0x10f: {  	[sflag:s29] =	ssyncset.done $0x0  }
0x110: {  	[sflag:s29] =	ssyncadd.s32 $0xFFFFFE70  }
0x111: {  	_ =	swait.ge [sflag:s1], $0xC800  }
0x112: {  	[sflag:s1] =	ssyncset.done $0x0  }
0x113: {  	[sflag:s1] =	ssyncadd.s32 $0xFFFF3800  }
0x114: {  	[tilespmem:s3], [sflag:$0x2] =	stream.indirect.gather [hbm4b:s25+s30], $0x80, s0, s30, $0xb8;
	[tilespmem:$0x19400] =	vst v63  }
0x115: {  	_ = 	snop  }
0x116: {  	[hbm4b:s6+s2] =	stream.linear.scatter [tilespmem:s31], [sflag:$0x3], $0xC800, $0x38;
	[tilespmem:$0x19400] =	vst v63  }
0x117: {  	_ =	swait.ge [sflag:s29], $0xC800  }
0x118: {  	[sflag:s29] =	ssyncset.done $0x0  }
0x119: {  	[sflag:s29] =	ssyncadd.s32 $0xFFFF3800  }
0x11a: {  	_ =	swait.ge [sflag:s4], $0xC800  }
0x11b: {  	[sflag:s4] =	ssyncset.done $0x0  }
0x11c: {  	s9 =	sadd.s32 $0x1900, s6;
	[sflag:s4] =	ssyncadd.s32 $0xFFFF3800  }
0x11d: {  	[hbm4b:s9+s2] =	stream.linear.scatter [tilespmem:s3], [sflag:$0x3], $0xC800, $0x38;
	[tilespmem:$0x19400] =	vst v63  }
0x11e: {  	_ =	swait.ge [sflag:s29], $0xC800  }
0x11f: {  	[sflag:s29] =	ssyncset.done $0x0  }
0x120: {  	s10 =	simm.s32 $0x0;
	s28 =	rddreg [dreg:$0x6];
	[sflag:s29] =	ssyncadd.s32 $0xFFFF3800  }
0x121: {  	[tilespmem:s10], [sflag:$0x3] =	stream.linear.gather [hbm4b:s28+s10], $0x190, $0x38;
	[tilespmem:$0x19400] =	vst v63  }
0x122: {  	_ =	swait.ge [sflag:s29], $0x190  }
0x123: {  	[sflag:s29] =	ssyncset.done $0x0  }
0x124: {  	[sflag:s29] =	ssyncadd.s32 $0xFFFFFE70  }
0x125: {  	[tilespmem:s31], [sflag:$0x1] =	stream.indirect.gather [hbm4b:s25+s30], $0x80, s10, s30, $0xb8;
	[tilespmem:$0x19400] =	vst v63  }
0x126: {  	_ =	swait.ge [sflag:s1], $0xC800  }
0x127: {  	[sflag:s1] =	ssyncset.done $0x0  }
0x128: {  	s8 =	rddreg [dreg:$0x7];
	[sflag:s1] =	ssyncadd.s32 $0xFFFF3800  }
0x129: {  	[hbm4b:s8+s10] =	stream.linear.scatter [tilespmem:s31], [sflag:$0x3], $0xC800, $0x38;
	[tilespmem:$0x19400] =	vst v63  }
0x12a: {  	_ =	swait.ge [sflag:s29], $0xC800  }
0x12b: {  	[sflag:s29] =	ssyncset.done $0x0  }
0x12c: {  	s9 =	sadd.s32 $0x0, s21;
	[sflag:s29] =	ssyncadd.s32 $0xFFFF3800  }
0x12d: {  	[tilespmem:s2], [sflag:$0x3] =	stream.linear.gather [hbm4b:s9+s2], $0x190, $0x38;
	[tilespmem:$0x19400] =	vst v63  }
0x12e: {  	_ =	swait.ge [sflag:s29], $0x190  }
0x12f: {  	[sflag:s29] =	ssyncset.done $0x0  }
0x130: {  	[sflag:s29] =	ssyncadd.s32 $0xFFFFFE70  }
0x131: {  	[tilespmem:s31], [sflag:$0x1] =	stream.indirect.gather [hbm4b:s26+s30], $0x80, s2, s30, $0xb8;
	[tilespmem:$0x19400] =	vst v63  }
0x132: {  	s10 =	sadd.s32 $0x0, s24  }
0x133: {  	[tilespmem:s0], [sflag:$0x3] =	stream.linear.gather [hbm4b:s10+s2], $0x190, $0x38;
	[tilespmem:$0x19400] =	vst v63  }
0x134: {  	_ =	swait.ge [sflag:s29], $0x190  }
0x135: {  	[sflag:s29] =	ssyncset.done $0x0  }
0x136: {  	[sflag:s29] =	ssyncadd.s32 $0xFFFFFE70  }
0x137: {  	_ =	swait.ge [sflag:s1], $0xC800  }
0x138: {  	[sflag:s1] =	ssyncset.done $0x0  }
0x139: {  	[sflag:s1] =	ssyncadd.s32 $0xFFFF3800  }
0x13a: {  	[tilespmem:s3], [sflag:$0x2] =	stream.indirect.gather [hbm4b:s26+s30], $0x80, s0, s30, $0xb8;
	[tilespmem:$0x19400] =	vst v63  }
0x13b: {  	_ = 	snop  }
0x13c: {  	[hbm4b:s18+s2] =	stream.linear.scatter [tilespmem:s31], [sflag:$0x3], $0xC800, $0x38;
	[tilespmem:$0x19400] =	vst v63  }
0x13d: {  	_ =	swait.ge [sflag:s29], $0xC800  }
0x13e: {  	[sflag:s29] =	ssyncset.done $0x0  }
0x13f: {  	[sflag:s29] =	ssyncadd.s32 $0xFFFF3800  }
0x140: {  	_ =	swait.ge [sflag:s4], $0xC800  }
0x141: {  	[sflag:s4] =	ssyncset.done $0x0  }
0x142: {  	s28 =	sadd.s32 $0x1900, s18;
	[sflag:s4] =	ssyncadd.s32 $0xFFFF3800  }
0x143: {  	[hbm4b:s28+s2] =	stream.linear.scatter [tilespmem:s3], [sflag:$0x3], $0xC800, $0x38;
	[tilespmem:$0x19400] =	vst v63  }
0x144: {  	s7 =	simm.s32 $0x64;
	_ =	swait.ge [sflag:s29], $0xC800  }
0x145: {  	s6 =	sadd.s32 $0x3200, s18;
	s8 =	simm.s32 $0xC8;
	[sflag:s29] =	ssyncset.done $0x0  }
.LBB2_8:
0x146: {  	s9 =	sadd.s32 s7, s21  }
0x147: {  	[sflag:s29] =	ssyncadd.s32 $0xFFFF3800;
	s10 =	smov.u32 s8;
	s28 =	sadd.s32 $0x64, s8  }
0x148: {  	[tilespmem:s2], [sflag:$0x3] =	stream.linear.gather [hbm4b:s9+s2], $0x190, $0x38;
	[tilespmem:$0x19400] =	vst v63  }
0x149: {  	p0 =	sne.s32 s8, $0x44C;
	_ =	swait.ge [sflag:s29], $0x190  }
0x14a: {  	[sflag:s29] =	ssyncset.done $0x0  }
0x14b: {  	[sflag:s29] =	ssyncadd.s32 $0xFFFFFE70  }
0x14c: {  	[tilespmem:s31], [sflag:$0x1] =	stream.indirect.gather [hbm4b:s26+s30], $0x80, s2, s30, $0xb8;
	[tilespmem:$0x19400] =	vst v63  }
0x14d: {  	s8 =	sadd.s32 s7, s24;
	s7 =	smov.u32 s10  }
0x14e: {  	[tilespmem:s0], [sflag:$0x3] =	stream.linear.gather [hbm4b:s8+s2], $0x190, $0x38;
	[tilespmem:$0x19400] =	vst v63  }
0x14f: {  	_ =	swait.ge [sflag:s29], $0x190  }
0x150: {  	[sflag:s29] =	ssyncset.done $0x0  }
0x151: {  	[sflag:s29] =	ssyncadd.s32 $0xFFFFFE70  }
0x152: {  	_ =	swait.ge [sflag:s1], $0xC800  }
0x153: {  	[sflag:s1] =	ssyncset.done $0x0  }
0x154: {  	[sflag:s1] =	ssyncadd.s32 $0xFFFF3800  }
0x155: {  	[tilespmem:s3], [sflag:$0x2] =	stream.indirect.gather [hbm4b:s26+s30], $0x80, s0, s30, $0xb8;
	[tilespmem:$0x19400] =	vst v63  }
0x156: {  	_ = 	snop  }
0x157: {  	[hbm4b:s6+s2] =	stream.linear.scatter [tilespmem:s31], [sflag:$0x3], $0xC800, $0x38;
	[tilespmem:$0x19400] =	vst v63  }
0x158: {  	_ =	swait.ge [sflag:s29], $0xC800  }
0x159: {  	[sflag:s29] =	ssyncset.done $0x0  }
0x15a: {  	[sflag:s29] =	ssyncadd.s32 $0xFFFF3800  }
0x15b: {  	_ =	swait.ge [sflag:s4], $0xC800  }
.Ltmp3:
0x15c: {  	[sflag:s4] =	ssyncset.done $0x0;
	(pc) =	sbr.rel @p0 .LBB2_8-.Ltmp3, $4  }
0x15d: {  	s8 =	sadd.s32 $0x1900, s6;
	[sflag:s4] =	ssyncadd.s32 $0xFFFF3800  }
0x15e: {  	[hbm4b:s8+s2] =	stream.linear.scatter [tilespmem:s3], [sflag:$0x3], $0xC800, $0x38;
	[tilespmem:$0x19400] =	vst v63  }
0x15f: {  	_ =	swait.ge [sflag:s29], $0xC800  }
0x160: {  	s6 =	sadd.s32 $0x3200, s6;
	s8 =	smov.u32 s28;
	[sflag:s29] =	ssyncset.done $0x0  }
0x161: {  	s8 =	sadd.s32 s7, s21;
	[sflag:s29] =	ssyncadd.s32 $0xFFFF3800  }
0x162: {  	[tilespmem:s2], [sflag:$0x3] =	stream.linear.gather [hbm4b:s8+s2], $0x190, $0x38;
	[tilespmem:$0x19400] =	vst v63  }
0x163: {  	_ =	swait.ge [sflag:s29], $0x190  }
0x164: {  	[sflag:s29] =	ssyncset.done $0x0  }
0x165: {  	[sflag:s29] =	ssyncadd.s32 $0xFFFFFE70  }
0x166: {  	[tilespmem:s31], [sflag:$0x1] =	stream.indirect.gather [hbm4b:s26+s30], $0x80, s2, s30, $0xb8;
	[tilespmem:$0x19400] =	vst v63  }
0x167: {  	s28 =	sadd.s32 s7, s24  }
0x168: {  	[tilespmem:s0], [sflag:$0x3] =	stream.linear.gather [hbm4b:s28+s2], $0x190, $0x38;
	[tilespmem:$0x19400] =	vst v63  }
0x169: {  	_ =	swait.ge [sflag:s29], $0x190  }
0x16a: {  	[sflag:s29] =	ssyncset.done $0x0  }
0x16b: {  	[sflag:s29] =	ssyncadd.s32 $0xFFFFFE70  }
0x16c: {  	_ =	swait.ge [sflag:s1], $0xC800  }
0x16d: {  	[sflag:s1] =	ssyncset.done $0x0  }
0x16e: {  	[sflag:s1] =	ssyncadd.s32 $0xFFFF3800  }
0x16f: {  	[tilespmem:s3], [sflag:$0x2] =	stream.indirect.gather [hbm4b:s26+s30], $0x80, s0, s30, $0xb8;
	[tilespmem:$0x19400] =	vst v63  }
0x170: {  	_ = 	snop  }
0x171: {  	[hbm4b:s6+s2] =	stream.linear.scatter [tilespmem:s31], [sflag:$0x3], $0xC800, $0x38;
	[tilespmem:$0x19400] =	vst v63  }
0x172: {  	_ =	swait.ge [sflag:s29], $0xC800  }
0x173: {  	[sflag:s29] =	ssyncset.done $0x0  }
0x174: {  	[sflag:s29] =	ssyncadd.s32 $0xFFFF3800  }
0x175: {  	_ =	swait.ge [sflag:s4], $0xC800  }
0x176: {  	[sflag:s4] =	ssyncset.done $0x0  }
0x177: {  	s8 =	sadd.s32 $0x1900, s6;
	[sflag:s4] =	ssyncadd.s32 $0xFFFF3800  }
0x178: {  	[hbm4b:s8+s2] =	stream.linear.scatter [tilespmem:s3], [sflag:$0x3], $0xC800, $0x38;
	[tilespmem:$0x19400] =	vst v63  }
0x179: {  	_ =	swait.ge [sflag:s29], $0xC800  }
0x17a: {  	[sflag:s29] =	ssyncset.done $0x0  }
0x17b: {  	s9 =	rddreg [dreg:$0x8];
	[sflag:s29] =	ssyncadd.s32 $0xFFFF3800  }
0x17c: {  	[tilespmem:s2], [sflag:$0x3] =	stream.linear.gather [hbm4b:s9+s2], $0x190, $0x38;
	[tilespmem:$0x19400] =	vst v63  }
0x17d: {  	_ =	swait.ge [sflag:s29], $0x190  }
0x17e: {  	[sflag:s29] =	ssyncset.done $0x0  }
0x17f: {  	[sflag:s29] =	ssyncadd.s32 $0xFFFFFE70  }
0x180: {  	[tilespmem:s31], [sflag:$0x1] =	stream.indirect.gather [hbm4b:s26+s30], $0x80, s2, s30, $0xb8;
	[tilespmem:$0x19400] =	vst v63  }
0x181: {  	_ =	swait.ge [sflag:s1], $0xC800  }
0x182: {  	[sflag:s1] =	ssyncset.done $0x0  }
0x183: {  	s10 =	rddreg [dreg:$0x9];
	[sflag:s1] =	ssyncadd.s32 $0xFFFF3800  }
0x184: {  	[hbm4b:s10+s2] =	stream.linear.scatter [tilespmem:s31], [sflag:$0x3], $0xC800, $0x38;
	[tilespmem:$0x19400] =	vst v63  }
0x185: {  	_ =	swait.ge [sflag:s29], $0xC800  }
0x186: {  	s5 =	sadd.s32 $0x1, s5;
	s28 =	rddreg [dreg:$0xa]  }
0x187: {  	p0 =	sne.s32 s5, s28  }
.Ltmp4:
0x188: {  	_ = 	snop;
	(pc) =	sbr.rel @p0 .LBB2_1-.Ltmp4, $3  }
0x189: {  	_ =	sdelay $0x1  }
0x18a: {  	[sflag:s29] =	ssyncset.done $0x0  }
0x18b: {  	[sflag:s29] =	ssyncadd.s32 $0xFFFF3800  }
0x18c: {  	_ =	sfence.sel $0x180000  }
0x18d: {  	[bflag:$0x0] =	sbarrier.arrive $0xFFFF  }
0x18e: {  	_ =	strace $0x9000004A  }
0x18f: {  	s0 =	stileid.u32;
	[bflag:$0x2] =	sbarrier.arrive $0xFFFF  }
0x190: {  	p0 =	sne.s32 s0, $0x0;
	s0 =	rddreg [dreg:$0x1]  }
0x191: {  	s0 =	sadd.s32 @!p0 $0x100000, s0  }
0x192: {  	[sflag:s0] =	ssyncadd.tile.s32 @!p0 $0x1;
	_ =	shalt  }
.Lfunc_end2:
_tile_overlayer_lowered:
.L_overlay_start_2:
0x193: {  	(tag) =	ssettag $0x2  }
0x194: {  	s0 =	rddreg [dreg:$0x0];
	s2 =	stileid.u32  }
0x195: {  	s1 =	rddreg [dreg:$0x1];
	p0 =	sne.s32 s2, $0x0  }
0x196: {  	s3 =	rddreg [dreg:$0x2];
	[bflag:$0x3] =	sbarrier.arrive $0xFFFF;
	s2 =	simm.s32 @!p0 $0x1C03  }
0x197: {  	[timem:s3], [sflag:s2] =	dma.local @!p0 [hbm:s0], s1  }
0x198: {  	s0 =	simm.s32 @!p0 $0x3  }
0x199: {  	_ =	swait.ge @!p0 [sflag:s0], s1  }
0x19a: {  	s1 =	ssub.s32 @!p0 $0x0, s1;
	[sflag:s0] =	ssyncset.done @!p0 $0x0  }
0x19b: {  	[sflag:s0] =	ssyncadd.s32 @!p0 s1  }
0x19c: {  	[bflag:$0x3] =	sbarrier.arrive $0xFFFF  }
0x19d: {  	_ =	shalt  }

</sc_bundles>
